<compile_context>
chip_gen: v7x
topology: tpu7x:2x2x1
jax: 0.10.2.dev20260603
libtpu: 0.0.44.dev20260713+nightly
codegen_flags: <defaults>
</compile_context>

<pallas_src>
import functools

import jax
import jax.numpy as jnp
from jax import lax
from jax.experimental import pallas as pl
from jax.experimental.pallas import tpu as pltpu
from jax.experimental.pallas import tpu_sc as plsc

B = 16384
D = 64
DP = 64
L = 16
NW = 32
BW = B // NW
CHUNK = 128
NCH = BW // CHUNK


@functools.partial(
    pl.kernel,
    out_type=[
        jax.ShapeDtypeStruct((B,), jnp.float32),
        jax.ShapeDtypeStruct((B,), jnp.float32),
        jax.ShapeDtypeStruct((B,), jnp.float32),
    ],
    mesh=plsc.VectorSubcoreMesh(core_axis_name="c", subcore_axis_name="s"),
    compiler_params=pltpu.CompilerParams(
        needs_layout_passes=False, use_tc_tiling_on_sc=False),
    scratch_types=[
        pltpu.VMEM((NCH, CHUNK), jnp.int32),
        pltpu.VMEM((NCH, CHUNK), jnp.int32),
        pltpu.VMEM((NCH, CHUNK), jnp.int32),
        pltpu.VMEM((2, CHUNK, DP), jnp.float32),
        pltpu.VMEM((2, CHUNK, DP), jnp.float32),
        pltpu.VMEM((2, CHUNK, DP), jnp.float32),
        pltpu.VMEM((BW,), jnp.float32),
        pltpu.VMEM((BW,), jnp.float32),
        pltpu.VMEM((BW,), jnp.float32),
        pltpu.SemaphoreType.DMA,
        pltpu.SemaphoreType.DMA,
        pltpu.SemaphoreType.DMA,
    ],
)
def _ubpr_sc(bu_hbm, bi_hbm, bj_hbm, ue_hbm, ie_hbm, prop_hbm,
             pos_hbm, neg_hbm, ppos_hbm,
             idx_u, idx_i, idx_j, u_v, i_v, j_v, prop_v, pos_v, neg_v,
             sem0, sem1, sem_idx):
    wid = lax.axis_index("s") * 2 + lax.axis_index("c")
    base = wid * BW
    sems = (sem0, sem1)

    idx_copies = []
    for c in range(NCH):
        src = pl.ds(base + c * CHUNK, CHUNK)
        idx_copies.append(pltpu.async_copy(bu_hbm.at[src], idx_u.at[c], sem_idx))
        idx_copies.append(pltpu.async_copy(bi_hbm.at[src], idx_i.at[c], sem_idx))
        idx_copies.append(pltpu.async_copy(bj_hbm.at[src], idx_j.at[c], sem_idx))
    for cp in idx_copies:
        cp.wait()

    def fire(c):
        buf = c % 2
        sem = sems[buf]
        return [
            pltpu.async_copy(ue_hbm.at[idx_u.at[c]], u_v.at[buf], sem),
            pltpu.async_copy(ie_hbm.at[idx_i.at[c]], i_v.at[buf], sem),
            pltpu.async_copy(ie_hbm.at[idx_j.at[c]], j_v.at[buf], sem),
            pltpu.async_copy(prop_hbm.at[idx_i.at[c]],
                             prop_v.at[pl.ds(c * CHUNK, CHUNK)], sem),
        ]

    lane = lax.iota(jnp.int32, L)
    last = lane == (L - 1)

    pending = fire(0)
    for c in range(NCH):
        for cp in pending:
            cp.wait()
        if c + 1 < NCH:
            pending = fire(c + 1)
        buf = c % 2
        ub = u_v.at[buf]
        ib = i_v.at[buf]
        jb = j_v.at[buf]
        out_off = c * CHUNK

        @plsc.parallel_loop(0, CHUNK, 1, unroll=32)
        def _elem(e):
            acc_p = None
            acc_n = None
            for k in range(D // L):
                sl = pl.ds(k * L, L)
                uu = ub[e, sl]
                pp = uu * ib[e, sl]
                nn = uu * jb[e, sl]
                acc_p = pp if acc_p is None else acc_p + pp
                acc_n = nn if acc_n is None else acc_n + nn
            eidx = jnp.full((L,), out_off + e, jnp.int32)
            plsc.store_scatter(pos_v, [eidx], plsc.cumsum(acc_p), mask=last)
            plsc.store_scatter(neg_v, [eidx], plsc.cumsum(acc_n), mask=last)

    def clamp(g, _):
        sl = pl.ds(g * L, L)
        prop_v[sl] = jnp.maximum(prop_v[sl], 0.1)
        return 0

    lax.fori_loop(0, BW // L, clamp, 0, unroll=False)

    out = pl.ds(base, BW)
    pltpu.sync_copy(pos_v, pos_hbm.at[out])
    pltpu.sync_copy(neg_v, neg_hbm.at[out])
    pltpu.sync_copy(prop_v, ppos_hbm.at[out])


@jax.jit
def kernel(batch_user, batch_pos_item, batch_neg_item, user_emb, item_emb,
           i_propensity):
    bu = batch_user.astype(jnp.int32)
    bi = batch_pos_item.astype(jnp.int32)
    bj = batch_neg_item.astype(jnp.int32)
    pos, neg, ppos = _ubpr_sc(bu, bi, bj, user_emb, item_emb, i_propensity)
    return pos.reshape(B, 1), neg.reshape(B, 1), ppos

# --- scband reference (transcript-rebuilt; emitter-appended) ---
"""Pipeline reference for scband-ubpr-46248207844041 (READ-ONLY COPY).

The authoritative reference and input builder live on the scoring server;
editing this copy changes nothing except your own understanding.
"""

import jax, jax.numpy as jnp
import numpy as np

NUM_USER = 100000
NUM_ITEM = 100000
EMB_DIM = 64
ETA = 0.5
B = 16384


def setup_inputs(seed: int = 0) -> dict:
    key = jax.random.key(seed)
    k1, k2, k3, k4, k5, k6 = jax.random.split(key, 6)
    batch_user = jax.random.randint(k1, (B,), 0, NUM_USER)
    batch_pos_item = jax.random.randint(k2, (B,), 0, NUM_ITEM)
    batch_neg_item = jax.random.randint(k3, (B,), 0, NUM_ITEM)
    user_emb = jax.random.normal(k4, (NUM_USER, EMB_DIM), dtype=jnp.float32) * 0.01
    item_emb = jax.random.normal(k5, (NUM_ITEM, EMB_DIM), dtype=jnp.float32) * 0.01
    i_pop = jax.random.uniform(k6, (NUM_ITEM,), dtype=jnp.float32, minval=1.0, maxval=1000.0)
    i_propensity = jnp.power(i_pop / i_pop.max(), ETA)
    return {
        "batch_user": batch_user,
        "batch_pos_item": batch_pos_item,
        "batch_neg_item": batch_neg_item,
        "user_emb": user_emb,
        "item_emb": item_emb,
        "i_propensity": i_propensity,
    }


def reference(batch_user, batch_pos_item, batch_neg_item, user_emb, item_emb, i_propensity):
    u = jnp.take(user_emb, batch_user, axis=0)
    i = jnp.take(item_emb, batch_pos_item, axis=0)
    j = jnp.take(item_emb, batch_neg_item, axis=0)
    pos_score = jnp.sum(u * i, axis=1, keepdims=True)
    neg_score = jnp.sum(u * j, axis=1, keepdims=True)
    propensities = jnp.take(i_propensity, batch_pos_item, axis=0)
    P_pos = jnp.maximum(propensities, jnp.ones_like(propensities) * 0.1)
    return (pos_score, neg_score, P_pos)

if __name__ == "__main__":
    import jax
    _d = setup_inputs()
    print(jax.jit(kernel)(*tuple(_d.values())))

</pallas_src>

<mosaic_0001>
#map = affine_map<(d0, d1) -> (0)>
#map1 = affine_map<(d0, d1) -> (0, 0)>
module attributes {stable_mosaic.version = 14 : i64} {
  func.func @_ubpr_sc(%arg0: i32, %arg1: i32, %arg2: memref<16384xi32, #tpu.memory_space<hbm>>, %arg3: memref<16384xi32, #tpu.memory_space<hbm>>, %arg4: memref<16384xi32, #tpu.memory_space<hbm>>, %arg5: memref<100000x64xf32, #tpu.memory_space<hbm>>, %arg6: memref<100000x64xf32, #tpu.memory_space<hbm>>, %arg7: memref<100000xf32, #tpu.memory_space<hbm>>, %arg8: memref<16384xf32, #tpu.memory_space<hbm>>, %arg9: memref<16384xf32, #tpu.memory_space<hbm>>, %arg10: memref<16384xf32, #tpu.memory_space<hbm>>, %arg11: memref<4x128xi32, #tpu.memory_space<vmem>>, %arg12: memref<4x128xi32, #tpu.memory_space<vmem>>, %arg13: memref<4x128xi32, #tpu.memory_space<vmem>>, %arg14: memref<2x128x64xf32, #tpu.memory_space<vmem>>, %arg15: memref<2x128x64xf32, #tpu.memory_space<vmem>>, %arg16: memref<2x128x64xf32, #tpu.memory_space<vmem>>, %arg17: memref<512xf32, #tpu.memory_space<vmem>>, %arg18: memref<512xf32, #tpu.memory_space<vmem>>, %arg19: memref<512xf32, #tpu.memory_space<vmem>>, %arg20: memref<!tpu.dma_semaphore, #tpu.memory_space<semaphore_mem>>, %arg21: memref<!tpu.dma_semaphore, #tpu.memory_space<semaphore_mem>>, %arg22: memref<!tpu.dma_semaphore, #tpu.memory_space<semaphore_mem>>) attributes {dimension_semantics = [#tpu.dimension_semantics<core_parallel>, #tpu.dimension_semantics<subcore_parallel>], iteration_bounds = array<i64: 2, 16>, scalar_prefetch = 0 : i64, scratch_operands = 12 : i64, tpu.core_type = #tpu.core_type<sc_vector_subcore>, window_params = [{transform_indices = #map}, {transform_indices = #map}, {transform_indices = #map}, {transform_indices = #map1}, {transform_indices = #map1}, {transform_indices = #map}, {transform_indices = #map}, {transform_indices = #map}, {transform_indices = #map}]} {
    %mul3A = arith.constant 2 : i32
    %mul3A_0 = arith.muli %arg1, %mul3A : i32
    %add3A = arith.addi %mul3A_0, %arg0 : i32
    %mul3A_1 = arith.constant 512 : i32
    %mul3A_2 = arith.muli %add3A, %mul3A_1 : i32
    %add3A_3 = arith.constant 0 : i32
    %add3A_4 = arith.addi %mul3A_2, %add3A_3 : i32
    %dma_start3A = arith.constant 0 : i32
    %dma_start3A_5 = arith.constant 0 : i32
    %dma_start3A_6 = tpu.memref_slice %arg11[%dma_start3A, %dma_start3A_5] : memref<4x128xi32, #tpu.memory_space<vmem>> -> memref<1x128xi32, #tpu.memory_space<vmem>>
    %dma_start3A_7 = tpu.memref_squeeze %dma_start3A_6 : memref<1x128xi32, #tpu.memory_space<vmem>> -> memref<128xi32, #tpu.memory_space<vmem>>
    %dma_start3A_8 = tpu.memref_slice %arg2[%add3A_4] : memref<16384xi32, #tpu.memory_space<hbm>> -> memref<128xi32, #tpu.memory_space<hbm>>
    %dma_start3A_9 = arith.constant 0 : i32
    %dma_start3A_10 = tpu.memref_slice %arg11[%dma_start3A, %dma_start3A_9] : memref<4x128xi32, #tpu.memory_space<vmem>> -> memref<1x128xi32, #tpu.memory_space<vmem>>
    %dma_start3A_11 = tpu.memref_squeeze %dma_start3A_10 : memref<1x128xi32, #tpu.memory_space<vmem>> -> memref<128xi32, #tpu.memory_space<vmem>>
    %dma_start3A_12 = tpu.memref_slice %arg2[%add3A_4] : memref<16384xi32, #tpu.memory_space<hbm>> -> memref<128xi32, #tpu.memory_space<hbm>>
    tpu.enqueue_dma source(%dma_start3A_12 : memref<128xi32, #tpu.memory_space<hbm>>) target(%dma_start3A_11 : memref<128xi32, #tpu.memory_space<vmem>>) target_semaphore(%arg22 : memref<!tpu.dma_semaphore, #tpu.memory_space<semaphore_mem>>)
    %dma_start3A_13 = arith.constant 0 : i32
    %dma_start3A_14 = arith.constant 0 : i32
    %dma_start3A_15 = tpu.memref_slice %arg12[%dma_start3A_13, %dma_start3A_14] : memref<4x128xi32, #tpu.memory_space<vmem>> -> memref<1x128xi32, #tpu.memory_space<vmem>>
    %dma_start3A_16 = tpu.memref_squeeze %dma_start3A_15 : memref<1x128xi32, #tpu.memory_space<vmem>> -> memref<128xi32, #tpu.memory_space<vmem>>
    %dma_start3A_17 = tpu.memref_slice %arg3[%add3A_4] : memref<16384xi32, #tpu.memory_space<hbm>> -> memref<128xi32, #tpu.memory_space<hbm>>
    %dma_start3A_18 = arith.constant 0 : i32
    %dma_start3A_19 = tpu.memref_slice %arg12[%dma_start3A_13, %dma_start3A_18] : memref<4x128xi32, #tpu.memory_space<vmem>> -> memref<1x128xi32, #tpu.memory_space<vmem>>
    %dma_start3A_20 = tpu.memref_squeeze %dma_start3A_19 : memref<1x128xi32, #tpu.memory_space<vmem>> -> memref<128xi32, #tpu.memory_space<vmem>>
    %dma_start3A_21 = tpu.memref_slice %arg3[%add3A_4] : memref<16384xi32, #tpu.memory_space<hbm>> -> memref<128xi32, #tpu.memory_space<hbm>>
    tpu.enqueue_dma source(%dma_start3A_21 : memref<128xi32, #tpu.memory_space<hbm>>) target(%dma_start3A_20 : memref<128xi32, #tpu.memory_space<vmem>>) target_semaphore(%arg22 : memref<!tpu.dma_semaphore, #tpu.memory_space<semaphore_mem>>)
    %dma_start3A_22 = arith.constant 0 : i32
    %dma_start3A_23 = arith.constant 0 : i32
    %dma_start3A_24 = tpu.memref_slice %arg13[%dma_start3A_22, %dma_start3A_23] : memref<4x128xi32, #tpu.memory_space<vmem>> -> memref<1x128xi32, #tpu.memory_space<vmem>>
    %dma_start3A_25 = tpu.memref_squeeze %dma_start3A_24 : memref<1x128xi32, #tpu.memory_space<vmem>> -> memref<128xi32, #tpu.memory_space<vmem>>
    %dma_start3A_26 = tpu.memref_slice %arg4[%add3A_4] : memref<16384xi32, #tpu.memory_space<hbm>> -> memref<128xi32, #tpu.memory_space<hbm>>
    %dma_start3A_27 = arith.constant 0 : i32
    %dma_start3A_28 = tpu.memref_slice %arg13[%dma_start3A_22, %dma_start3A_27] : memref<4x128xi32, #tpu.memory_space<vmem>> -> memref<1x128xi32, #tpu.memory_space<vmem>>
    %dma_start3A_29 = tpu.memref_squeeze %dma_start3A_28 : memref<1x128xi32, #tpu.memory_space<vmem>> -> memref<128xi32, #tpu.memory_space<vmem>>
    %dma_start3A_30 = tpu.memref_slice %arg4[%add3A_4] : memref<16384xi32, #tpu.memory_space<hbm>> -> memref<128xi32, #tpu.memory_space<hbm>>
    tpu.enqueue_dma source(%dma_start3A_30 : memref<128xi32, #tpu.memory_space<hbm>>) target(%dma_start3A_29 : memref<128xi32, #tpu.memory_space<vmem>>) target_semaphore(%arg22 : memref<!tpu.dma_semaphore, #tpu.memory_space<semaphore_mem>>)
    %add3A_31 = arith.constant 128 : i32
    %add3A_32 = arith.addi %mul3A_2, %add3A_31 : i32
    %dma_start3A_33 = arith.constant 1 : i32
    %dma_start3A_34 = arith.constant 0 : i32
    %dma_start3A_35 = tpu.memref_slice %arg11[%dma_start3A_33, %dma_start3A_34] : memref<4x128xi32, #tpu.memory_space<vmem>> -> memref<1x128xi32, #tpu.memory_space<vmem>>
    %dma_start3A_36 = tpu.memref_squeeze %dma_start3A_35 : memref<1x128xi32, #tpu.memory_space<vmem>> -> memref<128xi32, #tpu.memory_space<vmem>>
    %dma_start3A_37 = tpu.memref_slice %arg2[%add3A_32] : memref<16384xi32, #tpu.memory_space<hbm>> -> memref<128xi32, #tpu.memory_space<hbm>>
    %dma_start3A_38 = arith.constant 0 : i32
    %dma_start3A_39 = tpu.memref_slice %arg11[%dma_start3A_33, %dma_start3A_38] : memref<4x128xi32, #tpu.memory_space<vmem>> -> memref<1x128xi32, #tpu.memory_space<vmem>>
    %dma_start3A_40 = tpu.memref_squeeze %dma_start3A_39 : memref<1x128xi32, #tpu.memory_space<vmem>> -> memref<128xi32, #tpu.memory_space<vmem>>
    %dma_start3A_41 = tpu.memref_slice %arg2[%add3A_32] : memref<16384xi32, #tpu.memory_space<hbm>> -> memref<128xi32, #tpu.memory_space<hbm>>
    tpu.enqueue_dma source(%dma_start3A_41 : memref<128xi32, #tpu.memory_space<hbm>>) target(%dma_start3A_40 : memref<128xi32, #tpu.memory_space<vmem>>) target_semaphore(%arg22 : memref<!tpu.dma_semaphore, #tpu.memory_space<semaphore_mem>>)
    %dma_start3A_42 = arith.constant 1 : i32
    %dma_start3A_43 = arith.constant 0 : i32
    %dma_start3A_44 = tpu.memref_slice %arg12[%dma_start3A_42, %dma_start3A_43] : memref<4x128xi32, #tpu.memory_space<vmem>> -> memref<1x128xi32, #tpu.memory_space<vmem>>
    %dma_start3A_45 = tpu.memref_squeeze %dma_start3A_44 : memref<1x128xi32, #tpu.memory_space<vmem>> -> memref<128xi32, #tpu.memory_space<vmem>>
    %dma_start3A_46 = tpu.memref_slice %arg3[%add3A_32] : memref<16384xi32, #tpu.memory_space<hbm>> -> memref<128xi32, #tpu.memory_space<hbm>>
    %dma_start3A_47 = arith.constant 0 : i32
    %dma_start3A_48 = tpu.memref_slice %arg12[%dma_start3A_42, %dma_start3A_47] : memref<4x128xi32, #tpu.memory_space<vmem>> -> memref<1x128xi32, #tpu.memory_space<vmem>>
    %dma_start3A_49 = tpu.memref_squeeze %dma_start3A_48 : memref<1x128xi32, #tpu.memory_space<vmem>> -> memref<128xi32, #tpu.memory_space<vmem>>
    %dma_start3A_50 = tpu.memref_slice %arg3[%add3A_32] : memref<16384xi32, #tpu.memory_space<hbm>> -> memref<128xi32, #tpu.memory_space<hbm>>
    tpu.enqueue_dma source(%dma_start3A_50 : memref<128xi32, #tpu.memory_space<hbm>>) target(%dma_start3A_49 : memref<128xi32, #tpu.memory_space<vmem>>) target_semaphore(%arg22 : memref<!tpu.dma_semaphore, #tpu.memory_space<semaphore_mem>>)
    %dma_start3A_51 = arith.constant 1 : i32
    %dma_start3A_52 = arith.constant 0 : i32
    %dma_start3A_53 = tpu.memref_slice %arg13[%dma_start3A_51, %dma_start3A_52] : memref<4x128xi32, #tpu.memory_space<vmem>> -> memref<1x128xi32, #tpu.memory_space<vmem>>
    %dma_start3A_54 = tpu.memref_squeeze %dma_start3A_53 : memref<1x128xi32, #tpu.memory_space<vmem>> -> memref<128xi32, #tpu.memory_space<vmem>>
    %dma_start3A_55 = tpu.memref_slice %arg4[%add3A_32] : memref<16384xi32, #tpu.memory_space<hbm>> -> memref<128xi32, #tpu.memory_space<hbm>>
    %dma_start3A_56 = arith.constant 0 : i32
    %dma_start3A_57 = tpu.memref_slice %arg13[%dma_start3A_51, %dma_start3A_56] : memref<4x128xi32, #tpu.memory_space<vmem>> -> memref<1x128xi32, #tpu.memory_space<vmem>>
    %dma_start3A_58 = tpu.memref_squeeze %dma_start3A_57 : memref<1x128xi32, #tpu.memory_space<vmem>> -> memref<128xi32, #tpu.memory_space<vmem>>
    %dma_start3A_59 = tpu.memref_slice %arg4[%add3A_32] : memref<16384xi32, #tpu.memory_space<hbm>> -> memref<128xi32, #tpu.memory_space<hbm>>
    tpu.enqueue_dma source(%dma_start3A_59 : memref<128xi32, #tpu.memory_space<hbm>>) target(%dma_start3A_58 : memref<128xi32, #tpu.memory_space<vmem>>) target_semaphore(%arg22 : memref<!tpu.dma_semaphore, #tpu.memory_space<semaphore_mem>>)
    %add3A_60 = arith.constant 256 : i32
    %add3A_61 = arith.addi %mul3A_2, %add3A_60 : i32
    %dma_start3A_62 = arith.constant 2 : i32
    %dma_start3A_63 = arith.constant 0 : i32
    %dma_start3A_64 = tpu.memref_slice %arg11[%dma_start3A_62, %dma_start3A_63] : memref<4x128xi32, #tpu.memory_space<vmem>> -> memref<1x128xi32, #tpu.memory_space<vmem>>
    %dma_start3A_65 = tpu.memref_squeeze %dma_start3A_64 : memref<1x128xi32, #tpu.memory_space<vmem>> -> memref<128xi32, #tpu.memory_space<vmem>>
    %dma_start3A_66 = tpu.memref_slice %arg2[%add3A_61] : memref<16384xi32, #tpu.memory_space<hbm>> -> memref<128xi32, #tpu.memory_space<hbm>>
    %dma_start3A_67 = arith.constant 0 : i32
    %dma_start3A_68 = tpu.memref_slice %arg11[%dma_start3A_62, %dma_start3A_67] : memref<4x128xi32, #tpu.memory_space<vmem>> -> memref<1x128xi32, #tpu.memory_space<vmem>>
    %dma_start3A_69 = tpu.memref_squeeze %dma_start3A_68 : memref<1x128xi32, #tpu.memory_space<vmem>> -> memref<128xi32, #tpu.memory_space<vmem>>
    %dma_start3A_70 = tpu.memref_slice %arg2[%add3A_61] : memref<16384xi32, #tpu.memory_space<hbm>> -> memref<128xi32, #tpu.memory_space<hbm>>
    tpu.enqueue_dma source(%dma_start3A_70 : memref<128xi32, #tpu.memory_space<hbm>>) target(%dma_start3A_69 : memref<128xi32, #tpu.memory_space<vmem>>) target_semaphore(%arg22 : memref<!tpu.dma_semaphore, #tpu.memory_space<semaphore_mem>>)
    %dma_start3A_71 = arith.constant 2 : i32
    %dma_start3A_72 = arith.constant 0 : i32
    %dma_start3A_73 = tpu.memref_slice %arg12[%dma_start3A_71, %dma_start3A_72] : memref<4x128xi32, #tpu.memory_space<vmem>> -> memref<1x128xi32, #tpu.memory_space<vmem>>
    %dma_start3A_74 = tpu.memref_squeeze %dma_start3A_73 : memref<1x128xi32, #tpu.memory_space<vmem>> -> memref<128xi32, #tpu.memory_space<vmem>>
    %dma_start3A_75 = tpu.memref_slice %arg3[%add3A_61] : memref<16384xi32, #tpu.memory_space<hbm>> -> memref<128xi32, #tpu.memory_space<hbm>>
    %dma_start3A_76 = arith.constant 0 : i32
    %dma_start3A_77 = tpu.memref_slice %arg12[%dma_start3A_71, %dma_start3A_76] : memref<4x128xi32, #tpu.memory_space<vmem>> -> memref<1x128xi32, #tpu.memory_space<vmem>>
    %dma_start3A_78 = tpu.memref_squeeze %dma_start3A_77 : memref<1x128xi32, #tpu.memory_space<vmem>> -> memref<128xi32, #tpu.memory_space<vmem>>
    %dma_start3A_79 = tpu.memref_slice %arg3[%add3A_61] : memref<16384xi32, #tpu.memory_space<hbm>> -> memref<128xi32, #tpu.memory_space<hbm>>
    tpu.enqueue_dma source(%dma_start3A_79 : memref<128xi32, #tpu.memory_space<hbm>>) target(%dma_start3A_78 : memref<128xi32, #tpu.memory_space<vmem>>) target_semaphore(%arg22 : memref<!tpu.dma_semaphore, #tpu.memory_space<semaphore_mem>>)
    %dma_start3A_80 = arith.constant 2 : i32
    %dma_start3A_81 = arith.constant 0 : i32
    %dma_start3A_82 = tpu.memref_slice %arg13[%dma_start3A_80, %dma_start3A_81] : memref<4x128xi32, #tpu.memory_space<vmem>> -> memref<1x128xi32, #tpu.memory_space<vmem>>
    %dma_start3A_83 = tpu.memref_squeeze %dma_start3A_82 : memref<1x128xi32, #tpu.memory_space<vmem>> -> memref<128xi32, #tpu.memory_space<vmem>>
    %dma_start3A_84 = tpu.memref_slice %arg4[%add3A_61] : memref<16384xi32, #tpu.memory_space<hbm>> -> memref<128xi32, #tpu.memory_space<hbm>>
    %dma_start3A_85 = arith.constant 0 : i32
    %dma_start3A_86 = tpu.memref_slice %arg13[%dma_start3A_80, %dma_start3A_85] : memref<4x128xi32, #tpu.memory_space<vmem>> -> memref<1x128xi32, #tpu.memory_space<vmem>>
    %dma_start3A_87 = tpu.memref_squeeze %dma_start3A_86 : memref<1x128xi32, #tpu.memory_space<vmem>> -> memref<128xi32, #tpu.memory_space<vmem>>
    %dma_start3A_88 = tpu.memref_slice %arg4[%add3A_61] : memref<16384xi32, #tpu.memory_space<hbm>> -> memref<128xi32, #tpu.memory_space<hbm>>
    tpu.enqueue_dma source(%dma_start3A_88 : memref<128xi32, #tpu.memory_space<hbm>>) target(%dma_start3A_87 : memref<128xi32, #tpu.memory_space<vmem>>) target_semaphore(%arg22 : memref<!tpu.dma_semaphore, #tpu.memory_space<semaphore_mem>>)
    %add3A_89 = arith.constant 384 : i32
    %add3A_90 = arith.addi %mul3A_2, %add3A_89 : i32
    %dma_start3A_91 = arith.constant 3 : i32
    %dma_start3A_92 = arith.constant 0 : i32
    %dma_start3A_93 = tpu.memref_slice %arg11[%dma_start3A_91, %dma_start3A_92] : memref<4x128xi32, #tpu.memory_space<vmem>> -> memref<1x128xi32, #tpu.memory_space<vmem>>
    %dma_start3A_94 = tpu.memref_squeeze %dma_start3A_93 : memref<1x128xi32, #tpu.memory_space<vmem>> -> memref<128xi32, #tpu.memory_space<vmem>>
    %dma_start3A_95 = tpu.memref_slice %arg2[%add3A_90] : memref<16384xi32, #tpu.memory_space<hbm>> -> memref<128xi32, #tpu.memory_space<hbm>>
    %dma_start3A_96 = arith.constant 0 : i32
    %dma_start3A_97 = tpu.memref_slice %arg11[%dma_start3A_91, %dma_start3A_96] : memref<4x128xi32, #tpu.memory_space<vmem>> -> memref<1x128xi32, #tpu.memory_space<vmem>>
    %dma_start3A_98 = tpu.memref_squeeze %dma_start3A_97 : memref<1x128xi32, #tpu.memory_space<vmem>> -> memref<128xi32, #tpu.memory_space<vmem>>
    %dma_start3A_99 = tpu.memref_slice %arg2[%add3A_90] : memref<16384xi32, #tpu.memory_space<hbm>> -> memref<128xi32, #tpu.memory_space<hbm>>
    tpu.enqueue_dma source(%dma_start3A_99 : memref<128xi32, #tpu.memory_space<hbm>>) target(%dma_start3A_98 : memref<128xi32, #tpu.memory_space<vmem>>) target_semaphore(%arg22 : memref<!tpu.dma_semaphore, #tpu.memory_space<semaphore_mem>>)
    %dma_start3A_100 = arith.constant 3 : i32
    %dma_start3A_101 = arith.constant 0 : i32
    %dma_start3A_102 = tpu.memref_slice %arg12[%dma_start3A_100, %dma_start3A_101] : memref<4x128xi32, #tpu.memory_space<vmem>> -> memref<1x128xi32, #tpu.memory_space<vmem>>
    %dma_start3A_103 = tpu.memref_squeeze %dma_start3A_102 : memref<1x128xi32, #tpu.memory_space<vmem>> -> memref<128xi32, #tpu.memory_space<vmem>>
    %dma_start3A_104 = tpu.memref_slice %arg3[%add3A_90] : memref<16384xi32, #tpu.memory_space<hbm>> -> memref<128xi32, #tpu.memory_space<hbm>>
    %dma_start3A_105 = arith.constant 0 : i32
    %dma_start3A_106 = tpu.memref_slice %arg12[%dma_start3A_100, %dma_start3A_105] : memref<4x128xi32, #tpu.memory_space<vmem>> -> memref<1x128xi32, #tpu.memory_space<vmem>>
    %dma_start3A_107 = tpu.memref_squeeze %dma_start3A_106 : memref<1x128xi32, #tpu.memory_space<vmem>> -> memref<128xi32, #tpu.memory_space<vmem>>
    %dma_start3A_108 = tpu.memref_slice %arg3[%add3A_90] : memref<16384xi32, #tpu.memory_space<hbm>> -> memref<128xi32, #tpu.memory_space<hbm>>
    tpu.enqueue_dma source(%dma_start3A_108 : memref<128xi32, #tpu.memory_space<hbm>>) target(%dma_start3A_107 : memref<128xi32, #tpu.memory_space<vmem>>) target_semaphore(%arg22 : memref<!tpu.dma_semaphore, #tpu.memory_space<semaphore_mem>>)
    %dma_start3A_109 = arith.constant 3 : i32
    %dma_start3A_110 = arith.constant 0 : i32
    %dma_start3A_111 = tpu.memref_slice %arg13[%dma_start3A_109, %dma_start3A_110] : memref<4x128xi32, #tpu.memory_space<vmem>> -> memref<1x128xi32, #tpu.memory_space<vmem>>
    %dma_start3A_112 = tpu.memref_squeeze %dma_start3A_111 : memref<1x128xi32, #tpu.memory_space<vmem>> -> memref<128xi32, #tpu.memory_space<vmem>>
    %dma_start3A_113 = tpu.memref_slice %arg4[%add3A_90] : memref<16384xi32, #tpu.memory_space<hbm>> -> memref<128xi32, #tpu.memory_space<hbm>>
    %dma_start3A_114 = arith.constant 0 : i32
    %dma_start3A_115 = tpu.memref_slice %arg13[%dma_start3A_109, %dma_start3A_114] : memref<4x128xi32, #tpu.memory_space<vmem>> -> memref<1x128xi32, #tpu.memory_space<vmem>>
    %dma_start3A_116 = tpu.memref_squeeze %dma_start3A_115 : memref<1x128xi32, #tpu.memory_space<vmem>> -> memref<128xi32, #tpu.memory_space<vmem>>
    %dma_start3A_117 = tpu.memref_slice %arg4[%add3A_90] : memref<16384xi32, #tpu.memory_space<hbm>> -> memref<128xi32, #tpu.memory_space<hbm>>
    tpu.enqueue_dma source(%dma_start3A_117 : memref<128xi32, #tpu.memory_space<hbm>>) target(%dma_start3A_116 : memref<128xi32, #tpu.memory_space<vmem>>) target_semaphore(%arg22 : memref<!tpu.dma_semaphore, #tpu.memory_space<semaphore_mem>>)
    %dma_wait3A = arith.constant 0 : i32
    %dma_wait3A_118 = arith.constant 0 : i32
    %dma_wait3A_119 = tpu.memref_slice %arg11[%dma_wait3A, %dma_wait3A_118] : memref<4x128xi32, #tpu.memory_space<vmem>> -> memref<1x128xi32, #tpu.memory_space<vmem>>
    %dma_wait3A_120 = tpu.memref_squeeze %dma_wait3A_119 : memref<1x128xi32, #tpu.memory_space<vmem>> -> memref<128xi32, #tpu.memory_space<vmem>>
    %dma_wait3A_121 = tpu.memref_slice %arg2[%add3A_4] : memref<16384xi32, #tpu.memory_space<hbm>> -> memref<128xi32, #tpu.memory_space<hbm>>
    %dma_wait3A_122 = arith.constant 0 : i32
    %dma_wait3A_123 = tpu.memref_slice %arg11[%dma_wait3A, %dma_wait3A_122] : memref<4x128xi32, #tpu.memory_space<vmem>> -> memref<1x128xi32, #tpu.memory_space<vmem>>
    %dma_wait3A_124 = tpu.memref_squeeze %dma_wait3A_123 : memref<1x128xi32, #tpu.memory_space<vmem>> -> memref<128xi32, #tpu.memory_space<vmem>>
    %dma_wait3A_125 = tpu.memref_slice %arg2[%add3A_4] : memref<16384xi32, #tpu.memory_space<hbm>> -> memref<128xi32, #tpu.memory_space<hbm>>
    tpu.wait_dma2 semaphore(%arg22 : memref<!tpu.dma_semaphore, #tpu.memory_space<semaphore_mem>>) src(%dma_wait3A_125 : memref<128xi32, #tpu.memory_space<hbm>>) dst(%dma_wait3A_124 : memref<128xi32, #tpu.memory_space<vmem>>)
    %dma_wait3A_126 = arith.constant 0 : i32
    %dma_wait3A_127 = arith.constant 0 : i32
    %dma_wait3A_128 = tpu.memref_slice %arg12[%dma_wait3A_126, %dma_wait3A_127] : memref<4x128xi32, #tpu.memory_space<vmem>> -> memref<1x128xi32, #tpu.memory_space<vmem>>
    %dma_wait3A_129 = tpu.memref_squeeze %dma_wait3A_128 : memref<1x128xi32, #tpu.memory_space<vmem>> -> memref<128xi32, #tpu.memory_space<vmem>>
    %dma_wait3A_130 = tpu.memref_slice %arg3[%add3A_4] : memref<16384xi32, #tpu.memory_space<hbm>> -> memref<128xi32, #tpu.memory_space<hbm>>
    %dma_wait3A_131 = arith.constant 0 : i32
    %dma_wait3A_132 = tpu.memref_slice %arg12[%dma_wait3A_126, %dma_wait3A_131] : memref<4x128xi32, #tpu.memory_space<vmem>> -> memref<1x128xi32, #tpu.memory_space<vmem>>
    %dma_wait3A_133 = tpu.memref_squeeze %dma_wait3A_132 : memref<1x128xi32, #tpu.memory_space<vmem>> -> memref<128xi32, #tpu.memory_space<vmem>>
    %dma_wait3A_134 = tpu.memref_slice %arg3[%add3A_4] : memref<16384xi32, #tpu.memory_space<hbm>> -> memref<128xi32, #tpu.memory_space<hbm>>
    tpu.wait_dma2 semaphore(%arg22 : memref<!tpu.dma_semaphore, #tpu.memory_space<semaphore_mem>>) src(%dma_wait3A_134 : memref<128xi32, #tpu.memory_space<hbm>>) dst(%dma_wait3A_133 : memref<128xi32, #tpu.memory_space<vmem>>)
    %dma_wait3A_135 = arith.constant 0 : i32
    %dma_wait3A_136 = arith.constant 0 : i32
    %dma_wait3A_137 = tpu.memref_slice %arg13[%dma_wait3A_135, %dma_wait3A_136] : memref<4x128xi32, #tpu.memory_space<vmem>> -> memref<1x128xi32, #tpu.memory_space<vmem>>
    %dma_wait3A_138 = tpu.memref_squeeze %dma_wait3A_137 : memref<1x128xi32, #tpu.memory_space<vmem>> -> memref<128xi32, #tpu.memory_space<vmem>>
    %dma_wait3A_139 = tpu.memref_slice %arg4[%add3A_4] : memref<16384xi32, #tpu.memory_space<hbm>> -> memref<128xi32, #tpu.memory_space<hbm>>
    %dma_wait3A_140 = arith.constant 0 : i32
    %dma_wait3A_141 = tpu.memref_slice %arg13[%dma_wait3A_135, %dma_wait3A_140] : memref<4x128xi32, #tpu.memory_space<vmem>> -> memref<1x128xi32, #tpu.memory_space<vmem>>
    %dma_wait3A_142 = tpu.memref_squeeze %dma_wait3A_141 : memref<1x128xi32, #tpu.memory_space<vmem>> -> memref<128xi32, #tpu.memory_space<vmem>>
    %dma_wait3A_143 = tpu.memref_slice %arg4[%add3A_4] : memref<16384xi32, #tpu.memory_space<hbm>> -> memref<128xi32, #tpu.memory_space<hbm>>
    tpu.wait_dma2 semaphore(%arg22 : memref<!tpu.dma_semaphore, #tpu.memory_space<semaphore_mem>>) src(%dma_wait3A_143 : memref<128xi32, #tpu.memory_space<hbm>>) dst(%dma_wait3A_142 : memref<128xi32, #tpu.memory_space<vmem>>)
    %dma_wait3A_144 = arith.constant 1 : i32
    %dma_wait3A_145 = arith.constant 0 : i32
    %dma_wait3A_146 = tpu.memref_slice %arg11[%dma_wait3A_144, %dma_wait3A_145] : memref<4x128xi32, #tpu.memory_space<vmem>> -> memref<1x128xi32, #tpu.memory_space<vmem>>
    %dma_wait3A_147 = tpu.memref_squeeze %dma_wait3A_146 : memref<1x128xi32, #tpu.memory_space<vmem>> -> memref<128xi32, #tpu.memory_space<vmem>>
    %dma_wait3A_148 = tpu.memref_slice %arg2[%add3A_32] : memref<16384xi32, #tpu.memory_space<hbm>> -> memref<128xi32, #tpu.memory_space<hbm>>
    %dma_wait3A_149 = arith.constant 0 : i32
    %dma_wait3A_150 = tpu.memref_slice %arg11[%dma_wait3A_144, %dma_wait3A_149] : memref<4x128xi32, #tpu.memory_space<vmem>> -> memref<1x128xi32, #tpu.memory_space<vmem>>
    %dma_wait3A_151 = tpu.memref_squeeze %dma_wait3A_150 : memref<1x128xi32, #tpu.memory_space<vmem>> -> memref<128xi32, #tpu.memory_space<vmem>>
    %dma_wait3A_152 = tpu.memref_slice %arg2[%add3A_32] : memref<16384xi32, #tpu.memory_space<hbm>> -> memref<128xi32, #tpu.memory_space<hbm>>
    tpu.wait_dma2 semaphore(%arg22 : memref<!tpu.dma_semaphore, #tpu.memory_space<semaphore_mem>>) src(%dma_wait3A_152 : memref<128xi32, #tpu.memory_space<hbm>>) dst(%dma_wait3A_151 : memref<128xi32, #tpu.memory_space<vmem>>)
    %dma_wait3A_153 = arith.constant 1 : i32
    %dma_wait3A_154 = arith.constant 0 : i32
    %dma_wait3A_155 = tpu.memref_slice %arg12[%dma_wait3A_153, %dma_wait3A_154] : memref<4x128xi32, #tpu.memory_space<vmem>> -> memref<1x128xi32, #tpu.memory_space<vmem>>
    %dma_wait3A_156 = tpu.memref_squeeze %dma_wait3A_155 : memref<1x128xi32, #tpu.memory_space<vmem>> -> memref<128xi32, #tpu.memory_space<vmem>>
    %dma_wait3A_157 = tpu.memref_slice %arg3[%add3A_32] : memref<16384xi32, #tpu.memory_space<hbm>> -> memref<128xi32, #tpu.memory_space<hbm>>
    %dma_wait3A_158 = arith.constant 0 : i32
    %dma_wait3A_159 = tpu.memref_slice %arg12[%dma_wait3A_153, %dma_wait3A_158] : memref<4x128xi32, #tpu.memory_space<vmem>> -> memref<1x128xi32, #tpu.memory_space<vmem>>
    %dma_wait3A_160 = tpu.memref_squeeze %dma_wait3A_159 : memref<1x128xi32, #tpu.memory_space<vmem>> -> memref<128xi32, #tpu.memory_space<vmem>>
    %dma_wait3A_161 = tpu.memref_slice %arg3[%add3A_32] : memref<16384xi32, #tpu.memory_space<hbm>> -> memref<128xi32, #tpu.memory_space<hbm>>
    tpu.wait_dma2 semaphore(%arg22 : memref<!tpu.dma_semaphore, #tpu.memory_space<semaphore_mem>>) src(%dma_wait3A_161 : memref<128xi32, #tpu.memory_space<hbm>>) dst(%dma_wait3A_160 : memref<128xi32, #tpu.memory_space<vmem>>)
    %dma_wait3A_162 = arith.constant 1 : i32
    %dma_wait3A_163 = arith.constant 0 : i32
    %dma_wait3A_164 = tpu.memref_slice %arg13[%dma_wait3A_162, %dma_wait3A_163] : memref<4x128xi32, #tpu.memory_space<vmem>> -> memref<1x128xi32, #tpu.memory_space<vmem>>
    %dma_wait3A_165 = tpu.memref_squeeze %dma_wait3A_164 : memref<1x128xi32, #tpu.memory_space<vmem>> -> memref<128xi32, #tpu.memory_space<vmem>>
    %dma_wait3A_166 = tpu.memref_slice %arg4[%add3A_32] : memref<16384xi32, #tpu.memory_space<hbm>> -> memref<128xi32, #tpu.memory_space<hbm>>
    %dma_wait3A_167 = arith.constant 0 : i32
    %dma_wait3A_168 = tpu.memref_slice %arg13[%dma_wait3A_162, %dma_wait3A_167] : memref<4x128xi32, #tpu.memory_space<vmem>> -> memref<1x128xi32, #tpu.memory_space<vmem>>
    %dma_wait3A_169 = tpu.memref_squeeze %dma_wait3A_168 : memref<1x128xi32, #tpu.memory_space<vmem>> -> memref<128xi32, #tpu.memory_space<vmem>>
    %dma_wait3A_170 = tpu.memref_slice %arg4[%add3A_32] : memref<16384xi32, #tpu.memory_space<hbm>> -> memref<128xi32, #tpu.memory_space<hbm>>
    tpu.wait_dma2 semaphore(%arg22 : memref<!tpu.dma_semaphore, #tpu.memory_space<semaphore_mem>>) src(%dma_wait3A_170 : memref<128xi32, #tpu.memory_space<hbm>>) dst(%dma_wait3A_169 : memref<128xi32, #tpu.memory_space<vmem>>)
    %dma_wait3A_171 = arith.constant 2 : i32
    %dma_wait3A_172 = arith.constant 0 : i32
    %dma_wait3A_173 = tpu.memref_slice %arg11[%dma_wait3A_171, %dma_wait3A_172] : memref<4x128xi32, #tpu.memory_space<vmem>> -> memref<1x128xi32, #tpu.memory_space<vmem>>
    %dma_wait3A_174 = tpu.memref_squeeze %dma_wait3A_173 : memref<1x128xi32, #tpu.memory_space<vmem>> -> memref<128xi32, #tpu.memory_space<vmem>>
    %dma_wait3A_175 = tpu.memref_slice %arg2[%add3A_61] : memref<16384xi32, #tpu.memory_space<hbm>> -> memref<128xi32, #tpu.memory_space<hbm>>
    %dma_wait3A_176 = arith.constant 0 : i32
    %dma_wait3A_177 = tpu.memref_slice %arg11[%dma_wait3A_171, %dma_wait3A_176] : memref<4x128xi32, #tpu.memory_space<vmem>> -> memref<1x128xi32, #tpu.memory_space<vmem>>
    %dma_wait3A_178 = tpu.memref_squeeze %dma_wait3A_177 : memref<1x128xi32, #tpu.memory_space<vmem>> -> memref<128xi32, #tpu.memory_space<vmem>>
    %dma_wait3A_179 = tpu.memref_slice %arg2[%add3A_61] : memref<16384xi32, #tpu.memory_space<hbm>> -> memref<128xi32, #tpu.memory_space<hbm>>
    tpu.wait_dma2 semaphore(%arg22 : memref<!tpu.dma_semaphore, #tpu.memory_space<semaphore_mem>>) src(%dma_wait3A_179 : memref<128xi32, #tpu.memory_space<hbm>>) dst(%dma_wait3A_178 : memref<128xi32, #tpu.memory_space<vmem>>)
    %dma_wait3A_180 = arith.constant 2 : i32
    %dma_wait3A_181 = arith.constant 0 : i32
    %dma_wait3A_182 = tpu.memref_slice %arg12[%dma_wait3A_180, %dma_wait3A_181] : memref<4x128xi32, #tpu.memory_space<vmem>> -> memref<1x128xi32, #tpu.memory_space<vmem>>
    %dma_wait3A_183 = tpu.memref_squeeze %dma_wait3A_182 : memref<1x128xi32, #tpu.memory_space<vmem>> -> memref<128xi32, #tpu.memory_space<vmem>>
    %dma_wait3A_184 = tpu.memref_slice %arg3[%add3A_61] : memref<16384xi32, #tpu.memory_space<hbm>> -> memref<128xi32, #tpu.memory_space<hbm>>
    %dma_wait3A_185 = arith.constant 0 : i32
    %dma_wait3A_186 = tpu.memref_slice %arg12[%dma_wait3A_180, %dma_wait3A_185] : memref<4x128xi32, #tpu.memory_space<vmem>> -> memref<1x128xi32, #tpu.memory_space<vmem>>
    %dma_wait3A_187 = tpu.memref_squeeze %dma_wait3A_186 : memref<1x128xi32, #tpu.memory_space<vmem>> -> memref<128xi32, #tpu.memory_space<vmem>>
    %dma_wait3A_188 = tpu.memref_slice %arg3[%add3A_61] : memref<16384xi32, #tpu.memory_space<hbm>> -> memref<128xi32, #tpu.memory_space<hbm>>
    tpu.wait_dma2 semaphore(%arg22 : memref<!tpu.dma_semaphore, #tpu.memory_space<semaphore_mem>>) src(%dma_wait3A_188 : memref<128xi32, #tpu.memory_space<hbm>>) dst(%dma_wait3A_187 : memref<128xi32, #tpu.memory_space<vmem>>)
    %dma_wait3A_189 = arith.constant 2 : i32
    %dma_wait3A_190 = arith.constant 0 : i32
    %dma_wait3A_191 = tpu.memref_slice %arg13[%dma_wait3A_189, %dma_wait3A_190] : memref<4x128xi32, #tpu.memory_space<vmem>> -> memref<1x128xi32, #tpu.memory_space<vmem>>
    %dma_wait3A_192 = tpu.memref_squeeze %dma_wait3A_191 : memref<1x128xi32, #tpu.memory_space<vmem>> -> memref<128xi32, #tpu.memory_space<vmem>>
    %dma_wait3A_193 = tpu.memref_slice %arg4[%add3A_61] : memref<16384xi32, #tpu.memory_space<hbm>> -> memref<128xi32, #tpu.memory_space<hbm>>
    %dma_wait3A_194 = arith.constant 0 : i32
    %dma_wait3A_195 = tpu.memref_slice %arg13[%dma_wait3A_189, %dma_wait3A_194] : memref<4x128xi32, #tpu.memory_space<vmem>> -> memref<1x128xi32, #tpu.memory_space<vmem>>
    %dma_wait3A_196 = tpu.memref_squeeze %dma_wait3A_195 : memref<1x128xi32, #tpu.memory_space<vmem>> -> memref<128xi32, #tpu.memory_space<vmem>>
    %dma_wait3A_197 = tpu.memref_slice %arg4[%add3A_61] : memref<16384xi32, #tpu.memory_space<hbm>> -> memref<128xi32, #tpu.memory_space<hbm>>
    tpu.wait_dma2 semaphore(%arg22 : memref<!tpu.dma_semaphore, #tpu.memory_space<semaphore_mem>>) src(%dma_wait3A_197 : memref<128xi32, #tpu.memory_space<hbm>>) dst(%dma_wait3A_196 : memref<128xi32, #tpu.memory_space<vmem>>)
    %dma_wait3A_198 = arith.constant 3 : i32
    %dma_wait3A_199 = arith.constant 0 : i32
    %dma_wait3A_200 = tpu.memref_slice %arg11[%dma_wait3A_198, %dma_wait3A_199] : memref<4x128xi32, #tpu.memory_space<vmem>> -> memref<1x128xi32, #tpu.memory_space<vmem>>
    %dma_wait3A_201 = tpu.memref_squeeze %dma_wait3A_200 : memref<1x128xi32, #tpu.memory_space<vmem>> -> memref<128xi32, #tpu.memory_space<vmem>>
    %dma_wait3A_202 = tpu.memref_slice %arg2[%add3A_90] : memref<16384xi32, #tpu.memory_space<hbm>> -> memref<128xi32, #tpu.memory_space<hbm>>
    %dma_wait3A_203 = arith.constant 0 : i32
    %dma_wait3A_204 = tpu.memref_slice %arg11[%dma_wait3A_198, %dma_wait3A_203] : memref<4x128xi32, #tpu.memory_space<vmem>> -> memref<1x128xi32, #tpu.memory_space<vmem>>
    %dma_wait3A_205 = tpu.memref_squeeze %dma_wait3A_204 : memref<1x128xi32, #tpu.memory_space<vmem>> -> memref<128xi32, #tpu.memory_space<vmem>>
    %dma_wait3A_206 = tpu.memref_slice %arg2[%add3A_90] : memref<16384xi32, #tpu.memory_space<hbm>> -> memref<128xi32, #tpu.memory_space<hbm>>
    tpu.wait_dma2 semaphore(%arg22 : memref<!tpu.dma_semaphore, #tpu.memory_space<semaphore_mem>>) src(%dma_wait3A_206 : memref<128xi32, #tpu.memory_space<hbm>>) dst(%dma_wait3A_205 : memref<128xi32, #tpu.memory_space<vmem>>)
    %dma_wait3A_207 = arith.constant 3 : i32
    %dma_wait3A_208 = arith.constant 0 : i32
    %dma_wait3A_209 = tpu.memref_slice %arg12[%dma_wait3A_207, %dma_wait3A_208] : memref<4x128xi32, #tpu.memory_space<vmem>> -> memref<1x128xi32, #tpu.memory_space<vmem>>
    %dma_wait3A_210 = tpu.memref_squeeze %dma_wait3A_209 : memref<1x128xi32, #tpu.memory_space<vmem>> -> memref<128xi32, #tpu.memory_space<vmem>>
    %dma_wait3A_211 = tpu.memref_slice %arg3[%add3A_90] : memref<16384xi32, #tpu.memory_space<hbm>> -> memref<128xi32, #tpu.memory_space<hbm>>
    %dma_wait3A_212 = arith.constant 0 : i32
    %dma_wait3A_213 = tpu.memref_slice %arg12[%dma_wait3A_207, %dma_wait3A_212] : memref<4x128xi32, #tpu.memory_space<vmem>> -> memref<1x128xi32, #tpu.memory_space<vmem>>
    %dma_wait3A_214 = tpu.memref_squeeze %dma_wait3A_213 : memref<1x128xi32, #tpu.memory_space<vmem>> -> memref<128xi32, #tpu.memory_space<vmem>>
    %dma_wait3A_215 = tpu.memref_slice %arg3[%add3A_90] : memref<16384xi32, #tpu.memory_space<hbm>> -> memref<128xi32, #tpu.memory_space<hbm>>
    tpu.wait_dma2 semaphore(%arg22 : memref<!tpu.dma_semaphore, #tpu.memory_space<semaphore_mem>>) src(%dma_wait3A_215 : memref<128xi32, #tpu.memory_space<hbm>>) dst(%dma_wait3A_214 : memref<128xi32, #tpu.memory_space<vmem>>)
    %dma_wait3A_216 = arith.constant 3 : i32
    %dma_wait3A_217 = arith.constant 0 : i32
    %dma_wait3A_218 = tpu.memref_slice %arg13[%dma_wait3A_216, %dma_wait3A_217] : memref<4x128xi32, #tpu.memory_space<vmem>> -> memref<1x128xi32, #tpu.memory_space<vmem>>
    %dma_wait3A_219 = tpu.memref_squeeze %dma_wait3A_218 : memref<1x128xi32, #tpu.memory_space<vmem>> -> memref<128xi32, #tpu.memory_space<vmem>>
    %dma_wait3A_220 = tpu.memref_slice %arg4[%add3A_90] : memref<16384xi32, #tpu.memory_space<hbm>> -> memref<128xi32, #tpu.memory_space<hbm>>
    %dma_wait3A_221 = arith.constant 0 : i32
    %dma_wait3A_222 = tpu.memref_slice %arg13[%dma_wait3A_216, %dma_wait3A_221] : memref<4x128xi32, #tpu.memory_space<vmem>> -> memref<1x128xi32, #tpu.memory_space<vmem>>
    %dma_wait3A_223 = tpu.memref_squeeze %dma_wait3A_222 : memref<1x128xi32, #tpu.memory_space<vmem>> -> memref<128xi32, #tpu.memory_space<vmem>>
    %dma_wait3A_224 = tpu.memref_slice %arg4[%add3A_90] : memref<16384xi32, #tpu.memory_space<hbm>> -> memref<128xi32, #tpu.memory_space<hbm>>
    tpu.wait_dma2 semaphore(%arg22 : memref<!tpu.dma_semaphore, #tpu.memory_space<semaphore_mem>>) src(%dma_wait3A_224 : memref<128xi32, #tpu.memory_space<hbm>>) dst(%dma_wait3A_223 : memref<128xi32, #tpu.memory_space<vmem>>)
    %iota3A = tpu.iota {dimensions = array<i32: 0>} : vector<16xi32>
    %eq3A = arith.constant 15 : i32
    %eq3A_225 = vector.broadcast %eq3A : i32 to vector<16xi32>
    %eq3A_226 = arith.cmpi eq, %iota3A, %eq3A_225 : vector<16xi32>
    %dma_start3A_227 = arith.constant 0 : i32
    %dma_start3A_228 = arith.constant 0 : i32
    %dma_start3A_229 = arith.constant 0 : i32
    %dma_start3A_230 = arith.constant 0 : i32
    %dma_start3A_231 = tpu.memref_slice %arg14[%dma_start3A_228, %dma_start3A_229, %dma_start3A_230] : memref<2x128x64xf32, #tpu.memory_space<vmem>> -> memref<1x128x64xf32, #tpu.memory_space<vmem>>
    %dma_start3A_232 = tpu.memref_squeeze %dma_start3A_231 : memref<1x128x64xf32, #tpu.memory_space<vmem>> -> memref<128x64xf32, #tpu.memory_space<vmem>>
    %dma_start3A_233 = arith.constant 0 : i32
    %dma_start3A_234 = tpu.memref_slice %arg11[%dma_start3A_227, %dma_start3A_233] : memref<4x128xi32, #tpu.memory_space<vmem>> -> memref<1x128xi32, #tpu.memory_space<vmem>>
    %dma_start3A_235 = tpu.memref_squeeze %dma_start3A_234 : memref<1x128xi32, #tpu.memory_space<vmem>> -> memref<128xi32, #tpu.memory_space<vmem>>
    %dma_start3A_236 = arith.constant 0 : i32
    %dma_start3A_237 = arith.constant 0 : i32
    %dma_start3A_238 = tpu.memref_slice %arg5[%dma_start3A_236, %dma_start3A_237] : memref<100000x64xf32, #tpu.memory_space<hbm>> -> memref<100000x64xf32, #tpu.memory_space<hbm>>
    tpu.enqueue_indirect_dma source(%dma_start3A_238 : memref<100000x64xf32, #tpu.memory_space<hbm>>) target(%dma_start3A_232 : memref<128x64xf32, #tpu.memory_space<vmem>>) offsets(%dma_start3A_235 : memref<128xi32, #tpu.memory_space<vmem>>) semaphore(%arg20 : memref<!tpu.dma_semaphore, #tpu.memory_space<semaphore_mem>>)
    %dma_start3A_239 = arith.constant 0 : i32
    %dma_start3A_240 = arith.constant 0 : i32
    %dma_start3A_241 = arith.constant 0 : i32
    %dma_start3A_242 = arith.constant 0 : i32
    %dma_start3A_243 = tpu.memref_slice %arg15[%dma_start3A_240, %dma_start3A_241, %dma_start3A_242] : memref<2x128x64xf32, #tpu.memory_space<vmem>> -> memref<1x128x64xf32, #tpu.memory_space<vmem>>
    %dma_start3A_244 = tpu.memref_squeeze %dma_start3A_243 : memref<1x128x64xf32, #tpu.memory_space<vmem>> -> memref<128x64xf32, #tpu.memory_space<vmem>>
    %dma_start3A_245 = arith.constant 0 : i32
    %dma_start3A_246 = tpu.memref_slice %arg12[%dma_start3A_239, %dma_start3A_245] : memref<4x128xi32, #tpu.memory_space<vmem>> -> memref<1x128xi32, #tpu.memory_space<vmem>>
    %dma_start3A_247 = tpu.memref_squeeze %dma_start3A_246 : memref<1x128xi32, #tpu.memory_space<vmem>> -> memref<128xi32, #tpu.memory_space<vmem>>
    %dma_start3A_248 = arith.constant 0 : i32
    %dma_start3A_249 = arith.constant 0 : i32
    %dma_start3A_250 = tpu.memref_slice %arg6[%dma_start3A_248, %dma_start3A_249] : memref<100000x64xf32, #tpu.memory_space<hbm>> -> memref<100000x64xf32, #tpu.memory_space<hbm>>
    tpu.enqueue_indirect_dma source(%dma_start3A_250 : memref<100000x64xf32, #tpu.memory_space<hbm>>) target(%dma_start3A_244 : memref<128x64xf32, #tpu.memory_space<vmem>>) offsets(%dma_start3A_247 : memref<128xi32, #tpu.memory_space<vmem>>) semaphore(%arg20 : memref<!tpu.dma_semaphore, #tpu.memory_space<semaphore_mem>>)
    %dma_start3A_251 = arith.constant 0 : i32
    %dma_start3A_252 = arith.constant 0 : i32
    %dma_start3A_253 = arith.constant 0 : i32
    %dma_start3A_254 = arith.constant 0 : i32
    %dma_start3A_255 = tpu.memref_slice %arg16[%dma_start3A_252, %dma_start3A_253, %dma_start3A_254] : memref<2x128x64xf32, #tpu.memory_space<vmem>> -> memref<1x128x64xf32, #tpu.memory_space<vmem>>
    %dma_start3A_256 = tpu.memref_squeeze %dma_start3A_255 : memref<1x128x64xf32, #tpu.memory_space<vmem>> -> memref<128x64xf32, #tpu.memory_space<vmem>>
    %dma_start3A_257 = arith.constant 0 : i32
    %dma_start3A_258 = tpu.memref_slice %arg13[%dma_start3A_251, %dma_start3A_257] : memref<4x128xi32, #tpu.memory_space<vmem>> -> memref<1x128xi32, #tpu.memory_space<vmem>>
    %dma_start3A_259 = tpu.memref_squeeze %dma_start3A_258 : memref<1x128xi32, #tpu.memory_space<vmem>> -> memref<128xi32, #tpu.memory_space<vmem>>
    %dma_start3A_260 = arith.constant 0 : i32
    %dma_start3A_261 = arith.constant 0 : i32
    %dma_start3A_262 = tpu.memref_slice %arg6[%dma_start3A_260, %dma_start3A_261] : memref<100000x64xf32, #tpu.memory_space<hbm>> -> memref<100000x64xf32, #tpu.memory_space<hbm>>
    tpu.enqueue_indirect_dma source(%dma_start3A_262 : memref<100000x64xf32, #tpu.memory_space<hbm>>) target(%dma_start3A_256 : memref<128x64xf32, #tpu.memory_space<vmem>>) offsets(%dma_start3A_259 : memref<128xi32, #tpu.memory_space<vmem>>) semaphore(%arg20 : memref<!tpu.dma_semaphore, #tpu.memory_space<semaphore_mem>>)
    %dma_start3A_263 = arith.constant 0 : i32
    %dma_start3A_264 = arith.constant 0 : i32
    %dma_start3A_265 = tpu.memref_slice %arg17[%dma_start3A_264] : memref<512xf32, #tpu.memory_space<vmem>> -> memref<128xf32, #tpu.memory_space<vmem>>
    %dma_start3A_266 = arith.constant 0 : i32
    %dma_start3A_267 = tpu.memref_slice %arg12[%dma_start3A_263, %dma_start3A_266] : memref<4x128xi32, #tpu.memory_space<vmem>> -> memref<1x128xi32, #tpu.memory_space<vmem>>
    %dma_start3A_268 = tpu.memref_squeeze %dma_start3A_267 : memref<1x128xi32, #tpu.memory_space<vmem>> -> memref<128xi32, #tpu.memory_space<vmem>>
    %dma_start3A_269 = arith.constant 0 : i32
    %dma_start3A_270 = tpu.memref_slice %arg7[%dma_start3A_269] : memref<100000xf32, #tpu.memory_space<hbm>> -> memref<100000xf32, #tpu.memory_space<hbm>>
    tpu.enqueue_indirect_dma source(%dma_start3A_270 : memref<100000xf32, #tpu.memory_space<hbm>>) target(%dma_start3A_265 : memref<128xf32, #tpu.memory_space<vmem>>) offsets(%dma_start3A_268 : memref<128xi32, #tpu.memory_space<vmem>>) semaphore(%arg20 : memref<!tpu.dma_semaphore, #tpu.memory_space<semaphore_mem>>)
    %dma_wait3A_271 = arith.constant 0 : i32
    %dma_wait3A_272 = arith.constant 0 : i32
    %dma_wait3A_273 = arith.constant 0 : i32
    %dma_wait3A_274 = arith.constant 0 : i32
    %dma_wait3A_275 = tpu.memref_slice %arg14[%dma_wait3A_272, %dma_wait3A_273, %dma_wait3A_274] : memref<2x128x64xf32, #tpu.memory_space<vmem>> -> memref<1x128x64xf32, #tpu.memory_space<vmem>>
    %dma_wait3A_276 = tpu.memref_squeeze %dma_wait3A_275 : memref<1x128x64xf32, #tpu.memory_space<vmem>> -> memref<128x64xf32, #tpu.memory_space<vmem>>
    %dma_wait3A_277 = arith.constant 0 : i32
    %dma_wait3A_278 = tpu.memref_slice %arg11[%dma_wait3A_271, %dma_wait3A_277] : memref<4x128xi32, #tpu.memory_space<vmem>> -> memref<1x128xi32, #tpu.memory_space<vmem>>
    %dma_wait3A_279 = tpu.memref_squeeze %dma_wait3A_278 : memref<1x128xi32, #tpu.memory_space<vmem>> -> memref<128xi32, #tpu.memory_space<vmem>>
    %dma_wait3A_280 = arith.constant 0 : i32
    %dma_wait3A_281 = arith.constant 0 : i32
    %dma_wait3A_282 = tpu.memref_slice %arg5[%dma_wait3A_280, %dma_wait3A_281] : memref<100000x64xf32, #tpu.memory_space<hbm>> -> memref<100000x64xf32, #tpu.memory_space<hbm>>
    tpu.wait_indirect_dma semaphore(%arg20 : memref<!tpu.dma_semaphore, #tpu.memory_space<semaphore_mem>>) src(%dma_wait3A_282 : memref<100000x64xf32, #tpu.memory_space<hbm>>) dst(%dma_wait3A_276 : memref<128x64xf32, #tpu.memory_space<vmem>>)
    %dma_wait3A_283 = arith.constant 0 : i32
    %dma_wait3A_284 = arith.constant 0 : i32
    %dma_wait3A_285 = arith.constant 0 : i32
    %dma_wait3A_286 = arith.constant 0 : i32
    %dma_wait3A_287 = tpu.memref_slice %arg15[%dma_wait3A_284, %dma_wait3A_285, %dma_wait3A_286] : memref<2x128x64xf32, #tpu.memory_space<vmem>> -> memref<1x128x64xf32, #tpu.memory_space<vmem>>
    %dma_wait3A_288 = tpu.memref_squeeze %dma_wait3A_287 : memref<1x128x64xf32, #tpu.memory_space<vmem>> -> memref<128x64xf32, #tpu.memory_space<vmem>>
    %dma_wait3A_289 = arith.constant 0 : i32
    %dma_wait3A_290 = tpu.memref_slice %arg12[%dma_wait3A_283, %dma_wait3A_289] : memref<4x128xi32, #tpu.memory_space<vmem>> -> memref<1x128xi32, #tpu.memory_space<vmem>>
    %dma_wait3A_291 = tpu.memref_squeeze %dma_wait3A_290 : memref<1x128xi32, #tpu.memory_space<vmem>> -> memref<128xi32, #tpu.memory_space<vmem>>
    %dma_wait3A_292 = arith.constant 0 : i32
    %dma_wait3A_293 = arith.constant 0 : i32
    %dma_wait3A_294 = tpu.memref_slice %arg6[%dma_wait3A_292, %dma_wait3A_293] : memref<100000x64xf32, #tpu.memory_space<hbm>> -> memref<100000x64xf32, #tpu.memory_space<hbm>>
    tpu.wait_indirect_dma semaphore(%arg20 : memref<!tpu.dma_semaphore, #tpu.memory_space<semaphore_mem>>) src(%dma_wait3A_294 : memref<100000x64xf32, #tpu.memory_space<hbm>>) dst(%dma_wait3A_288 : memref<128x64xf32, #tpu.memory_space<vmem>>)
    %dma_wait3A_295 = arith.constant 0 : i32
    %dma_wait3A_296 = arith.constant 0 : i32
    %dma_wait3A_297 = arith.constant 0 : i32
    %dma_wait3A_298 = arith.constant 0 : i32
    %dma_wait3A_299 = tpu.memref_slice %arg16[%dma_wait3A_296, %dma_wait3A_297, %dma_wait3A_298] : memref<2x128x64xf32, #tpu.memory_space<vmem>> -> memref<1x128x64xf32, #tpu.memory_space<vmem>>
    %dma_wait3A_300 = tpu.memref_squeeze %dma_wait3A_299 : memref<1x128x64xf32, #tpu.memory_space<vmem>> -> memref<128x64xf32, #tpu.memory_space<vmem>>
    %dma_wait3A_301 = arith.constant 0 : i32
    %dma_wait3A_302 = tpu.memref_slice %arg13[%dma_wait3A_295, %dma_wait3A_301] : memref<4x128xi32, #tpu.memory_space<vmem>> -> memref<1x128xi32, #tpu.memory_space<vmem>>
    %dma_wait3A_303 = tpu.memref_squeeze %dma_wait3A_302 : memref<1x128xi32, #tpu.memory_space<vmem>> -> memref<128xi32, #tpu.memory_space<vmem>>
    %dma_wait3A_304 = arith.constant 0 : i32
    %dma_wait3A_305 = arith.constant 0 : i32
    %dma_wait3A_306 = tpu.memref_slice %arg6[%dma_wait3A_304, %dma_wait3A_305] : memref<100000x64xf32, #tpu.memory_space<hbm>> -> memref<100000x64xf32, #tpu.memory_space<hbm>>
    tpu.wait_indirect_dma semaphore(%arg20 : memref<!tpu.dma_semaphore, #tpu.memory_space<semaphore_mem>>) src(%dma_wait3A_306 : memref<100000x64xf32, #tpu.memory_space<hbm>>) dst(%dma_wait3A_300 : memref<128x64xf32, #tpu.memory_space<vmem>>)
    %dma_wait3A_307 = arith.constant 0 : i32
    %dma_wait3A_308 = arith.constant 0 : i32
    %dma_wait3A_309 = tpu.memref_slice %arg17[%dma_wait3A_308] : memref<512xf32, #tpu.memory_space<vmem>> -> memref<128xf32, #tpu.memory_space<vmem>>
    %dma_wait3A_310 = arith.constant 0 : i32
    %dma_wait3A_311 = tpu.memref_slice %arg12[%dma_wait3A_307, %dma_wait3A_310] : memref<4x128xi32, #tpu.memory_space<vmem>> -> memref<1x128xi32, #tpu.memory_space<vmem>>
    %dma_wait3A_312 = tpu.memref_squeeze %dma_wait3A_311 : memref<1x128xi32, #tpu.memory_space<vmem>> -> memref<128xi32, #tpu.memory_space<vmem>>
    %dma_wait3A_313 = arith.constant 0 : i32
    %dma_wait3A_314 = tpu.memref_slice %arg7[%dma_wait3A_313] : memref<100000xf32, #tpu.memory_space<hbm>> -> memref<100000xf32, #tpu.memory_space<hbm>>
    tpu.wait_indirect_dma semaphore(%arg20 : memref<!tpu.dma_semaphore, #tpu.memory_space<semaphore_mem>>) src(%dma_wait3A_314 : memref<100000xf32, #tpu.memory_space<hbm>>) dst(%dma_wait3A_309 : memref<128xf32, #tpu.memory_space<vmem>>)
    %dma_start3A_315 = arith.constant 1 : i32
    %dma_start3A_316 = arith.constant 1 : i32
    %dma_start3A_317 = arith.constant 0 : i32
    %dma_start3A_318 = arith.constant 0 : i32
    %dma_start3A_319 = tpu.memref_slice %arg14[%dma_start3A_316, %dma_start3A_317, %dma_start3A_318] : memref<2x128x64xf32, #tpu.memory_space<vmem>> -> memref<1x128x64xf32, #tpu.memory_space<vmem>>
    %dma_start3A_320 = tpu.memref_squeeze %dma_start3A_319 : memref<1x128x64xf32, #tpu.memory_space<vmem>> -> memref<128x64xf32, #tpu.memory_space<vmem>>
    %dma_start3A_321 = arith.constant 0 : i32
    %dma_start3A_322 = tpu.memref_slice %arg11[%dma_start3A_315, %dma_start3A_321] : memref<4x128xi32, #tpu.memory_space<vmem>> -> memref<1x128xi32, #tpu.memory_space<vmem>>
    %dma_start3A_323 = tpu.memref_squeeze %dma_start3A_322 : memref<1x128xi32, #tpu.memory_space<vmem>> -> memref<128xi32, #tpu.memory_space<vmem>>
    %dma_start3A_324 = arith.constant 0 : i32
    %dma_start3A_325 = arith.constant 0 : i32
    %dma_start3A_326 = tpu.memref_slice %arg5[%dma_start3A_324, %dma_start3A_325] : memref<100000x64xf32, #tpu.memory_space<hbm>> -> memref<100000x64xf32, #tpu.memory_space<hbm>>
    tpu.enqueue_indirect_dma source(%dma_start3A_326 : memref<100000x64xf32, #tpu.memory_space<hbm>>) target(%dma_start3A_320 : memref<128x64xf32, #tpu.memory_space<vmem>>) offsets(%dma_start3A_323 : memref<128xi32, #tpu.memory_space<vmem>>) semaphore(%arg21 : memref<!tpu.dma_semaphore, #tpu.memory_space<semaphore_mem>>)
    %dma_start3A_327 = arith.constant 1 : i32
    %dma_start3A_328 = arith.constant 1 : i32
    %dma_start3A_329 = arith.constant 0 : i32
    %dma_start3A_330 = arith.constant 0 : i32
    %dma_start3A_331 = tpu.memref_slice %arg15[%dma_start3A_328, %dma_start3A_329, %dma_start3A_330] : memref<2x128x64xf32, #tpu.memory_space<vmem>> -> memref<1x128x64xf32, #tpu.memory_space<vmem>>
    %dma_start3A_332 = tpu.memref_squeeze %dma_start3A_331 : memref<1x128x64xf32, #tpu.memory_space<vmem>> -> memref<128x64xf32, #tpu.memory_space<vmem>>
    %dma_start3A_333 = arith.constant 0 : i32
    %dma_start3A_334 = tpu.memref_slice %arg12[%dma_start3A_327, %dma_start3A_333] : memref<4x128xi32, #tpu.memory_space<vmem>> -> memref<1x128xi32, #tpu.memory_space<vmem>>
    %dma_start3A_335 = tpu.memref_squeeze %dma_start3A_334 : memref<1x128xi32, #tpu.memory_space<vmem>> -> memref<128xi32, #tpu.memory_space<vmem>>
    %dma_start3A_336 = arith.constant 0 : i32
    %dma_start3A_337 = arith.constant 0 : i32
    %dma_start3A_338 = tpu.memref_slice %arg6[%dma_start3A_336, %dma_start3A_337] : memref<100000x64xf32, #tpu.memory_space<hbm>> -> memref<100000x64xf32, #tpu.memory_space<hbm>>
    tpu.enqueue_indirect_dma source(%dma_start3A_338 : memref<100000x64xf32, #tpu.memory_space<hbm>>) target(%dma_start3A_332 : memref<128x64xf32, #tpu.memory_space<vmem>>) offsets(%dma_start3A_335 : memref<128xi32, #tpu.memory_space<vmem>>) semaphore(%arg21 : memref<!tpu.dma_semaphore, #tpu.memory_space<semaphore_mem>>)
    %dma_start3A_339 = arith.constant 1 : i32
    %dma_start3A_340 = arith.constant 1 : i32
    %dma_start3A_341 = arith.constant 0 : i32
    %dma_start3A_342 = arith.constant 0 : i32
    %dma_start3A_343 = tpu.memref_slice %arg16[%dma_start3A_340, %dma_start3A_341, %dma_start3A_342] : memref<2x128x64xf32, #tpu.memory_space<vmem>> -> memref<1x128x64xf32, #tpu.memory_space<vmem>>
    %dma_start3A_344 = tpu.memref_squeeze %dma_start3A_343 : memref<1x128x64xf32, #tpu.memory_space<vmem>> -> memref<128x64xf32, #tpu.memory_space<vmem>>
    %dma_start3A_345 = arith.constant 0 : i32
    %dma_start3A_346 = tpu.memref_slice %arg13[%dma_start3A_339, %dma_start3A_345] : memref<4x128xi32, #tpu.memory_space<vmem>> -> memref<1x128xi32, #tpu.memory_space<vmem>>
    %dma_start3A_347 = tpu.memref_squeeze %dma_start3A_346 : memref<1x128xi32, #tpu.memory_space<vmem>> -> memref<128xi32, #tpu.memory_space<vmem>>
    %dma_start3A_348 = arith.constant 0 : i32
    %dma_start3A_349 = arith.constant 0 : i32
    %dma_start3A_350 = tpu.memref_slice %arg6[%dma_start3A_348, %dma_start3A_349] : memref<100000x64xf32, #tpu.memory_space<hbm>> -> memref<100000x64xf32, #tpu.memory_space<hbm>>
    tpu.enqueue_indirect_dma source(%dma_start3A_350 : memref<100000x64xf32, #tpu.memory_space<hbm>>) target(%dma_start3A_344 : memref<128x64xf32, #tpu.memory_space<vmem>>) offsets(%dma_start3A_347 : memref<128xi32, #tpu.memory_space<vmem>>) semaphore(%arg21 : memref<!tpu.dma_semaphore, #tpu.memory_space<semaphore_mem>>)
    %dma_start3A_351 = arith.constant 1 : i32
    %dma_start3A_352 = arith.constant 128 : i32
    %dma_start3A_353 = tpu.memref_slice %arg17[%dma_start3A_352] : memref<512xf32, #tpu.memory_space<vmem>> -> memref<128xf32, #tpu.memory_space<vmem>>
    %dma_start3A_354 = arith.constant 0 : i32
    %dma_start3A_355 = tpu.memref_slice %arg12[%dma_start3A_351, %dma_start3A_354] : memref<4x128xi32, #tpu.memory_space<vmem>> -> memref<1x128xi32, #tpu.memory_space<vmem>>
    %dma_start3A_356 = tpu.memref_squeeze %dma_start3A_355 : memref<1x128xi32, #tpu.memory_space<vmem>> -> memref<128xi32, #tpu.memory_space<vmem>>
    %dma_start3A_357 = arith.constant 0 : i32
    %dma_start3A_358 = tpu.memref_slice %arg7[%dma_start3A_357] : memref<100000xf32, #tpu.memory_space<hbm>> -> memref<100000xf32, #tpu.memory_space<hbm>>
    tpu.enqueue_indirect_dma source(%dma_start3A_358 : memref<100000xf32, #tpu.memory_space<hbm>>) target(%dma_start3A_353 : memref<128xf32, #tpu.memory_space<vmem>>) offsets(%dma_start3A_356 : memref<128xi32, #tpu.memory_space<vmem>>) semaphore(%arg21 : memref<!tpu.dma_semaphore, #tpu.memory_space<semaphore_mem>>)
    %parallel_loop3A = arith.constant 0 : i32
    %parallel_loop3A_359 = arith.constant 128 : i32
    %parallel_loop3A_360 = arith.constant 1 : i32
    %parallel_loop3A_361 = arith.constant 0 : i32
    %parallel_loop3A_362 = arith.constant 0 : i32
    %parallel_loop3A_363 = arith.constant 0 : i32
    scf.for %parallel_loop3A_608 = %parallel_loop3A to %parallel_loop3A_359 step %parallel_loop3A_360  : i32 {
      %parallel_loop3A_609 = arith.constant 0 : i32
      %parallel_loop3A_610 = arith.constant 0 : i32
      %parallel_loop3A_611 = tpu.memref_slice %arg14[%parallel_loop3A_361, %parallel_loop3A_609, %parallel_loop3A_610] : memref<2x128x64xf32, #tpu.memory_space<vmem>> -> memref<1x128x64xf32, #tpu.memory_space<vmem>>
      %parallel_loop3A_612 = tpu.memref_squeeze %parallel_loop3A_611 : memref<1x128x64xf32, #tpu.memory_space<vmem>> -> memref<128x64xf32, #tpu.memory_space<vmem>>
      %parallel_loop3A_613 = arith.index_cast %parallel_loop3A_608 : i32 to index
      %parallel_loop3A_614 = arith.constant 0 : index
      %parallel_loop3A_615 = tpu.vector_load %parallel_loop3A_612[%parallel_loop3A_613, %parallel_loop3A_614] {strides = array<i32>} : memref<128x64xf32, #tpu.memory_space<vmem>>, vector<16xf32>,
      %parallel_loop3A_616 = arith.constant 0 : i32
      %parallel_loop3A_617 = arith.constant 0 : i32
      %parallel_loop3A_618 = tpu.memref_slice %arg15[%parallel_loop3A_362, %parallel_loop3A_616, %parallel_loop3A_617] : memref<2x128x64xf32, #tpu.memory_space<vmem>> -> memref<1x128x64xf32, #tpu.memory_space<vmem>>
      %parallel_loop3A_619 = tpu.memref_squeeze %parallel_loop3A_618 : memref<1x128x64xf32, #tpu.memory_space<vmem>> -> memref<128x64xf32, #tpu.memory_space<vmem>>
      %parallel_loop3A_620 = arith.index_cast %parallel_loop3A_608 : i32 to index
      %parallel_loop3A_621 = arith.constant 0 : index
      %parallel_loop3A_622 = tpu.vector_load %parallel_loop3A_619[%parallel_loop3A_620, %parallel_loop3A_621] {strides = array<i32>} : memref<128x64xf32, #tpu.memory_space<vmem>>, vector<16xf32>,
      %parallel_loop3A_623 = arith.mulf %parallel_loop3A_615, %parallel_loop3A_622 : vector<16xf32>
      %parallel_loop3A_624 = arith.constant 0 : i32
      %parallel_loop3A_625 = arith.constant 0 : i32
      %parallel_loop3A_626 = tpu.memref_slice %arg16[%parallel_loop3A_363, %parallel_loop3A_624, %parallel_loop3A_625] : memref<2x128x64xf32, #tpu.memory_space<vmem>> -> memref<1x128x64xf32, #tpu.memory_space<vmem>>
      %parallel_loop3A_627 = tpu.memref_squeeze %parallel_loop3A_626 : memref<1x128x64xf32, #tpu.memory_space<vmem>> -> memref<128x64xf32, #tpu.memory_space<vmem>>
      %parallel_loop3A_628 = arith.index_cast %parallel_loop3A_608 : i32 to index
      %parallel_loop3A_629 = arith.constant 0 : index
      %parallel_loop3A_630 = tpu.vector_load %parallel_loop3A_627[%parallel_loop3A_628, %parallel_loop3A_629] {strides = array<i32>} : memref<128x64xf32, #tpu.memory_space<vmem>>, vector<16xf32>,
      %parallel_loop3A_631 = arith.mulf %parallel_loop3A_615, %parallel_loop3A_630 : vector<16xf32>
      %parallel_loop3A_632 = arith.constant 0 : i32
      %parallel_loop3A_633 = arith.constant 0 : i32
      %parallel_loop3A_634 = tpu.memref_slice %arg14[%parallel_loop3A_361, %parallel_loop3A_632, %parallel_loop3A_633] : memref<2x128x64xf32, #tpu.memory_space<vmem>> -> memref<1x128x64xf32, #tpu.memory_space<vmem>>
      %parallel_loop3A_635 = tpu.memref_squeeze %parallel_loop3A_634 : memref<1x128x64xf32, #tpu.memory_space<vmem>> -> memref<128x64xf32, #tpu.memory_space<vmem>>
      %parallel_loop3A_636 = arith.index_cast %parallel_loop3A_608 : i32 to index
      %parallel_loop3A_637 = arith.constant 16 : index
      %parallel_loop3A_638 = tpu.vector_load %parallel_loop3A_635[%parallel_loop3A_636, %parallel_loop3A_637] {strides = array<i32>} : memref<128x64xf32, #tpu.memory_space<vmem>>, vector<16xf32>,
      %parallel_loop3A_639 = arith.constant 0 : i32
      %parallel_loop3A_640 = arith.constant 0 : i32
      %parallel_loop3A_641 = tpu.memref_slice %arg15[%parallel_loop3A_362, %parallel_loop3A_639, %parallel_loop3A_640] : memref<2x128x64xf32, #tpu.memory_space<vmem>> -> memref<1x128x64xf32, #tpu.memory_space<vmem>>
      %parallel_loop3A_642 = tpu.memref_squeeze %parallel_loop3A_641 : memref<1x128x64xf32, #tpu.memory_space<vmem>> -> memref<128x64xf32, #tpu.memory_space<vmem>>
      %parallel_loop3A_643 = arith.index_cast %parallel_loop3A_608 : i32 to index
      %parallel_loop3A_644 = arith.constant 16 : index
      %parallel_loop3A_645 = tpu.vector_load %parallel_loop3A_642[%parallel_loop3A_643, %parallel_loop3A_644] {strides = array<i32>} : memref<128x64xf32, #tpu.memory_space<vmem>>, vector<16xf32>,
      %parallel_loop3A_646 = arith.mulf %parallel_loop3A_638, %parallel_loop3A_645 : vector<16xf32>
      %parallel_loop3A_647 = arith.constant 0 : i32
      %parallel_loop3A_648 = arith.constant 0 : i32
      %parallel_loop3A_649 = tpu.memref_slice %arg16[%parallel_loop3A_363, %parallel_loop3A_647, %parallel_loop3A_648] : memref<2x128x64xf32, #tpu.memory_space<vmem>> -> memref<1x128x64xf32, #tpu.memory_space<vmem>>
      %parallel_loop3A_650 = tpu.memref_squeeze %parallel_loop3A_649 : memref<1x128x64xf32, #tpu.memory_space<vmem>> -> memref<128x64xf32, #tpu.memory_space<vmem>>
      %parallel_loop3A_651 = arith.index_cast %parallel_loop3A_608 : i32 to index
      %parallel_loop3A_652 = arith.constant 16 : index
      %parallel_loop3A_653 = tpu.vector_load %parallel_loop3A_650[%parallel_loop3A_651, %parallel_loop3A_652] {strides = array<i32>} : memref<128x64xf32, #tpu.memory_space<vmem>>, vector<16xf32>,
      %parallel_loop3A_654 = arith.mulf %parallel_loop3A_638, %parallel_loop3A_653 : vector<16xf32>
      %parallel_loop3A_655 = arith.addf %parallel_loop3A_623, %parallel_loop3A_646 : vector<16xf32>
      %parallel_loop3A_656 = arith.addf %parallel_loop3A_631, %parallel_loop3A_654 : vector<16xf32>
      %parallel_loop3A_657 = arith.constant 0 : i32
      %parallel_loop3A_658 = arith.constant 0 : i32
      %parallel_loop3A_659 = tpu.memref_slice %arg14[%parallel_loop3A_361, %parallel_loop3A_657, %parallel_loop3A_658] : memref<2x128x64xf32, #tpu.memory_space<vmem>> -> memref<1x128x64xf32, #tpu.memory_space<vmem>>
      %parallel_loop3A_660 = tpu.memref_squeeze %parallel_loop3A_659 : memref<1x128x64xf32, #tpu.memory_space<vmem>> -> memref<128x64xf32, #tpu.memory_space<vmem>>
      %parallel_loop3A_661 = arith.index_cast %parallel_loop3A_608 : i32 to index
      %parallel_loop3A_662 = arith.constant 32 : index
      %parallel_loop3A_663 = tpu.vector_load %parallel_loop3A_660[%parallel_loop3A_661, %parallel_loop3A_662] {strides = array<i32>} : memref<128x64xf32, #tpu.memory_space<vmem>>, vector<16xf32>,
      %parallel_loop3A_664 = arith.constant 0 : i32
      %parallel_loop3A_665 = arith.constant 0 : i32
      %parallel_loop3A_666 = tpu.memref_slice %arg15[%parallel_loop3A_362, %parallel_loop3A_664, %parallel_loop3A_665] : memref<2x128x64xf32, #tpu.memory_space<vmem>> -> memref<1x128x64xf32, #tpu.memory_space<vmem>>
      %parallel_loop3A_667 = tpu.memref_squeeze %parallel_loop3A_666 : memref<1x128x64xf32, #tpu.memory_space<vmem>> -> memref<128x64xf32, #tpu.memory_space<vmem>>
      %parallel_loop3A_668 = arith.index_cast %parallel_loop3A_608 : i32 to index
      %parallel_loop3A_669 = arith.constant 32 : index
      %parallel_loop3A_670 = tpu.vector_load %parallel_loop3A_667[%parallel_loop3A_668, %parallel_loop3A_669] {strides = array<i32>} : memref<128x64xf32, #tpu.memory_space<vmem>>, vector<16xf32>,
      %parallel_loop3A_671 = arith.mulf %parallel_loop3A_663, %parallel_loop3A_670 : vector<16xf32>
      %parallel_loop3A_672 = arith.constant 0 : i32
      %parallel_loop3A_673 = arith.constant 0 : i32
      %parallel_loop3A_674 = tpu.memref_slice %arg16[%parallel_loop3A_363, %parallel_loop3A_672, %parallel_loop3A_673] : memref<2x128x64xf32, #tpu.memory_space<vmem>> -> memref<1x128x64xf32, #tpu.memory_space<vmem>>
      %parallel_loop3A_675 = tpu.memref_squeeze %parallel_loop3A_674 : memref<1x128x64xf32, #tpu.memory_space<vmem>> -> memref<128x64xf32, #tpu.memory_space<vmem>>
      %parallel_loop3A_676 = arith.index_cast %parallel_loop3A_608 : i32 to index
      %parallel_loop3A_677 = arith.constant 32 : index
      %parallel_loop3A_678 = tpu.vector_load %parallel_loop3A_675[%parallel_loop3A_676, %parallel_loop3A_677] {strides = array<i32>} : memref<128x64xf32, #tpu.memory_space<vmem>>, vector<16xf32>,
      %parallel_loop3A_679 = arith.mulf %parallel_loop3A_663, %parallel_loop3A_678 : vector<16xf32>
      %parallel_loop3A_680 = arith.addf %parallel_loop3A_655, %parallel_loop3A_671 : vector<16xf32>
      %parallel_loop3A_681 = arith.addf %parallel_loop3A_656, %parallel_loop3A_679 : vector<16xf32>
      %parallel_loop3A_682 = arith.constant 0 : i32
      %parallel_loop3A_683 = arith.constant 0 : i32
      %parallel_loop3A_684 = tpu.memref_slice %arg14[%parallel_loop3A_361, %parallel_loop3A_682, %parallel_loop3A_683] : memref<2x128x64xf32, #tpu.memory_space<vmem>> -> memref<1x128x64xf32, #tpu.memory_space<vmem>>
      %parallel_loop3A_685 = tpu.memref_squeeze %parallel_loop3A_684 : memref<1x128x64xf32, #tpu.memory_space<vmem>> -> memref<128x64xf32, #tpu.memory_space<vmem>>
      %parallel_loop3A_686 = arith.index_cast %parallel_loop3A_608 : i32 to index
      %parallel_loop3A_687 = arith.constant 48 : index
      %parallel_loop3A_688 = tpu.vector_load %parallel_loop3A_685[%parallel_loop3A_686, %parallel_loop3A_687] {strides = array<i32>} : memref<128x64xf32, #tpu.memory_space<vmem>>, vector<16xf32>,
      %parallel_loop3A_689 = arith.constant 0 : i32
      %parallel_loop3A_690 = arith.constant 0 : i32
      %parallel_loop3A_691 = tpu.memref_slice %arg15[%parallel_loop3A_362, %parallel_loop3A_689, %parallel_loop3A_690] : memref<2x128x64xf32, #tpu.memory_space<vmem>> -> memref<1x128x64xf32, #tpu.memory_space<vmem>>
      %parallel_loop3A_692 = tpu.memref_squeeze %parallel_loop3A_691 : memref<1x128x64xf32, #tpu.memory_space<vmem>> -> memref<128x64xf32, #tpu.memory_space<vmem>>
      %parallel_loop3A_693 = arith.index_cast %parallel_loop3A_608 : i32 to index
      %parallel_loop3A_694 = arith.constant 48 : index
      %parallel_loop3A_695 = tpu.vector_load %parallel_loop3A_692[%parallel_loop3A_693, %parallel_loop3A_694] {strides = array<i32>} : memref<128x64xf32, #tpu.memory_space<vmem>>, vector<16xf32>,
      %parallel_loop3A_696 = arith.mulf %parallel_loop3A_688, %parallel_loop3A_695 : vector<16xf32>
      %parallel_loop3A_697 = arith.constant 0 : i32
      %parallel_loop3A_698 = arith.constant 0 : i32
      %parallel_loop3A_699 = tpu.memref_slice %arg16[%parallel_loop3A_363, %parallel_loop3A_697, %parallel_loop3A_698] : memref<2x128x64xf32, #tpu.memory_space<vmem>> -> memref<1x128x64xf32, #tpu.memory_space<vmem>>
      %parallel_loop3A_700 = tpu.memref_squeeze %parallel_loop3A_699 : memref<1x128x64xf32, #tpu.memory_space<vmem>> -> memref<128x64xf32, #tpu.memory_space<vmem>>
      %parallel_loop3A_701 = arith.index_cast %parallel_loop3A_608 : i32 to index
      %parallel_loop3A_702 = arith.constant 48 : index
      %parallel_loop3A_703 = tpu.vector_load %parallel_loop3A_700[%parallel_loop3A_701, %parallel_loop3A_702] {strides = array<i32>} : memref<128x64xf32, #tpu.memory_space<vmem>>, vector<16xf32>,
      %parallel_loop3A_704 = arith.mulf %parallel_loop3A_688, %parallel_loop3A_703 : vector<16xf32>
      %parallel_loop3A_705 = arith.addf %parallel_loop3A_680, %parallel_loop3A_696 : vector<16xf32>
      %parallel_loop3A_706 = arith.addf %parallel_loop3A_681, %parallel_loop3A_704 : vector<16xf32>
      %parallel_loop3A_707 = arith.constant 0 : i32
      %parallel_loop3A_708 = arith.addi %parallel_loop3A_707, %parallel_loop3A_608 : i32
      %parallel_loop3A_709 = vector.broadcast %parallel_loop3A_708 : i32 to vector<16xi32>
      %parallel_loop3A_710 = arith.constant true
      %parallel_loop3A_711 = vector.broadcast %parallel_loop3A_710 : i1 to vector<16xi1>
      %parallel_loop3A_712 = tpu.scan <sum>, %parallel_loop3A_705 masked %parallel_loop3A_711 : vector<16xf32>, vector<16xi1> -> vector<16xf32>
      tpu.vector_store_idx %arg18[%parallel_loop3A_709], %parallel_loop3A_712 masked %eq3A_226 : memref<512xf32, #tpu.memory_space<vmem>>[vector<16xi32>], vector<16xf32>, vector<16xi1>
      %parallel_loop3A_713 = arith.constant true
      %parallel_loop3A_714 = vector.broadcast %parallel_loop3A_713 : i1 to vector<16xi1>
      %parallel_loop3A_715 = tpu.scan <sum>, %parallel_loop3A_706 masked %parallel_loop3A_714 : vector<16xf32>, vector<16xi1> -> vector<16xf32>
      tpu.vector_store_idx %arg19[%parallel_loop3A_709], %parallel_loop3A_715 masked %eq3A_226 : memref<512xf32, #tpu.memory_space<vmem>>[vector<16xi32>], vector<16xf32>, vector<16xi1>
    } {sc.loop_unroll_factor = 32 : i64, sc.parallel_access}
    %dma_wait3A_364 = arith.constant 1 : i32
    %dma_wait3A_365 = arith.constant 1 : i32
    %dma_wait3A_366 = arith.constant 0 : i32
    %dma_wait3A_367 = arith.constant 0 : i32
    %dma_wait3A_368 = tpu.memref_slice %arg14[%dma_wait3A_365, %dma_wait3A_366, %dma_wait3A_367] : memref<2x128x64xf32, #tpu.memory_space<vmem>> -> memref<1x128x64xf32, #tpu.memory_space<vmem>>
    %dma_wait3A_369 = tpu.memref_squeeze %dma_wait3A_368 : memref<1x128x64xf32, #tpu.memory_space<vmem>> -> memref<128x64xf32, #tpu.memory_space<vmem>>
    %dma_wait3A_370 = arith.constant 0 : i32
    %dma_wait3A_371 = tpu.memref_slice %arg11[%dma_wait3A_364, %dma_wait3A_370] : memref<4x128xi32, #tpu.memory_space<vmem>> -> memref<1x128xi32, #tpu.memory_space<vmem>>
    %dma_wait3A_372 = tpu.memref_squeeze %dma_wait3A_371 : memref<1x128xi32, #tpu.memory_space<vmem>> -> memref<128xi32, #tpu.memory_space<vmem>>
    %dma_wait3A_373 = arith.constant 0 : i32
    %dma_wait3A_374 = arith.constant 0 : i32
    %dma_wait3A_375 = tpu.memref_slice %arg5[%dma_wait3A_373, %dma_wait3A_374] : memref<100000x64xf32, #tpu.memory_space<hbm>> -> memref<100000x64xf32, #tpu.memory_space<hbm>>
    tpu.wait_indirect_dma semaphore(%arg21 : memref<!tpu.dma_semaphore, #tpu.memory_space<semaphore_mem>>) src(%dma_wait3A_375 : memref<100000x64xf32, #tpu.memory_space<hbm>>) dst(%dma_wait3A_369 : memref<128x64xf32, #tpu.memory_space<vmem>>)
    %dma_wait3A_376 = arith.constant 1 : i32
    %dma_wait3A_377 = arith.constant 1 : i32
    %dma_wait3A_378 = arith.constant 0 : i32
    %dma_wait3A_379 = arith.constant 0 : i32
    %dma_wait3A_380 = tpu.memref_slice %arg15[%dma_wait3A_377, %dma_wait3A_378, %dma_wait3A_379] : memref<2x128x64xf32, #tpu.memory_space<vmem>> -> memref<1x128x64xf32, #tpu.memory_space<vmem>>
    %dma_wait3A_381 = tpu.memref_squeeze %dma_wait3A_380 : memref<1x128x64xf32, #tpu.memory_space<vmem>> -> memref<128x64xf32, #tpu.memory_space<vmem>>
    %dma_wait3A_382 = arith.constant 0 : i32
    %dma_wait3A_383 = tpu.memref_slice %arg12[%dma_wait3A_376, %dma_wait3A_382] : memref<4x128xi32, #tpu.memory_space<vmem>> -> memref<1x128xi32, #tpu.memory_space<vmem>>
    %dma_wait3A_384 = tpu.memref_squeeze %dma_wait3A_383 : memref<1x128xi32, #tpu.memory_space<vmem>> -> memref<128xi32, #tpu.memory_space<vmem>>
    %dma_wait3A_385 = arith.constant 0 : i32
    %dma_wait3A_386 = arith.constant 0 : i32
    %dma_wait3A_387 = tpu.memref_slice %arg6[%dma_wait3A_385, %dma_wait3A_386] : memref<100000x64xf32, #tpu.memory_space<hbm>> -> memref<100000x64xf32, #tpu.memory_space<hbm>>
    tpu.wait_indirect_dma semaphore(%arg21 : memref<!tpu.dma_semaphore, #tpu.memory_space<semaphore_mem>>) src(%dma_wait3A_387 : memref<100000x64xf32, #tpu.memory_space<hbm>>) dst(%dma_wait3A_381 : memref<128x64xf32, #tpu.memory_space<vmem>>)
    %dma_wait3A_388 = arith.constant 1 : i32
    %dma_wait3A_389 = arith.constant 1 : i32
    %dma_wait3A_390 = arith.constant 0 : i32
    %dma_wait3A_391 = arith.constant 0 : i32
    %dma_wait3A_392 = tpu.memref_slice %arg16[%dma_wait3A_389, %dma_wait3A_390, %dma_wait3A_391] : memref<2x128x64xf32, #tpu.memory_space<vmem>> -> memref<1x128x64xf32, #tpu.memory_space<vmem>>
    %dma_wait3A_393 = tpu.memref_squeeze %dma_wait3A_392 : memref<1x128x64xf32, #tpu.memory_space<vmem>> -> memref<128x64xf32, #tpu.memory_space<vmem>>
    %dma_wait3A_394 = arith.constant 0 : i32
    %dma_wait3A_395 = tpu.memref_slice %arg13[%dma_wait3A_388, %dma_wait3A_394] : memref<4x128xi32, #tpu.memory_space<vmem>> -> memref<1x128xi32, #tpu.memory_space<vmem>>
    %dma_wait3A_396 = tpu.memref_squeeze %dma_wait3A_395 : memref<1x128xi32, #tpu.memory_space<vmem>> -> memref<128xi32, #tpu.memory_space<vmem>>
    %dma_wait3A_397 = arith.constant 0 : i32
    %dma_wait3A_398 = arith.constant 0 : i32
    %dma_wait3A_399 = tpu.memref_slice %arg6[%dma_wait3A_397, %dma_wait3A_398] : memref<100000x64xf32, #tpu.memory_space<hbm>> -> memref<100000x64xf32, #tpu.memory_space<hbm>>
    tpu.wait_indirect_dma semaphore(%arg21 : memref<!tpu.dma_semaphore, #tpu.memory_space<semaphore_mem>>) src(%dma_wait3A_399 : memref<100000x64xf32, #tpu.memory_space<hbm>>) dst(%dma_wait3A_393 : memref<128x64xf32, #tpu.memory_space<vmem>>)
    %dma_wait3A_400 = arith.constant 1 : i32
    %dma_wait3A_401 = arith.constant 128 : i32
    %dma_wait3A_402 = tpu.memref_slice %arg17[%dma_wait3A_401] : memref<512xf32, #tpu.memory_space<vmem>> -> memref<128xf32, #tpu.memory_space<vmem>>
    %dma_wait3A_403 = arith.constant 0 : i32
    %dma_wait3A_404 = tpu.memref_slice %arg12[%dma_wait3A_400, %dma_wait3A_403] : memref<4x128xi32, #tpu.memory_space<vmem>> -> memref<1x128xi32, #tpu.memory_space<vmem>>
    %dma_wait3A_405 = tpu.memref_squeeze %dma_wait3A_404 : memref<1x128xi32, #tpu.memory_space<vmem>> -> memref<128xi32, #tpu.memory_space<vmem>>
    %dma_wait3A_406 = arith.constant 0 : i32
    %dma_wait3A_407 = tpu.memref_slice %arg7[%dma_wait3A_406] : memref<100000xf32, #tpu.memory_space<hbm>> -> memref<100000xf32, #tpu.memory_space<hbm>>
    tpu.wait_indirect_dma semaphore(%arg21 : memref<!tpu.dma_semaphore, #tpu.memory_space<semaphore_mem>>) src(%dma_wait3A_407 : memref<100000xf32, #tpu.memory_space<hbm>>) dst(%dma_wait3A_402 : memref<128xf32, #tpu.memory_space<vmem>>)
    %dma_start3A_408 = arith.constant 2 : i32
    %dma_start3A_409 = arith.constant 0 : i32
    %dma_start3A_410 = arith.constant 0 : i32
    %dma_start3A_411 = arith.constant 0 : i32
    %dma_start3A_412 = tpu.memref_slice %arg14[%dma_start3A_409, %dma_start3A_410, %dma_start3A_411] : memref<2x128x64xf32, #tpu.memory_space<vmem>> -> memref<1x128x64xf32, #tpu.memory_space<vmem>>
    %dma_start3A_413 = tpu.memref_squeeze %dma_start3A_412 : memref<1x128x64xf32, #tpu.memory_space<vmem>> -> memref<128x64xf32, #tpu.memory_space<vmem>>
    %dma_start3A_414 = arith.constant 0 : i32
    %dma_start3A_415 = tpu.memref_slice %arg11[%dma_start3A_408, %dma_start3A_414] : memref<4x128xi32, #tpu.memory_space<vmem>> -> memref<1x128xi32, #tpu.memory_space<vmem>>
    %dma_start3A_416 = tpu.memref_squeeze %dma_start3A_415 : memref<1x128xi32, #tpu.memory_space<vmem>> -> memref<128xi32, #tpu.memory_space<vmem>>
    %dma_start3A_417 = arith.constant 0 : i32
    %dma_start3A_418 = arith.constant 0 : i32
    %dma_start3A_419 = tpu.memref_slice %arg5[%dma_start3A_417, %dma_start3A_418] : memref<100000x64xf32, #tpu.memory_space<hbm>> -> memref<100000x64xf32, #tpu.memory_space<hbm>>
    tpu.enqueue_indirect_dma source(%dma_start3A_419 : memref<100000x64xf32, #tpu.memory_space<hbm>>) target(%dma_start3A_413 : memref<128x64xf32, #tpu.memory_space<vmem>>) offsets(%dma_start3A_416 : memref<128xi32, #tpu.memory_space<vmem>>) semaphore(%arg20 : memref<!tpu.dma_semaphore, #tpu.memory_space<semaphore_mem>>)
    %dma_start3A_420 = arith.constant 2 : i32
    %dma_start3A_421 = arith.constant 0 : i32
    %dma_start3A_422 = arith.constant 0 : i32
    %dma_start3A_423 = arith.constant 0 : i32
    %dma_start3A_424 = tpu.memref_slice %arg15[%dma_start3A_421, %dma_start3A_422, %dma_start3A_423] : memref<2x128x64xf32, #tpu.memory_space<vmem>> -> memref<1x128x64xf32, #tpu.memory_space<vmem>>
    %dma_start3A_425 = tpu.memref_squeeze %dma_start3A_424 : memref<1x128x64xf32, #tpu.memory_space<vmem>> -> memref<128x64xf32, #tpu.memory_space<vmem>>
    %dma_start3A_426 = arith.constant 0 : i32
    %dma_start3A_427 = tpu.memref_slice %arg12[%dma_start3A_420, %dma_start3A_426] : memref<4x128xi32, #tpu.memory_space<vmem>> -> memref<1x128xi32, #tpu.memory_space<vmem>>
    %dma_start3A_428 = tpu.memref_squeeze %dma_start3A_427 : memref<1x128xi32, #tpu.memory_space<vmem>> -> memref<128xi32, #tpu.memory_space<vmem>>
    %dma_start3A_429 = arith.constant 0 : i32
    %dma_start3A_430 = arith.constant 0 : i32
    %dma_start3A_431 = tpu.memref_slice %arg6[%dma_start3A_429, %dma_start3A_430] : memref<100000x64xf32, #tpu.memory_space<hbm>> -> memref<100000x64xf32, #tpu.memory_space<hbm>>
    tpu.enqueue_indirect_dma source(%dma_start3A_431 : memref<100000x64xf32, #tpu.memory_space<hbm>>) target(%dma_start3A_425 : memref<128x64xf32, #tpu.memory_space<vmem>>) offsets(%dma_start3A_428 : memref<128xi32, #tpu.memory_space<vmem>>) semaphore(%arg20 : memref<!tpu.dma_semaphore, #tpu.memory_space<semaphore_mem>>)
    %dma_start3A_432 = arith.constant 2 : i32
    %dma_start3A_433 = arith.constant 0 : i32
    %dma_start3A_434 = arith.constant 0 : i32
    %dma_start3A_435 = arith.constant 0 : i32
    %dma_start3A_436 = tpu.memref_slice %arg16[%dma_start3A_433, %dma_start3A_434, %dma_start3A_435] : memref<2x128x64xf32, #tpu.memory_space<vmem>> -> memref<1x128x64xf32, #tpu.memory_space<vmem>>
    %dma_start3A_437 = tpu.memref_squeeze %dma_start3A_436 : memref<1x128x64xf32, #tpu.memory_space<vmem>> -> memref<128x64xf32, #tpu.memory_space<vmem>>
    %dma_start3A_438 = arith.constant 0 : i32
    %dma_start3A_439 = tpu.memref_slice %arg13[%dma_start3A_432, %dma_start3A_438] : memref<4x128xi32, #tpu.memory_space<vmem>> -> memref<1x128xi32, #tpu.memory_space<vmem>>
    %dma_start3A_440 = tpu.memref_squeeze %dma_start3A_439 : memref<1x128xi32, #tpu.memory_space<vmem>> -> memref<128xi32, #tpu.memory_space<vmem>>
    %dma_start3A_441 = arith.constant 0 : i32
    %dma_start3A_442 = arith.constant 0 : i32
    %dma_start3A_443 = tpu.memref_slice %arg6[%dma_start3A_441, %dma_start3A_442] : memref<100000x64xf32, #tpu.memory_space<hbm>> -> memref<100000x64xf32, #tpu.memory_space<hbm>>
    tpu.enqueue_indirect_dma source(%dma_start3A_443 : memref<100000x64xf32, #tpu.memory_space<hbm>>) target(%dma_start3A_437 : memref<128x64xf32, #tpu.memory_space<vmem>>) offsets(%dma_start3A_440 : memref<128xi32, #tpu.memory_space<vmem>>) semaphore(%arg20 : memref<!tpu.dma_semaphore, #tpu.memory_space<semaphore_mem>>)
    %dma_start3A_444 = arith.constant 2 : i32
    %dma_start3A_445 = arith.constant 256 : i32
    %dma_start3A_446 = tpu.memref_slice %arg17[%dma_start3A_445] : memref<512xf32, #tpu.memory_space<vmem>> -> memref<128xf32, #tpu.memory_space<vmem>>
    %dma_start3A_447 = arith.constant 0 : i32
    %dma_start3A_448 = tpu.memref_slice %arg12[%dma_start3A_444, %dma_start3A_447] : memref<4x128xi32, #tpu.memory_space<vmem>> -> memref<1x128xi32, #tpu.memory_space<vmem>>
    %dma_start3A_449 = tpu.memref_squeeze %dma_start3A_448 : memref<1x128xi32, #tpu.memory_space<vmem>> -> memref<128xi32, #tpu.memory_space<vmem>>
    %dma_start3A_450 = arith.constant 0 : i32
    %dma_start3A_451 = tpu.memref_slice %arg7[%dma_start3A_450] : memref<100000xf32, #tpu.memory_space<hbm>> -> memref<100000xf32, #tpu.memory_space<hbm>>
    tpu.enqueue_indirect_dma source(%dma_start3A_451 : memref<100000xf32, #tpu.memory_space<hbm>>) target(%dma_start3A_446 : memref<128xf32, #tpu.memory_space<vmem>>) offsets(%dma_start3A_449 : memref<128xi32, #tpu.memory_space<vmem>>) semaphore(%arg20 : memref<!tpu.dma_semaphore, #tpu.memory_space<semaphore_mem>>)
    %parallel_loop3A_452 = arith.constant 0 : i32
    %parallel_loop3A_453 = arith.constant 128 : i32
    %parallel_loop3A_454 = arith.constant 1 : i32
    %parallel_loop3A_455 = arith.constant 1 : i32
    %parallel_loop3A_456 = arith.constant 1 : i32
    %parallel_loop3A_457 = arith.constant 1 : i32
    scf.for %parallel_loop3A_608 = %parallel_loop3A_452 to %parallel_loop3A_453 step %parallel_loop3A_454  : i32 {
      %parallel_loop3A_609 = arith.constant 0 : i32
      %parallel_loop3A_610 = arith.constant 0 : i32
      %parallel_loop3A_611 = tpu.memref_slice %arg14[%parallel_loop3A_455, %parallel_loop3A_609, %parallel_loop3A_610] : memref<2x128x64xf32, #tpu.memory_space<vmem>> -> memref<1x128x64xf32, #tpu.memory_space<vmem>>
      %parallel_loop3A_612 = tpu.memref_squeeze %parallel_loop3A_611 : memref<1x128x64xf32, #tpu.memory_space<vmem>> -> memref<128x64xf32, #tpu.memory_space<vmem>>
      %parallel_loop3A_613 = arith.index_cast %parallel_loop3A_608 : i32 to index
      %parallel_loop3A_614 = arith.constant 0 : index
      %parallel_loop3A_615 = tpu.vector_load %parallel_loop3A_612[%parallel_loop3A_613, %parallel_loop3A_614] {strides = array<i32>} : memref<128x64xf32, #tpu.memory_space<vmem>>, vector<16xf32>,
      %parallel_loop3A_616 = arith.constant 0 : i32
      %parallel_loop3A_617 = arith.constant 0 : i32
      %parallel_loop3A_618 = tpu.memref_slice %arg15[%parallel_loop3A_456, %parallel_loop3A_616, %parallel_loop3A_617] : memref<2x128x64xf32, #tpu.memory_space<vmem>> -> memref<1x128x64xf32, #tpu.memory_space<vmem>>
      %parallel_loop3A_619 = tpu.memref_squeeze %parallel_loop3A_618 : memref<1x128x64xf32, #tpu.memory_space<vmem>> -> memref<128x64xf32, #tpu.memory_space<vmem>>
      %parallel_loop3A_620 = arith.index_cast %parallel_loop3A_608 : i32 to index
      %parallel_loop3A_621 = arith.constant 0 : index
      %parallel_loop3A_622 = tpu.vector_load %parallel_loop3A_619[%parallel_loop3A_620, %parallel_loop3A_621] {strides = array<i32>} : memref<128x64xf32, #tpu.memory_space<vmem>>, vector<16xf32>,
      %parallel_loop3A_623 = arith.mulf %parallel_loop3A_615, %parallel_loop3A_622 : vector<16xf32>
      %parallel_loop3A_624 = arith.constant 0 : i32
      %parallel_loop3A_625 = arith.constant 0 : i32
      %parallel_loop3A_626 = tpu.memref_slice %arg16[%parallel_loop3A_457, %parallel_loop3A_624, %parallel_loop3A_625] : memref<2x128x64xf32, #tpu.memory_space<vmem>> -> memref<1x128x64xf32, #tpu.memory_space<vmem>>
      %parallel_loop3A_627 = tpu.memref_squeeze %parallel_loop3A_626 : memref<1x128x64xf32, #tpu.memory_space<vmem>> -> memref<128x64xf32, #tpu.memory_space<vmem>>
      %parallel_loop3A_628 = arith.index_cast %parallel_loop3A_608 : i32 to index
      %parallel_loop3A_629 = arith.constant 0 : index
      %parallel_loop3A_630 = tpu.vector_load %parallel_loop3A_627[%parallel_loop3A_628, %parallel_loop3A_629] {strides = array<i32>} : memref<128x64xf32, #tpu.memory_space<vmem>>, vector<16xf32>,
      %parallel_loop3A_631 = arith.mulf %parallel_loop3A_615, %parallel_loop3A_630 : vector<16xf32>
      %parallel_loop3A_632 = arith.constant 0 : i32
      %parallel_loop3A_633 = arith.constant 0 : i32
      %parallel_loop3A_634 = tpu.memref_slice %arg14[%parallel_loop3A_455, %parallel_loop3A_632, %parallel_loop3A_633] : memref<2x128x64xf32, #tpu.memory_space<vmem>> -> memref<1x128x64xf32, #tpu.memory_space<vmem>>
      %parallel_loop3A_635 = tpu.memref_squeeze %parallel_loop3A_634 : memref<1x128x64xf32, #tpu.memory_space<vmem>> -> memref<128x64xf32, #tpu.memory_space<vmem>>
      %parallel_loop3A_636 = arith.index_cast %parallel_loop3A_608 : i32 to index
      %parallel_loop3A_637 = arith.constant 16 : index
      %parallel_loop3A_638 = tpu.vector_load %parallel_loop3A_635[%parallel_loop3A_636, %parallel_loop3A_637] {strides = array<i32>} : memref<128x64xf32, #tpu.memory_space<vmem>>, vector<16xf32>,
      %parallel_loop3A_639 = arith.constant 0 : i32
      %parallel_loop3A_640 = arith.constant 0 : i32
      %parallel_loop3A_641 = tpu.memref_slice %arg15[%parallel_loop3A_456, %parallel_loop3A_639, %parallel_loop3A_640] : memref<2x128x64xf32, #tpu.memory_space<vmem>> -> memref<1x128x64xf32, #tpu.memory_space<vmem>>
      %parallel_loop3A_642 = tpu.memref_squeeze %parallel_loop3A_641 : memref<1x128x64xf32, #tpu.memory_space<vmem>> -> memref<128x64xf32, #tpu.memory_space<vmem>>
      %parallel_loop3A_643 = arith.index_cast %parallel_loop3A_608 : i32 to index
      %parallel_loop3A_644 = arith.constant 16 : index
      %parallel_loop3A_645 = tpu.vector_load %parallel_loop3A_642[%parallel_loop3A_643, %parallel_loop3A_644] {strides = array<i32>} : memref<128x64xf32, #tpu.memory_space<vmem>>, vector<16xf32>,
      %parallel_loop3A_646 = arith.mulf %parallel_loop3A_638, %parallel_loop3A_645 : vector<16xf32>
      %parallel_loop3A_647 = arith.constant 0 : i32
      %parallel_loop3A_648 = arith.constant 0 : i32
      %parallel_loop3A_649 = tpu.memref_slice %arg16[%parallel_loop3A_457, %parallel_loop3A_647, %parallel_loop3A_648] : memref<2x128x64xf32, #tpu.memory_space<vmem>> -> memref<1x128x64xf32, #tpu.memory_space<vmem>>
      %parallel_loop3A_650 = tpu.memref_squeeze %parallel_loop3A_649 : memref<1x128x64xf32, #tpu.memory_space<vmem>> -> memref<128x64xf32, #tpu.memory_space<vmem>>
      %parallel_loop3A_651 = arith.index_cast %parallel_loop3A_608 : i32 to index
      %parallel_loop3A_652 = arith.constant 16 : index
      %parallel_loop3A_653 = tpu.vector_load %parallel_loop3A_650[%parallel_loop3A_651, %parallel_loop3A_652] {strides = array<i32>} : memref<128x64xf32, #tpu.memory_space<vmem>>, vector<16xf32>,
      %parallel_loop3A_654 = arith.mulf %parallel_loop3A_638, %parallel_loop3A_653 : vector<16xf32>
      %parallel_loop3A_655 = arith.addf %parallel_loop3A_623, %parallel_loop3A_646 : vector<16xf32>
      %parallel_loop3A_656 = arith.addf %parallel_loop3A_631, %parallel_loop3A_654 : vector<16xf32>
      %parallel_loop3A_657 = arith.constant 0 : i32
      %parallel_loop3A_658 = arith.constant 0 : i32
      %parallel_loop3A_659 = tpu.memref_slice %arg14[%parallel_loop3A_455, %parallel_loop3A_657, %parallel_loop3A_658] : memref<2x128x64xf32, #tpu.memory_space<vmem>> -> memref<1x128x64xf32, #tpu.memory_space<vmem>>
      %parallel_loop3A_660 = tpu.memref_squeeze %parallel_loop3A_659 : memref<1x128x64xf32, #tpu.memory_space<vmem>> -> memref<128x64xf32, #tpu.memory_space<vmem>>
      %parallel_loop3A_661 = arith.index_cast %parallel_loop3A_608 : i32 to index
      %parallel_loop3A_662 = arith.constant 32 : index
      %parallel_loop3A_663 = tpu.vector_load %parallel_loop3A_660[%parallel_loop3A_661, %parallel_loop3A_662] {strides = array<i32>} : memref<128x64xf32, #tpu.memory_space<vmem>>, vector<16xf32>,
      %parallel_loop3A_664 = arith.constant 0 : i32
      %parallel_loop3A_665 = arith.constant 0 : i32
      %parallel_loop3A_666 = tpu.memref_slice %arg15[%parallel_loop3A_456, %parallel_loop3A_664, %parallel_loop3A_665] : memref<2x128x64xf32, #tpu.memory_space<vmem>> -> memref<1x128x64xf32, #tpu.memory_space<vmem>>
      %parallel_loop3A_667 = tpu.memref_squeeze %parallel_loop3A_666 : memref<1x128x64xf32, #tpu.memory_space<vmem>> -> memref<128x64xf32, #tpu.memory_space<vmem>>
      %parallel_loop3A_668 = arith.index_cast %parallel_loop3A_608 : i32 to index
      %parallel_loop3A_669 = arith.constant 32 : index
      %parallel_loop3A_670 = tpu.vector_load %parallel_loop3A_667[%parallel_loop3A_668, %parallel_loop3A_669] {strides = array<i32>} : memref<128x64xf32, #tpu.memory_space<vmem>>, vector<16xf32>,
      %parallel_loop3A_671 = arith.mulf %parallel_loop3A_663, %parallel_loop3A_670 : vector<16xf32>
      %parallel_loop3A_672 = arith.constant 0 : i32
      %parallel_loop3A_673 = arith.constant 0 : i32
      %parallel_loop3A_674 = tpu.memref_slice %arg16[%parallel_loop3A_457, %parallel_loop3A_672, %parallel_loop3A_673] : memref<2x128x64xf32, #tpu.memory_space<vmem>> -> memref<1x128x64xf32, #tpu.memory_space<vmem>>
      %parallel_loop3A_675 = tpu.memref_squeeze %parallel_loop3A_674 : memref<1x128x64xf32, #tpu.memory_space<vmem>> -> memref<128x64xf32, #tpu.memory_space<vmem>>
      %parallel_loop3A_676 = arith.index_cast %parallel_loop3A_608 : i32 to index
      %parallel_loop3A_677 = arith.constant 32 : index
      %parallel_loop3A_678 = tpu.vector_load %parallel_loop3A_675[%parallel_loop3A_676, %parallel_loop3A_677] {strides = array<i32>} : memref<128x64xf32, #tpu.memory_space<vmem>>, vector<16xf32>,
      %parallel_loop3A_679 = arith.mulf %parallel_loop3A_663, %parallel_loop3A_678 : vector<16xf32>
      %parallel_loop3A_680 = arith.addf %parallel_loop3A_655, %parallel_loop3A_671 : vector<16xf32>
      %parallel_loop3A_681 = arith.addf %parallel_loop3A_656, %parallel_loop3A_679 : vector<16xf32>
      %parallel_loop3A_682 = arith.constant 0 : i32
      %parallel_loop3A_683 = arith.constant 0 : i32
      %parallel_loop3A_684 = tpu.memref_slice %arg14[%parallel_loop3A_455, %parallel_loop3A_682, %parallel_loop3A_683] : memref<2x128x64xf32, #tpu.memory_space<vmem>> -> memref<1x128x64xf32, #tpu.memory_space<vmem>>
      %parallel_loop3A_685 = tpu.memref_squeeze %parallel_loop3A_684 : memref<1x128x64xf32, #tpu.memory_space<vmem>> -> memref<128x64xf32, #tpu.memory_space<vmem>>
      %parallel_loop3A_686 = arith.index_cast %parallel_loop3A_608 : i32 to index
      %parallel_loop3A_687 = arith.constant 48 : index
      %parallel_loop3A_688 = tpu.vector_load %parallel_loop3A_685[%parallel_loop3A_686, %parallel_loop3A_687] {strides = array<i32>} : memref<128x64xf32, #tpu.memory_space<vmem>>, vector<16xf32>,
      %parallel_loop3A_689 = arith.constant 0 : i32
      %parallel_loop3A_690 = arith.constant 0 : i32
      %parallel_loop3A_691 = tpu.memref_slice %arg15[%parallel_loop3A_456, %parallel_loop3A_689, %parallel_loop3A_690] : memref<2x128x64xf32, #tpu.memory_space<vmem>> -> memref<1x128x64xf32, #tpu.memory_space<vmem>>
      %parallel_loop3A_692 = tpu.memref_squeeze %parallel_loop3A_691 : memref<1x128x64xf32, #tpu.memory_space<vmem>> -> memref<128x64xf32, #tpu.memory_space<vmem>>
      %parallel_loop3A_693 = arith.index_cast %parallel_loop3A_608 : i32 to index
      %parallel_loop3A_694 = arith.constant 48 : index
      %parallel_loop3A_695 = tpu.vector_load %parallel_loop3A_692[%parallel_loop3A_693, %parallel_loop3A_694] {strides = array<i32>} : memref<128x64xf32, #tpu.memory_space<vmem>>, vector<16xf32>,
      %parallel_loop3A_696 = arith.mulf %parallel_loop3A_688, %parallel_loop3A_695 : vector<16xf32>
      %parallel_loop3A_697 = arith.constant 0 : i32
      %parallel_loop3A_698 = arith.constant 0 : i32
      %parallel_loop3A_699 = tpu.memref_slice %arg16[%parallel_loop3A_457, %parallel_loop3A_697, %parallel_loop3A_698] : memref<2x128x64xf32, #tpu.memory_space<vmem>> -> memref<1x128x64xf32, #tpu.memory_space<vmem>>
      %parallel_loop3A_700 = tpu.memref_squeeze %parallel_loop3A_699 : memref<1x128x64xf32, #tpu.memory_space<vmem>> -> memref<128x64xf32, #tpu.memory_space<vmem>>
      %parallel_loop3A_701 = arith.index_cast %parallel_loop3A_608 : i32 to index
      %parallel_loop3A_702 = arith.constant 48 : index
      %parallel_loop3A_703 = tpu.vector_load %parallel_loop3A_700[%parallel_loop3A_701, %parallel_loop3A_702] {strides = array<i32>} : memref<128x64xf32, #tpu.memory_space<vmem>>, vector<16xf32>,
      %parallel_loop3A_704 = arith.mulf %parallel_loop3A_688, %parallel_loop3A_703 : vector<16xf32>
      %parallel_loop3A_705 = arith.addf %parallel_loop3A_680, %parallel_loop3A_696 : vector<16xf32>
      %parallel_loop3A_706 = arith.addf %parallel_loop3A_681, %parallel_loop3A_704 : vector<16xf32>
      %parallel_loop3A_707 = arith.constant 128 : i32
      %parallel_loop3A_708 = arith.addi %parallel_loop3A_707, %parallel_loop3A_608 : i32
      %parallel_loop3A_709 = vector.broadcast %parallel_loop3A_708 : i32 to vector<16xi32>
      %parallel_loop3A_710 = arith.constant true
      %parallel_loop3A_711 = vector.broadcast %parallel_loop3A_710 : i1 to vector<16xi1>
      %parallel_loop3A_712 = tpu.scan <sum>, %parallel_loop3A_705 masked %parallel_loop3A_711 : vector<16xf32>, vector<16xi1> -> vector<16xf32>
      tpu.vector_store_idx %arg18[%parallel_loop3A_709], %parallel_loop3A_712 masked %eq3A_226 : memref<512xf32, #tpu.memory_space<vmem>>[vector<16xi32>], vector<16xf32>, vector<16xi1>
      %parallel_loop3A_713 = arith.constant true
      %parallel_loop3A_714 = vector.broadcast %parallel_loop3A_713 : i1 to vector<16xi1>
      %parallel_loop3A_715 = tpu.scan <sum>, %parallel_loop3A_706 masked %parallel_loop3A_714 : vector<16xf32>, vector<16xi1> -> vector<16xf32>
      tpu.vector_store_idx %arg19[%parallel_loop3A_709], %parallel_loop3A_715 masked %eq3A_226 : memref<512xf32, #tpu.memory_space<vmem>>[vector<16xi32>], vector<16xf32>, vector<16xi1>
    } {sc.loop_unroll_factor = 32 : i64, sc.parallel_access}
    %dma_wait3A_458 = arith.constant 2 : i32
    %dma_wait3A_459 = arith.constant 0 : i32
    %dma_wait3A_460 = arith.constant 0 : i32
    %dma_wait3A_461 = arith.constant 0 : i32
    %dma_wait3A_462 = tpu.memref_slice %arg14[%dma_wait3A_459, %dma_wait3A_460, %dma_wait3A_461] : memref<2x128x64xf32, #tpu.memory_space<vmem>> -> memref<1x128x64xf32, #tpu.memory_space<vmem>>
    %dma_wait3A_463 = tpu.memref_squeeze %dma_wait3A_462 : memref<1x128x64xf32, #tpu.memory_space<vmem>> -> memref<128x64xf32, #tpu.memory_space<vmem>>
    %dma_wait3A_464 = arith.constant 0 : i32
    %dma_wait3A_465 = tpu.memref_slice %arg11[%dma_wait3A_458, %dma_wait3A_464] : memref<4x128xi32, #tpu.memory_space<vmem>> -> memref<1x128xi32, #tpu.memory_space<vmem>>
    %dma_wait3A_466 = tpu.memref_squeeze %dma_wait3A_465 : memref<1x128xi32, #tpu.memory_space<vmem>> -> memref<128xi32, #tpu.memory_space<vmem>>
    %dma_wait3A_467 = arith.constant 0 : i32
    %dma_wait3A_468 = arith.constant 0 : i32
    %dma_wait3A_469 = tpu.memref_slice %arg5[%dma_wait3A_467, %dma_wait3A_468] : memref<100000x64xf32, #tpu.memory_space<hbm>> -> memref<100000x64xf32, #tpu.memory_space<hbm>>
    tpu.wait_indirect_dma semaphore(%arg20 : memref<!tpu.dma_semaphore, #tpu.memory_space<semaphore_mem>>) src(%dma_wait3A_469 : memref<100000x64xf32, #tpu.memory_space<hbm>>) dst(%dma_wait3A_463 : memref<128x64xf32, #tpu.memory_space<vmem>>)
    %dma_wait3A_470 = arith.constant 2 : i32
    %dma_wait3A_471 = arith.constant 0 : i32
    %dma_wait3A_472 = arith.constant 0 : i32
    %dma_wait3A_473 = arith.constant 0 : i32
    %dma_wait3A_474 = tpu.memref_slice %arg15[%dma_wait3A_471, %dma_wait3A_472, %dma_wait3A_473] : memref<2x128x64xf32, #tpu.memory_space<vmem>> -> memref<1x128x64xf32, #tpu.memory_space<vmem>>
    %dma_wait3A_475 = tpu.memref_squeeze %dma_wait3A_474 : memref<1x128x64xf32, #tpu.memory_space<vmem>> -> memref<128x64xf32, #tpu.memory_space<vmem>>
    %dma_wait3A_476 = arith.constant 0 : i32
    %dma_wait3A_477 = tpu.memref_slice %arg12[%dma_wait3A_470, %dma_wait3A_476] : memref<4x128xi32, #tpu.memory_space<vmem>> -> memref<1x128xi32, #tpu.memory_space<vmem>>
    %dma_wait3A_478 = tpu.memref_squeeze %dma_wait3A_477 : memref<1x128xi32, #tpu.memory_space<vmem>> -> memref<128xi32, #tpu.memory_space<vmem>>
    %dma_wait3A_479 = arith.constant 0 : i32
    %dma_wait3A_480 = arith.constant 0 : i32
    %dma_wait3A_481 = tpu.memref_slice %arg6[%dma_wait3A_479, %dma_wait3A_480] : memref<100000x64xf32, #tpu.memory_space<hbm>> -> memref<100000x64xf32, #tpu.memory_space<hbm>>
    tpu.wait_indirect_dma semaphore(%arg20 : memref<!tpu.dma_semaphore, #tpu.memory_space<semaphore_mem>>) src(%dma_wait3A_481 : memref<100000x64xf32, #tpu.memory_space<hbm>>) dst(%dma_wait3A_475 : memref<128x64xf32, #tpu.memory_space<vmem>>)
    %dma_wait3A_482 = arith.constant 2 : i32
    %dma_wait3A_483 = arith.constant 0 : i32
    %dma_wait3A_484 = arith.constant 0 : i32
    %dma_wait3A_485 = arith.constant 0 : i32
    %dma_wait3A_486 = tpu.memref_slice %arg16[%dma_wait3A_483, %dma_wait3A_484, %dma_wait3A_485] : memref<2x128x64xf32, #tpu.memory_space<vmem>> -> memref<1x128x64xf32, #tpu.memory_space<vmem>>
    %dma_wait3A_487 = tpu.memref_squeeze %dma_wait3A_486 : memref<1x128x64xf32, #tpu.memory_space<vmem>> -> memref<128x64xf32, #tpu.memory_space<vmem>>
    %dma_wait3A_488 = arith.constant 0 : i32
    %dma_wait3A_489 = tpu.memref_slice %arg13[%dma_wait3A_482, %dma_wait3A_488] : memref<4x128xi32, #tpu.memory_space<vmem>> -> memref<1x128xi32, #tpu.memory_space<vmem>>
    %dma_wait3A_490 = tpu.memref_squeeze %dma_wait3A_489 : memref<1x128xi32, #tpu.memory_space<vmem>> -> memref<128xi32, #tpu.memory_space<vmem>>
    %dma_wait3A_491 = arith.constant 0 : i32
    %dma_wait3A_492 = arith.constant 0 : i32
    %dma_wait3A_493 = tpu.memref_slice %arg6[%dma_wait3A_491, %dma_wait3A_492] : memref<100000x64xf32, #tpu.memory_space<hbm>> -> memref<100000x64xf32, #tpu.memory_space<hbm>>
    tpu.wait_indirect_dma semaphore(%arg20 : memref<!tpu.dma_semaphore, #tpu.memory_space<semaphore_mem>>) src(%dma_wait3A_493 : memref<100000x64xf32, #tpu.memory_space<hbm>>) dst(%dma_wait3A_487 : memref<128x64xf32, #tpu.memory_space<vmem>>)
    %dma_wait3A_494 = arith.constant 2 : i32
    %dma_wait3A_495 = arith.constant 256 : i32
    %dma_wait3A_496 = tpu.memref_slice %arg17[%dma_wait3A_495] : memref<512xf32, #tpu.memory_space<vmem>> -> memref<128xf32, #tpu.memory_space<vmem>>
    %dma_wait3A_497 = arith.constant 0 : i32
    %dma_wait3A_498 = tpu.memref_slice %arg12[%dma_wait3A_494, %dma_wait3A_497] : memref<4x128xi32, #tpu.memory_space<vmem>> -> memref<1x128xi32, #tpu.memory_space<vmem>>
    %dma_wait3A_499 = tpu.memref_squeeze %dma_wait3A_498 : memref<1x128xi32, #tpu.memory_space<vmem>> -> memref<128xi32, #tpu.memory_space<vmem>>
    %dma_wait3A_500 = arith.constant 0 : i32
    %dma_wait3A_501 = tpu.memref_slice %arg7[%dma_wait3A_500] : memref<100000xf32, #tpu.memory_space<hbm>> -> memref<100000xf32, #tpu.memory_space<hbm>>
    tpu.wait_indirect_dma semaphore(%arg20 : memref<!tpu.dma_semaphore, #tpu.memory_space<semaphore_mem>>) src(%dma_wait3A_501 : memref<100000xf32, #tpu.memory_space<hbm>>) dst(%dma_wait3A_496 : memref<128xf32, #tpu.memory_space<vmem>>)
    %dma_start3A_502 = arith.constant 3 : i32
    %dma_start3A_503 = arith.constant 1 : i32
    %dma_start3A_504 = arith.constant 0 : i32
    %dma_start3A_505 = arith.constant 0 : i32
    %dma_start3A_506 = tpu.memref_slice %arg14[%dma_start3A_503, %dma_start3A_504, %dma_start3A_505] : memref<2x128x64xf32, #tpu.memory_space<vmem>> -> memref<1x128x64xf32, #tpu.memory_space<vmem>>
    %dma_start3A_507 = tpu.memref_squeeze %dma_start3A_506 : memref<1x128x64xf32, #tpu.memory_space<vmem>> -> memref<128x64xf32, #tpu.memory_space<vmem>>
    %dma_start3A_508 = arith.constant 0 : i32
    %dma_start3A_509 = tpu.memref_slice %arg11[%dma_start3A_502, %dma_start3A_508] : memref<4x128xi32, #tpu.memory_space<vmem>> -> memref<1x128xi32, #tpu.memory_space<vmem>>
    %dma_start3A_510 = tpu.memref_squeeze %dma_start3A_509 : memref<1x128xi32, #tpu.memory_space<vmem>> -> memref<128xi32, #tpu.memory_space<vmem>>
    %dma_start3A_511 = arith.constant 0 : i32
    %dma_start3A_512 = arith.constant 0 : i32
    %dma_start3A_513 = tpu.memref_slice %arg5[%dma_start3A_511, %dma_start3A_512] : memref<100000x64xf32, #tpu.memory_space<hbm>> -> memref<100000x64xf32, #tpu.memory_space<hbm>>
    tpu.enqueue_indirect_dma source(%dma_start3A_513 : memref<100000x64xf32, #tpu.memory_space<hbm>>) target(%dma_start3A_507 : memref<128x64xf32, #tpu.memory_space<vmem>>) offsets(%dma_start3A_510 : memref<128xi32, #tpu.memory_space<vmem>>) semaphore(%arg21 : memref<!tpu.dma_semaphore, #tpu.memory_space<semaphore_mem>>)
    %dma_start3A_514 = arith.constant 3 : i32
    %dma_start3A_515 = arith.constant 1 : i32
    %dma_start3A_516 = arith.constant 0 : i32
    %dma_start3A_517 = arith.constant 0 : i32
    %dma_start3A_518 = tpu.memref_slice %arg15[%dma_start3A_515, %dma_start3A_516, %dma_start3A_517] : memref<2x128x64xf32, #tpu.memory_space<vmem>> -> memref<1x128x64xf32, #tpu.memory_space<vmem>>
    %dma_start3A_519 = tpu.memref_squeeze %dma_start3A_518 : memref<1x128x64xf32, #tpu.memory_space<vmem>> -> memref<128x64xf32, #tpu.memory_space<vmem>>
    %dma_start3A_520 = arith.constant 0 : i32
    %dma_start3A_521 = tpu.memref_slice %arg12[%dma_start3A_514, %dma_start3A_520] : memref<4x128xi32, #tpu.memory_space<vmem>> -> memref<1x128xi32, #tpu.memory_space<vmem>>
    %dma_start3A_522 = tpu.memref_squeeze %dma_start3A_521 : memref<1x128xi32, #tpu.memory_space<vmem>> -> memref<128xi32, #tpu.memory_space<vmem>>
    %dma_start3A_523 = arith.constant 0 : i32
    %dma_start3A_524 = arith.constant 0 : i32
    %dma_start3A_525 = tpu.memref_slice %arg6[%dma_start3A_523, %dma_start3A_524] : memref<100000x64xf32, #tpu.memory_space<hbm>> -> memref<100000x64xf32, #tpu.memory_space<hbm>>
    tpu.enqueue_indirect_dma source(%dma_start3A_525 : memref<100000x64xf32, #tpu.memory_space<hbm>>) target(%dma_start3A_519 : memref<128x64xf32, #tpu.memory_space<vmem>>) offsets(%dma_start3A_522 : memref<128xi32, #tpu.memory_space<vmem>>) semaphore(%arg21 : memref<!tpu.dma_semaphore, #tpu.memory_space<semaphore_mem>>)
    %dma_start3A_526 = arith.constant 3 : i32
    %dma_start3A_527 = arith.constant 1 : i32
    %dma_start3A_528 = arith.constant 0 : i32
    %dma_start3A_529 = arith.constant 0 : i32
    %dma_start3A_530 = tpu.memref_slice %arg16[%dma_start3A_527, %dma_start3A_528, %dma_start3A_529] : memref<2x128x64xf32, #tpu.memory_space<vmem>> -> memref<1x128x64xf32, #tpu.memory_space<vmem>>
    %dma_start3A_531 = tpu.memref_squeeze %dma_start3A_530 : memref<1x128x64xf32, #tpu.memory_space<vmem>> -> memref<128x64xf32, #tpu.memory_space<vmem>>
    %dma_start3A_532 = arith.constant 0 : i32
    %dma_start3A_533 = tpu.memref_slice %arg13[%dma_start3A_526, %dma_start3A_532] : memref<4x128xi32, #tpu.memory_space<vmem>> -> memref<1x128xi32, #tpu.memory_space<vmem>>
    %dma_start3A_534 = tpu.memref_squeeze %dma_start3A_533 : memref<1x128xi32, #tpu.memory_space<vmem>> -> memref<128xi32, #tpu.memory_space<vmem>>
    %dma_start3A_535 = arith.constant 0 : i32
    %dma_start3A_536 = arith.constant 0 : i32
    %dma_start3A_537 = tpu.memref_slice %arg6[%dma_start3A_535, %dma_start3A_536] : memref<100000x64xf32, #tpu.memory_space<hbm>> -> memref<100000x64xf32, #tpu.memory_space<hbm>>
    tpu.enqueue_indirect_dma source(%dma_start3A_537 : memref<100000x64xf32, #tpu.memory_space<hbm>>) target(%dma_start3A_531 : memref<128x64xf32, #tpu.memory_space<vmem>>) offsets(%dma_start3A_534 : memref<128xi32, #tpu.memory_space<vmem>>) semaphore(%arg21 : memref<!tpu.dma_semaphore, #tpu.memory_space<semaphore_mem>>)
    %dma_start3A_538 = arith.constant 3 : i32
    %dma_start3A_539 = arith.constant 384 : i32
    %dma_start3A_540 = tpu.memref_slice %arg17[%dma_start3A_539] : memref<512xf32, #tpu.memory_space<vmem>> -> memref<128xf32, #tpu.memory_space<vmem>>
    %dma_start3A_541 = arith.constant 0 : i32
    %dma_start3A_542 = tpu.memref_slice %arg12[%dma_start3A_538, %dma_start3A_541] : memref<4x128xi32, #tpu.memory_space<vmem>> -> memref<1x128xi32, #tpu.memory_space<vmem>>
    %dma_start3A_543 = tpu.memref_squeeze %dma_start3A_542 : memref<1x128xi32, #tpu.memory_space<vmem>> -> memref<128xi32, #tpu.memory_space<vmem>>
    %dma_start3A_544 = arith.constant 0 : i32
    %dma_start3A_545 = tpu.memref_slice %arg7[%dma_start3A_544] : memref<100000xf32, #tpu.memory_space<hbm>> -> memref<100000xf32, #tpu.memory_space<hbm>>
    tpu.enqueue_indirect_dma source(%dma_start3A_545 : memref<100000xf32, #tpu.memory_space<hbm>>) target(%dma_start3A_540 : memref<128xf32, #tpu.memory_space<vmem>>) offsets(%dma_start3A_543 : memref<128xi32, #tpu.memory_space<vmem>>) semaphore(%arg21 : memref<!tpu.dma_semaphore, #tpu.memory_space<semaphore_mem>>)
    %parallel_loop3A_546 = arith.constant 0 : i32
    %parallel_loop3A_547 = arith.constant 128 : i32
    %parallel_loop3A_548 = arith.constant 1 : i32
    %parallel_loop3A_549 = arith.constant 0 : i32
    %parallel_loop3A_550 = arith.constant 0 : i32
    %parallel_loop3A_551 = arith.constant 0 : i32
    scf.for %parallel_loop3A_608 = %parallel_loop3A_546 to %parallel_loop3A_547 step %parallel_loop3A_548  : i32 {
      %parallel_loop3A_609 = arith.constant 0 : i32
      %parallel_loop3A_610 = arith.constant 0 : i32
      %parallel_loop3A_611 = tpu.memref_slice %arg14[%parallel_loop3A_549, %parallel_loop3A_609, %parallel_loop3A_610] : memref<2x128x64xf32, #tpu.memory_space<vmem>> -> memref<1x128x64xf32, #tpu.memory_space<vmem>>
      %parallel_loop3A_612 = tpu.memref_squeeze %parallel_loop3A_611 : memref<1x128x64xf32, #tpu.memory_space<vmem>> -> memref<128x64xf32, #tpu.memory_space<vmem>>
      %parallel_loop3A_613 = arith.index_cast %parallel_loop3A_608 : i32 to index
      %parallel_loop3A_614 = arith.constant 0 : index
      %parallel_loop3A_615 = tpu.vector_load %parallel_loop3A_612[%parallel_loop3A_613, %parallel_loop3A_614] {strides = array<i32>} : memref<128x64xf32, #tpu.memory_space<vmem>>, vector<16xf32>,
      %parallel_loop3A_616 = arith.constant 0 : i32
      %parallel_loop3A_617 = arith.constant 0 : i32
      %parallel_loop3A_618 = tpu.memref_slice %arg15[%parallel_loop3A_550, %parallel_loop3A_616, %parallel_loop3A_617] : memref<2x128x64xf32, #tpu.memory_space<vmem>> -> memref<1x128x64xf32, #tpu.memory_space<vmem>>
      %parallel_loop3A_619 = tpu.memref_squeeze %parallel_loop3A_618 : memref<1x128x64xf32, #tpu.memory_space<vmem>> -> memref<128x64xf32, #tpu.memory_space<vmem>>
      %parallel_loop3A_620 = arith.index_cast %parallel_loop3A_608 : i32 to index
      %parallel_loop3A_621 = arith.constant 0 : index
      %parallel_loop3A_622 = tpu.vector_load %parallel_loop3A_619[%parallel_loop3A_620, %parallel_loop3A_621] {strides = array<i32>} : memref<128x64xf32, #tpu.memory_space<vmem>>, vector<16xf32>,
      %parallel_loop3A_623 = arith.mulf %parallel_loop3A_615, %parallel_loop3A_622 : vector<16xf32>
      %parallel_loop3A_624 = arith.constant 0 : i32
      %parallel_loop3A_625 = arith.constant 0 : i32
      %parallel_loop3A_626 = tpu.memref_slice %arg16[%parallel_loop3A_551, %parallel_loop3A_624, %parallel_loop3A_625] : memref<2x128x64xf32, #tpu.memory_space<vmem>> -> memref<1x128x64xf32, #tpu.memory_space<vmem>>
      %parallel_loop3A_627 = tpu.memref_squeeze %parallel_loop3A_626 : memref<1x128x64xf32, #tpu.memory_space<vmem>> -> memref<128x64xf32, #tpu.memory_space<vmem>>
      %parallel_loop3A_628 = arith.index_cast %parallel_loop3A_608 : i32 to index
      %parallel_loop3A_629 = arith.constant 0 : index
      %parallel_loop3A_630 = tpu.vector_load %parallel_loop3A_627[%parallel_loop3A_628, %parallel_loop3A_629] {strides = array<i32>} : memref<128x64xf32, #tpu.memory_space<vmem>>, vector<16xf32>,
      %parallel_loop3A_631 = arith.mulf %parallel_loop3A_615, %parallel_loop3A_630 : vector<16xf32>
      %parallel_loop3A_632 = arith.constant 0 : i32
      %parallel_loop3A_633 = arith.constant 0 : i32
      %parallel_loop3A_634 = tpu.memref_slice %arg14[%parallel_loop3A_549, %parallel_loop3A_632, %parallel_loop3A_633] : memref<2x128x64xf32, #tpu.memory_space<vmem>> -> memref<1x128x64xf32, #tpu.memory_space<vmem>>
      %parallel_loop3A_635 = tpu.memref_squeeze %parallel_loop3A_634 : memref<1x128x64xf32, #tpu.memory_space<vmem>> -> memref<128x64xf32, #tpu.memory_space<vmem>>
      %parallel_loop3A_636 = arith.index_cast %parallel_loop3A_608 : i32 to index
      %parallel_loop3A_637 = arith.constant 16 : index
      %parallel_loop3A_638 = tpu.vector_load %parallel_loop3A_635[%parallel_loop3A_636, %parallel_loop3A_637] {strides = array<i32>} : memref<128x64xf32, #tpu.memory_space<vmem>>, vector<16xf32>,
      %parallel_loop3A_639 = arith.constant 0 : i32
      %parallel_loop3A_640 = arith.constant 0 : i32
      %parallel_loop3A_641 = tpu.memref_slice %arg15[%parallel_loop3A_550, %parallel_loop3A_639, %parallel_loop3A_640] : memref<2x128x64xf32, #tpu.memory_space<vmem>> -> memref<1x128x64xf32, #tpu.memory_space<vmem>>
      %parallel_loop3A_642 = tpu.memref_squeeze %parallel_loop3A_641 : memref<1x128x64xf32, #tpu.memory_space<vmem>> -> memref<128x64xf32, #tpu.memory_space<vmem>>
      %parallel_loop3A_643 = arith.index_cast %parallel_loop3A_608 : i32 to index
      %parallel_loop3A_644 = arith.constant 16 : index
      %parallel_loop3A_645 = tpu.vector_load %parallel_loop3A_642[%parallel_loop3A_643, %parallel_loop3A_644] {strides = array<i32>} : memref<128x64xf32, #tpu.memory_space<vmem>>, vector<16xf32>,
      %parallel_loop3A_646 = arith.mulf %parallel_loop3A_638, %parallel_loop3A_645 : vector<16xf32>
      %parallel_loop3A_647 = arith.constant 0 : i32
      %parallel_loop3A_648 = arith.constant 0 : i32
      %parallel_loop3A_649 = tpu.memref_slice %arg16[%parallel_loop3A_551, %parallel_loop3A_647, %parallel_loop3A_648] : memref<2x128x64xf32, #tpu.memory_space<vmem>> -> memref<1x128x64xf32, #tpu.memory_space<vmem>>
      %parallel_loop3A_650 = tpu.memref_squeeze %parallel_loop3A_649 : memref<1x128x64xf32, #tpu.memory_space<vmem>> -> memref<128x64xf32, #tpu.memory_space<vmem>>
      %parallel_loop3A_651 = arith.index_cast %parallel_loop3A_608 : i32 to index
      %parallel_loop3A_652 = arith.constant 16 : index
      %parallel_loop3A_653 = tpu.vector_load %parallel_loop3A_650[%parallel_loop3A_651, %parallel_loop3A_652] {strides = array<i32>} : memref<128x64xf32, #tpu.memory_space<vmem>>, vector<16xf32>,
      %parallel_loop3A_654 = arith.mulf %parallel_loop3A_638, %parallel_loop3A_653 : vector<16xf32>
      %parallel_loop3A_655 = arith.addf %parallel_loop3A_623, %parallel_loop3A_646 : vector<16xf32>
      %parallel_loop3A_656 = arith.addf %parallel_loop3A_631, %parallel_loop3A_654 : vector<16xf32>
      %parallel_loop3A_657 = arith.constant 0 : i32
      %parallel_loop3A_658 = arith.constant 0 : i32
      %parallel_loop3A_659 = tpu.memref_slice %arg14[%parallel_loop3A_549, %parallel_loop3A_657, %parallel_loop3A_658] : memref<2x128x64xf32, #tpu.memory_space<vmem>> -> memref<1x128x64xf32, #tpu.memory_space<vmem>>
      %parallel_loop3A_660 = tpu.memref_squeeze %parallel_loop3A_659 : memref<1x128x64xf32, #tpu.memory_space<vmem>> -> memref<128x64xf32, #tpu.memory_space<vmem>>
      %parallel_loop3A_661 = arith.index_cast %parallel_loop3A_608 : i32 to index
      %parallel_loop3A_662 = arith.constant 32 : index
      %parallel_loop3A_663 = tpu.vector_load %parallel_loop3A_660[%parallel_loop3A_661, %parallel_loop3A_662] {strides = array<i32>} : memref<128x64xf32, #tpu.memory_space<vmem>>, vector<16xf32>,
      %parallel_loop3A_664 = arith.constant 0 : i32
      %parallel_loop3A_665 = arith.constant 0 : i32
      %parallel_loop3A_666 = tpu.memref_slice %arg15[%parallel_loop3A_550, %parallel_loop3A_664, %parallel_loop3A_665] : memref<2x128x64xf32, #tpu.memory_space<vmem>> -> memref<1x128x64xf32, #tpu.memory_space<vmem>>
      %parallel_loop3A_667 = tpu.memref_squeeze %parallel_loop3A_666 : memref<1x128x64xf32, #tpu.memory_space<vmem>> -> memref<128x64xf32, #tpu.memory_space<vmem>>
      %parallel_loop3A_668 = arith.index_cast %parallel_loop3A_608 : i32 to index
      %parallel_loop3A_669 = arith.constant 32 : index
      %parallel_loop3A_670 = tpu.vector_load %parallel_loop3A_667[%parallel_loop3A_668, %parallel_loop3A_669] {strides = array<i32>} : memref<128x64xf32, #tpu.memory_space<vmem>>, vector<16xf32>,
      %parallel_loop3A_671 = arith.mulf %parallel_loop3A_663, %parallel_loop3A_670 : vector<16xf32>
      %parallel_loop3A_672 = arith.constant 0 : i32
      %parallel_loop3A_673 = arith.constant 0 : i32
      %parallel_loop3A_674 = tpu.memref_slice %arg16[%parallel_loop3A_551, %parallel_loop3A_672, %parallel_loop3A_673] : memref<2x128x64xf32, #tpu.memory_space<vmem>> -> memref<1x128x64xf32, #tpu.memory_space<vmem>>
      %parallel_loop3A_675 = tpu.memref_squeeze %parallel_loop3A_674 : memref<1x128x64xf32, #tpu.memory_space<vmem>> -> memref<128x64xf32, #tpu.memory_space<vmem>>
      %parallel_loop3A_676 = arith.index_cast %parallel_loop3A_608 : i32 to index
      %parallel_loop3A_677 = arith.constant 32 : index
      %parallel_loop3A_678 = tpu.vector_load %parallel_loop3A_675[%parallel_loop3A_676, %parallel_loop3A_677] {strides = array<i32>} : memref<128x64xf32, #tpu.memory_space<vmem>>, vector<16xf32>,
      %parallel_loop3A_679 = arith.mulf %parallel_loop3A_663, %parallel_loop3A_678 : vector<16xf32>
      %parallel_loop3A_680 = arith.addf %parallel_loop3A_655, %parallel_loop3A_671 : vector<16xf32>
      %parallel_loop3A_681 = arith.addf %parallel_loop3A_656, %parallel_loop3A_679 : vector<16xf32>
      %parallel_loop3A_682 = arith.constant 0 : i32
      %parallel_loop3A_683 = arith.constant 0 : i32
      %parallel_loop3A_684 = tpu.memref_slice %arg14[%parallel_loop3A_549, %parallel_loop3A_682, %parallel_loop3A_683] : memref<2x128x64xf32, #tpu.memory_space<vmem>> -> memref<1x128x64xf32, #tpu.memory_space<vmem>>
      %parallel_loop3A_685 = tpu.memref_squeeze %parallel_loop3A_684 : memref<1x128x64xf32, #tpu.memory_space<vmem>> -> memref<128x64xf32, #tpu.memory_space<vmem>>
      %parallel_loop3A_686 = arith.index_cast %parallel_loop3A_608 : i32 to index
      %parallel_loop3A_687 = arith.constant 48 : index
      %parallel_loop3A_688 = tpu.vector_load %parallel_loop3A_685[%parallel_loop3A_686, %parallel_loop3A_687] {strides = array<i32>} : memref<128x64xf32, #tpu.memory_space<vmem>>, vector<16xf32>,
      %parallel_loop3A_689 = arith.constant 0 : i32
      %parallel_loop3A_690 = arith.constant 0 : i32
      %parallel_loop3A_691 = tpu.memref_slice %arg15[%parallel_loop3A_550, %parallel_loop3A_689, %parallel_loop3A_690] : memref<2x128x64xf32, #tpu.memory_space<vmem>> -> memref<1x128x64xf32, #tpu.memory_space<vmem>>
      %parallel_loop3A_692 = tpu.memref_squeeze %parallel_loop3A_691 : memref<1x128x64xf32, #tpu.memory_space<vmem>> -> memref<128x64xf32, #tpu.memory_space<vmem>>
      %parallel_loop3A_693 = arith.index_cast %parallel_loop3A_608 : i32 to index
      %parallel_loop3A_694 = arith.constant 48 : index
      %parallel_loop3A_695 = tpu.vector_load %parallel_loop3A_692[%parallel_loop3A_693, %parallel_loop3A_694] {strides = array<i32>} : memref<128x64xf32, #tpu.memory_space<vmem>>, vector<16xf32>,
      %parallel_loop3A_696 = arith.mulf %parallel_loop3A_688, %parallel_loop3A_695 : vector<16xf32>
      %parallel_loop3A_697 = arith.constant 0 : i32
      %parallel_loop3A_698 = arith.constant 0 : i32
      %parallel_loop3A_699 = tpu.memref_slice %arg16[%parallel_loop3A_551, %parallel_loop3A_697, %parallel_loop3A_698] : memref<2x128x64xf32, #tpu.memory_space<vmem>> -> memref<1x128x64xf32, #tpu.memory_space<vmem>>
      %parallel_loop3A_700 = tpu.memref_squeeze %parallel_loop3A_699 : memref<1x128x64xf32, #tpu.memory_space<vmem>> -> memref<128x64xf32, #tpu.memory_space<vmem>>
      %parallel_loop3A_701 = arith.index_cast %parallel_loop3A_608 : i32 to index
      %parallel_loop3A_702 = arith.constant 48 : index
      %parallel_loop3A_703 = tpu.vector_load %parallel_loop3A_700[%parallel_loop3A_701, %parallel_loop3A_702] {strides = array<i32>} : memref<128x64xf32, #tpu.memory_space<vmem>>, vector<16xf32>,
      %parallel_loop3A_704 = arith.mulf %parallel_loop3A_688, %parallel_loop3A_703 : vector<16xf32>
      %parallel_loop3A_705 = arith.addf %parallel_loop3A_680, %parallel_loop3A_696 : vector<16xf32>
      %parallel_loop3A_706 = arith.addf %parallel_loop3A_681, %parallel_loop3A_704 : vector<16xf32>
      %parallel_loop3A_707 = arith.constant 256 : i32
      %parallel_loop3A_708 = arith.addi %parallel_loop3A_707, %parallel_loop3A_608 : i32
      %parallel_loop3A_709 = vector.broadcast %parallel_loop3A_708 : i32 to vector<16xi32>
      %parallel_loop3A_710 = arith.constant true
      %parallel_loop3A_711 = vector.broadcast %parallel_loop3A_710 : i1 to vector<16xi1>
      %parallel_loop3A_712 = tpu.scan <sum>, %parallel_loop3A_705 masked %parallel_loop3A_711 : vector<16xf32>, vector<16xi1> -> vector<16xf32>
      tpu.vector_store_idx %arg18[%parallel_loop3A_709], %parallel_loop3A_712 masked %eq3A_226 : memref<512xf32, #tpu.memory_space<vmem>>[vector<16xi32>], vector<16xf32>, vector<16xi1>
      %parallel_loop3A_713 = arith.constant true
      %parallel_loop3A_714 = vector.broadcast %parallel_loop3A_713 : i1 to vector<16xi1>
      %parallel_loop3A_715 = tpu.scan <sum>, %parallel_loop3A_706 masked %parallel_loop3A_714 : vector<16xf32>, vector<16xi1> -> vector<16xf32>
      tpu.vector_store_idx %arg19[%parallel_loop3A_709], %parallel_loop3A_715 masked %eq3A_226 : memref<512xf32, #tpu.memory_space<vmem>>[vector<16xi32>], vector<16xf32>, vector<16xi1>
    } {sc.loop_unroll_factor = 32 : i64, sc.parallel_access}
    %dma_wait3A_552 = arith.constant 3 : i32
    %dma_wait3A_553 = arith.constant 1 : i32
    %dma_wait3A_554 = arith.constant 0 : i32
    %dma_wait3A_555 = arith.constant 0 : i32
    %dma_wait3A_556 = tpu.memref_slice %arg14[%dma_wait3A_553, %dma_wait3A_554, %dma_wait3A_555] : memref<2x128x64xf32, #tpu.memory_space<vmem>> -> memref<1x128x64xf32, #tpu.memory_space<vmem>>
    %dma_wait3A_557 = tpu.memref_squeeze %dma_wait3A_556 : memref<1x128x64xf32, #tpu.memory_space<vmem>> -> memref<128x64xf32, #tpu.memory_space<vmem>>
    %dma_wait3A_558 = arith.constant 0 : i32
    %dma_wait3A_559 = tpu.memref_slice %arg11[%dma_wait3A_552, %dma_wait3A_558] : memref<4x128xi32, #tpu.memory_space<vmem>> -> memref<1x128xi32, #tpu.memory_space<vmem>>
    %dma_wait3A_560 = tpu.memref_squeeze %dma_wait3A_559 : memref<1x128xi32, #tpu.memory_space<vmem>> -> memref<128xi32, #tpu.memory_space<vmem>>
    %dma_wait3A_561 = arith.constant 0 : i32
    %dma_wait3A_562 = arith.constant 0 : i32
    %dma_wait3A_563 = tpu.memref_slice %arg5[%dma_wait3A_561, %dma_wait3A_562] : memref<100000x64xf32, #tpu.memory_space<hbm>> -> memref<100000x64xf32, #tpu.memory_space<hbm>>
    tpu.wait_indirect_dma semaphore(%arg21 : memref<!tpu.dma_semaphore, #tpu.memory_space<semaphore_mem>>) src(%dma_wait3A_563 : memref<100000x64xf32, #tpu.memory_space<hbm>>) dst(%dma_wait3A_557 : memref<128x64xf32, #tpu.memory_space<vmem>>)
    %dma_wait3A_564 = arith.constant 3 : i32
    %dma_wait3A_565 = arith.constant 1 : i32
    %dma_wait3A_566 = arith.constant 0 : i32
    %dma_wait3A_567 = arith.constant 0 : i32
    %dma_wait3A_568 = tpu.memref_slice %arg15[%dma_wait3A_565, %dma_wait3A_566, %dma_wait3A_567] : memref<2x128x64xf32, #tpu.memory_space<vmem>> -> memref<1x128x64xf32, #tpu.memory_space<vmem>>
    %dma_wait3A_569 = tpu.memref_squeeze %dma_wait3A_568 : memref<1x128x64xf32, #tpu.memory_space<vmem>> -> memref<128x64xf32, #tpu.memory_space<vmem>>
    %dma_wait3A_570 = arith.constant 0 : i32
    %dma_wait3A_571 = tpu.memref_slice %arg12[%dma_wait3A_564, %dma_wait3A_570] : memref<4x128xi32, #tpu.memory_space<vmem>> -> memref<1x128xi32, #tpu.memory_space<vmem>>
    %dma_wait3A_572 = tpu.memref_squeeze %dma_wait3A_571 : memref<1x128xi32, #tpu.memory_space<vmem>> -> memref<128xi32, #tpu.memory_space<vmem>>
    %dma_wait3A_573 = arith.constant 0 : i32
    %dma_wait3A_574 = arith.constant 0 : i32
    %dma_wait3A_575 = tpu.memref_slice %arg6[%dma_wait3A_573, %dma_wait3A_574] : memref<100000x64xf32, #tpu.memory_space<hbm>> -> memref<100000x64xf32, #tpu.memory_space<hbm>>
    tpu.wait_indirect_dma semaphore(%arg21 : memref<!tpu.dma_semaphore, #tpu.memory_space<semaphore_mem>>) src(%dma_wait3A_575 : memref<100000x64xf32, #tpu.memory_space<hbm>>) dst(%dma_wait3A_569 : memref<128x64xf32, #tpu.memory_space<vmem>>)
    %dma_wait3A_576 = arith.constant 3 : i32
    %dma_wait3A_577 = arith.constant 1 : i32
    %dma_wait3A_578 = arith.constant 0 : i32
    %dma_wait3A_579 = arith.constant 0 : i32
    %dma_wait3A_580 = tpu.memref_slice %arg16[%dma_wait3A_577, %dma_wait3A_578, %dma_wait3A_579] : memref<2x128x64xf32, #tpu.memory_space<vmem>> -> memref<1x128x64xf32, #tpu.memory_space<vmem>>
    %dma_wait3A_581 = tpu.memref_squeeze %dma_wait3A_580 : memref<1x128x64xf32, #tpu.memory_space<vmem>> -> memref<128x64xf32, #tpu.memory_space<vmem>>
    %dma_wait3A_582 = arith.constant 0 : i32
    %dma_wait3A_583 = tpu.memref_slice %arg13[%dma_wait3A_576, %dma_wait3A_582] : memref<4x128xi32, #tpu.memory_space<vmem>> -> memref<1x128xi32, #tpu.memory_space<vmem>>
    %dma_wait3A_584 = tpu.memref_squeeze %dma_wait3A_583 : memref<1x128xi32, #tpu.memory_space<vmem>> -> memref<128xi32, #tpu.memory_space<vmem>>
    %dma_wait3A_585 = arith.constant 0 : i32
    %dma_wait3A_586 = arith.constant 0 : i32
    %dma_wait3A_587 = tpu.memref_slice %arg6[%dma_wait3A_585, %dma_wait3A_586] : memref<100000x64xf32, #tpu.memory_space<hbm>> -> memref<100000x64xf32, #tpu.memory_space<hbm>>
    tpu.wait_indirect_dma semaphore(%arg21 : memref<!tpu.dma_semaphore, #tpu.memory_space<semaphore_mem>>) src(%dma_wait3A_587 : memref<100000x64xf32, #tpu.memory_space<hbm>>) dst(%dma_wait3A_581 : memref<128x64xf32, #tpu.memory_space<vmem>>)
    %dma_wait3A_588 = arith.constant 3 : i32
    %dma_wait3A_589 = arith.constant 384 : i32
    %dma_wait3A_590 = tpu.memref_slice %arg17[%dma_wait3A_589] : memref<512xf32, #tpu.memory_space<vmem>> -> memref<128xf32, #tpu.memory_space<vmem>>
    %dma_wait3A_591 = arith.constant 0 : i32
    %dma_wait3A_592 = tpu.memref_slice %arg12[%dma_wait3A_588, %dma_wait3A_591] : memref<4x128xi32, #tpu.memory_space<vmem>> -> memref<1x128xi32, #tpu.memory_space<vmem>>
    %dma_wait3A_593 = tpu.memref_squeeze %dma_wait3A_592 : memref<1x128xi32, #tpu.memory_space<vmem>> -> memref<128xi32, #tpu.memory_space<vmem>>
    %dma_wait3A_594 = arith.constant 0 : i32
    %dma_wait3A_595 = tpu.memref_slice %arg7[%dma_wait3A_594] : memref<100000xf32, #tpu.memory_space<hbm>> -> memref<100000xf32, #tpu.memory_space<hbm>>
    tpu.wait_indirect_dma semaphore(%arg21 : memref<!tpu.dma_semaphore, #tpu.memory_space<semaphore_mem>>) src(%dma_wait3A_595 : memref<100000xf32, #tpu.memory_space<hbm>>) dst(%dma_wait3A_590 : memref<128xf32, #tpu.memory_space<vmem>>)
    %parallel_loop3A_596 = arith.constant 0 : i32
    %parallel_loop3A_597 = arith.constant 128 : i32
    %parallel_loop3A_598 = arith.constant 1 : i32
    %parallel_loop3A_599 = arith.constant 1 : i32
    %parallel_loop3A_600 = arith.constant 1 : i32
    %parallel_loop3A_601 = arith.constant 1 : i32
    scf.for %parallel_loop3A_608 = %parallel_loop3A_596 to %parallel_loop3A_597 step %parallel_loop3A_598  : i32 {
      %parallel_loop3A_609 = arith.constant 0 : i32
      %parallel_loop3A_610 = arith.constant 0 : i32
      %parallel_loop3A_611 = tpu.memref_slice %arg14[%parallel_loop3A_599, %parallel_loop3A_609, %parallel_loop3A_610] : memref<2x128x64xf32, #tpu.memory_space<vmem>> -> memref<1x128x64xf32, #tpu.memory_space<vmem>>
      %parallel_loop3A_612 = tpu.memref_squeeze %parallel_loop3A_611 : memref<1x128x64xf32, #tpu.memory_space<vmem>> -> memref<128x64xf32, #tpu.memory_space<vmem>>
      %parallel_loop3A_613 = arith.index_cast %parallel_loop3A_608 : i32 to index
      %parallel_loop3A_614 = arith.constant 0 : index
      %parallel_loop3A_615 = tpu.vector_load %parallel_loop3A_612[%parallel_loop3A_613, %parallel_loop3A_614] {strides = array<i32>} : memref<128x64xf32, #tpu.memory_space<vmem>>, vector<16xf32>,
      %parallel_loop3A_616 = arith.constant 0 : i32
      %parallel_loop3A_617 = arith.constant 0 : i32
      %parallel_loop3A_618 = tpu.memref_slice %arg15[%parallel_loop3A_600, %parallel_loop3A_616, %parallel_loop3A_617] : memref<2x128x64xf32, #tpu.memory_space<vmem>> -> memref<1x128x64xf32, #tpu.memory_space<vmem>>
      %parallel_loop3A_619 = tpu.memref_squeeze %parallel_loop3A_618 : memref<1x128x64xf32, #tpu.memory_space<vmem>> -> memref<128x64xf32, #tpu.memory_space<vmem>>
      %parallel_loop3A_620 = arith.index_cast %parallel_loop3A_608 : i32 to index
      %parallel_loop3A_621 = arith.constant 0 : index
      %parallel_loop3A_622 = tpu.vector_load %parallel_loop3A_619[%parallel_loop3A_620, %parallel_loop3A_621] {strides = array<i32>} : memref<128x64xf32, #tpu.memory_space<vmem>>, vector<16xf32>,
      %parallel_loop3A_623 = arith.mulf %parallel_loop3A_615, %parallel_loop3A_622 : vector<16xf32>
      %parallel_loop3A_624 = arith.constant 0 : i32
      %parallel_loop3A_625 = arith.constant 0 : i32
      %parallel_loop3A_626 = tpu.memref_slice %arg16[%parallel_loop3A_601, %parallel_loop3A_624, %parallel_loop3A_625] : memref<2x128x64xf32, #tpu.memory_space<vmem>> -> memref<1x128x64xf32, #tpu.memory_space<vmem>>
      %parallel_loop3A_627 = tpu.memref_squeeze %parallel_loop3A_626 : memref<1x128x64xf32, #tpu.memory_space<vmem>> -> memref<128x64xf32, #tpu.memory_space<vmem>>
      %parallel_loop3A_628 = arith.index_cast %parallel_loop3A_608 : i32 to index
      %parallel_loop3A_629 = arith.constant 0 : index
      %parallel_loop3A_630 = tpu.vector_load %parallel_loop3A_627[%parallel_loop3A_628, %parallel_loop3A_629] {strides = array<i32>} : memref<128x64xf32, #tpu.memory_space<vmem>>, vector<16xf32>,
      %parallel_loop3A_631 = arith.mulf %parallel_loop3A_615, %parallel_loop3A_630 : vector<16xf32>
      %parallel_loop3A_632 = arith.constant 0 : i32
      %parallel_loop3A_633 = arith.constant 0 : i32
      %parallel_loop3A_634 = tpu.memref_slice %arg14[%parallel_loop3A_599, %parallel_loop3A_632, %parallel_loop3A_633] : memref<2x128x64xf32, #tpu.memory_space<vmem>> -> memref<1x128x64xf32, #tpu.memory_space<vmem>>
      %parallel_loop3A_635 = tpu.memref_squeeze %parallel_loop3A_634 : memref<1x128x64xf32, #tpu.memory_space<vmem>> -> memref<128x64xf32, #tpu.memory_space<vmem>>
      %parallel_loop3A_636 = arith.index_cast %parallel_loop3A_608 : i32 to index
      %parallel_loop3A_637 = arith.constant 16 : index
      %parallel_loop3A_638 = tpu.vector_load %parallel_loop3A_635[%parallel_loop3A_636, %parallel_loop3A_637] {strides = array<i32>} : memref<128x64xf32, #tpu.memory_space<vmem>>, vector<16xf32>,
      %parallel_loop3A_639 = arith.constant 0 : i32
      %parallel_loop3A_640 = arith.constant 0 : i32
      %parallel_loop3A_641 = tpu.memref_slice %arg15[%parallel_loop3A_600, %parallel_loop3A_639, %parallel_loop3A_640] : memref<2x128x64xf32, #tpu.memory_space<vmem>> -> memref<1x128x64xf32, #tpu.memory_space<vmem>>
      %parallel_loop3A_642 = tpu.memref_squeeze %parallel_loop3A_641 : memref<1x128x64xf32, #tpu.memory_space<vmem>> -> memref<128x64xf32, #tpu.memory_space<vmem>>
      %parallel_loop3A_643 = arith.index_cast %parallel_loop3A_608 : i32 to index
      %parallel_loop3A_644 = arith.constant 16 : index
      %parallel_loop3A_645 = tpu.vector_load %parallel_loop3A_642[%parallel_loop3A_643, %parallel_loop3A_644] {strides = array<i32>} : memref<128x64xf32, #tpu.memory_space<vmem>>, vector<16xf32>,
      %parallel_loop3A_646 = arith.mulf %parallel_loop3A_638, %parallel_loop3A_645 : vector<16xf32>
      %parallel_loop3A_647 = arith.constant 0 : i32
      %parallel_loop3A_648 = arith.constant 0 : i32
      %parallel_loop3A_649 = tpu.memref_slice %arg16[%parallel_loop3A_601, %parallel_loop3A_647, %parallel_loop3A_648] : memref<2x128x64xf32, #tpu.memory_space<vmem>> -> memref<1x128x64xf32, #tpu.memory_space<vmem>>
      %parallel_loop3A_650 = tpu.memref_squeeze %parallel_loop3A_649 : memref<1x128x64xf32, #tpu.memory_space<vmem>> -> memref<128x64xf32, #tpu.memory_space<vmem>>
      %parallel_loop3A_651 = arith.index_cast %parallel_loop3A_608 : i32 to index
      %parallel_loop3A_652 = arith.constant 16 : index
      %parallel_loop3A_653 = tpu.vector_load %parallel_loop3A_650[%parallel_loop3A_651, %parallel_loop3A_652] {strides = array<i32>} : memref<128x64xf32, #tpu.memory_space<vmem>>, vector<16xf32>,
      %parallel_loop3A_654 = arith.mulf %parallel_loop3A_638, %parallel_loop3A_653 : vector<16xf32>
      %parallel_loop3A_655 = arith.addf %parallel_loop3A_623, %parallel_loop3A_646 : vector<16xf32>
      %parallel_loop3A_656 = arith.addf %parallel_loop3A_631, %parallel_loop3A_654 : vector<16xf32>
      %parallel_loop3A_657 = arith.constant 0 : i32
      %parallel_loop3A_658 = arith.constant 0 : i32
      %parallel_loop3A_659 = tpu.memref_slice %arg14[%parallel_loop3A_599, %parallel_loop3A_657, %parallel_loop3A_658] : memref<2x128x64xf32, #tpu.memory_space<vmem>> -> memref<1x128x64xf32, #tpu.memory_space<vmem>>
      %parallel_loop3A_660 = tpu.memref_squeeze %parallel_loop3A_659 : memref<1x128x64xf32, #tpu.memory_space<vmem>> -> memref<128x64xf32, #tpu.memory_space<vmem>>
      %parallel_loop3A_661 = arith.index_cast %parallel_loop3A_608 : i32 to index
      %parallel_loop3A_662 = arith.constant 32 : index
      %parallel_loop3A_663 = tpu.vector_load %parallel_loop3A_660[%parallel_loop3A_661, %parallel_loop3A_662] {strides = array<i32>} : memref<128x64xf32, #tpu.memory_space<vmem>>, vector<16xf32>,
      %parallel_loop3A_664 = arith.constant 0 : i32
      %parallel_loop3A_665 = arith.constant 0 : i32
      %parallel_loop3A_666 = tpu.memref_slice %arg15[%parallel_loop3A_600, %parallel_loop3A_664, %parallel_loop3A_665] : memref<2x128x64xf32, #tpu.memory_space<vmem>> -> memref<1x128x64xf32, #tpu.memory_space<vmem>>
      %parallel_loop3A_667 = tpu.memref_squeeze %parallel_loop3A_666 : memref<1x128x64xf32, #tpu.memory_space<vmem>> -> memref<128x64xf32, #tpu.memory_space<vmem>>
      %parallel_loop3A_668 = arith.index_cast %parallel_loop3A_608 : i32 to index
      %parallel_loop3A_669 = arith.constant 32 : index
      %parallel_loop3A_670 = tpu.vector_load %parallel_loop3A_667[%parallel_loop3A_668, %parallel_loop3A_669] {strides = array<i32>} : memref<128x64xf32, #tpu.memory_space<vmem>>, vector<16xf32>,
      %parallel_loop3A_671 = arith.mulf %parallel_loop3A_663, %parallel_loop3A_670 : vector<16xf32>
      %parallel_loop3A_672 = arith.constant 0 : i32
      %parallel_loop3A_673 = arith.constant 0 : i32
      %parallel_loop3A_674 = tpu.memref_slice %arg16[%parallel_loop3A_601, %parallel_loop3A_672, %parallel_loop3A_673] : memref<2x128x64xf32, #tpu.memory_space<vmem>> -> memref<1x128x64xf32, #tpu.memory_space<vmem>>
      %parallel_loop3A_675 = tpu.memref_squeeze %parallel_loop3A_674 : memref<1x128x64xf32, #tpu.memory_space<vmem>> -> memref<128x64xf32, #tpu.memory_space<vmem>>
      %parallel_loop3A_676 = arith.index_cast %parallel_loop3A_608 : i32 to index
      %parallel_loop3A_677 = arith.constant 32 : index
      %parallel_loop3A_678 = tpu.vector_load %parallel_loop3A_675[%parallel_loop3A_676, %parallel_loop3A_677] {strides = array<i32>} : memref<128x64xf32, #tpu.memory_space<vmem>>, vector<16xf32>,
      %parallel_loop3A_679 = arith.mulf %parallel_loop3A_663, %parallel_loop3A_678 : vector<16xf32>
      %parallel_loop3A_680 = arith.addf %parallel_loop3A_655, %parallel_loop3A_671 : vector<16xf32>
      %parallel_loop3A_681 = arith.addf %parallel_loop3A_656, %parallel_loop3A_679 : vector<16xf32>
      %parallel_loop3A_682 = arith.constant 0 : i32
      %parallel_loop3A_683 = arith.constant 0 : i32
      %parallel_loop3A_684 = tpu.memref_slice %arg14[%parallel_loop3A_599, %parallel_loop3A_682, %parallel_loop3A_683] : memref<2x128x64xf32, #tpu.memory_space<vmem>> -> memref<1x128x64xf32, #tpu.memory_space<vmem>>
      %parallel_loop3A_685 = tpu.memref_squeeze %parallel_loop3A_684 : memref<1x128x64xf32, #tpu.memory_space<vmem>> -> memref<128x64xf32, #tpu.memory_space<vmem>>
      %parallel_loop3A_686 = arith.index_cast %parallel_loop3A_608 : i32 to index
      %parallel_loop3A_687 = arith.constant 48 : index
      %parallel_loop3A_688 = tpu.vector_load %parallel_loop3A_685[%parallel_loop3A_686, %parallel_loop3A_687] {strides = array<i32>} : memref<128x64xf32, #tpu.memory_space<vmem>>, vector<16xf32>,
      %parallel_loop3A_689 = arith.constant 0 : i32
      %parallel_loop3A_690 = arith.constant 0 : i32
      %parallel_loop3A_691 = tpu.memref_slice %arg15[%parallel_loop3A_600, %parallel_loop3A_689, %parallel_loop3A_690] : memref<2x128x64xf32, #tpu.memory_space<vmem>> -> memref<1x128x64xf32, #tpu.memory_space<vmem>>
      %parallel_loop3A_692 = tpu.memref_squeeze %parallel_loop3A_691 : memref<1x128x64xf32, #tpu.memory_space<vmem>> -> memref<128x64xf32, #tpu.memory_space<vmem>>
      %parallel_loop3A_693 = arith.index_cast %parallel_loop3A_608 : i32 to index
      %parallel_loop3A_694 = arith.constant 48 : index
      %parallel_loop3A_695 = tpu.vector_load %parallel_loop3A_692[%parallel_loop3A_693, %parallel_loop3A_694] {strides = array<i32>} : memref<128x64xf32, #tpu.memory_space<vmem>>, vector<16xf32>,
      %parallel_loop3A_696 = arith.mulf %parallel_loop3A_688, %parallel_loop3A_695 : vector<16xf32>
      %parallel_loop3A_697 = arith.constant 0 : i32
      %parallel_loop3A_698 = arith.constant 0 : i32
      %parallel_loop3A_699 = tpu.memref_slice %arg16[%parallel_loop3A_601, %parallel_loop3A_697, %parallel_loop3A_698] : memref<2x128x64xf32, #tpu.memory_space<vmem>> -> memref<1x128x64xf32, #tpu.memory_space<vmem>>
      %parallel_loop3A_700 = tpu.memref_squeeze %parallel_loop3A_699 : memref<1x128x64xf32, #tpu.memory_space<vmem>> -> memref<128x64xf32, #tpu.memory_space<vmem>>
      %parallel_loop3A_701 = arith.index_cast %parallel_loop3A_608 : i32 to index
      %parallel_loop3A_702 = arith.constant 48 : index
      %parallel_loop3A_703 = tpu.vector_load %parallel_loop3A_700[%parallel_loop3A_701, %parallel_loop3A_702] {strides = array<i32>} : memref<128x64xf32, #tpu.memory_space<vmem>>, vector<16xf32>,
      %parallel_loop3A_704 = arith.mulf %parallel_loop3A_688, %parallel_loop3A_703 : vector<16xf32>
      %parallel_loop3A_705 = arith.addf %parallel_loop3A_680, %parallel_loop3A_696 : vector<16xf32>
      %parallel_loop3A_706 = arith.addf %parallel_loop3A_681, %parallel_loop3A_704 : vector<16xf32>
      %parallel_loop3A_707 = arith.constant 384 : i32
      %parallel_loop3A_708 = arith.addi %parallel_loop3A_707, %parallel_loop3A_608 : i32
      %parallel_loop3A_709 = vector.broadcast %parallel_loop3A_708 : i32 to vector<16xi32>
      %parallel_loop3A_710 = arith.constant true
      %parallel_loop3A_711 = vector.broadcast %parallel_loop3A_710 : i1 to vector<16xi1>
      %parallel_loop3A_712 = tpu.scan <sum>, %parallel_loop3A_705 masked %parallel_loop3A_711 : vector<16xf32>, vector<16xi1> -> vector<16xf32>
      tpu.vector_store_idx %arg18[%parallel_loop3A_709], %parallel_loop3A_712 masked %eq3A_226 : memref<512xf32, #tpu.memory_space<vmem>>[vector<16xi32>], vector<16xf32>, vector<16xi1>
      %parallel_loop3A_713 = arith.constant true
      %parallel_loop3A_714 = vector.broadcast %parallel_loop3A_713 : i1 to vector<16xi1>
      %parallel_loop3A_715 = tpu.scan <sum>, %parallel_loop3A_706 masked %parallel_loop3A_714 : vector<16xf32>, vector<16xi1> -> vector<16xf32>
      tpu.vector_store_idx %arg19[%parallel_loop3A_709], %parallel_loop3A_715 masked %eq3A_226 : memref<512xf32, #tpu.memory_space<vmem>>[vector<16xi32>], vector<16xf32>, vector<16xi1>
    } {sc.loop_unroll_factor = 32 : i64, sc.parallel_access}
    %scan3A = arith.constant 0 : i32
    %scan3A_602 = arith.constant 0 : i32
    %scan3A_603 = arith.constant 32 : i32
    %scan3A_604 = arith.addi %scan3A_602, %scan3A_603 : i32
    %scan3A_605 = arith.constant 1 : i32
    %scan3A_606 = scf.for %scan3A_608 = %scan3A_602 to %scan3A_604 step %scan3A_605 iter_args(%scan3A_609 = %scan3A) -> (i32)  : i32 {
      %mul3A_610 = arith.constant 16 : i32
      %mul3A_611 = arith.muli %scan3A_608, %mul3A_610 : i32
      %get3A = arith.index_cast %mul3A_611 : i32 to index
      %get3A_612 = tpu.vector_load %arg17[%get3A] {strides = array<i32>} : memref<512xf32, #tpu.memory_space<vmem>>, vector<16xf32>,
      %max3A = arith.constant 1.000000e-01 : f32
      %max3A_613 = vector.broadcast %max3A : f32 to vector<16xf32>
      %max3A_614 = arith.maximumf %get3A_612, %max3A_613 : vector<16xf32>
      %swap3A = arith.index_cast %mul3A_611 : i32 to index
      %swap3A_615 = tpu.vector_load %arg17[%swap3A] {strides = array<i32>} : memref<512xf32, #tpu.memory_space<vmem>>, vector<16xf32>,
      tpu.vector_store %arg17[%swap3A], %max3A_614 {strides = array<i32>} : memref<512xf32, #tpu.memory_space<vmem>>, vector<16xf32>,
      %scan3A_616 = arith.constant 0 : i32
      scf.yield %scan3A_616 : i32
    }
    %scan3A_607 = arith.constant 32 : i32
    "tpu.region"() ({
      %run_scoped3A = tpu.sem_alloc : memref<!tpu.dma_semaphore, #tpu.memory_space<semaphore_mem>>
      %dma_start3A_608 = tpu.memref_slice %arg8[%mul3A_2] : memref<16384xf32, #tpu.memory_space<hbm>> -> memref<512xf32, #tpu.memory_space<hbm>>
      %dma_start3A_609 = tpu.memref_slice %arg8[%mul3A_2] : memref<16384xf32, #tpu.memory_space<hbm>> -> memref<512xf32, #tpu.memory_space<hbm>>
      tpu.enqueue_dma source(%arg18 : memref<512xf32, #tpu.memory_space<vmem>>) target(%dma_start3A_609 : memref<512xf32, #tpu.memory_space<hbm>>) target_semaphore(%run_scoped3A : memref<!tpu.dma_semaphore, #tpu.memory_space<semaphore_mem>>)
      %dma_wait3A_610 = tpu.memref_slice %arg8[%mul3A_2] : memref<16384xf32, #tpu.memory_space<hbm>> -> memref<512xf32, #tpu.memory_space<hbm>>
      %dma_wait3A_611 = tpu.memref_slice %arg8[%mul3A_2] : memref<16384xf32, #tpu.memory_space<hbm>> -> memref<512xf32, #tpu.memory_space<hbm>>
      tpu.wait_dma2 semaphore(%run_scoped3A : memref<!tpu.dma_semaphore, #tpu.memory_space<semaphore_mem>>) src(%arg18 : memref<512xf32, #tpu.memory_space<vmem>>) dst(%dma_wait3A_611 : memref<512xf32, #tpu.memory_space<hbm>>)
      tpu.yield
    }) : () -> ()
    "tpu.region"() ({
      %run_scoped3A = tpu.sem_alloc : memref<!tpu.dma_semaphore, #tpu.memory_space<semaphore_mem>>
      %dma_start3A_608 = tpu.memref_slice %arg9[%mul3A_2] : memref<16384xf32, #tpu.memory_space<hbm>> -> memref<512xf32, #tpu.memory_space<hbm>>
      %dma_start3A_609 = tpu.memref_slice %arg9[%mul3A_2] : memref<16384xf32, #tpu.memory_space<hbm>> -> memref<512xf32, #tpu.memory_space<hbm>>
      tpu.enqueue_dma source(%arg19 : memref<512xf32, #tpu.memory_space<vmem>>) target(%dma_start3A_609 : memref<512xf32, #tpu.memory_space<hbm>>) target_semaphore(%run_scoped3A : memref<!tpu.dma_semaphore, #tpu.memory_space<semaphore_mem>>)
      %dma_wait3A_610 = tpu.memref_slice %arg9[%mul3A_2] : memref<16384xf32, #tpu.memory_space<hbm>> -> memref<512xf32, #tpu.memory_space<hbm>>
      %dma_wait3A_611 = tpu.memref_slice %arg9[%mul3A_2] : memref<16384xf32, #tpu.memory_space<hbm>> -> memref<512xf32, #tpu.memory_space<hbm>>
      tpu.wait_dma2 semaphore(%run_scoped3A : memref<!tpu.dma_semaphore, #tpu.memory_space<semaphore_mem>>) src(%arg19 : memref<512xf32, #tpu.memory_space<vmem>>) dst(%dma_wait3A_611 : memref<512xf32, #tpu.memory_space<hbm>>)
      tpu.yield
    }) : () -> ()
    "tpu.region"() ({
      %run_scoped3A = tpu.sem_alloc : memref<!tpu.dma_semaphore, #tpu.memory_space<semaphore_mem>>
      %dma_start3A_608 = tpu.memref_slice %arg10[%mul3A_2] : memref<16384xf32, #tpu.memory_space<hbm>> -> memref<512xf32, #tpu.memory_space<hbm>>
      %dma_start3A_609 = tpu.memref_slice %arg10[%mul3A_2] : memref<16384xf32, #tpu.memory_space<hbm>> -> memref<512xf32, #tpu.memory_space<hbm>>
      tpu.enqueue_dma source(%arg17 : memref<512xf32, #tpu.memory_space<vmem>>) target(%dma_start3A_609 : memref<512xf32, #tpu.memory_space<hbm>>) target_semaphore(%run_scoped3A : memref<!tpu.dma_semaphore, #tpu.memory_space<semaphore_mem>>)
      %dma_wait3A_610 = tpu.memref_slice %arg10[%mul3A_2] : memref<16384xf32, #tpu.memory_space<hbm>> -> memref<512xf32, #tpu.memory_space<hbm>>
      %dma_wait3A_611 = tpu.memref_slice %arg10[%mul3A_2] : memref<16384xf32, #tpu.memory_space<hbm>> -> memref<512xf32, #tpu.memory_space<hbm>>
      tpu.wait_dma2 semaphore(%run_scoped3A : memref<!tpu.dma_semaphore, #tpu.memory_space<semaphore_mem>>) src(%arg17 : memref<512xf32, #tpu.memory_space<vmem>>) dst(%dma_wait3A_611 : memref<512xf32, #tpu.memory_space<hbm>>)
      tpu.yield
    }) : () -> ()
    return
  }
}

</mosaic_0001>

<sc_bundles>
// kernel: kernel.3.cloned.1.call-start
scs
__scs_entry_jumppad:
0x0: {  	(pc) =	sbr.rel $0x88, $3  }
0x1: {  	(tag) =	ssettag $0x0;
	lr =	simm.s32 $0x1  }
0x2: {  	[smem:$0x3F9B] =	sst lr;
	_ =	strace $0xD0000000  }
0x3: {  	_ = 	snop  }
0x4: {  	_ = 	snop  }
0x5: {  	_ = 	snop  }
0x6: {  	_ = 	snop  }
0x7: {  	_ = 	snop  }
__scs_overlays_trampoline_lowered:
0x8: {  	[smem:$0x3FAA] =	sst s0  }
0x9: {  	[smem:$0x3FAB] =	sst s1  }
0xa: {  	[smem:$0x3FAC] =	sst s2  }
0xb: {  	[smem:$0x3FAD] =	sst s3  }
0xc: {  	[smem:$0x3FAE] =	sst s4  }
0xd: {  	[smem:$0x3FAF] =	sst s5  }
0xe: {  	[smem:$0x3FB0] =	sst s6  }
0xf: {  	[smem:$0x3FB1] =	sst s7  }
0x10: {  	[smem:$0x3FB2] =	sst s8  }
0x11: {  	[smem:$0x3FB3] =	sst s9;
	s0 =	simm.s32 @!p0 $0x0  }
0x12: {  	s1 =	sld [smem:$0x3F99];
	s0 =	simm.s32 @p0 $0x1  }
0x13: {  	[smem:$0x3FB4] =	sst s0;
	s0 =	simm.s32 @!p1 $0x0  }
0x14: {  	s2 =	sld [smem:$0x3F98];
	s0 =	simm.s32 @p1 $0x1  }
0x15: {  	[smem:$0x3FB5] =	sst s0;
	s0 =	simm.s32 @!p2 $0x0  }
0x16: {  	s3 =	sld [smem:$0x3FDB];
	s0 =	simm.s32 @p2 $0x1  }
0x17: {  	s4 =	simm.s32 $0x1BF5;
	[smem:$0x3FB7] =	sst s0  }
0x18: {  	s0 =	sld [smem:$0x3F9A];
	_ =	swait.ge [sflag:s4], $0x0  }
0x19: {  	s7 =	sld [smem:$0x3F9B]  }
0x1a: {  	s8 =	sadd.s32 $0xFFFFE003, lr  }
0x1b: {  	s9 =	sadd.s32 $0xFFFFFEF7, lr;
	s5 =	simm.s32 $0xFFFFFFFF;
	p2 =	slt.u32 s8, $0xFFFFF086  }
0x1c: {  	p1 =	slt.u32 s9, $0xF7A;
	s5 =	simm.s32 @!p2 $0x0  }
0x1d: {  	s5 =	simm.s32 @p1 $0x1;
	p0 =	seq.s32 s7, s2  }
0x1e: {  	s7 =	smul.u32 @!p0 $0xF7A, s2;
	p2 =	seq.s32 @!p0 s5, $0x0  }
0x1f: {  	s9 =	smul.u32 $0xF7A, s1;
	s8 =	simm.s32 @!p0 $0x1BF5;
	p2 =	por !p2, p0  }
0x20: {  	[sflag:s8] =	ssyncset.s32 @!p0 $0xFFFFF086;
	s6 =	sadd.s32 @!p0 s3, s7;
	s7 =	simm.s32 @!p0 $0x108  }
0x21: {  	s3 =	sadd.s32 s3, s9;
	s6 =	sadd.s32 @!p0 $0x88, s6;
	s7 =	simm.s32 @p2 $0x1082  }
0x22: {  	[simem:s7], [sflag:s8] =	dma.local @!p0 [hbm:s6], $0xF7A  }
0x23: {  	s9 =	sor.u32 $0xD0000000, s2;
	s6 =	simm.s32 $0x108;
	_ =	swait.ge @!p0 [sflag:s8], $0x0  }
0x24: {  	s3 =	sadd.s32 $0x88, s3;
	s6 =	simm.s32 @!p1 $0x1082;
	[sflag:s4] =	ssyncset.s32 $0xFFFFF086  }
0x25: {  	[simem:s6], [sflag:s4] =	dma.local [hbm:s3], $0xF7A  }
0x26: {  	[smem:$0x3F9B] =	sst s1;
	(tag) =	ssettag s2;
	_ =	strace s9  }
0x27: {  	s1 =	sld [smem:$0x3FAB]  }
0x28: {  	s2 =	sld [smem:$0x3FAC]  }
0x29: {  	s4 =	sld [smem:$0x3FAE]  }
0x2a: {  	p0 =	seq.s32 s5, $0x0;
	s5 =	sld [smem:$0x3FAF]  }
0x2b: {  	s6 =	sld [smem:$0x3FB0]  }
0x2c: {  	s7 =	sld [smem:$0x3FB1]  }
0x2d: {  	s3 =	simm.s32 $0x108;
	s8 =	sld [smem:$0x3FB2]  }
0x2e: {  	s3 =	simm.s32 @!p0 $0x1082;
	s9 =	sld [smem:$0x3FB3]  }
0x2f: {  	lr =	sadd.s32 s0, s3;
	s0 =	sld [smem:$0x3FAA]  }
0x30: {  	s3 =	sld [smem:$0x3FAD]  }
0x31: {  	[smem:$0x3FB6] =	sst s10  }
0x32: {  	s10 =	sld [smem:$0x3FB4];
	_ =	sdelay $0x3  }
0x33: {  	p0 =	seq.s32 s10, $0x1;
	s10 =	sld [smem:$0x3FB6];
	_ =	sdelay $0x3  }
0x34: {  	[smem:$0x3FB6] =	sst s10  }
0x35: {  	s10 =	sld [smem:$0x3FB5];
	_ =	sdelay $0x3  }
0x36: {  	p1 =	seq.s32 s10, $0x1;
	s10 =	sld [smem:$0x3FB6];
	_ =	sdelay $0x3  }
0x37: {  	[smem:$0x3FB6] =	sst s10  }
0x38: {  	s10 =	sld [smem:$0x3FB7]  }
0x39: {  	_ = 	snop;
	(pc) =	sbr.ind lr, $3  }
0x3a: {  	_ = 	snop  }
0x3b: {  	_ = 	snop  }
0x3c: {  	p2 =	seq.s32 s10, $0x1;
	s10 =	sld [smem:$0x3FB6]  }
0x3d: {  	_ =	shalt  }
0x3e: {  	_ =	shalt  }
0x3f: {  	_ =	shalt  }
0x40: {  	_ =	shalt  }
0x41: {  	_ =	shalt  }
0x42: {  	_ =	shalt  }
0x43: {  	_ =	shalt  }
0x44: {  	_ =	shalt  }
0x45: {  	_ =	shalt  }
0x46: {  	_ =	shalt  }
0x47: {  	_ =	shalt  }
0x48: {  	_ =	shalt  }
0x49: {  	_ =	shalt  }
0x4a: {  	_ =	shalt  }
0x4b: {  	_ =	shalt  }
0x4c: {  	_ =	shalt  }
0x4d: {  	_ =	shalt  }
0x4e: {  	_ =	shalt  }
0x4f: {  	_ =	shalt  }
0x50: {  	_ =	shalt  }
0x51: {  	_ =	shalt  }
0x52: {  	_ =	shalt  }
0x53: {  	_ =	shalt  }
0x54: {  	_ =	shalt  }
0x55: {  	_ =	shalt  }
0x56: {  	_ =	shalt  }
0x57: {  	_ =	shalt  }
0x58: {  	_ =	shalt  }
0x59: {  	_ =	shalt  }
0x5a: {  	_ =	shalt  }
0x5b: {  	_ =	shalt  }
0x5c: {  	_ =	shalt  }
0x5d: {  	_ =	shalt  }
0x5e: {  	_ =	shalt  }
0x5f: {  	_ =	shalt  }
0x60: {  	_ =	shalt  }
0x61: {  	_ =	shalt  }
0x62: {  	_ =	shalt  }
0x63: {  	_ =	shalt  }
0x64: {  	_ =	shalt  }
0x65: {  	_ =	shalt  }
0x66: {  	_ =	shalt  }
0x67: {  	_ =	shalt  }
0x68: {  	_ =	shalt  }
0x69: {  	_ =	shalt  }
0x6a: {  	_ =	shalt  }
0x6b: {  	_ =	shalt  }
0x6c: {  	_ =	shalt  }
0x6d: {  	_ =	shalt  }
0x6e: {  	_ =	shalt  }
0x6f: {  	_ =	shalt  }
0x70: {  	_ =	shalt  }
0x71: {  	_ =	shalt  }
0x72: {  	_ =	shalt  }
0x73: {  	_ =	shalt  }
0x74: {  	_ =	shalt  }
0x75: {  	_ =	shalt  }
0x76: {  	_ =	shalt  }
0x77: {  	_ =	shalt  }
0x78: {  	_ =	shalt  }
0x79: {  	_ =	shalt  }
0x7a: {  	_ =	shalt  }
0x7b: {  	_ =	shalt  }
0x7c: {  	_ =	shalt  }
0x7d: {  	_ =	shalt  }
0x7e: {  	_ =	shalt  }
0x7f: {  	_ =	shalt  }
0x80: {  	_ =	shalt  }
0x81: {  	_ =	shalt  }
0x82: {  	_ =	shalt  }
0x83: {  	_ =	shalt  }
0x84: {  	_ =	shalt  }
0x85: {  	_ =	shalt  }
0x86: {  	_ =	shalt  }
0x87: {  	_ =	shalt  }
.Lfunc_end0:
.L_simem_size_0:
called_computation_lowered:
.L_overlay_start_0:
0x88: {  	s2 =	sld [smem:$0x3FD9]  }
0x89: {  	s3 =	sld [smem:$0x3FFE];
	_ =	sdelay $0x1  }
0x8a: {  	s1 =	srdreg.scid  }
0x8b: {  	s0 =	sand.u32 $0x1, s1  }
0x8c: {  	s14 =	sshll.u32 s0, $0xA;
	s2 =	sadd.s32 s3, s2  }
0x8d: {  	s2 =	sadd.s32 s2, s14  }
0x8e: {  	[smem:$0x3FC2] =	sst s2  }
0x8f: {  	_ = 	snop  }
0x90: {  	s2 =	sld [smem:$0x3FC9]  }
0x91: {  	s15 =	sld [smem:$0x3FD0]  }
0x92: {  	s4 =	sld [smem:$0x3FC8]  }
0x93: {  	s5 =	sld [smem:$0x3FC7]  }
0x94: {  	s7 =	simm.s32 $0xA;
	s8 =	simm.s32 $0x10;
	s6 =	sld [smem:$0x3FC4]  }
0x95: {  	[smem:s8], [sflag:s7] =	dma.local [hbm:s15], $0x1  }
0x96: {  	_ =	swait.eq [sflag:s7], $0x1  }
0x97: {  	s16 =	sld [smem:$0x10];
	[sflag:s7] =	ssyncset.done $0x0  }
0x98: {  	s17 =	sld [smem:$0x11];
	[sflag:s7] =	ssyncadd.s32 $0xFFFFFFFF  }
0x99: {  	s18 =	sld [smem:$0x12];
	(tm) =	ssettm $0x1  }
0x9a: {  	s9 =	sld [smem:$0x3FFB];
	_ =	sdelay $0x3  }
0x9b: {  	_ =	strace s9  }
0x9c: {  	s9 =	sld [smem:$0x3FFC];
	_ =	sdelay $0x3  }
0x9d: {  	_ =	strace s9  }
0x9e: {  	s9 =	sld [smem:$0x3FFD];
	_ =	sdelay $0x3  }
0x9f: {  	_ =	strace s9  }
0xa0: {  	_ =	strace $0x8FFFFFFF  }
0xa1: {  	s19 =	sld [smem:$0x3FDB];
	_ =	sdelay $0x1  }
0xa2: {  	s10 =	simm.s32 $_scs_section_size  }
0xa3: {  	s11 =	simm.s32 $_size__tile_overlayer_lowered;
	s12 =	simm.s32 $_tile_overlayer_lowered  }
0xa4: {  	s22 =	simm.s32 $0x1BFF;
	s21 =	sshll.u32 s12, $0x1;
	s9 =	sadd.s32 s10, s19  }
0xa5: {  	s13 =	simm.s32 $0x0;
	s20 =	sshll.u32 s11, $0x1;
	s11 =	sadd.s32 s21, s9  }
0xa6: {  	[timem:s13], [sflag:s22] =	dma.local [hbm:s11], s20  }
0xa7: {  	_ =	swait.ge [sflag:s22], s20  }
0xa8: {  	s10 =	ssub.s32 $0x0, s20;
	[sflag:s22] =	ssyncset.done $0x0  }
0xa9: {  	[sflag:s22] =	ssyncadd.s32 s10;
	_ =	sdelay $0x1  }
0xaa: {  	s23 =	simm.s32 $0x1B8B  }
0xab: {  	_ =	swait.ge [sflag:s23], $0x1  }
0xac: {  	[sflag:s23] =	ssyncset.done $0x0  }
0xad: {  	s25 =	simm.s32 $0x1B8E;
	s24 =	sld [smem:$0x3FFE];
	[sflag:s23] =	ssyncadd.s32 $0xFFFFFFFF  }
0xae: {  	s26 =	simm.s32 $execute0_lowered;
	[smem:$0x3FD2] =	sst s25  }
0xaf: {  	s11 =	sshll.u32 s26, $0x1;
	_ =	strace $0x80000046;
	[dreg:$0x1] =	wrdreg $0xFFFFFFFF  }
0xb0: {  	s28 =	simm.s32 $_size_execute0_lowered;
	s9 =	sadd.s32 s9, s11;
	[dreg:$0x0] =	wrdreg $0x0  }
0xb1: {  	s11 =	sshll.u32 s28, $0x1;
	[dreg:$0x2] =	wrdreg s9  }
0xb2: {  	[dreg:$0x3] =	wrdreg s11  }
0xb3: {  	[dreg:$0x4] =	wrdreg $0xC0  }
0xb4: {  	_ =	task [dreg:s13], $0x5FFFF  }
0xb5: {  	[dreg:$0x1] =	wrdreg $0xFFFFFFFF  }
0xb6: {  	[dreg:$0x0] =	wrdreg $0x60  }
0xb7: {  	[dreg:$0x2] =	wrdreg s2  }
0xb8: {  	[dreg:$0x3] =	wrdreg s4  }
0xb9: {  	[dreg:$0x4] =	wrdreg s5  }
0xba: {  	[dreg:$0x5] =	wrdreg s24  }
0xbb: {  	[dreg:$0x6] =	wrdreg s6  }
0xbc: {  	[dreg:$0x7] =	wrdreg s16  }
0xbd: {  	[dreg:$0x8] =	wrdreg s17  }
0xbe: {  	[dreg:$0x9] =	wrdreg s18  }
0xbf: {  	[dreg:$0xa] =	wrdreg $0x9  }
0xc0: {  	_ =	task.clear_ibuf [dreg:s13], $0xBFFFF;
	_ =	strace $0x90000046  }
0xc1: {  	s29 =	simm.s32 $0x9;
	_ =	strace $0x80000048  }
0xc2: {  	_ =	swait.ge [sflag:s29], $0x1  }
0xc3: {  	[sflag:s29] =	ssyncadd.s32 $0xFFFFFFFF  }
0xc4: {  	_ =	strace $0x90000048  }
0xc5: {  	_ =	sfence  }
0xc6: {  	s30 =	sld [smem:$0x0];
	_ =	sdelay $0x2  }
0xc7: {  	s31 =	sshll.u32 s1, $0xD;
	s1 =	sshrl.u32 s1, $0x2  }
0xc8: {  	s3 =	sand.u32 $0x4000, s31;
	s1 =	sadd.s32 s1, s30  }
0xc9: {  	s0 =	sor.u32 s3, s0;
	s1 =	sshll.u32 s1, $0x11  }
0xca: {  	s0 =	sor.u32 s1, s0  }
0xcb: {  	s0 =	sadd.s32 $0x8F2B, s0  }
0xcc: {  	[sflag:s0] =	ssyncadd.remote.s32 $0x1  }
0xcd: {  	_ =	sfence.sel $0xFFFF  }
0xce: {  	[dreg:$0x0] =	wrdreg $0xFFFFFFFF;
	(pc) =	sbr.abs _section_cstart, $3  }
0xcf: {  	[dreg:$0x1] =	wrdreg $0xFFFFFFFF  }
0xd0: {  	_ =	task.clear_ibuf [dreg:s13], $0x2FFFF;
	_ =	strace $0x9FFFFFFF  }
0xd1: {  	(tm) =	ssettm $0x7FFFFFFF  }
tec
execute0_lowered:
.L_overlay_start_1:
0x0: {  	(tag) =	ssettag $0x1  }
0x1: {  	s0 =	rddreg [dreg:$0x0]  }
0x2: {  	s1 =	rddreg [dreg:$0x1]  }
0x3: {  	s3 =	rddreg [dreg:$0x2]  }
0x4: {  	s5 =	rddreg [dreg:$0x3]  }
0x5: {  	s4 =	rddreg [dreg:$0x4]  }
0x6: {  	s6 =	rddreg [dreg:$0x5]  }
0x7: {  	s7 =	rddreg [dreg:$0x6]  }
0x8: {  	s8 =	rddreg [dreg:$0x7]  }
0x9: {  	s2 =	simm.s32 $0x0;
	s9 =	srdreg.scid;
	s11 =	stileid.u32  }
0xa: {  	s31 =	simm.s32 $0xC800;
	s28 =	simm.s32 $0x2;
	s9 =	sand.u32 $0x1, s9  }
0xb: {  	s11 =	sshll.u32 s11, $0x7;
	s10 =	ssub.s32 $0x2, s9;
	s9 =	sshll.u32 s9, $0x6  }
0xc: {  	[smem:$0x7FF] =	sst s2;
	s13 =	sadd.s32 $0x188E00, s5;
	s9 =	sor.u32 s9, s11  }
0xd: {  	s5 =	sadd.s32 $0x24C400, s5;
	_ =	strace $0x80000047;
	s11 =	sadd.s32 s0, s9  }
0xe: {  	s12 =	sshrl.u32 s10, $0x1;
	s15 =	sadd.s32 s1, s9;
	[dreg:$0x9] =	wrdreg s11  }
0xf: {  	s10 =	ssub.s32 s10, s12;
	s16 =	sadd.s32 s3, s9;
	[dreg:$0xa] =	wrdreg s15  }
0x10: {  	s14 =	sor.u32 $0x10, s9;
	s25 =	sadd.s32 s6, s9;
	[dreg:$0xb] =	wrdreg s16  }
0x11: {  	s19 =	sor.u32 $0x20, s9;
	s26 =	sadd.s32 s7, s9;
	[dreg:$0x15] =	wrdreg s25  }
0x12: {  	s22 =	sor.u32 $0x30, s9;
	s29 =	sadd.s32 s8, s9;
	[dreg:$0x16] =	wrdreg s26  }
0x13: {  	s12 =	simm.s32 $0x500;
	s17 =	sadd.s32 s0, s14;
	[dreg:$0x17] =	wrdreg s29  }
0x14: {  	s9 =	simm.s32 $0xC600;
	s18 =	sadd.s32 s1, s14;
	[dreg:$0xc] =	wrdreg s17  }
0x15: {  	s6 =	simm.s32 $0x0;
	s11 =	sadd.s32 s3, s14;
	[dreg:$0xd] =	wrdreg s18  }
0x16: {  	s20 =	sadd.s32 s0, s19;
	s21 =	sadd.s32 s1, s19;
	[dreg:$0xe] =	wrdreg s11  }
0x17: {  	s0 =	sadd.s32 s0, s22;
	s23 =	sadd.s32 s1, s22;
	[dreg:$0xf] =	wrdreg s20  }
0x18: {  	s24 =	sadd.s32 s3, s22;
	s30 =	smax.u32 s10, $0x1;
	[dreg:$0x10] =	wrdreg s21  }
0x19: {  	s10 =	simm.s32 $0x100;
	s14 =	simm.s32 $0x180;
	[dreg:$0x12] =	wrdreg s0  }
0x1a: {  	s15 =	simm.s32 $0x380;
	s16 =	simm.s32 $0x580;
	[dreg:$0x13] =	wrdreg s23  }
0x1b: {  	s22 =	simm.s32 $0xA600;
	s26 =	simm.s32 $0xCA00;
	[dreg:$0x14] =	wrdreg s24  }
0x1c: {  	s11 =	sadd.s32 s3, s19;
	[dreg:$0x18] =	wrdreg s30;
	s24 =	simm.s32 $0x80  }
0x1d: {  	s23 =	simm.s32 $0x3;
	s17 =	simm.s32 $0x600;
	s18 =	simm.s32 $0x4600  }
0x1e: {  	v0 =	vimm.s32 $0x0;
	vm0 =	vcmask $0x300;
	s19 =	simm.s32 $0x8600;
	s3 =	simm.s32 $0x1;
	s20 =	simm.s32 $0x2600  }
0x1f: {  	v40 =	vsel vm0, $0x3, v0;
	vm0 =	vcmask $0x3F3C;
	s21 =	simm.s32 $0x6600;
	[dreg:$0x11] =	wrdreg s11;
	s11 =	simm.s32 $0x300  }
.LBB2_1:
0x20: {  	[dreg:$0x19] =	wrdreg s6  }
0x21: {  	s0 =	rddreg [dreg:$0x9]  }
0x22: {  	[tilespmem:s2], [sflag:$0x3] =	stream.linear.gather [hbm4b:s0+s2], $0x80, $0x38;
	[tilespmem:$0xCC00] =	vst v63  }
0x23: {  	s6 =	rddreg [dreg:$0xa];
	s1 =	simm.s32 $0x200  }
0x24: {  	[tilespmem:s1], [sflag:$0x3] =	stream.linear.gather [hbm4b:s6+s2], $0x80, $0x38;
	[tilespmem:$0xCC00] =	vst v63  }
0x25: {  	s7 =	rddreg [dreg:$0xb];
	s6 =	simm.s32 $0x400  }
0x26: {  	[tilespmem:s6], [sflag:$0x3] =	stream.linear.gather [hbm4b:s7+s2], $0x80, $0x38;
	[tilespmem:$0xCC00] =	vst v63  }
0x27: {  	s8 =	rddreg [dreg:$0xc]  }
0x28: {  	[tilespmem:s24], [sflag:$0x3] =	stream.linear.gather [hbm4b:s8+s2], $0x80, $0x38;
	[tilespmem:$0xCC00] =	vst v63  }
0x29: {  	s25 =	rddreg [dreg:$0xd];
	s7 =	simm.s32 $0x280  }
0x2a: {  	[tilespmem:s7], [sflag:$0x3] =	stream.linear.gather [hbm4b:s25+s2], $0x80, $0x38;
	[tilespmem:$0xCC00] =	vst v63  }
0x2b: {  	s29 =	rddreg [dreg:$0xe];
	s8 =	simm.s32 $0x480  }
0x2c: {  	[tilespmem:s8], [sflag:$0x3] =	stream.linear.gather [hbm4b:s29+s2], $0x80, $0x38;
	[tilespmem:$0xCC00] =	vst v63  }
0x2d: {  	s30 =	rddreg [dreg:$0xf]  }
0x2e: {  	[tilespmem:s10], [sflag:$0x3] =	stream.linear.gather [hbm4b:s30+s2], $0x80, $0x38;
	[tilespmem:$0xCC00] =	vst v63  }
0x2f: {  	s10 =	rddreg [dreg:$0x10]  }
0x30: {  	[tilespmem:s11], [sflag:$0x3] =	stream.linear.gather [hbm4b:s10+s2], $0x80, $0x38;
	[tilespmem:$0xCC00] =	vst v63  }
0x31: {  	s11 =	rddreg [dreg:$0x11]  }
0x32: {  	[tilespmem:s12], [sflag:$0x3] =	stream.linear.gather [hbm4b:s11+s2], $0x80, $0x38;
	[tilespmem:$0xCC00] =	vst v63  }
0x33: {  	s12 =	rddreg [dreg:$0x12]  }
0x34: {  	[tilespmem:s14], [sflag:$0x3] =	stream.linear.gather [hbm4b:s12+s2], $0x80, $0x38;
	[tilespmem:$0xCC00] =	vst v63  }
0x35: {  	s25 =	rddreg [dreg:$0x13]  }
0x36: {  	[tilespmem:s15], [sflag:$0x3] =	stream.linear.gather [hbm4b:s25+s2], $0x80, $0x38;
	[tilespmem:$0xCC00] =	vst v63  }
0x37: {  	s29 =	rddreg [dreg:$0x14]  }
0x38: {  	[tilespmem:s16], [sflag:$0x3] =	stream.linear.gather [hbm4b:s29+s2], $0x80, $0x38;
	[tilespmem:$0xCC00] =	vst v63  }
0x39: {  	_ =	swait.ge [sflag:s23], $0x80  }
0x3a: {  	[sflag:s23] =	ssyncset.done $0x0  }
0x3b: {  	[sflag:s23] =	ssyncadd.s32 $0xFFFFFF80  }
0x3c: {  	_ =	swait.ge [sflag:s23], $0x80  }
0x3d: {  	[sflag:s23] =	ssyncset.done $0x0  }
0x3e: {  	[sflag:s23] =	ssyncadd.s32 $0xFFFFFF80  }
0x3f: {  	_ =	swait.ge [sflag:s23], $0x80  }
0x40: {  	[sflag:s23] =	ssyncset.done $0x0  }
0x41: {  	[sflag:s23] =	ssyncadd.s32 $0xFFFFFF80  }
0x42: {  	_ =	swait.ge [sflag:s23], $0x80  }
0x43: {  	[sflag:s23] =	ssyncset.done $0x0  }
0x44: {  	[sflag:s23] =	ssyncadd.s32 $0xFFFFFF80  }
0x45: {  	_ =	swait.ge [sflag:s23], $0x80  }
0x46: {  	[sflag:s23] =	ssyncset.done $0x0  }
0x47: {  	[sflag:s23] =	ssyncadd.s32 $0xFFFFFF80  }
0x48: {  	_ =	swait.ge [sflag:s23], $0x80  }
0x49: {  	[sflag:s23] =	ssyncset.done $0x0  }
0x4a: {  	[sflag:s23] =	ssyncadd.s32 $0xFFFFFF80  }
0x4b: {  	_ =	swait.ge [sflag:s23], $0x80  }
0x4c: {  	[sflag:s23] =	ssyncset.done $0x0  }
0x4d: {  	[sflag:s23] =	ssyncadd.s32 $0xFFFFFF80  }
0x4e: {  	_ =	swait.ge [sflag:s23], $0x80  }
0x4f: {  	[sflag:s23] =	ssyncset.done $0x0  }
0x50: {  	[sflag:s23] =	ssyncadd.s32 $0xFFFFFF80  }
0x51: {  	_ =	swait.ge [sflag:s23], $0x80  }
0x52: {  	[sflag:s23] =	ssyncset.done $0x0  }
0x53: {  	[sflag:s23] =	ssyncadd.s32 $0xFFFFFF80  }
0x54: {  	_ =	swait.ge [sflag:s23], $0x80  }
0x55: {  	[sflag:s23] =	ssyncset.done $0x0  }
0x56: {  	[sflag:s23] =	ssyncadd.s32 $0xFFFFFF80  }
0x57: {  	_ =	swait.ge [sflag:s23], $0x80  }
0x58: {  	[sflag:s23] =	ssyncset.done $0x0  }
0x59: {  	[sflag:s23] =	ssyncadd.s32 $0xFFFFFF80  }
0x5a: {  	_ =	swait.ge [sflag:s23], $0x80  }
0x5b: {  	[sflag:s23] =	ssyncset.done $0x0  }
0x5c: {  	[sflag:s23] =	ssyncadd.s32 $0xFFFFFF80  }
0x5d: {  	[tilespmem:s17], [sflag:$0x1] =	stream.indirect.gather [hbm4b:s13+s24], $0x40, s2, s24, $0xb8;
	[tilespmem:$0xCC00] =	vst v63  }
0x5e: {  	_ = 	snop  }
0x5f: {  	[tilespmem:s18], [sflag:$0x1] =	stream.indirect.gather [hbm4b:s5+s24], $0x40, s1, s24, $0xb8;
	[tilespmem:$0xCC00] =	vst v63  }
0x60: {  	_ = 	snop  }
0x61: {  	[tilespmem:s19], [sflag:$0x1] =	stream.indirect.gather [hbm4b:s5+s24], $0x40, s6, s24, $0xb8;
	[tilespmem:$0xCC00] =	vst v63  }
0x62: {  	_ = 	snop  }
0x63: {  	[tilespmem:s9], [sflag:$0x1] =	stream.indirect.gather [hbm4b:s4+s24], $0x1, s1, s24, $0xb8;
	[tilespmem:$0xCC00] =	vst v63  }
0x64: {  	_ =	swait.ge [sflag:s3], $0x2000  }
0x65: {  	[sflag:s3] =	ssyncset.done $0x0  }
0x66: {  	[sflag:s3] =	ssyncadd.s32 $0xFFFFE000  }
0x67: {  	_ =	swait.ge [sflag:s3], $0x2000  }
0x68: {  	[sflag:s3] =	ssyncset.done $0x0  }
0x69: {  	[sflag:s3] =	ssyncadd.s32 $0xFFFFE000  }
0x6a: {  	_ =	swait.ge [sflag:s3], $0x2000  }
0x6b: {  	[sflag:s3] =	ssyncset.done $0x0  }
0x6c: {  	[sflag:s3] =	ssyncadd.s32 $0xFFFFE000  }
0x6d: {  	_ =	swait.ge [sflag:s3], $0x80  }
0x6e: {  	[sflag:s3] =	ssyncset.done $0x0  }
0x6f: {  	[sflag:s3] =	ssyncadd.s32 $0xFFFFFF80  }
0x70: {  	[tilespmem:s20], [sflag:$0x2] =	stream.indirect.gather [hbm4b:s13+s24], $0x40, s24, s24, $0xb8;
	[tilespmem:$0xCC00] =	vst v63  }
0x71: {  	_ = 	snop  }
0x72: {  	[tilespmem:s21], [sflag:$0x2] =	stream.indirect.gather [hbm4b:s5+s24], $0x40, s7, s24, $0xb8;
	[tilespmem:$0xCC00] =	vst v63  }
0x73: {  	_ = 	snop  }
0x74: {  	[tilespmem:s22], [sflag:$0x2] =	stream.indirect.gather [hbm4b:s5+s24], $0x40, s8, s24, $0xb8;
	[tilespmem:$0xCC00] =	vst v63  }
0x75: {  	s30 =	simm.s32 $0xC680  }
0x76: {  	[tilespmem:s30], [sflag:$0x2] =	stream.indirect.gather [hbm4b:s4+s24], $0x1, s7, s24, $0xb8;
	[tilespmem:$0xCC00] =	vst v63  }
0x77: {  	s2 =	smov.u32 s13;
	s6 =	smov.u32 s4;
	s7 =	simm.s32 $0x0  }
.LBB2_2:
0x78: {  	s0 =	sshll.u32 s7, $0x6  }
0x79: {  	v1 =	vld [tilespmem:s0+$0x600]  }
0x7a: {  	v2 =	vld [tilespmem:s0+$0x4600]  }
0x7b: {  	v3 =	vld [tilespmem:s0+$0x8600]  }
0x7c: {  	v4 =	vld [tilespmem:s0+$0x610]  }
0x7d: {  	v5 =	vld [tilespmem:s0+$0x4610]  }
0x7e: {  	v6 =	vld [tilespmem:s0+$0x8610]  }
0x7f: {  	v7 =	vld [tilespmem:s0+$0x620]  }
0x80: {  	v8 =	vld [tilespmem:s0+$0x4620]  }
0x81: {  	v9 =	vld [tilespmem:s0+$0x8620]  }
0x82: {  	v10 =	vld [tilespmem:s0+$0x630]  }
0x83: {  	s9 =	sor.u32 $0x1, s7;
	v11 =	vld [tilespmem:s0+$0x4630]  }
0x84: {  	v12 =	vld [tilespmem:s0+$0x8630];
	s1 =	sshll.u32 s9, $0x6  }
0x85: {  	v13 =	vld [tilespmem:s1+$0x600]  }
0x86: {  	v14 =	vld [tilespmem:s1+$0x4600]  }
0x87: {  	v15 =	vld [tilespmem:s1+$0x8600]  }
0x88: {  	v16 =	vld [tilespmem:s1+$0x610]  }
0x89: {  	v17 =	vld [tilespmem:s1+$0x4610]  }
0x8a: {  	v18 =	vld [tilespmem:s1+$0x8610]  }
0x8b: {  	v19 =	vld [tilespmem:s1+$0x620]  }
0x8c: {  	v20 =	vld [tilespmem:s1+$0x4620]  }
0x8d: {  	v21 =	vld [tilespmem:s1+$0x8620]  }
0x8e: {  	v22 =	vld [tilespmem:s1+$0x630]  }
0x8f: {  	s17 =	sor.u32 $0x2, s7;
	v23 =	vld [tilespmem:s1+$0x4630]  }
0x90: {  	s18 =	sshll.u32 s17, $0x6;
	v24 =	vld [tilespmem:s1+$0x8630]  }
0x91: {  	v25 =	vld [tilespmem:s18+$0x600]  }
0x92: {  	v26 =	vld [tilespmem:s18+$0x4600]  }
0x93: {  	v27 =	vld [tilespmem:s18+$0x8600]  }
0x94: {  	v28 =	vld [tilespmem:s18+$0x610]  }
0x95: {  	v29 =	vld [tilespmem:s18+$0x4610]  }
0x96: {  	v30 =	vld [tilespmem:s18+$0x8610]  }
0x97: {  	v31 =	vld [tilespmem:s18+$0x620]  }
0x98: {  	v32 =	vld [tilespmem:s18+$0x4620]  }
0x99: {  	s8 =	sor.u32 $0x3, s7;
	v43 =	vld [tilespmem:s18+$0x8620]  }
0x9a: {  	s19 =	sshll.u32 s8, $0x6;
	v46 =	vld [tilespmem:s18+$0x4630]  }
0x9b: {  	v49 =	vld [tilespmem:s19+$0x600]  }
0x9c: {  	v50 =	vld [tilespmem:s19+$0x4600]  }
0x9d: {  	v53 =	vld [tilespmem:s19+$0x8600]  }
0x9e: {  	v56 =	vld [tilespmem:s19+$0x610]  }
0x9f: {  	v58 =	vld [tilespmem:s19+$0x4610]  }
0xa0: {  	v60 =	vld [tilespmem:s19+$0x8610]  }
0xa1: {  	v63 =	vld [tilespmem:s19+$0x620]  }
0xa2: {  	v35 =	vld [tilespmem:s19+$0x4620]  }
0xa3: {  	s25 =	sor.u32 $0x4, s7;
	v38 =	vld [tilespmem:s19+$0x8620]  }
0xa4: {  	s20 =	sshll.u32 s25, $0x6;
	v41 =	vld [tilespmem:s19+$0x630]  }
0xa5: {  	v0 =	vld [tilespmem:s20+$0x4630]  }
0xa6: {  	s0 =	sor.u32 $0x5, s7;
	v42 =	vmul.f32 v6, v4;
	v6 =	vld [tilespmem:s18+$0x630]  }
0xa7: {  	s21 =	sshll.u32 s0, $0x6;
	v44 =	vmul.f32 v8, v7;
	v8 =	vld [tilespmem:s18+$0x8630]  }
0xa8: {  	v45 =	vmul.f32 v9, v7;
	v7 =	vld [tilespmem:s21+$0x630]  }
0xa9: {  	v5 =	vmul.f32 v5, v4;
	v4 =	vmul.f32 v43, v31;
	v43 =	vld [tilespmem:s19+$0x4630]  }
0xaa: {  	v57 =	vmul.f32 v20, v19;
	v59 =	vmul.f32 v21, v19;
	v19 =	vld [tilespmem:s20+$0x8630]  }
0xab: {  	v20 =	vld [tilespmem:s21+$0x8620]  }
0xac: {  	s29 =	sor.u32 $0x6, s7;
	v21 =	vld [tilespmem:s21+$0x4630]  }
0xad: {  	s22 =	sshll.u32 s29, $0x6;
	v61 =	vmul.f32 v23, v22;
	v62 =	vmul.f32 v24, v22;
	v22 =	vld [tilespmem:s21+$0x8630]  }
0xae: {  	v2 =	vmul.f32 v2, v1;
	v1 =	vmul.f32 v3, v1;
	v23 =	vld [tilespmem:s22+$0x4600]  }
0xaf: {  	v33 =	vmul.f32 v26, v25;
	v36 =	vmul.f32 v27, v25;
	v25 =	vld [tilespmem:s22+$0x4610]  }
0xb0: {  	v51 =	vmul.f32 v14, v13;
	v52 =	vmul.f32 v17, v16;
	v27 =	vld [tilespmem:s22+$0x4620]  }
0xb1: {  	v34 =	vmul.f32 v29, v28;
	v37 =	vmul.f32 v30, v28;
	v28 =	vld [tilespmem:s22+$0x8620];
	v2 =	vadd.f32 v5, v2  }
0xb2: {  	v55 =	vmul.f32 v18, v16;
	v16 =	vmul.f32 v58, v56;
	v29 =	vld [tilespmem:s22+$0x4630];
	v1 =	vadd.f32 v42, v1  }
0xb3: {  	v9 =	vmul.f32 v53, v49;
	v30 =	vld [tilespmem:s22+$0x8630];
	v42 =	vmov s9;
	v2 =	vadd.f32 v44, v2  }
0xb4: {  	v1 =	vadd.f32 v45, v1;
	v44 =	vld [tilespmem:s19+$0x8630];
	v45 =	vmul.f32 v60, v56;
	v56 =	vshrl.u32 v42, $0x3  }
0xb5: {  	v48 =	vmul.f32 v12, v10;
	v13 =	vmul.f32 v15, v13;
	v58 =	vshll.u32 v56, v40;
	v56 =	vld [tilespmem:s21+$0x4620]  }
0xb6: {  	v5 =	vmul.f32 v50, v49;
	v3 =	vadd.f32 v52, v51;
	s19 =	sor.u32 $0x8, s7;
	v49 =	vadd.f32 v45, v9;
	v45 =	vld [tilespmem:s21+$0x4610]  }
0xb7: {  	v46 =	vmul.f32 v46, v6;
	s4 =	sshll.u32 s19, $0x6;
	v1 =	vadd.f32 v48, v1;
	v48 =	vmul.f32 v8, v6;
	v6 =	vld [tilespmem:s21+$0x620]  }
0xb8: {  	s18 =	sor.u32 $0x9, s7;
	v13 =	vadd.f32 v55, v13;
	v42 =	vld [tilespmem:s4+$0x4600]  }
0xb9: {  	v3 =	vadd.f32 v57, v3;
	v52 =	vmul.f32 v43, v41;
	v8 =	vmov s8;
	v43 =	vld [tilespmem:s4+$0x8600];
	s8 =	sshll.u32 s18, $0x6  }
0xba: {  	v13 =	vadd.f32 v59, v13;
	v59 =	vmov s17;
	[tilespmem:$0x1F690] =	vst v19;
	v19 =	vld [tilespmem:s8+$0x600]  }
0xbb: {  	v3 =	vadd.f32 v61, v3;
	v61 =	vshrl.u32 v59, $0x3;
	v59 =	vld [tilespmem:s8+$0x4600]  }
0xbc: {  	[tilespmem:$0x1F6A0] =	vst v20;
	v20 =	vld [tilespmem:s8+$0x4620]  }
0xbd: {  	v47 =	vmul.f32 v11, v10;
	[tilespmem:$0x1F6B0] =	vst v21;
	v21 =	vld [tilespmem:s8+$0x8620]  }
0xbe: {  	[tilespmem:$0x1F740] =	vst v30;
	v30 =	vld [tilespmem:s8+$0x630]  }
0xbf: {  	v5 =	vadd.f32 v16, v5;
	v2 =	vadd.f32 v47, v2;
	v47 =	vmul.f32 v35, v63;
	[tilespmem:$0x1F6C0] =	vst v22;
	v22 =	vld [tilespmem:s8+$0x4630]  }
0xc0: {  	v39 =	vmul.f32 v32, v31;
	[tilespmem:$0x1F6D0] =	vst v23;
	v23 =	vld [tilespmem:s8+$0x8630]  }
0xc1: {  	v50 =	vmul.f32 v38, v63;
	v14 =	vadd.f32 v34, v33;
	v51 =	vadd.f32 v47, v5;
	v5 =	vld [tilespmem:s20+$0x600]  }
0xc2: {  	v47 =	vld [tilespmem:s20+$0x8610]  }
0xc3: {  	v14 =	vadd.f32 v39, v14;
	v53 =	vadd.f32 v50, v49;
	v50 =	vld [tilespmem:s20+$0x8620]  }
0xc4: {  	v10 =	vadd.f32 v37, v36;
	v49 =	vld [tilespmem:s21+$0x4600]  }
0xc5: {  	(xrf2) =	vadd.scan.msk.f32 $0xffff, v2;
	v2 =	vadd.f32 v46, v14;
	v46 =	vld [tilespmem:s4+$0x4610]  }
0xc6: {  	v54 =	vmov s7;
	v4 =	vadd.f32 v4, v10;
	v63 =	vshll.u32 v61, v40;
	v61 =	vld [tilespmem:s8+$0x8600]  }
0xc7: {  	v12 =	vshrl.u32 v54, $0x3;
	v54 =	vmul.f32 v44, v41;
	v44 =	vld [tilespmem:s20+$0x4610]  }
0xc8: {  	(xrf2) =	vadd.scan.msk.f32 $0xffff, v1;
	v1 =	vadd.f32 v48, v4;
	v4 =	vld [tilespmem:s20+$0x620]  }
0xc9: {  	v41 =	vld [tilespmem:s20+$0x4620]  }
0xca: {  	v48 =	vld [tilespmem:s4+$0x8610]  }
0xcb: {  	v9 =	vadd.s32 $0x2, v63;
	v63 =	vld [tilespmem:s8+$0x4610]  }
0xcc: {  	v57 =	vadd.f32 v52, v51;
	v51 =	vld [tilespmem:s21+$0x8610]  }
0xcd: {  	v52 =	vld [tilespmem:s4+$0x4620]  }
0xce: {  	(xrf2) =	vadd.scan.msk.f32 $0xffff, v3;
	v3 =	vadd.s32 $0x1, v58;
	v58 =	vld [tilespmem:s4+$0x8630]  }
0xcf: {  	s17 =	sor.u32 $0xB, s7;
	v60 =	vadd.f32 v54, v53;
	v53 =	vld [tilespmem:s4+$0x8620]  }
0xd0: {  	s10 =	sshll.u32 s17, $0x6;
	v13 =	vadd.f32 v62, v13;
	v54 =	vld [tilespmem:s4+$0x4630]  }
0xd1: {  	[tilespmem:$0x1F7B0] =	vst v42;
	v42 =	vld [tilespmem:s10+$0x8610]  }
0xd2: {  	(xrf2) =	vadd.scan.msk.f32 $0xffff, v13;
	[tilespmem:$0x1F7D0] =	vst v43;
	v43 =	vld [tilespmem:s10+$0x4620]  }
0xd3: {  	(xrf2) =	vadd.scan.msk.f32 $0xffff, v2;
	v2 =	vld [tilespmem:s21+$0x610];
	[tilespmem:$0x1F8A0] =	vst v21  }
0xd4: {  	[tilespmem:$0x1F8B0] =	vst v22;
	v22 =	vld [tilespmem:s10+$0x600]  }
0xd5: {  	[tilespmem:$0x1F8C0] =	vst v23;
	v21 =	vld [tilespmem:s10+$0x610]  }
0xd6: {  	s16 =	sor.u32 $0xC, s7;
	v23 =	vld [tilespmem:s10+$0x620];
	[tilespmem:$0x1F7C0] =	vst v46  }
0xd7: {  	s11 =	sshll.u32 s16, $0x6;
	v12 =	vshll.u32 v12, v40;
	[tilespmem:$0x1F870] =	vst v61;
	v46 =	vld [tilespmem:s10+$0x8620]  }
0xd8: {  	v55 =	vbroadcast v12, $0x0;
	(xrf2) =	vadd.scan.msk.f32 $0xffff, v1;
	v61 =	vld [tilespmem:s11+$0x8610];
	[tilespmem:$0x1F7E0] =	vst v48  }
0xd9: {  	(xrf2) =	vadd.scan.msk.f32 $0xffff, v57;
	v57 =	vld [tilespmem:s21+$0x8600];
	[tilespmem:$0x1F800] =	vst v52  }
0xda: {  	v48 =	vld [tilespmem:s10+$0x4630];
	[tilespmem:$0x1F840] =	vst v58  }
0xdb: {  	v62 =	vbroadcast v3, $0x0;
	v58 =	vld [tilespmem:s11+$0x8600];
	[tilespmem:$0x1F820] =	vst v53  }
0xdc: {  	(xrf2) =	vadd.scan.msk.f32 $0xffff, v60;
	v60 =	vld [tilespmem:s20+$0x8600];
	[tilespmem:$0x1F980] =	vst v43  }
0xdd: {  	s14 =	sor.u32 $0xD, s7;
	v10 =	vshrl.u32 v8, $0x3;
	v53 =	vld [tilespmem:s11+$0x4600];
	v11, _, _ =	vpop (xrf2);
	[tilespmem:$0x1F9A0] =	vst v46  }
0xde: {  	s12 =	sshll.u32 s14, $0x6;
	v3 =	vshll.u32 v10, v40;
	v1 =	vbroadcast v9, $0x0;
	v52 =	vld [tilespmem:s10+$0x8630];
	[tilespmem:v55+s31+$0x0] =	vst.idx.msk vm0, v11;
	v12, _, _ =	vpop (xrf2)  }
0xdf: {  	v3 =	vadd.s32 $0x3, v3;
	v43 =	vld [tilespmem:s12+$0x4620];
	[tilespmem:v55+s26+$0x0] =	vst.idx.msk vm0, v12  }
0xe0: {  	v3 =	vbroadcast v3, $0x0;
	v46 =	vld [tilespmem:s12+$0x8620];
	v13, _, _ =	vpop (xrf2);
	[tilespmem:$0x1F9F0] =	vst v58  }
0xe1: {  	v55 =	vld [tilespmem:s20+$0x4600];
	[tilespmem:v62+s31+$0x0] =	vst.idx.msk vm0, v13  }
0xe2: {  	v58 =	vld [tilespmem:s12+$0x8630];
	v14, _, _ =	vpop (xrf2);
	[tilespmem:$0x1F9D0] =	vst v53  }
0xe3: {  	v53 =	vld [tilespmem:s12+$0x4630];
	[tilespmem:v62+s26+$0x0] =	vst.idx.msk vm0, v14;
	v15, _, _ =	vpop (xrf2)  }
0xe4: {  	v62 =	vld [tilespmem:s20+$0x630];
	[tilespmem:v1+s31+$0x0] =	vst.idx.msk vm0, v15;
	v16, _, _ =	vpop (xrf2)  }
0xe5: {  	[tilespmem:v1+s26+$0x0] =	vst.idx.msk vm0, v16;
	v17, _, _ =	vpop (xrf2);
	v1 =	vld [tilespmem:s20+$0x610]  }
0xe6: {  	v16 =	vld [tilespmem:s8+$0x610];
	[tilespmem:v3+s31+$0x0] =	vst.idx.msk vm0, v17;
	v18, _, _ =	vpop (xrf2)  }
0xe7: {  	s20 =	sor.u32 $0xA, s7;
	[tilespmem:v3+s26+$0x0] =	vst.idx.msk vm0, v18;
	v3 =	vld [tilespmem:s21+$0x600]  }
0xe8: {  	s9 =	sshll.u32 s20, $0x6;
	v18 =	vld [tilespmem:s8+$0x8610]  }
0xe9: {  	[tilespmem:$0x1F6E0] =	vst v25;
	v25 =	vld [tilespmem:s9+$0x4600]  }
0xea: {  	[tilespmem:$0x1F710] =	vst v27;
	v27 =	vld [tilespmem:s9+$0x8600]  }
0xeb: {  	[tilespmem:$0x1F890] =	vst v20;
	v20 =	vld [tilespmem:s9+$0x610]  }
0xec: {  	[tilespmem:$0x1F720] =	vst v28;
	v28 =	vld [tilespmem:s9+$0x4610]  }
0xed: {  	[tilespmem:$0x1F730] =	vst v29;
	s21 =	sor.u32 $0x7, s7;
	v29 =	vld [tilespmem:s9+$0x8610]  }
0xee: {  	[tilespmem:$0x1F830] =	vst v54;
	v54 =	vld [tilespmem:s9+$0x620];
	s30 =	sshll.u32 s21, $0x6  }
0xef: {  	v31 =	vld [tilespmem:s30+$0x4600]  }
0xf0: {  	v32 =	vld [tilespmem:s30+$0x8600]  }
0xf1: {  	v33 =	vld [tilespmem:s30+$0x4610]  }
0xf2: {  	v34 =	vld [tilespmem:s30+$0x8610]  }
0xf3: {  	v35 =	vld [tilespmem:s30+$0x4620]  }
0xf4: {  	v36 =	vld [tilespmem:s30+$0x8620]  }
0xf5: {  	v37 =	vld [tilespmem:s30+$0x4630]  }
0xf6: {  	v38 =	vld [tilespmem:s30+$0x8630]  }
0xf7: {  	[tilespmem:$0x1F880] =	vst v18;
	v18 =	vld [tilespmem:s8+$0x620]  }
0xf8: {  	[tilespmem:$0x1F900] =	vst v29;
	v29 =	vld [tilespmem:s9+$0x630]  }
0xf9: {  	[tilespmem:$0x1F8D0] =	vst v25;
	v25 =	vld [tilespmem:s10+$0x630]  }
0xfa: {  	[tilespmem:$0x1F8E0] =	vst v28;
	v28 =	vld [tilespmem:s11+$0x8620]  }
0xfb: {  	[tilespmem:$0x1F790] =	vst v35;
	v35 =	vld [tilespmem:s9+$0x600]  }
0xfc: {  	[tilespmem:$0x1F750] =	vst v31;
	v31 =	vld [tilespmem:s9+$0x4620]  }
0xfd: {  	[tilespmem:$0x1F770] =	vst v32;
	v32 =	vld [tilespmem:s9+$0x8620]  }
0xfe: {  	[tilespmem:$0x1F760] =	vst v33;
	v33 =	vld [tilespmem:s9+$0x4630]  }
0xff: {  	[tilespmem:$0x1F7A0] =	vst v36;
	v36 =	vld [tilespmem:s10+$0x4600]  }
0x100: {  	[tilespmem:$0x1F7F0] =	vst v37;
	v37 =	vld [tilespmem:s10+$0x8600]  }
0x101: {  	[tilespmem:$0x1F810] =	vst v38;
	v38 =	vld [tilespmem:s10+$0x4610];
	s10 =	sor.u32 $0xE, s7  }
0x102: {  	[tilespmem:$0x1F780] =	vst v34;
	v34 =	vld [tilespmem:s9+$0x8630];
	s13 =	sshll.u32 s10, $0x6  }
0x103: {  	[tilespmem:$0x1FA00] =	vst v61;
	v61 =	vld [tilespmem:s13+$0x8600]  }
0x104: {  	[tilespmem:$0x1FA20] =	vst v28;
	v28 =	vld [tilespmem:s12+$0x610]  }
0x105: {  	[tilespmem:$0x1F910] =	vst v31;
	v31 =	vld [tilespmem:s11+$0x4630]  }
0x106: {  	[tilespmem:$0x1F950] =	vst v37;
	v37 =	vld [tilespmem:s12+$0x600]  }
0x107: {  	s9 =	sor.u32 $0xF, s7;
	[tilespmem:$0x1F970] =	vst v33;
	v33 =	vld [tilespmem:s12+$0x4600]  }
0x108: {  	s15 =	sshll.u32 s9, $0x6;
	[tilespmem:$0x1F990] =	vst v34;
	v34 =	vld [tilespmem:s12+$0x8600]  }
0x109: {  	[tilespmem:$0x1FAE0] =	vst v61;
	v61 =	vld [tilespmem:s15+$0x8600]  }
0x10a: {  	[tilespmem:$0x1F930] =	vst v36;
	v36 =	vld [tilespmem:s12+$0x4610]  }
0x10b: {  	[tilespmem:$0x1F940] =	vst v38;
	v38 =	vld [tilespmem:s12+$0x8610]  }
0x10c: {  	s8 =	sor.u32 $0x10, s7;
	[tilespmem:$0x1FA30] =	vst v31;
	v31 =	vld [tilespmem:s12+$0x620]  }
0x10d: {  	[tilespmem:$0x1FA50] =	vst v33;
	v33 =	vld [tilespmem:s12+$0x630];
	s12 =	sshll.u32 s8, $0x6  }
0x10e: {  	[tilespmem:$0x1FB40] =	vst v61;
	v61 =	vld [tilespmem:s12+$0x4600];
	_ =	sdelay $0x4  }
0x10f: {  	[tilespmem:$0x1FBD0] =	vst v61;
	v61 =	vld [tilespmem:s12+$0x4610]  }
0x110: {  	v24 =	vld [tilespmem:s22+$0x8600]  }
0x111: {  	v26 =	vld [tilespmem:s22+$0x8610]  }
0x112: {  	v8 =	vld [tilespmem:s22+$0x610]  }
0x113: {  	v10 =	vld [tilespmem:s22+$0x630]  }
0x114: {  	[tilespmem:$0x1FBE0] =	vst v61;
	v61 =	vld [tilespmem:s12+$0x8610]  }
0x115: {  	[tilespmem:$0x1F850] =	vst v59;
	v59 =	vld [tilespmem:s11+$0x4610]  }
0x116: {  	v9 =	vld [tilespmem:s22+$0x620]  }
0x117: {  	[tilespmem:$0x1F860] =	vst v63;
	v63 =	vld [tilespmem:s11+$0x4620]  }
0x118: {  	[tilespmem:$0x1F960] =	vst v42;
	v42 =	vld [tilespmem:s11+$0x600]  }
0x119: {  	[tilespmem:$0x1FC00] =	vst v61;
	v61 =	vld [tilespmem:s12+$0x620]  }
0x11a: {  	v11 =	vld [tilespmem:s22+$0x600]  }
0x11b: {  	[tilespmem:$0x1F9B0] =	vst v48;
	v48 =	vld [tilespmem:s11+$0x630]  }
0x11c: {  	[tilespmem:$0x1F9C0] =	vst v52;
	v52 =	vld [tilespmem:s11+$0x620]  }
0x11d: {  	v13 =	vld [tilespmem:s4+$0x610]  }
0x11e: {  	[tilespmem:$0x1FC10] =	vst v61;
	v61 =	vld [tilespmem:s12+$0x4620]  }
0x11f: {  	v14 =	vld [tilespmem:s4+$0x600]  }
0x120: {  	v15 =	vld [tilespmem:s4+$0x620]  }
0x121: {  	v17 =	vld [tilespmem:s4+$0x630]  }
0x122: {  	v39 =	vld [tilespmem:s30+$0x600]  }
0x123: {  	[tilespmem:$0x1FC20] =	vst v61;
	v61 =	vld [tilespmem:s12+$0x8620]  }
0x124: {  	v12 =	vld [tilespmem:s30+$0x610]  }
0x125: {  	[tilespmem:$0x1F8F0] =	vst v27;
	v27 =	vld [tilespmem:s11+$0x610]  }
0x126: {  	[tilespmem:$0x1F920] =	vst v32;
	v32 =	vld [tilespmem:s11+$0x8630];
	s11 =	sor.u32 $0x11, s7  }
0x127: {  	[tilespmem:$0x1F6F0] =	vst v24;
	v24 =	vld [tilespmem:s30+$0x620];
	s22 =	sshll.u32 s11, $0x6  }
0x128: {  	[tilespmem:$0x1FC30] =	vst v61;
	v61 =	vld [tilespmem:s22+$0x4600]  }
0x129: {  	[tilespmem:$0x1F700] =	vst v26;
	v26 =	vld [tilespmem:s30+$0x630]  }
0x12a: {  	[tilespmem:$0x1F9E0] =	vst v59;
	v59 =	vld [tilespmem:s13+$0x4600]  }
0x12b: {  	[tilespmem:$0x1FA10] =	vst v63;
	v63 =	vld [tilespmem:s13+$0x4610]  }
0x12c: {  	[tilespmem:$0x1FA90] =	vst v43;
	v43 =	vld [tilespmem:s13+$0x8620]  }
0x12d: {  	[tilespmem:$0x1FC40] =	vst v61;
	v61 =	vld [tilespmem:s22+$0x8600]  }
0x12e: {  	[tilespmem:$0x1FAA0] =	vst v46;
	v46 =	vld [tilespmem:s13+$0x4630]  }
0x12f: {  	[tilespmem:$0x1FAB0] =	vst v53;
	v53 =	vld [tilespmem:s13+$0x8630]  }
0x130: {  	[tilespmem:$0x1FAC0] =	vst v58;
	v58 =	vld [tilespmem:s15+$0x4600]  }
0x131: {  	[tilespmem:$0x1F680] =	vst v0;
	v0 =	vld [tilespmem:s15+$0x620]  }
0x132: {  	[tilespmem:$0x1FC50] =	vst v61;
	v61 =	vld [tilespmem:s22+$0x610]  }
0x133: {  	[tilespmem:$0x1FAD0] =	vst v59;
	v59 =	vld [tilespmem:s13+$0x630]  }
0x134: {  	[tilespmem:$0x1FB90] =	vst v46;
	v46 =	vld [tilespmem:s15+$0x610]  }
0x135: {  	[tilespmem:$0x1FAF0] =	vst v63;
	v63 =	vld [tilespmem:s15+$0x4610]  }
0x136: {  	[tilespmem:$0x1FB20] =	vst v43;
	v43 =	vld [tilespmem:s15+$0x8610]  }
0x137: {  	[tilespmem:$0x1FC60] =	vst v61;
	v61 =	vld [tilespmem:s22+$0x4610]  }
0x138: {  	[tilespmem:$0x1FBA0] =	vst v53;
	v53 =	vld [tilespmem:s15+$0x8620]  }
0x139: {  	v55 =	vmul.f32 v55, v5;
	v44 =	vmul.f32 v44, v1;
	[tilespmem:$0x1FB30] =	vst v58;
	v58 =	vld [tilespmem:s15+$0x8630]  }
0x13a: {  	v5 =	vmul.f32 v60, v5;
	v60 =	vld [tilespmem:s22+$0x4630]  }
0x13b: {  	v44 =	vadd.f32 v44, v55;
	v55 =	vld [tilespmem:s22+$0x8630]  }
0x13c: {  	[tilespmem:$0x1FC70] =	vst v61;
	v61 =	vld [tilespmem:s22+$0x8610]  }
0x13d: {  	[tilespmem:$0x1FB50] =	vst v63;
	v63 =	vld [tilespmem:s12+$0x8600]  }
0x13e: {  	[tilespmem:$0x1FA40] =	vst v32;
	v32 =	vld [tilespmem:s13+$0x600]  }
0x13f: {  	[tilespmem:$0x1FA70] =	vst v34;
	v34 =	vld [tilespmem:s13+$0x610]  }
0x140: {  	[tilespmem:$0x1FA60] =	vst v36;
	v36 =	vld [tilespmem:s13+$0x8610]  }
0x141: {  	[tilespmem:$0x1FC80] =	vst v61;
	v61 =	vld [tilespmem:s22+$0x620]  }
0x142: {  	[tilespmem:$0x1FBF0] =	vst v63;
	v63 =	vld [tilespmem:s12+$0x630]  }
0x143: {  	[tilespmem:$0x1FA80] =	vst v38;
	v38 =	vld [tilespmem:s13+$0x4620]  }
0x144: {  	[tilespmem:$0x1FB60] =	vst v43;
	v43 =	vld [tilespmem:s15+$0x4620]  }
0x145: {  	[tilespmem:$0x1FB80] =	vst v53;
	v53 =	vld [tilespmem:s15+$0x4630]  }
0x146: {  	[tilespmem:$0x1FC90] =	vst v61;
	v61 =	vld [tilespmem:s22+$0x4620]  }
0x147: {  	[tilespmem:$0x1FCC0] =	vst v63;
	v63 =	vld [tilespmem:s12+$0x4630]  }
0x148: {  	[tilespmem:$0x1FBC0] =	vst v58;
	v58 =	vld [tilespmem:s12+$0x600]  }
0x149: {  	[tilespmem:$0x1FB00] =	vst v36;
	v36 =	vld [tilespmem:s13+$0x620]  }
0x14a: {  	[tilespmem:$0x1FB10] =	vst v38;
	v38 =	vld [tilespmem:s15+$0x600]  }
0x14b: {  	[tilespmem:$0x1FCA0] =	vst v61;
	v61 =	vld [tilespmem:s22+$0x8620]  }
0x14c: {  	[tilespmem:$0x1FCD0] =	vst v63;
	v63 =	vld [tilespmem:s12+$0x8630]  }
0x14d: {  	[tilespmem:$0x1FBB0] =	vst v53;
	v53 =	vld [tilespmem:s12+$0x610];
	s12 =	sor.u32 $0x12, s7  }
0x14e: {  	[tilespmem:$0x1FB70] =	vst v43;
	v43 =	vld [tilespmem:s15+$0x630];
	s15 =	sshll.u32 s12, $0x6  }
0x14f: {  	[tilespmem:$0x1FD10] =	vst v55;
	v55 =	vmul.f32 v56, v6;
	v56 =	vld [tilespmem:s15+$0x610]  }
0x150: {  	[tilespmem:$0x1FCB0] =	vst v61;
	v61 =	vld [tilespmem:s22+$0x630]  }
0x151: {  	[tilespmem:$0x1FCE0] =	vst v63;
	v63 =	vld [tilespmem:s22+$0x600]  }
0x152: {  	[tilespmem:$0x1FD00] =	vst v60;
	v60 =	vld [tilespmem:s15+$0x600]  }
0x153: {  	v1 =	vmul.f32 v47, v1;
	v47 =	vld [tilespmem:s15+$0x4600]  }
0x154: {  	[tilespmem:$0x1FD40] =	vst v56;
	v56 =	vld [tilespmem:$0x1F6E0]  }
0x155: {  	[tilespmem:$0x1FCF0] =	vst v61;
	v61 =	vmul.f32 v41, v4;
	v4 =	vmul.f32 v50, v4;
	v50 =	vld [tilespmem:$0x1F680]  }
0x156: {  	v45 =	vmul.f32 v45, v2;
	v41 =	vld [tilespmem:$0x1F6B0]  }
0x157: {  	v1 =	vadd.f32 v1, v5;
	v5 =	vadd.f32 v61, v44;
	v61 =	vmul.f32 v49, v3;
	v49 =	vld [tilespmem:s15+$0x8600]  }
0x158: {  	v3 =	vmul.f32 v57, v3;
	v57 =	vld [tilespmem:$0x1F690]  }
0x159: {  	v1 =	vadd.f32 v4, v1;
	v4 =	vadd.f32 v45, v61;
	v61 =	vld [tilespmem:$0x1F6A0]  }
0x15a: {  	v45 =	vld [tilespmem:s15+$0x8610]  }
0x15b: {  	v44 =	vmul.f32 v41, v7;
	v41 =	vld [tilespmem:$0x1F710]  }
0x15c: {  	v2 =	vmul.f32 v51, v2;
	v4 =	vadd.f32 v55, v4;
	v55 =	vld [tilespmem:$0x1F6D0]  }
0x15d: {  	[tilespmem:$0x1FD20] =	vst v60;
	v51 =	vmul.f32 v50, v62;
	v60 =	vmul.f32 v57, v62;
	v62 =	vld [tilespmem:s15+$0x4610]  }
0x15e: {  	[tilespmem:$0x1FD60] =	vst v49;
	v49 =	vld [tilespmem:$0x1F6C0]  }
0x15f: {  	v50 =	vadd.f32 v51, v5;
	v51 =	vld [tilespmem:s15+$0x620]  }
0x160: {  	v57 =	vld [tilespmem:s15+$0x4620]  }
0x161: {  	v2 =	vadd.f32 v2, v3;
	v4 =	vadd.f32 v44, v4;
	v44 =	vld [tilespmem:$0x1F720];
	v6 =	vmul.f32 v61, v6  }
0x162: {  	[tilespmem:$0x1FD50] =	vst v62;
	v62 =	vld [tilespmem:s15+$0x8620]  }
0x163: {  	[tilespmem:$0x1FD30] =	vst v47;
	v47 =	vadd.f32 v6, v2;
	v2 =	vmul.f32 v49, v7;
	v49 =	vld [tilespmem:s15+$0x4630]  }
0x164: {  	[tilespmem:$0x1FD70] =	vst v45;
	v3 =	vadd.f32 v60, v1;
	v60 =	vld [tilespmem:$0x1F6F0]  }
0x165: {  	v61 =	vld [tilespmem:$0x1F700];
	[tilespmem:$0x1FD80] =	vst v51  }
0x166: {  	v45 =	vld [tilespmem:$0x1F730];
	[tilespmem:$0x1FD90] =	vst v57  }
0x167: {  	v1 =	vadd.f32 v2, v47;
	v47 =	vld [tilespmem:$0x1F740];
	[tilespmem:$0x1FDA0] =	vst v62  }
0x168: {  	v62 =	vld [tilespmem:s15+$0x630];
	[tilespmem:$0x1FDB0] =	vst v49  }
0x169: {  	v51 =	vld [tilespmem:$0x1F750]  }
0x16a: {  	v5 =	vmul.f32 v55, v11;
	v55 =	vld [tilespmem:$0x1F760]  }
0x16b: {  	v6 =	vmul.f32 v56, v8;
	v56 =	vld [tilespmem:s15+$0x8630]  }
0x16c: {  	s13 =	sor.u32 $0x13, s7;
	v57 =	vld [tilespmem:$0x1F770]  }
0x16d: {  	s30 =	sshll.u32 s13, $0x6;
	v2 =	vmul.f32 v60, v11;
	v60 =	vld [tilespmem:$0x1F780]  }
0x16e: {  	v7 =	vmul.f32 v61, v8;
	v61 =	vld [tilespmem:s30+$0x600]  }
0x16f: {  	v8 =	vmul.f32 v44, v9;
	v44 =	vld [tilespmem:$0x1F790]  }
0x170: {  	v2 =	vadd.f32 v7, v2;
	v7 =	vmul.f32 v45, v10;
	v45 =	vld [tilespmem:s30+$0x4600]  }
0x171: {  	v5 =	vadd.f32 v6, v5;
	v6 =	vmul.f32 v41, v9;
	v49 =	vld [tilespmem:$0x1F7A0]  }
0x172: {  	(xrf2) =	vadd.scan.msk.f32 $0xffff, v50;
	v50 =	vld [tilespmem:$0x1FB00]  }
0x173: {  	v5 =	vadd.f32 v6, v5;
	v6 =	vmul.f32 v51, v39;
	v51 =	vld [tilespmem:s30+$0x8600]  }
0x174: {  	[tilespmem:$0x1FDC0] =	vst v56;
	v56 =	vld [tilespmem:$0x1F7B0]  }
0x175: {  	v2 =	vadd.f32 v8, v2;
	v8 =	vmul.f32 v57, v39;
	v57 =	vld [tilespmem:$0x1F7C0]  }
0x176: {  	v39 =	vld [tilespmem:s30+$0x610]  }
0x177: {  	v11 =	vmul.f32 v60, v12;
	v60 =	vld [tilespmem:$0x1F7D0]  }
0x178: {  	v9 =	vmul.f32 v47, v10;
	v10 =	vmul.f32 v55, v12;
	[tilespmem:$0x1FDD0] =	vst v61;
	v61 =	vld [tilespmem:$0x1F7E0]  }
0x179: {  	(xrf2) =	vadd.scan.msk.f32 $0xffff, v3;
	v55 =	vadd.f32 v7, v5;
	[tilespmem:$0x1FDE0] =	vst v45;
	v45 =	vld [tilespmem:$0x1F820]  }
0x17a: {  	(xrf2) =	vadd.scan.msk.f32 $0xffff, v4;
	v7 =	vmul.f32 v49, v24;
	v12 =	vadd.f32 v10, v6;
	v6 =	vmul.f32 v44, v24;
	v24 =	vld [tilespmem:s30+$0x8610]  }
0x17b: {  	v41 =	vadd.f32 v9, v2;
	(xrf2) =	vadd.scan.msk.f32 $0xffff, v1;
	v44 =	vld [tilespmem:$0x1F810]  }
0x17c: {  	(xrf2) =	vadd.scan.msk.f32 $0xffff, v55;
	v55 =	vld [tilespmem:$0x1FB50]  }
0x17d: {  	(xrf2) =	vadd.scan.msk.f32 $0xffff, v41;
	v41 =	vld [tilespmem:$0x1FB70]  }
0x17e: {  	v47 =	vadd.f32 v11, v8;
	v5 =	vadd.f32 v6, v12;
	v12 =	vld [tilespmem:s30+$0x4610]  }
0x17f: {  	v8 =	vmul.f32 v57, v13;
	v9 =	vmul.f32 v61, v13;
	v13 =	vld [tilespmem:$0x1F7F0]  }
0x180: {  	v2 =	vadd.f32 v7, v47;
	v6 =	vmul.f32 v56, v14;
	v7 =	vmul.f32 v60, v14;
	v14 =	vld [tilespmem:$0x1F800]  }
0x181: {  	v57 =	vld [tilespmem:$0x1F830]  }
0x182: {  	v60 =	vld [tilespmem:s30+$0x4620]  }
0x183: {  	v47 =	vmul.f32 v45, v15;
	v45 =	vld [tilespmem:s30+$0x8620]  }
0x184: {  	[tilespmem:$0x1FE00] =	vst v51;
	v51 =	vld [tilespmem:$0x1F860];
	v9 =	vadd.f32 v9, v7  }
0x185: {  	[tilespmem:$0x1FE10] =	vst v24;
	v24 =	vld [tilespmem:$0x1F840]  }
0x186: {  	v61 =	vadd.f32 v47, v9;
	v47 =	vld [tilespmem:$0x1F850]  }
0x187: {  	v11 =	vmul.f32 v44, v26;
	[tilespmem:$0x1FDF0] =	vst v12;
	v12 =	vld [tilespmem:s30+$0x630]  }
0x188: {  	v6 =	vadd.f32 v8, v6;
	v8 =	vmul.f32 v13, v26;
	v26 =	vld [tilespmem:s30+$0x620]  }
0x189: {  	[tilespmem:$0x1FE20] =	vst v60;
	v60 =	vadd.f32 v11, v2;
	v11 =	vld [tilespmem:s30+$0x4630]  }
0x18a: {  	v10 =	vmul.f32 v14, v15;
	v14 =	vld [tilespmem:$0x1F890]  }
0x18b: {  	v15 =	vld [tilespmem:$0x1F8A0]  }
0x18c: {  	[tilespmem:$0x1FE30] =	vst v45;
	v45 =	vld [tilespmem:$0x1F8D0]  }
0x18d: {  	v56 =	vadd.f32 v10, v6;
	v6 =	vmul.f32 v57, v17;
	v57 =	vld [tilespmem:$0x1F880]  }
0x18e: {  	s15 =	sor.u32 $0x14, s7;
	v44 =	vmul.f32 v24, v17;
	v24 =	vld [tilespmem:$0x1F8B0]  }
0x18f: {  	s4 =	sshll.u32 s15, $0x6;
	v17 =	vld [tilespmem:$0x1F8C0]  }
0x190: {  	v10 =	vld [tilespmem:s4+$0x4630]  }
0x191: {  	v49 =	vadd.f32 v8, v5;
	v13 =	vadd.f32 v6, v56;
	v56 =	vld [tilespmem:$0x1F870]  }
0x192: {  	v5 =	vmul.f32 v47, v19;
	v47 =	vld [tilespmem:$0x1F8E0]  }
0x193: {  	v6 =	vmul.f32 v51, v16;
	(xrf2) =	vadd.scan.msk.f32 $0xffff, v49;
	v49 =	vld [tilespmem:$0x1FBC0]  }
0x194: {  	[tilespmem:$0x1FE40] =	vst v11;
	v11 =	vld [tilespmem:$0x1F9D0]  }
0x195: {  	(xrf2) =	vadd.scan.msk.f32 $0xffff, v60;
	v60 =	vld [tilespmem:$0x1FC30];
	v5 =	vadd.f32 v6, v5;
	v6 =	vmul.f32 v14, v18  }
0x196: {  	v8 =	vadd.f32 v44, v61;
	v14 =	vld [tilespmem:s4+$0x4610];
	v61 =	vmul.f32 v57, v16;
	v16 =	vmul.f32 v15, v18  }
0x197: {  	v44 =	vmul.f32 v24, v30;
	v18 =	vmul.f32 v17, v30;
	v30 =	vld [tilespmem:s4+$0x600]  }
0x198: {  	v57 =	vld [tilespmem:$0x1F8F0]  }
0x199: {  	v15 =	vld [tilespmem:$0x1F930]  }
0x19a: {  	v5 =	vadd.f32 v6, v5;
	v6 =	vmul.f32 v45, v35;
	v45 =	vld [tilespmem:s4+$0x8600]  }
0x19b: {  	s22 =	sor.u32 $0x15, s7;
	v2 =	vmul.f32 v56, v19;
	v19 =	vld [tilespmem:s30+$0x8630]  }
0x19c: {  	v51 =	vmul.f32 v47, v20;
	v56 =	vld [tilespmem:s4+$0x4600];
	s30 =	sshll.u32 s22, $0x6  }
0x19d: {  	[tilespmem:$0x1FEC0] =	vst v10;
	v10 =	vld [tilespmem:s30+$0x630]  }
0x19e: {  	v47 =	vadd.f32 v51, v6;
	v51 =	vld [tilespmem:$0x1F910]  }
0x19f: {  	v2 =	vadd.f32 v61, v2;
	[tilespmem:$0x1FE80] =	vst v14;
	v14 =	vld [tilespmem:$0x1F9E0]  }
0x1a0: {  	v61 =	vmul.f32 v57, v35;
	v35 =	vld [tilespmem:s4+$0x610]  }
0x1a1: {  	v2 =	vadd.f32 v16, v2;
	v16 =	vld [tilespmem:$0x1F940]  }
0x1a2: {  	v57 =	vld [tilespmem:$0x1F920]  }
0x1a3: {  	[tilespmem:$0x1FE50] =	vst v19;
	v19 =	vld [tilespmem:$0x1F900]  }
0x1a4: {  	[tilespmem:$0x1FE70] =	vst v45;
	v45 =	vld [tilespmem:$0x1F960]  }
0x1a5: {  	v6 =	vmul.f32 v51, v54;
	v51 =	vld [tilespmem:$0x1F970]  }
0x1a6: {  	v17 =	vmul.f32 v16, v21;
	v16 =	vld [tilespmem:s4+$0x4620]  }
0x1a7: {  	v44 =	vadd.f32 v44, v5;
	v5 =	vadd.f32 v6, v47;
	v6 =	vmul.f32 v15, v22;
	v15 =	vld [tilespmem:s4+$0x8630]  }
0x1a8: {  	v24 =	vmul.f32 v19, v20;
	v20 =	vadd.f32 v18, v2;
	v18 =	vld [tilespmem:s4+$0x8610]  }
0x1a9: {  	v19 =	vld [tilespmem:$0x1F950]  }
0x1aa: {  	v6 =	vadd.f32 v17, v6;
	v17 =	vld [tilespmem:$0x1F990]  }
0x1ab: {  	[tilespmem:$0x1FE60] =	vst v56;
	v56 =	vadd.f32 v24, v61;
	v61 =	vmul.f32 v57, v54;
	v54 =	vld [tilespmem:s4+$0x620]  }
0x1ac: {  	v57 =	vld [tilespmem:$0x1F980]  }
0x1ad: {  	[tilespmem:$0x1FEA0] =	vst v16;
	v16 =	vld [tilespmem:$0x1F9F0]  }
0x1ae: {  	v2 =	vadd.f32 v61, v56;
	v56 =	vmul.f32 v51, v29;
	v24 =	vmul.f32 v19, v22;
	v19 =	vld [tilespmem:$0x1F9A0]  }
0x1af: {  	v47 =	vmul.f32 v45, v21;
	v22 =	vld [tilespmem:s4+$0x8620]  }
0x1b0: {  	v51 =	vadd.f32 v56, v5;
	v56 =	vld [tilespmem:s4+$0x630]  }
0x1b1: {  	[tilespmem:$0x1FE90] =	vst v18;
	v18 =	vmul.f32 v17, v29;
	v9 =	vadd.f32 v47, v24;
	v24 =	vld [tilespmem:$0x1F9B0]  }
0x1b2: {  	v61 =	vmul.f32 v57, v23;
	v57 =	vld [tilespmem:$0x1F9C0]  }
0x1b3: {  	v45 =	vadd.f32 v18, v2;
	v18 =	vld [tilespmem:$0x1FA00]  }
0x1b4: {  	v5 =	vmul.f32 v11, v42;
	v17 =	vmul.f32 v16, v42;
	v42 =	vld [tilespmem:s30+$0x8600]  }
0x1b5: {  	v16 =	vld [tilespmem:s30+$0x8610];
	v21 =	vmul.f32 v19, v23  }
0x1b6: {  	[tilespmem:$0x1FEB0] =	vst v22;
	v22 =	vld [tilespmem:$0x1FA20]  }
0x1b7: {  	v29 =	vadd.f32 v21, v9;
	v21 =	vld [tilespmem:$0x1FA10]  }
0x1b8: {  	v23 =	vadd.f32 v61, v6;
	v6 =	vmul.f32 v24, v25;
	v61 =	vmul.f32 v57, v25;
	v24 =	vld [tilespmem:$0x1FA30]  }
0x1b9: {  	v19 =	vmul.f32 v18, v27;
	v18 =	vld [tilespmem:s30+$0x4630]  }
0x1ba: {  	v2 =	vadd.f32 v61, v29;
	v61 =	vld [tilespmem:s30+$0x600]  }
0x1bb: {  	v29 =	vld [tilespmem:$0x1FA40]  }
0x1bc: {  	[tilespmem:$0x1FEE0] =	vst v42;
	v42 =	vld [tilespmem:s30+$0x610]  }
0x1bd: {  	v47 =	vadd.f32 v6, v23;
	v6 =	vmul.f32 v14, v27;
	v27 =	vld [tilespmem:$0x1FA80]  }
0x1be: {  	v9 =	vadd.f32 v19, v17;
	v19 =	vld [tilespmem:$0x1FA60]  }
0x1bf: {  	v23 =	vmul.f32 v22, v52;
	v22 =	vld [tilespmem:$0x1FA70]  }
0x1c0: {  	v17 =	vld [tilespmem:s30+$0x4610]  }
0x1c1: {  	v25 =	vmul.f32 v24, v48;
	v14 =	vmul.f32 v29, v48;
	v48 =	vld [tilespmem:$0x1FA50]  }
0x1c2: {  	v5 =	vadd.f32 v6, v5;
	v6 =	vmul.f32 v21, v52;
	v52 =	vld [tilespmem:s30+$0x4600]  }
0x1c3: {  	v29 =	vmul.f32 v27, v28;
	v27 =	vld [tilespmem:$0x1FAD0]  }
0x1c4: {  	v21 =	vmul.f32 v19, v28;
	v19 =	vld [tilespmem:$0x1FAA0]  }
0x1c5: {  	v7 =	vmov s25;
	s25 =	sor.u32 $0x16, s7;
	v9 =	vadd.f32 v23, v9;
	v23 =	vmul.f32 v22, v37;
	v22 =	vld [tilespmem:$0x1FAB0]  }
0x1c6: {  	s1 =	sshll.u32 s25, $0x6;
	v57 =	vmul.f32 v48, v37;
	v48 =	vld [tilespmem:$0x1FA90]  }
0x1c7: {  	v14 =	vadd.f32 v14, v9;
	v9 =	vshrl.u32 v7, $0x3;
	v7 =	vld [tilespmem:s1+$0x610]  }
0x1c8: {  	v11 =	vadd.f32 v29, v23;
	v23 =	vld [tilespmem:$0x1FAC0]  }
0x1c9: {  	v29 =	vld [tilespmem:s30+$0x620]  }
0x1ca: {  	v28 =	vmul.f32 v27, v32;
	v27 =	vld [tilespmem:$0x1FB10]  }
0x1cb: {  	v37 =	vadd.f32 v21, v57;
	v21 =	vmul.f32 v19, v31;
	v57 =	vmul.f32 v48, v31;
	v31 =	vld [tilespmem:$0x1FAE0]  }
0x1cc: {  	[tilespmem:$0x1FEF0] =	vst v16;
	v16 =	vmul.f32 v22, v33;
	v22 =	vshll.u32 v9, v40;
	v9 =	vmul.f32 v55, v46;
	v55 =	vld [tilespmem:$0x1FB80]  }
0x1cd: {  	v6 =	vadd.f32 v6, v5;
	v24 =	vmul.f32 v23, v33;
	v33 =	vld [tilespmem:s30+$0x8620]  }
0x1ce: {  	v23 =	vld [tilespmem:s30+$0x8630]  }
0x1cf: {  	v25 =	vadd.f32 v25, v6;
	v6 =	vadd.f32 v57, v37;
	v37 =	vld [tilespmem:$0x1FAF0]  }
0x1d0: {  	v48 =	vld [tilespmem:s30+$0x4620];
	v57 =	vmul.f32 v50, v34;
	v32 =	vmul.f32 v31, v32  }
0x1d1: {  	[tilespmem:$0x1FED0] =	vst v15;
	v15 =	vadd.f32 v21, v11;
	v31 =	vld [tilespmem:$0x1FB20]  }
0x1d2: {  	v11 =	vadd.f32 v16, v6;
	v16 =	vadd.f32 v57, v32;
	v57 =	vld [tilespmem:s1+$0x600]  }
0x1d3: {  	v32 =	vld [tilespmem:s1+$0x4600]  }
0x1d4: {  	v3 =	vmul.f32 v37, v34;
	v34 =	vld [tilespmem:$0x1FB30]  }
0x1d5: {  	v4 =	vmul.f32 v27, v36;
	v37 =	vld [tilespmem:$0x1FB40]  }
0x1d6: {  	[tilespmem:$0x1FF10] =	vst v18;
	v3 =	vadd.f32 v3, v28;
	v28 =	vmov s0;
	v18 =	vmul.f32 v31, v36;
	v36 =	vld [tilespmem:s1+$0x8600]  }
0x1d7: {  	v6 =	vshrl.u32 v28, $0x3;
	v31 =	vld [tilespmem:$0x1FBD0]  }
0x1d8: {  	[tilespmem:$0x1FF00] =	vst v33;
	v33 =	vshll.u32 v6, v40;
	v6 =	vld [tilespmem:$0x1FB90]  }
0x1d9: {  	[tilespmem:$0x1FF30] =	vst v32;
	v32 =	vld [tilespmem:$0x1FB60]  }
0x1da: {  	v19 =	vmul.f32 v34, v38;
	v50 =	vmul.f32 v37, v38;
	v34 =	vmov s29;
	v38 =	vld [tilespmem:s1+$0x8610]  }
0x1db: {  	v15 =	vadd.f32 v24, v15;
	v24 =	vadd.s32 $0x4, v22;
	v37 =	vshrl.u32 v34, $0x3;
	v34 =	vld [tilespmem:$0x1FBA0]  }
0x1dc: {  	v1 =	vbroadcast v24, $0x0;
	v3 =	vadd.f32 v4, v3;
	v4 =	vadd.s32 $0x5, v33;
	[tilespmem:$0x1FF40] =	vst v36;
	v36 =	vld [tilespmem:s1+$0x4610]  }
0x1dd: {  	v27 =	vbroadcast v4, $0x0;
	v4 =	vld [tilespmem:$0x1FC80]  }
0x1de: {  	v16 =	vadd.f32 v18, v16;
	v18 =	vadd.f32 v9, v19;
	v19 =	vshll.u32 v37, v40;
	v37 =	vld [tilespmem:s1+$0x8620]  }
0x1df: {  	v33 =	vmul.f32 v32, v46;
	[tilespmem:$0x1FF60] =	vst v38;
	v38 =	vld [tilespmem:s1+$0x620]  }
0x1e0: {  	s0 =	sor.u32 $0x17, s7;
	v46 =	vmul.f32 v41, v0;
	v41 =	vld [tilespmem:$0x1FBB0]  }
0x1e1: {  	v5 =	vmul.f32 v55, v0;
	s4 =	sshll.u32 s0, $0x6;
	v21 =	vadd.f32 v33, v50;
	v50, _, _ =	vpop (xrf2);
	v33 =	vld [tilespmem:s1+$0x4620];
	[tilespmem:$0x1FF50] =	vst v36  }
0x1e2: {  	v32 =	vmul.f32 v31, v58;
	v31 =	vld [tilespmem:s4+$0x4610];
	[tilespmem:v1+s31+$0x0] =	vst.idx.msk vm0, v50;
	v22, _, _ =	vpop (xrf2);
	v36 =	vmul.f32 v34, v59  }
0x1e3: {  	[tilespmem:v1+s26+$0x0] =	vst.idx.msk vm0, v22;
	v22 =	vld [tilespmem:s1+$0x630]  }
0x1e4: {  	v24 =	vadd.f32 v5, v21;
	v21 =	vadd.f32 v36, v16;
	v36 =	vld [tilespmem:$0x1FBF0]  }
0x1e5: {  	v18 =	vadd.f32 v46, v18;
	v46 =	vmul.f32 v41, v43;
	v41 =	vld [tilespmem:$0x1FC00]  }
0x1e6: {  	v50 =	vmul.f32 v49, v43;
	[tilespmem:$0x1FF70] =	vst v33;
	v33 =	vld [tilespmem:$0x1FBE0]  }
0x1e7: {  	v9 =	vmul.f32 v6, v59;
	v16 =	vld [tilespmem:s1+$0x4630]  }
0x1e8: {  	[tilespmem:$0x1FF20] =	vst v23;
	v55, _, _ =	vpop (xrf2);
	v28 =	vadd.f32 v50, v24;
	v50 =	vld [tilespmem:s4+$0x4600]  }
0x1e9: {  	v19 =	vadd.s32 $0x6, v19;
	v6 =	vadd.f32 v9, v3;
	v9 =	vmov s21;
	[tilespmem:v27+s31+$0x0] =	vst.idx.msk vm0, v55;
	v55 =	vld [tilespmem:$0x1FC20]  }
0x1ea: {  	v23 =	vbroadcast v19, $0x0;
	[tilespmem:$0x1FF80] =	vst v37;
	v19 =	vshrl.u32 v9, $0x3;
	v24 =	vld [tilespmem:s1+$0x8630];
	v37 =	vmul.f32 v36, v58  }
0x1eb: {  	v1 =	vshll.u32 v19, v40;
	v59, _, _ =	vpop (xrf2);
	v43 =	vmul.f32 v41, v53;
	v34 =	vmul.f32 v33, v53;
	v53 =	vld [tilespmem:$0x1FC10]  }
0x1ec: {  	v1 =	vadd.s32 $0x7, v1;
	[tilespmem:v27+s26+$0x0] =	vst.idx.msk vm0, v59;
	v59 =	vld [tilespmem:s4+$0x8600]  }
0x1ed: {  	(xrf2) =	vadd.scan.msk.f32 $0xffff, v13;
	v1 =	vbroadcast v1, $0x0;
	[tilespmem:$0x1FFB0] =	vst v50;
	v50 =	vld [tilespmem:$0x1FC50]  }
0x1ee: {  	v49, _, _ =	vpop (xrf2);
	(xrf2) =	vadd.scan.msk.f32 $0xffff, v8;
	v36 =	vmov s19;
	v8 =	vadd.f32 v43, v37;
	v43 =	vld [tilespmem:$0x1FC40]  }
0x1ef: {  	v41 =	vshrl.u32 v36, $0x3;
	v37, _, _ =	vpop (xrf2);
	(xrf2) =	vadd.scan.msk.f32 $0xffff, v44;
	v44 =	vld [tilespmem:$0x1FC90]  }
0x1f0: {  	v3 =	vadd.f32 v34, v32;
	v58 =	vmul.f32 v55, v53;
	v55 =	vld [tilespmem:$0x1FC60]  }
0x1f1: {  	[tilespmem:v23+s31+$0x0] =	vst.idx.msk vm0, v49;
	v9 =	vmul.f32 v60, v53;
	v60 =	vld [tilespmem:s4+$0x8610]  }
0x1f2: {  	[tilespmem:v23+s26+$0x0] =	vst.idx.msk vm0, v37;
	v23 =	vshll.u32 v41, v40;
	(xrf2) =	vadd.scan.msk.f32 $0xffff, v20;
	v41, _, _ =	vpop (xrf2);
	v3 =	vadd.f32 v58, v3;
	v58 =	vld [tilespmem:$0x1FC70]  }
0x1f3: {  	(xrf2) =	vadd.scan.msk.f32 $0xffff, v51;
	[tilespmem:v1+s31+$0x0] =	vst.idx.msk vm0, v41;
	v41 =	vld [tilespmem:$0x1FCE0]  }
0x1f4: {  	v37 =	vbroadcast v23, $0x0;
	(xrf2) =	vadd.scan.msk.f32 $0xffff, v45;
	v45 =	vld [tilespmem:$0x1FCA0]  }
0x1f5: {  	[tilespmem:$0x1FFC0] =	vst v59;
	v51, _, _ =	vpop (xrf2);
	v49 =	vmul.f32 v43, v63;
	v53 =	vmul.f32 v50, v63;
	v63 =	vld [tilespmem:$0x1FCD0]  }
0x1f6: {  	v43 =	vmov s20;
	[tilespmem:v1+s26+$0x0] =	vst.idx.msk vm0, v51;
	v51 =	vld [tilespmem:$0x1FCF0];
	v5 =	vmul.f32 v4, v55  }
0x1f7: {  	v32 =	vmov s18;
	v20 =	vshrl.u32 v43, $0x3;
	[tilespmem:$0x1FFD0] =	vst v60;
	v60 =	vld [tilespmem:$0x1FCC0];
	v59 =	vmul.f32 v58, v55  }
0x1f8: {  	v50 =	vshll.u32 v20, v40;
	v33 =	vadd.f32 v5, v53;
	v53 =	vld [tilespmem:$0x1FD00]  }
0x1f9: {  	[tilespmem:$0x1FFA0] =	vst v24;
	v24 =	vadd.f32 v59, v49;
	v49 =	vld [tilespmem:$0x1FCB0]  }
0x1fa: {  	v36 =	vshrl.u32 v32, $0x3;
	v32, _, _ =	vpop (xrf2);
	v5 =	vld [tilespmem:$0x1FD10]  }
0x1fb: {  	v27 =	vadd.f32 v46, v18;
	v46 =	vld [tilespmem:s4+$0x600];
	[tilespmem:v37+s31+$0x0] =	vst.idx.msk vm0, v32;
	v58 =	vadd.s32 $0x2, v50;
	v50, _, _ =	vpop (xrf2)  }
0x1fc: {  	v34 =	vmul.f32 v45, v44;
	[tilespmem:v37+s26+$0x0] =	vst.idx.msk vm0, v50;
	v50 =	vld [tilespmem:$0x1FD20]  }
0x1fd: {  	(xrf2) =	vadd.scan.msk.f32 $0xffff, v47;
	v8 =	vadd.f32 v9, v8;
	v9 =	vmov s17;
	v37 =	vld [tilespmem:$0x1FD60];
	v47 =	vmul.f32 v63, v60  }
0x1fe: {  	v63 =	vld [tilespmem:$0x1FD50];
	v24 =	vadd.f32 v34, v24;
	v43 =	vmul.f32 v49, v44;
	v49 =	vmul.f32 v41, v60  }
0x1ff: {  	v44 =	vshrl.u32 v9, $0x3;
	v60 =	vmul.f32 v53, v51;
	v9 =	vmul.f32 v5, v51;
	v51 =	vld [tilespmem:$0x1FD30]  }
0x200: {  	v41 =	vld [tilespmem:$0x1FD70]  }
0x201: {  	v58 =	vbroadcast v58, $0x0;
	v4 =	vadd.f32 v60, v24;
	v60 =	vld [tilespmem:$0x1FD40]  }
0x202: {  	v18 =	vld [tilespmem:s4+$0x610]  }
0x203: {  	[tilespmem:$0x1FF90] =	vst v16;
	v16 =	vld [tilespmem:s4+$0x4620];
	v3 =	vadd.f32 v47, v3;
	v1 =	vshll.u32 v44, v40  }
0x204: {  	v37 =	vmul.f32 v37, v50;
	v47, _, _ =	vpop (xrf2);
	v33 =	vadd.f32 v43, v33;
	v19 =	vadd.s32 $0x3, v1;
	v1 =	vld [tilespmem:$0x1FDD0]  }
0x205: {  	(xrf2) =	vadd.scan.msk.f32 $0xffff, v2;
	v5 =	vadd.f32 v49, v8;
	v0 =	vbroadcast v19, $0x0;
	v49, _, _ =	vpop (xrf2);
	v8 =	vmul.f32 v51, v50;
	v50 =	vld [tilespmem:$0x1FD80]  }
0x206: {  	(xrf2) =	vadd.scan.msk.f32 $0xffff, v25;
	v19 =	vmov s16;
	v2, _, _ =	vpop (xrf2);
	v25 =	vmul.f32 v63, v60;
	v63 =	vmul.f32 v41, v60;
	v60 =	vld [tilespmem:$0x1FD90]  }
0x207: {  	v24 =	vadd.f32 v9, v33;
	v44 =	vshrl.u32 v19, $0x3;
	v19 =	vld [tilespmem:$0x1FDA0];
	[tilespmem:v58+s31+$0x0] =	vst.idx.msk vm0, v2;
	v9, _, _ =	vpop (xrf2)  }
0x208: {  	[tilespmem:v58+s26+$0x0] =	vst.idx.msk vm0, v9;
	v9 =	vld [tilespmem:$0x1FDF0]  }
0x209: {  	v8 =	vadd.f32 v25, v8;
	v25 =	vld [tilespmem:$0x1FDB0]  }
0x20a: {  	v37 =	vadd.f32 v63, v37;
	v63 =	vld [tilespmem:$0x1FDE0]  }
0x20b: {  	v13 =	vshll.u32 v36, v40;
	v34 =	vmul.f32 v60, v50;
	v60 =	vld [tilespmem:$0x1FDC0]  }
0x20c: {  	s18 =	sor.u32 $0x18, s7;
	v23 =	vld [tilespmem:s4+$0x620];
	v13 =	vadd.s32 $0x1, v13  }
0x20d: {  	v36 =	vld [tilespmem:s4+$0x630];
	s20 =	sshll.u32 s18, $0x6;
	v45 =	vbroadcast v13, $0x0  }
0x20e: {  	v20 =	vld [tilespmem:s20+$0x600];
	v58 =	vmul.f32 v19, v50  }
0x20f: {  	v19 =	vmul.f32 v9, v39;
	v9 =	vld [tilespmem:$0x1FE10];
	v50 =	vmul.f32 v63, v1  }
0x210: {  	v37 =	vadd.f32 v58, v37;
	v41 =	vmul.f32 v25, v62;
	v63 =	vld [tilespmem:$0x1FE00];
	v62 =	vmul.f32 v60, v62  }
0x211: {  	v50 =	vadd.f32 v19, v50;
	v19 =	vld [tilespmem:$0x1FE20]  }
0x212: {  	v37 =	vadd.f32 v62, v37;
	v62 =	vld [tilespmem:$0x1FE30]  }
0x213: {  	v13 =	vld [tilespmem:s4+$0x8630];
	[tilespmem:v45+s31+$0x0] =	vst.idx.msk vm0, v47  }
0x214: {  	v32 =	vld [tilespmem:s20+$0x4600];
	[tilespmem:v45+s26+$0x0] =	vst.idx.msk vm0, v49;
	v49 =	vshll.u32 v44, v40  }
0x215: {  	v55 =	vld [tilespmem:s4+$0x4630];
	(xrf2) =	vadd.scan.msk.f32 $0xffff, v14;
	v14 =	vadd.s32 $0x4, v49;
	v33, _, _ =	vpop (xrf2);
	v39 =	vmul.f32 v9, v39;
	v58 =	vmul.f32 v63, v1  }
0x216: {  	v59 =	vld [tilespmem:s4+$0x8620];
	v14 =	vbroadcast v14, $0x0;
	[tilespmem:v0+s31+$0x0] =	vst.idx.msk vm0, v33;
	v8 =	vadd.f32 v34, v8  }
0x217: {  	(xrf2) =	vadd.scan.msk.f32 $0xffff, v11;
	v9 =	vld [tilespmem:$0x1FE40];
	v33 =	vmul.f32 v19, v26;
	v11 =	vadd.f32 v39, v58;
	v26 =	vmul.f32 v62, v26  }
0x218: {  	v53 =	vld [tilespmem:s20+$0x8600]  }
0x219: {  	v1 =	vadd.f32 v26, v11;
	v26 =	vld [tilespmem:$0x1FE50]  }
0x21a: {  	s21 =	sor.u32 $0x19, s7;
	v47 =	vld [tilespmem:s20+$0x4610]  }
0x21b: {  	s29 =	sshll.u32 s21, $0x6;
	v41 =	vadd.f32 v41, v8;
	v60 =	vld [tilespmem:$0x1FE70];
	v8, _, _ =	vpop (xrf2)  }
0x21c: {  	[tilespmem:v0+s26+$0x0] =	vst.idx.msk vm0, v8;
	v8 =	vmov s14;
	v0 =	vadd.f32 v33, v50;
	v50 =	vmul.f32 v9, v12;
	v9 =	vld [tilespmem:s29+$0x8600];
	v33, _, _ =	vpop (xrf2)  }
0x21d: {  	v62 =	vld [tilespmem:$0x1FE80];
	[tilespmem:v14+s31+$0x0] =	vst.idx.msk vm0, v33;
	v33 =	vshrl.u32 v8, $0x3  }
0x21e: {  	v12 =	vmul.f32 v26, v12;
	v26 =	vshll.u32 v33, v40;
	v33 =	vld [tilespmem:$0x1FE90]  }
0x21f: {  	v43 =	vld [tilespmem:s20+$0x610]  }
0x220: {  	v45 =	vld [tilespmem:s20+$0x8610]  }
0x221: {  	v51 =	vld [tilespmem:s20+$0x620]  }
0x222: {  	(xrf2) =	vadd.scan.msk.f32 $0xffff, v15;
	v58 =	vld [tilespmem:$0x1FE60];
	v15 =	vmul.f32 v60, v30;
	[tilespmem:$0x1FFE0] =	vst v9;
	v9 =	vadd.f32 v50, v0  }
0x223: {  	v44 =	vld [tilespmem:s20+$0x4620];
	v0 =	vmul.f32 v62, v35;
	v62 =	vadd.f32 v12, v1;
	v1 =	vmul.f32 v33, v35  }
0x224: {  	v33 =	vld [tilespmem:$0x1FED0]  }
0x225: {  	v1 =	vadd.f32 v1, v15;
	v15 =	vld [tilespmem:$0x1FEC0]  }
0x226: {  	v49 =	vld [tilespmem:s20+$0x8620]  }
0x227: {  	v25 =	vld [tilespmem:s20+$0x630];
	v50 =	vmul.f32 v58, v30  }
0x228: {  	v34 =	vld [tilespmem:s20+$0x4630]  }
0x229: {  	v0 =	vadd.f32 v0, v50;
	v50 =	vld [tilespmem:$0x1FEA0]  }
0x22a: {  	v2 =	vmul.f32 v33, v56;
	v15 =	vmul.f32 v15, v56;
	v56 =	vld [tilespmem:$0x1FEE0]  }
0x22b: {  	v63 =	vld [tilespmem:s20+$0x8630]  }
0x22c: {  	v60 =	vld [tilespmem:$0x1FEB0]  }
0x22d: {  	v19 =	vld [tilespmem:s29+$0x600]  }
0x22e: {  	v52 =	vmul.f32 v52, v61;
	v39 =	vld [tilespmem:s29+$0x4600]  }
0x22f: {  	v35 =	vmul.f32 v50, v54;
	v50 =	vmul.f32 v56, v61;
	v61 =	vld [tilespmem:$0x1FEF0]  }
0x230: {  	(xrf2) =	vadd.scan.msk.f32 $0xffff, v6;
	v11 =	vld [tilespmem:s29+$0x610];
	v8, _, _ =	vpop (xrf2)  }
0x231: {  	(xrf2) =	vadd.scan.msk.f32 $0xffff, v21;
	[tilespmem:v14+s26+$0x0] =	vst.idx.msk vm0, v8;
	v8 =	vmul.f32 v60, v54;
	v60 =	vld [tilespmem:s29+$0x8620]  }
0x232: {  	(xrf2) =	vadd.scan.msk.f32 $0xffff, v27;
	v27 =	vld [tilespmem:$0x1FF30]  }
0x233: {  	v58 =	vld [tilespmem:s29+$0x4610];
	v30 =	vadd.s32 $0x5, v26  }
0x234: {  	v26 =	vld [tilespmem:s29+$0x8610];
	v30 =	vbroadcast v30, $0x0;
	v33 =	vmul.f32 v61, v42  }
0x235: {  	v54 =	vmul.f32 v17, v42;
	v1 =	vadd.f32 v8, v1;
	v8 =	vld [tilespmem:$0x1FF00]  }
0x236: {  	v0 =	vadd.f32 v35, v0;
	v35 =	vadd.f32 v33, v50;
	v50 =	vld [tilespmem:$0x1FF10]  }
0x237: {  	(xrf2) =	vadd.scan.msk.f32 $0xffff, v28;
	v28 =	vld [tilespmem:$0x1FF40]  }
0x238: {  	v12 =	vld [tilespmem:s29+$0x620]  }
0x239: {  	v17 =	vld [tilespmem:s29+$0x630];
	v14 =	vadd.f32 v54, v52;
	v52 =	vmul.f32 v48, v29;
	v54, _, _ =	vpop (xrf2);
	v33 =	vmov s10  }
0x23a: {  	s30 =	sor.u32 $0x1A, s7;
	[tilespmem:v30+s31+$0x0] =	vst.idx.msk vm0, v54;
	v29 =	vmul.f32 v8, v29;
	v48 =	vshrl.u32 v33, $0x3;
	v33 =	vld [tilespmem:$0x1FF20]  }
0x23b: {  	s4 =	sshll.u32 s30, $0x6;
	[tilespmem:$0x1FFF0] =	vst v26;
	v26 =	vld [tilespmem:s29+$0x4620];
	v61 =	vadd.f32 v2, v1;
	v1 =	vadd.f32 v52, v14;
	v54 =	vmul.f32 v50, v10  }
0x23c: {  	v8 =	vld [tilespmem:s4+$0x600];
	v21 =	vadd.f32 v29, v35;
	v35 =	vmov s9  }
0x23d: {  	v1 =	vadd.f32 v54, v1;
	v54 =	vshrl.u32 v35, $0x3;
	v35 =	vld [tilespmem:$0x1FF50]  }
0x23e: {  	v6 =	vadd.f32 v15, v0;
	v15 =	vld [tilespmem:s4+$0x610]  }
0x23f: {  	v56 =	vld [tilespmem:s29+$0x8630];
	v2 =	vshll.u32 v48, v40;
	v10 =	vmul.f32 v33, v10  }
0x240: {  	v42 =	vld [tilespmem:s29+$0x4630];
	v2 =	vadd.s32 $0x6, v2;
	v50, _, _ =	vpop (xrf2)  }
0x241: {  	v52 =	vld [tilespmem:s4+$0x4600];
	v2 =	vbroadcast v2, $0x0;
	(xrf2) =	vadd.scan.msk.f32 $0xffff, v3;
	[tilespmem:v30+s26+$0x0] =	vst.idx.msk vm0, v50;
	v3 =	vadd.f32 v10, v21  }
0x242: {  	(xrf2) =	vadd.scan.msk.f32 $0xffff, v5;
	v30 =	vld [tilespmem:$0x1FF60];
	v14 =	vshll.u32 v54, v40;
	v21 =	vmul.f32 v27, v57;
	v54 =	vmul.f32 v35, v7  }
0x243: {  	v48 =	vld [tilespmem:s4+$0x8600];
	(xrf2) =	vadd.scan.msk.f32 $0xffff, v4;
	v35 =	vmov s8  }
0x244: {  	v50 =	vld [tilespmem:s4+$0x4610];
	(xrf2) =	vadd.scan.msk.f32 $0xffff, v24;
	v10 =	vadd.f32 v54, v21;
	v54 =	vshrl.u32 v35, $0x3  }
0x245: {  	v33 =	vld [tilespmem:s4+$0x8610];
	(xrf2) =	vadd.scan.msk.f32 $0xffff, v41  }
0x246: {  	v5, _, _ =	vpop (xrf2);
	(xrf2) =	vadd.scan.msk.f32 $0xffff, v37;
	v37 =	vld [tilespmem:$0x1FF70];
	v4 =	vshll.u32 v54, v40  }
0x247: {  	v29 =	vadd.s32 $0x7, v14;
	[tilespmem:v2+s31+$0x0] =	vst.idx.msk vm0, v5;
	v7 =	vmul.f32 v30, v7;
	v30 =	vbroadcast v4, $0x0;
	v4 =	vld [tilespmem:$0x1FF80];
	v54, _, _ =	vpop (xrf2)  }
0x248: {  	v29 =	vbroadcast v29, $0x0;
	[tilespmem:v2+s26+$0x0] =	vst.idx.msk vm0, v54;
	v54 =	vld [tilespmem:$0x1FF90]  }
0x249: {  	v27 =	vmul.f32 v28, v57;
	v57 =	vld [tilespmem:s4+$0x620]  }
0x24a: {  	v0 =	vmov s11;
	v28 =	vld [tilespmem:s4+$0x8620]  }
0x24b: {  	v24 =	vshrl.u32 v0, $0x3;
	v14 =	vld [tilespmem:s4+$0x4620];
	v0 =	vmul.f32 v37, v38  }
0x24c: {  	v41 =	vld [tilespmem:s4+$0x4630]  }
0x24d: {  	v21 =	vld [tilespmem:s4+$0x630];
	v10 =	vadd.f32 v0, v10;
	v5, _, _ =	vpop (xrf2);
	v2 =	vmul.f32 v4, v38;
	v38 =	vmul.f32 v54, v22  }
0x24e: {  	[tilespmem:v29+s31+$0x0] =	vst.idx.msk vm0, v5;
	v5, _, _ =	vpop (xrf2);
	v54 =	vld [tilespmem:$0x1FFA0]  }
0x24f: {  	[tilespmem:v29+s26+$0x0] =	vst.idx.msk vm0, v5;
	v29 =	vadd.f32 v38, v10;
	v10 =	vld [tilespmem:$0x1FFB0]  }
0x250: {  	s11 =	sor.u32 $0x1B, s7;
	v38 =	vld [tilespmem:$0x1FFC0]  }
0x251: {  	v35 =	vmov s12;
	s12 =	sshll.u32 s11, $0x6;
	v37 =	vld [tilespmem:s4+$0x8630]  }
0x252: {  	v7 =	vadd.f32 v7, v27;
	v27 =	vshrl.u32 v35, $0x3;
	v35 =	vld [tilespmem:s12+$0x600]  }
0x253: {  	v55 =	vmul.f32 v55, v36;
	v36 =	vmul.f32 v13, v36;
	v13 =	vld [tilespmem:s12+$0x630];
	v27 =	vshll.u32 v27, v40  }
0x254: {  	v24 =	vshll.u32 v24, v40;
	v0 =	vadd.s32 $0x2, v27;
	v27 =	vld [tilespmem:s12+$0x4600];
	v22 =	vmul.f32 v54, v22  }
0x255: {  	v24 =	vadd.s32 $0x1, v24;
	v54 =	vmul.f32 v10, v46;
	v38 =	vmul.f32 v38, v46;
	v46 =	vld [tilespmem:$0x1FFD0]  }
0x256: {  	v24 =	vbroadcast v24, $0x0;
	v5 =	vld [tilespmem:s12+$0x8600];
	v4, _, _ =	vpop (xrf2)  }
0x257: {  	[tilespmem:v30+s31+$0x0] =	vst.idx.msk vm0, v4;
	v4 =	vld [tilespmem:s12+$0x4610];
	v2 =	vadd.f32 v2, v7  }
0x258: {  	v31 =	vmul.f32 v31, v18;
	v16 =	vmul.f32 v16, v23;
	v10 =	vld [tilespmem:s12+$0x610]  }
0x259: {  	v59 =	vmul.f32 v59, v23;
	v22 =	vadd.f32 v22, v2;
	v2 =	vmul.f32 v32, v20;
	v32 =	vld [tilespmem:s12+$0x4630]  }
0x25a: {  	(xrf2) =	vadd.scan.msk.f32 $0xffff, v9;
	v9 =	vmul.f32 v53, v20;
	v20 =	vld [tilespmem:s12+$0x8630];
	v18 =	vmul.f32 v46, v18;
	v46, _, _ =	vpop (xrf2)  }
0x25b: {  	v47 =	vmul.f32 v47, v43;
	v31 =	vadd.f32 v31, v54;
	[tilespmem:v30+s26+$0x0] =	vst.idx.msk vm0, v46;
	v54, _, _ =	vpop (xrf2);
	v30 =	vld [tilespmem:s12+$0x8610]  }
0x25c: {  	v7 =	vbroadcast v0, $0x0;
	v46 =	vmov s15;
	s15 =	sor.u32 $0x1C, s7;
	[tilespmem:v24+s31+$0x0] =	vst.idx.msk vm0, v54;
	v38 =	vadd.f32 v18, v38;
	v23, _, _ =	vpop (xrf2);
	v18 =	vld [tilespmem:s12+$0x620]  }
0x25d: {  	v43 =	vmul.f32 v45, v43;
	v0 =	vmov s13;
	s17 =	sshll.u32 s15, $0x6;
	[tilespmem:v24+s26+$0x0] =	vst.idx.msk vm0, v23;
	v24 =	vadd.f32 v16, v31;
	v16 =	vld [tilespmem:s12+$0x4620]  }
0x25e: {  	v0 =	vshrl.u32 v0, $0x3;
	v45 =	vadd.f32 v47, v2;
	v2 =	vld [tilespmem:s17+$0x4600]  }
0x25f: {  	v9 =	vadd.f32 v43, v9;
	(xrf2) =	vadd.scan.msk.f32 $0xffff, v62;
	v62 =	vmul.f32 v44, v51;
	v0 =	vshll.u32 v0, v40;
	v43 =	vld [tilespmem:s17+$0x4610]  }
0x260: {  	v34 =	vmul.f32 v34, v25;
	(xrf2) =	vadd.scan.msk.f32 $0xffff, v6;
	v0 =	vadd.s32 $0x3, v0;
	v44 =	vld [tilespmem:s17+$0x8610]  }
0x261: {  	v62 =	vadd.f32 v62, v45;
	v54 =	vmov s22;
	v46 =	vshrl.u32 v46, $0x3;
	v31, _, _ =	vpop (xrf2);
	(xrf2) =	vadd.scan.msk.f32 $0xffff, v61;
	v45 =	vld [tilespmem:s17+$0x4630]  }
0x262: {  	v61 =	vshrl.u32 v54, $0x3;
	v54 =	vmul.f32 v49, v51;
	[tilespmem:v7+s31+$0x0] =	vst.idx.msk vm0, v31;
	v38 =	vadd.f32 v59, v38;
	v31 =	vld [tilespmem:s12+$0x8620]  }
0x263: {  	v49 =	vmul.f32 v39, v19;
	v51 =	vmul.f32 v58, v11;
	v59, _, _ =	vpop (xrf2);
	v55 =	vadd.f32 v55, v24;
	v24 =	vld [tilespmem:s17+$0x610]  }
0x264: {  	s19 =	sor.u32 $0x1D, s7;
	v23 =	vmov s25;
	[tilespmem:v7+s26+$0x0] =	vst.idx.msk vm0, v59;
	v7 =	vshll.u32 v46, v40;
	v38 =	vadd.f32 v36, v38;
	v36 =	vld [tilespmem:s17+$0x600]  }
0x265: {  	s20 =	sshll.u32 s19, $0x6;
	(xrf2) =	vadd.scan.msk.f32 $0xffff, v1;
	v59 =	vmov s0;
	v9 =	vadd.f32 v54, v9;
	v53 =	vadd.s32 $0x4, v7;
	v7 =	vld [tilespmem:s17+$0x8600]  }
0x266: {  	(xrf2) =	vadd.scan.msk.f32 $0xffff, v3;
	v54 =	vshrl.u32 v59, $0x3;
	v59 =	vmul.f32 v42, v17;
	v42 =	vld [tilespmem:s20+$0x8600];
	v1 =	vbroadcast v53, $0x0  }
0x267: {  	(xrf2) =	vadd.scan.msk.f32 $0xffff, v29;
	v53 =	vshll.u32 v61, v40;
	v61 =	vshrl.u32 v23, $0x3;
	v23 =	vadd.f32 v34, v62;
	v34 =	vld [tilespmem:s17+$0x4620]  }
0x268: {  	v26 =	vmul.f32 v26, v12;
	v0 =	vbroadcast v0, $0x0;
	v29 =	vadd.f32 v51, v49;
	(xrf2) =	vadd.scan.msk.f32 $0xffff, v22;
	v22 =	vld [tilespmem:s17+$0x8630]  }
0x269: {  	v6 =	vadd.s32 $0x5, v53;
	v53 =	vmul.f32 v63, v25;
	v25 =	vld [tilespmem:s17+$0x620]  }
0x26a: {  	v39 =	vshll.u32 v54, v40;
	v58 =	vadd.f32 v26, v29;
	v26 =	vld [tilespmem:s17+$0x630]  }
0x26b: {  	(xrf2) =	vadd.scan.msk.f32 $0xffff, v55;
	v46 =	vadd.s32 $0x7, v39;
	v39 =	vld [tilespmem:s20+$0x600]  }
0x26c: {  	v3 =	vshll.u32 v61, v40;
	v29 =	vld [tilespmem:s20+$0x610];
	(xrf2) =	vadd.scan.msk.f32 $0xffff, v38  }
0x26d: {  	v6 =	vbroadcast v6, $0x0;
	v3 =	vadd.s32 $0x6, v3;
	v38 =	vld [tilespmem:s17+$0x8620];
	v55, _, _ =	vpop (xrf2);
	v9 =	vadd.f32 v53, v9;
	(xrf2) =	vadd.scan.msk.f32 $0xffff, v23  }
0x26e: {  	[tilespmem:v0+s31+$0x0] =	vst.idx.msk vm0, v55;
	v61, _, _ =	vpop (xrf2);
	v3 =	vbroadcast v3, $0x0;
	v23 =	vbroadcast v46, $0x0;
	v55 =	vmov s21;
	v46 =	vld [tilespmem:s20+$0x4610]  }
0x26f: {  	v47 =	vadd.f32 v59, v58;
	[tilespmem:v0+s26+$0x0] =	vst.idx.msk vm0, v61;
	v61 =	vshrl.u32 v55, $0x3;
	v55 =	vmul.f32 v56, v17;
	v17 =	vld [tilespmem:s20+$0x8620]  }
0x270: {  	v50 =	vmul.f32 v50, v15;
	v5 =	vmul.f32 v5, v35;
	v62 =	vmov s18;
	v63, _, _ =	vpop (xrf2);
	(xrf2) =	vadd.scan.msk.f32 $0xffff, v9;
	v9 =	vld [tilespmem:s20+$0x4600]  }
0x271: {  	v4 =	vmul.f32 v4, v10;
	v51 =	vshrl.u32 v62, $0x3;
	[tilespmem:v1+s31+$0x0] =	vst.idx.msk vm0, v63;
	v49, _, _ =	vpop (xrf2);
	(xrf2) =	vadd.scan.msk.f32 $0xffff, v47;
	v47 =	vld [tilespmem:$0x1FFE0]  }
0x272: {  	v10 =	vmul.f32 v30, v10;
	v54 =	vshll.u32 v51, v40;
	[tilespmem:v1+s26+$0x0] =	vst.idx.msk vm0, v49;
	v53, _, _ =	vpop (xrf2);
	v49 =	vld [tilespmem:$0x1FFF0]  }
0x273: {  	v1 =	vbroadcast v54, $0x0;
	v54 =	vmul.f32 v60, v12;
	v12 =	vld [tilespmem:s20+$0x4620];
	v58, _, _ =	vpop (xrf2)  }
0x274: {  	v14 =	vmul.f32 v14, v57;
	s21 =	sor.u32 $0x1E, s7;
	v60 =	vmul.f32 v33, v15;
	v33 =	vld [tilespmem:s20+$0x4630];
	[tilespmem:v6+s31+$0x0] =	vst.idx.msk vm0, v53;
	v59, _, _ =	vpop (xrf2)  }
0x275: {  	v5 =	vadd.f32 v10, v5;
	s22 =	sshll.u32 s21, $0x6;
	[tilespmem:v3+s31+$0x0] =	vst.idx.msk vm0, v59;
	v59 =	vmul.f32 v48, v8;
	v48 =	vld [tilespmem:s20+$0x8630]  }
0x276: {  	v2 =	vmul.f32 v2, v36;
	[tilespmem:v6+s26+$0x0] =	vst.idx.msk vm0, v58;
	v58 =	vmul.f32 v52, v8;
	v62, _, _ =	vpop (xrf2);
	v8 =	vld [tilespmem:s22+$0x600]  }
0x277: {  	v15 =	vmov s11;
	v52 =	vmul.f32 v31, v18;
	[tilespmem:v3+s26+$0x0] =	vst.idx.msk vm0, v62;
	v3 =	vmul.f32 v47, v19;
	v19 =	vld [tilespmem:s20+$0x8610]  }
0x278: {  	v6 =	vshll.u32 v61, v40;
	v31 =	vmul.f32 v45, v26;
	v47 =	vld [tilespmem:s20+$0x620];
	v62 =	vmul.f32 v28, v57  }
0x279: {  	v63, _, _ =	vpop (xrf2);
	v28 =	vld [tilespmem:s22+$0x4600];
	v5 =	vadd.f32 v52, v5;
	v57 =	vmul.f32 v32, v13;
	v11 =	vmul.f32 v49, v11  }
0x27a: {  	v6 =	vadd.s32 $0x1, v6;
	v32 =	vld [tilespmem:s22+$0x4630];
	[tilespmem:v23+s31+$0x0] =	vst.idx.msk vm0, v63;
	v51, _, _ =	vpop (xrf2);
	v63 =	vmul.f32 v41, v21;
	v21 =	vmul.f32 v37, v21  }
0x27b: {  	v6 =	vbroadcast v6, $0x0;
	v37 =	vmul.f32 v27, v35;
	v27 =	vld [tilespmem:s22+$0x8600];
	[tilespmem:v23+s26+$0x0] =	vst.idx.msk vm0, v51;
	v53, _, _ =	vpop (xrf2);
	v3 =	vadd.f32 v11, v3  }
0x27c: {  	v13 =	vmul.f32 v20, v13;
	v49 =	vmov s15;
	v41 =	vmul.f32 v16, v18;
	v35 =	vld [tilespmem:s22+$0x8630];
	[tilespmem:v1+s31+$0x0] =	vst.idx.msk vm0, v53;
	v56, _, _ =	vpop (xrf2)  }
0x27d: {  	v23 =	vmov s30;
	v51 =	vld [tilespmem:s20+$0x630];
	v11 =	vadd.f32 v50, v58;
	v3 =	vadd.f32 v54, v3;
	[tilespmem:v1+s26+$0x0] =	vst.idx.msk vm0, v56  }
0x27e: {  	v50 =	vld [tilespmem:s22+$0x4610];
	v1 =	vadd.f32 v60, v59;
	v54 =	vmul.f32 v7, v36;
	v59 =	vmul.f32 v34, v25  }
0x27f: {  	v5 =	vadd.f32 v13, v5;
	v53 =	vld [tilespmem:s22+$0x8610];
	v34 =	vmul.f32 v22, v26;
	v36 =	vmul.f32 v9, v39  }
0x280: {  	v58 =	vld [tilespmem:s22+$0x4620];
	v61, _, _ =	vpop (xrf2);
	v11 =	vadd.f32 v14, v11;
	v39 =	vmul.f32 v42, v39;
	v19 =	vmul.f32 v19, v29  }
0x281: {  	v14 =	vld [tilespmem:s22+$0x610];
	v7 =	vmov s19;
	v42 =	vmul.f32 v12, v47;
	v45 =	vmul.f32 v28, v8;
	[tilespmem:v6+s31+$0x0] =	vst.idx.msk vm0, v61  }
0x282: {  	s25 =	sor.u32 $0x1F, s7;
	v56 =	vld [tilespmem:s22+$0x620];
	v61 =	vmul.f32 v38, v25;
	v8 =	vmul.f32 v27, v8;
	v0 =	vadd.f32 v55, v3  }
0x283: {  	s29 =	sshll.u32 s25, $0x6;
	v60 =	vld [tilespmem:s22+$0x8620];
	v1 =	vadd.f32 v62, v1;
	v11 =	vadd.f32 v63, v11;
	v55 =	vmul.f32 v43, v24  }
0x284: {  	v38 =	vld [tilespmem:s29+$0x600];
	v3 =	vadd.f32 v4, v37;
	v24 =	vmul.f32 v44, v24;
	v37 =	vmul.f32 v46, v29  }
0x285: {  	v27 =	vld [tilespmem:s29+$0x630];
	v43 =	vmul.f32 v17, v47;
	v10 =	vadd.f32 v19, v39;
	v29 =	vshrl.u32 v23, $0x3  }
0x286: {  	v62 =	vld [tilespmem:s22+$0x630];
	v39 =	vshrl.u32 v15, $0x3;
	v1 =	vadd.f32 v21, v1;
	v3 =	vadd.f32 v41, v3  }
0x287: {  	v44 =	vld [tilespmem:s29+$0x8600];
	v2 =	vadd.f32 v55, v2;
	v55 =	vmul.f32 v33, v51;
	v16 =	vmul.f32 v50, v14  }
0x288: {  	v46 =	vld [tilespmem:s29+$0x610];
	v4 =	vadd.f32 v24, v54;
	v47 =	vmul.f32 v53, v14;
	v53 =	vmul.f32 v58, v56  }
0x289: {  	(xrf2) =	vadd.scan.msk.f32 $0xffff, v0;
	v41 =	vld [tilespmem:s29+$0x4600];
	v10 =	vadd.f32 v43, v10;
	v56 =	vmul.f32 v60, v56;
	v58 =	vmul.f32 v48, v51  }
0x28a: {  	v54 =	vld [tilespmem:s29+$0x8610];
	(xrf2) =	vadd.scan.msk.f32 $0xffff, v11;
	v51 =	vmov s25;
	v3 =	vadd.f32 v57, v3;
	v63 =	vadd.f32 v59, v2  }
0x28b: {  	v33 =	vld [tilespmem:s29+$0x8630];
	v4 =	vadd.f32 v61, v4;
	v2 =	vadd.f32 v37, v36;
	(xrf2) =	vadd.scan.msk.f32 $0xffff, v1;
	v1 =	vshll.u32 v29, v40  }
0x28c: {  	v50 =	vld [tilespmem:s29+$0x4610];
	v52 =	vadd.f32 v16, v45;
	v8 =	vadd.f32 v47, v8;
	v59 =	vmul.f32 v32, v62  }
0x28d: {  	v60 =	vld [tilespmem:s29+$0x4620];
	v13 =	vmul.f32 v35, v62;
	v30 =	vmul.f32 v44, v38;
	v1 =	vadd.s32 $0x2, v1  }
0x28e: {  	v57 =	vld [tilespmem:s29+$0x620];
	v47 =	vshrl.u32 v7, $0x3;
	v0 =	vadd.f32 v31, v63;
	v4 =	vadd.f32 v34, v4  }
0x28f: {  	v62 =	vld [tilespmem:s29+$0x8620];
	v2 =	vadd.f32 v42, v2;
	v63 =	vadd.f32 v58, v10;
	v1 =	vbroadcast v1, $0x0  }
0x290: {  	v32 =	vld [tilespmem:s29+$0x4630];
	(xrf2) =	vadd.scan.msk.f32 $0xffff, v3;
	v3 =	vshll.u32 v39, v40;
	v42 =	vshrl.u32 v49, $0x3;
	v12 =	vadd.f32 v53, v52  }
0x291: {  	v8 =	vadd.f32 v56, v8;
	v24 =	vmul.f32 v41, v38;
	v26 =	vmul.f32 v50, v46  }
0x292: {  	v31 =	vmul.f32 v54, v46;
	(xrf2) =	vadd.scan.msk.f32 $0xffff, v5;
	v43 =	vadd.s32 $0x3, v3;
	v44 =	vshll.u32 v42, v40  }
0x293: {  	v2 =	vadd.f32 v55, v2;
	(xrf2) =	vadd.scan.msk.f32 $0xffff, v0;
	v35 =	vmul.f32 v60, v57;
	v34 =	vadd.f32 v26, v24  }
0x294: {  	v46 =	vmul.f32 v33, v27;
	v36 =	vadd.f32 v31, v30;
	(xrf2) =	vadd.scan.msk.f32 $0xffff, v4;
	v37 =	vmul.f32 v62, v57  }
0x295: {  	v21 =	vadd.f32 v59, v12;
	(xrf2) =	vadd.scan.msk.f32 $0xffff, v2;
	v45 =	vmul.f32 v32, v27;
	v38 =	vadd.f32 v35, v34  }
0x296: {  	v8 =	vadd.f32 v13, v8;
	v2 =	vbroadcast v43, $0x0;
	(xrf2) =	vadd.scan.msk.f32 $0xffff, v63;
	v41 =	vadd.f32 v37, v36  }
0x297: {  	v49 =	vmov s21;
	v3 =	vadd.s32 $0x4, v44;
	(xrf2) =	vadd.scan.msk.f32 $0xffff, v21;
	v0 =	vadd.f32 v45, v38  }
0x298: {  	v5 =	vshll.u32 v47, v40;
	v3 =	vbroadcast v3, $0x0;
	v61, _, _ =	vpop (xrf2);
	(xrf2) =	vadd.scan.msk.f32 $0xffff, v8;
	v4 =	vadd.f32 v46, v41  }
0x299: {  	v5 =	vadd.s32 $0x5, v5;
	[tilespmem:v6+s26+$0x0] =	vst.idx.msk vm0, v61;
	v48, _, _ =	vpop (xrf2);
	v6 =	vshrl.u32 v49, $0x3;
	(xrf2) =	vadd.scan.msk.f32 $0xffff, v0  }
0x29a: {  	v5 =	vbroadcast v5, $0x0;
	[tilespmem:v1+s31+$0x0] =	vst.idx.msk vm0, v48;
	v50, _, _ =	vpop (xrf2);
	v6 =	vshll.u32 v6, v40;
	(xrf2) =	vadd.scan.msk.f32 $0xffff, v4  }
0x29b: {  	v54 =	vshrl.u32 v51, $0x3;
	[tilespmem:v1+s26+$0x0] =	vst.idx.msk vm0, v50;
	v53 =	vadd.s32 $0x6, v6;
	v52, _, _ =	vpop (xrf2)  }
0x29c: {  	v1 =	vshll.u32 v54, v40;
	v0 =	vbroadcast v53, $0x0;
	v55, _, _ =	vpop (xrf2);
	[tilespmem:v2+s31+$0x0] =	vst.idx.msk vm0, v52  }
0x29d: {  	v1 =	vadd.s32 $0x7, v1;
	v56, _, _ =	vpop (xrf2);
	[tilespmem:v2+s26+$0x0] =	vst.idx.msk vm0, v55  }
0x29e: {  	v1 =	vbroadcast v1, $0x0;
	v57, _, _ =	vpop (xrf2);
	[tilespmem:v3+s31+$0x0] =	vst.idx.msk vm0, v56  }
0x29f: {  	v58, _, _ =	vpop (xrf2);
	[tilespmem:v3+s26+$0x0] =	vst.idx.msk vm0, v57  }
0x2a0: {  	p0 =	slt.u32 s7, $0x60;
	v59, _, _ =	vpop (xrf2);
	[tilespmem:v5+s31+$0x0] =	vst.idx.msk vm0, v58  }
.Ltmp0:
0x2a1: {  	v60, _, _ =	vpop (xrf2);
	[tilespmem:v5+s26+$0x0] =	vst.idx.msk vm0, v59;
	(pc) =	sbr.rel @p0 .LBB2_2-.Ltmp0, $4  }
0x2a2: {  	v61, _, _ =	vpop (xrf2);
	[tilespmem:v0+s31+$0x0] =	vst.idx.msk vm0, v60  }
0x2a3: {  	[tilespmem:v0+s26+$0x0] =	vst.idx.msk vm0, v61;
	v62, _, _ =	vpop (xrf2)  }
0x2a4: {  	s30 =	sadd.s32 $0x20, s7;
	[tilespmem:v1+s31+$0x0] =	vst.idx.msk vm0, v62;
	v63, _, _ =	vpop (xrf2)  }
0x2a5: {  	s7 =	smov.u32 s30;
	[tilespmem:v1+s26+$0x0] =	vst.idx.msk vm0, v63  }
0x2a6: {  	_ =	swait.ge [sflag:s28], $0x2000  }
0x2a7: {  	[sflag:s28] =	ssyncset.done $0x0  }
0x2a8: {  	[sflag:s28] =	ssyncadd.s32 $0xFFFFE000  }
0x2a9: {  	_ =	swait.ge [sflag:s28], $0x2000  }
0x2aa: {  	[sflag:s28] =	ssyncset.done $0x0  }
0x2ab: {  	[sflag:s28] =	ssyncadd.s32 $0xFFFFE000  }
0x2ac: {  	_ =	swait.ge [sflag:s28], $0x2000  }
0x2ad: {  	[sflag:s28] =	ssyncset.done $0x0  }
0x2ae: {  	[sflag:s28] =	ssyncadd.s32 $0xFFFFE000  }
0x2af: {  	_ =	swait.ge [sflag:s28], $0x80  }
0x2b0: {  	[sflag:s28] =	ssyncset.done $0x0  }
0x2b1: {  	s10 =	simm.s32 $0x100;
	s17 =	simm.s32 $0x600;
	[sflag:s28] =	ssyncadd.s32 $0xFFFFFF80  }
0x2b2: {  	[tilespmem:s17], [sflag:$0x1] =	stream.indirect.gather [hbm4b:s2+s24], $0x40, s10, s24, $0xb8;
	[tilespmem:$0xCC00] =	vst v63  }
0x2b3: {  	s11 =	simm.s32 $0x300;
	s18 =	simm.s32 $0x4600  }
0x2b4: {  	[tilespmem:s18], [sflag:$0x1] =	stream.indirect.gather [hbm4b:s5+s24], $0x40, s11, s24, $0xb8;
	[tilespmem:$0xCC00] =	vst v63  }
0x2b5: {  	s13 =	smov.u32 s2;
	s12 =	simm.s32 $0x500;
	s19 =	simm.s32 $0x8600  }
0x2b6: {  	[tilespmem:s19], [sflag:$0x1] =	stream.indirect.gather [hbm4b:s5+s24], $0x40, s12, s24, $0xb8;
	[tilespmem:$0xCC00] =	vst v63  }
0x2b7: {  	s4 =	smov.u32 s6;
	s0 =	simm.s32 $0xC700;
	s7 =	simm.s32 $0x0  }
0x2b8: {  	[tilespmem:s0], [sflag:$0x1] =	stream.indirect.gather [hbm4b:s6+s24], $0x1, s11, s24, $0xb8;
	[tilespmem:$0xCC00] =	vst v63  }
.LBB2_4:
0x2b9: {  	s8 =	sshll.u32 s7, $0x6  }
0x2ba: {  	v0 =	vld [tilespmem:s8+$0x2600]  }
0x2bb: {  	v1 =	vld [tilespmem:s8+$0x6600]  }
0x2bc: {  	v2 =	vld [tilespmem:s8+$0xA600]  }
0x2bd: {  	v3 =	vld [tilespmem:s8+$0x2610]  }
0x2be: {  	v5 =	vld [tilespmem:s8+$0xA610]  }
0x2bf: {  	v6 =	vld [tilespmem:s8+$0x2620]  }
0x2c0: {  	v8 =	vld [tilespmem:s8+$0xA620]  }
0x2c1: {  	v12 =	vld [tilespmem:s8+$0x2640]  }
0x2c2: {  	v13 =	vld [tilespmem:s8+$0x6640]  }
0x2c3: {  	v14 =	vld [tilespmem:s8+$0xA640]  }
0x2c4: {  	v15 =	vld [tilespmem:s8+$0x2650]  }
0x2c5: {  	v16 =	vld [tilespmem:s8+$0x6650]  }
0x2c6: {  	v17 =	vld [tilespmem:s8+$0xA650]  }
0x2c7: {  	v18 =	vld [tilespmem:s8+$0x2660]  }
0x2c8: {  	v20 =	vld [tilespmem:s8+$0xA660]  }
0x2c9: {  	v21 =	vld [tilespmem:s8+$0x2670]  }
0x2ca: {  	v23 =	vld [tilespmem:s8+$0xA670]  }
0x2cb: {  	v57 =	vld [tilespmem:s8+$0x26D0]  }
0x2cc: {  	v59 =	vld [tilespmem:s8+$0x66D0];
	v1 =	vmul.f32 v1, v0;
	v52 =	vmul.f32 v13, v12  }
0x2cd: {  	v61 =	vld [tilespmem:s8+$0xA6D0];
	v12 =	vmul.f32 v14, v12;
	v56 =	vmul.f32 v17, v15  }
0x2ce: {  	v0 =	vmul.f32 v2, v0;
	v42 =	vmul.f32 v5, v3  }
0x2cf: {  	v45 =	vmul.f32 v8, v6;
	v60 =	vmul.f32 v20, v18;
	v12 =	vadd.f32 v56, v12  }
0x2d0: {  	s22 =	sor.u32 $0x82, s7;
	v53 =	vmul.f32 v16, v15;
	v63 =	vmul.f32 v23, v21;
	v0 =	vadd.f32 v42, v0  }
0x2d1: {  	v15 =	vmul.f32 v59, v57;
	v59 =	vmov s22;
	v12 =	vadd.f32 v60, v12  }
0x2d2: {  	v0 =	vadd.f32 v45, v0;
	v45 =	vmul.f32 v61, v57;
	v61 =	vshrl.u32 v59, $0x3  }
0x2d3: {  	v12 =	vadd.f32 v63, v12;
	v63 =	vshll.u32 v61, v40;
	v61 =	vld [tilespmem:s8+$0x6860];
	_ =	sdelay $0x4  }
0x2d4: {  	[tilespmem:$0x1EE80] =	vst v61;
	v61 =	vld [tilespmem:s8+$0xA8D0];
	_ =	sdelay $0x4  }
0x2d5: {  	[tilespmem:$0x1EF50] =	vst v61;
	v61 =	vld [tilespmem:s8+$0x6910];
	_ =	sdelay $0x4  }
0x2d6: {  	[tilespmem:$0x1EFE0] =	vst v61;
	v61 =	vld [tilespmem:s8+$0xA930];
	_ =	sdelay $0x4  }
0x2d7: {  	[tilespmem:$0x1F030] =	vst v61;
	v61 =	vld [tilespmem:s8+$0x6960];
	_ =	sdelay $0x4  }
0x2d8: {  	[tilespmem:$0x1F080] =	vst v61;
	v61 =	vld [tilespmem:s8+$0xA970];
	_ =	sdelay $0x4  }
0x2d9: {  	[tilespmem:$0x1F0B0] =	vst v61;
	v61 =	vld [tilespmem:s8+$0x6980];
	_ =	sdelay $0x4  }
0x2da: {  	[tilespmem:$0x1F0C0] =	vst v61;
	v61 =	vld [tilespmem:s8+$0xA980];
	_ =	sdelay $0x4  }
0x2db: {  	[tilespmem:$0x1F0D0] =	vst v61;
	v61 =	vld [tilespmem:s8+$0x2990];
	_ =	sdelay $0x4  }
0x2dc: {  	[tilespmem:$0x1F0E0] =	vst v61;
	v61 =	vld [tilespmem:s8+$0x6990];
	_ =	sdelay $0x4  }
0x2dd: {  	[tilespmem:$0x1F0F0] =	vst v61;
	v61 =	vld [tilespmem:s8+$0xA990];
	_ =	sdelay $0x4  }
0x2de: {  	[tilespmem:$0x1F100] =	vst v61;
	v61 =	vld [tilespmem:s8+$0x29A0];
	_ =	sdelay $0x2  }
0x2df: {  	v4 =	vld [tilespmem:s8+$0x6610]  }
0x2e0: {  	v7 =	vld [tilespmem:s8+$0x6620]  }
0x2e1: {  	[tilespmem:$0x1F110] =	vst v61;
	v61 =	vld [tilespmem:s8+$0x69A0]  }
0x2e2: {  	v9 =	vld [tilespmem:s8+$0x2630]  }
0x2e3: {  	v10 =	vld [tilespmem:s8+$0x6630]  }
0x2e4: {  	v11 =	vld [tilespmem:s8+$0xA630]  }
0x2e5: {  	v19 =	vld [tilespmem:s8+$0x6660]  }
0x2e6: {  	[tilespmem:$0x1F120] =	vst v61;
	v61 =	vld [tilespmem:s8+$0xA9A0]  }
0x2e7: {  	v22 =	vld [tilespmem:s8+$0x6670]  }
0x2e8: {  	v24 =	vld [tilespmem:s8+$0x2680]  }
0x2e9: {  	v25 =	vld [tilespmem:s8+$0x6680]  }
0x2ea: {  	v26 =	vld [tilespmem:s8+$0xA680]  }
0x2eb: {  	[tilespmem:$0x1F130] =	vst v61;
	v61 =	vld [tilespmem:s8+$0x29B0]  }
0x2ec: {  	v27 =	vld [tilespmem:s8+$0x2690]  }
0x2ed: {  	v28 =	vld [tilespmem:s8+$0x6690]  }
0x2ee: {  	v29 =	vld [tilespmem:s8+$0xA690]  }
0x2ef: {  	v30 =	vld [tilespmem:s8+$0x26A0]  }
0x2f0: {  	[tilespmem:$0x1F1D0] =	vst v61;
	v61 =	vld [tilespmem:s8+$0x69B0]  }
0x2f1: {  	v31 =	vld [tilespmem:s8+$0x66A0]  }
0x2f2: {  	v43 =	vld [tilespmem:s8+$0xA6A0]  }
0x2f3: {  	v46 =	vld [tilespmem:s8+$0x66B0]  }
0x2f4: {  	v48 =	vld [tilespmem:s8+$0xA6B0]  }
0x2f5: {  	[tilespmem:$0x1F1E0] =	vst v61;
	v61 =	vld [tilespmem:s8+$0xA9B0]  }
0x2f6: {  	v50 =	vld [tilespmem:s8+$0x26C0]  }
0x2f7: {  	v51 =	vld [tilespmem:s8+$0x66C0]  }
0x2f8: {  	v54 =	vld [tilespmem:s8+$0xA6C0]  }
0x2f9: {  	v32 =	vld [tilespmem:s8+$0x26E0]  }
0x2fa: {  	[tilespmem:$0x1F1F0] =	vst v61;
	v61 =	vld [tilespmem:s8+$0x29C0]  }
0x2fb: {  	v35 =	vld [tilespmem:s8+$0x66E0]  }
0x2fc: {  	v38 =	vld [tilespmem:s8+$0xA6E0]  }
0x2fd: {  	v41 =	vld [tilespmem:s8+$0x26F0]  }
0x2fe: {  	v5 =	vld [tilespmem:s8+$0x26B0]  }
0x2ff: {  	[tilespmem:$0x1F140] =	vst v61;
	v61 =	vld [tilespmem:s8+$0x69C0]  }
0x300: {  	v4 =	vmul.f32 v4, v3;
	v3 =	vmul.f32 v43, v30;
	v43 =	vld [tilespmem:s8+$0x66F0]  }
0x301: {  	v44 =	vmul.f32 v7, v6;
	v6 =	vld [tilespmem:s8+$0x2760]  }
0x302: {  	v58 =	vmul.f32 v19, v18;
	v18 =	vld [tilespmem:s8+$0xA780]  }
0x303: {  	v19 =	vld [tilespmem:s8+$0xA7A0]  }
0x304: {  	[tilespmem:$0x1F150] =	vst v61;
	v61 =	vld [tilespmem:s8+$0xA9C0]  }
0x305: {  	v20 =	vld [tilespmem:s8+$0x67B0]  }
0x306: {  	v62 =	vmul.f32 v22, v21;
	v21 =	vld [tilespmem:s8+$0xA7B0]  }
0x307: {  	v22 =	vld [tilespmem:s8+$0x67C0]  }
0x308: {  	v23 =	vld [tilespmem:s8+$0xA7C0]  }
0x309: {  	[tilespmem:$0x1F160] =	vst v61;
	v61 =	vld [tilespmem:s8+$0x29D0]  }
0x30a: {  	v33 =	vmul.f32 v25, v24;
	v36 =	vmul.f32 v26, v24;
	v24 =	vld [tilespmem:s8+$0xA7D0]  }
0x30b: {  	v25 =	vld [tilespmem:s8+$0x67E0]  }
0x30c: {  	v26 =	vld [tilespmem:s8+$0xA7E0]  }
0x30d: {  	v34 =	vmul.f32 v28, v27;
	v37 =	vmul.f32 v29, v27;
	v27 =	vld [tilespmem:s8+$0x67F0]  }
0x30e: {  	[tilespmem:$0x1F170] =	vst v61;
	v61 =	vld [tilespmem:s8+$0x69D0]  }
0x30f: {  	v28 =	vld [tilespmem:s8+$0xA7F0]  }
0x310: {  	v29 =	vld [tilespmem:s8+$0x6800]  }
0x311: {  	v39 =	vmul.f32 v31, v30;
	v30 =	vld [tilespmem:s8+$0xA800]  }
0x312: {  	v31 =	vld [tilespmem:s8+$0x6810]  }
0x313: {  	[tilespmem:$0x1F180] =	vst v61;
	v61 =	vld [tilespmem:s8+$0xA9D0]  }
0x314: {  	v47 =	vmul.f32 v10, v9;
	v49 =	vmul.f32 v11, v9;
	v9 =	vadd.f32 v37, v36;
	v37 =	vld [tilespmem:s8+$0x6700]  }
0x315: {  	v13 =	vadd.f32 v34, v33;
	v33 =	vld [tilespmem:s8+$0xA710]  }
0x316: {  	v34 =	vld [tilespmem:s8+$0x6720]  }
0x317: {  	v36 =	vld [tilespmem:s8+$0xA720]  }
0x318: {  	s21 =	sor.u32 $0x81, s7;
	v8 =	vmul.f32 v54, v50;
	v1 =	vadd.f32 v4, v1;
	[tilespmem:$0x1F190] =	vst v61;
	v61 =	vld [tilespmem:s8+$0x29E0]  }
0x319: {  	v42 =	vmov s21;
	v4 =	vmul.f32 v51, v50;
	v50 =	vmul.f32 v38, v32;
	v38 =	vld [tilespmem:s8+$0x6730]  }
0x31a: {  	s25 =	sor.u32 $0x83, s7;
	v56 =	vshrl.u32 v42, $0x3;
	v42 =	vld [tilespmem:s8+$0x6740]  }
0x31b: {  	v7 =	vmov s25;
	v1 =	vadd.f32 v44, v1;
	v44 =	vld [tilespmem:s8+$0xA6F0]  }
0x31c: {  	v3 =	vadd.f32 v3, v9;
	v9 =	vshrl.u32 v7, $0x3;
	v7 =	vld [tilespmem:s8+$0x2740]  }
0x31d: {  	v2 =	vadd.f32 v53, v52;
	[tilespmem:$0x1F1A0] =	vst v61;
	v61 =	vld [tilespmem:s8+$0x69E0]  }
0x31e: {  	v13 =	vadd.f32 v39, v13;
	v39 =	vld [tilespmem:s8+$0xA810]  }
0x31f: {  	v2 =	vadd.f32 v58, v2;
	v58 =	vshll.u32 v56, v40;
	v56 =	vld [tilespmem:s8+$0x6850]  }
0x320: {  	v59 =	vld [tilespmem:s8+$0xA850]  }
0x321: {  	v46 =	vmul.f32 v46, v5;
	v48 =	vmul.f32 v48, v5;
	v5 =	vld [tilespmem:s8+$0x2750]  }
0x322: {  	[tilespmem:$0x1F1B0] =	vst v61;
	v61 =	vld [tilespmem:s8+$0xA9E0]  }
0x323: {  	v52 =	vmul.f32 v43, v41;
	v43 =	vld [tilespmem:s8+$0xA750]  }
0x324: {  	[tilespmem:$0x1ED20] =	vst v19;
	v19 =	vld [tilespmem:s8+$0x2800]  }
0x325: {  	[tilespmem:$0x1ED10] =	vst v18;
	v18 =	vld [tilespmem:s8+$0x2820]  }
0x326: {  	[tilespmem:$0x1ED60] =	vst v20;
	v20 =	vld [tilespmem:s8+$0x2830]  }
0x327: {  	[tilespmem:$0x1F1C0] =	vst v61;
	v61 =	vld [tilespmem:s8+$0x29F0]  }
0x328: {  	[tilespmem:$0x1ED80] =	vst v21;
	v21 =	vld [tilespmem:s8+$0x2850]  }
0x329: {  	[tilespmem:$0x1ED30] =	vst v22;
	v22 =	vld [tilespmem:s8+$0x2860]  }
0x32a: {  	[tilespmem:$0x1ED50] =	vst v24;
	v24 =	vld [tilespmem:s8+$0x6870]  }
0x32b: {  	[tilespmem:$0x1ED70] =	vst v25;
	v25 =	vld [tilespmem:s8+$0xA870]  }
0x32c: {  	[tilespmem:$0x1F200] =	vst v61;
	v61 =	vld [tilespmem:s8+$0x69F0]  }
0x32d: {  	[tilespmem:$0x1ED90] =	vst v26;
	v26 =	vld [tilespmem:s8+$0x6880]  }
0x32e: {  	[tilespmem:$0x1EDA0] =	vst v27;
	v27 =	vld [tilespmem:s8+$0xA880]  }
0x32f: {  	[tilespmem:$0x1ED40] =	vst v23;
	v23 =	vld [tilespmem:s8+$0x2890]  }
0x330: {  	[tilespmem:$0x1EDB0] =	vst v28;
	v28 =	vld [tilespmem:s8+$0x6890]  }
0x331: {  	[tilespmem:$0x1F210] =	vst v61;
	v61 =	vld [tilespmem:s8+$0xA9F0]  }
0x332: {  	[tilespmem:$0x1EDC0] =	vst v29;
	v29 =	vld [tilespmem:s8+$0xA890]  }
0x333: {  	[tilespmem:$0x1EDE0] =	vst v30;
	v30 =	vld [tilespmem:s8+$0x68A0]  }
0x334: {  	[tilespmem:$0x1EDD0] =	vst v31;
	v31 =	vld [tilespmem:s8+$0xA8A0]  }
0x335: {  	v1 =	vadd.f32 v47, v1;
	v47 =	vmul.f32 v35, v32;
	v35 =	vld [tilespmem:s8+$0xA700]  }
0x336: {  	[tilespmem:$0x1F220] =	vst v61;
	v61 =	vld [tilespmem:s8+$0x2A00]  }
0x337: {  	v4 =	vadd.f32 v15, v4;
	v32 =	vld [tilespmem:s8+$0x6710]  }
0x338: {  	v0 =	vadd.f32 v49, v0;
	v49 =	vadd.f32 v45, v8;
	v45 =	vld [tilespmem:s8+$0x6820]  }
0x339: {  	v8 =	vadd.s32 $0x2, v63;
	v63 =	vld [tilespmem:s8+$0xA860]  }
0x33a: {  	v51 =	vadd.f32 v47, v4;
	v4 =	vld [tilespmem:s8+$0x2700]  }
0x33b: {  	[tilespmem:$0x1F230] =	vst v61;
	v61 =	vld [tilespmem:s8+$0x6A00]  }
0x33c: {  	(xrf2) =	vadd.scan.msk.f32 $0xffff, v1;
	v1 =	vadd.f32 v46, v13;
	v46 =	vld [tilespmem:s8+$0x6750]  }
0x33d: {  	v47 =	vld [tilespmem:s8+$0xA760]  }
0x33e: {  	v53 =	vadd.f32 v50, v49;
	v49 =	vld [tilespmem:s8+$0xA820]  }
0x33f: {  	v50 =	vld [tilespmem:s8+$0x6830]  }
0x340: {  	[tilespmem:$0x1F240] =	vst v61;
	v61 =	vld [tilespmem:s8+$0xAA00]  }
0x341: {  	(xrf2) =	vadd.scan.msk.f32 $0xffff, v0;
	v0 =	vadd.f32 v48, v3;
	v3 =	vld [tilespmem:s8+$0x2730]  }
0x342: {  	v48 =	vld [tilespmem:s8+$0xA740]  }
0x343: {  	v54 =	vmul.f32 v44, v41;
	v41 =	vld [tilespmem:s8+$0x6770]  }
0x344: {  	v44 =	vld [tilespmem:s8+$0x6790]  }
0x345: {  	[tilespmem:$0x1F270] =	vst v61;
	v61 =	vld [tilespmem:s8+$0x2A10]  }
0x346: {  	[tilespmem:$0x1EE50] =	vst v56;
	v56 =	vld [tilespmem:s8+$0x28B0]  }
0x347: {  	v2 =	vadd.f32 v62, v2;
	[tilespmem:$0x1EDF0] =	vst v39;
	v39 =	vld [tilespmem:s8+$0x68B0]  }
0x348: {  	[tilespmem:$0x1EE70] =	vst v59;
	v59 =	vld [tilespmem:s8+$0x68D0]  }
0x349: {  	(xrf2) =	vadd.scan.msk.f32 $0xffff, v2;
	v2 =	vadd.s32 $0x1, v58;
	v58 =	vld [tilespmem:s8+$0x67D0]  }
0x34a: {  	[tilespmem:$0x1F250] =	vst v61;
	v61 =	vld [tilespmem:s8+$0x6A10]  }
0x34b: {  	v57 =	vadd.f32 v52, v51;
	v51 =	vld [tilespmem:s8+$0xA830]  }
0x34c: {  	v52 =	vld [tilespmem:s8+$0x6840]  }
0x34d: {  	[tilespmem:$0x1EEC0] =	vst v26;
	v26 =	vld [tilespmem:s8+$0x28A0]  }
0x34e: {  	[tilespmem:$0x1EEA0] =	vst v24;
	v24 =	vld [tilespmem:s8+$0x28C0]  }
0x34f: {  	[tilespmem:$0x1F260] =	vst v61;
	v61 =	vld [tilespmem:s8+$0xAA10]  }
0x350: {  	[tilespmem:$0x1EEB0] =	vst v25;
	v25 =	vld [tilespmem:s8+$0x28D0]  }
0x351: {  	[tilespmem:$0x1EEE0] =	vst v27;
	v27 =	vld [tilespmem:s8+$0x28E0]  }
0x352: {  	[tilespmem:$0x1EED0] =	vst v28;
	v28 =	vld [tilespmem:s8+$0x28F0]  }
0x353: {  	[tilespmem:$0x1EEF0] =	vst v29;
	v29 =	vld [tilespmem:s8+$0x2900]  }
0x354: {  	[tilespmem:$0x1F280] =	vst v61;
	v61 =	vld [tilespmem:s8+$0x2A20]  }
0x355: {  	[tilespmem:$0x1EF00] =	vst v30;
	v30 =	vld [tilespmem:s8+$0x2920]  }
0x356: {  	[tilespmem:$0x1EF10] =	vst v31;
	v31 =	vld [tilespmem:s8+$0x2950]  }
0x357: {  	v60 =	vadd.f32 v54, v53;
	v54 =	vld [tilespmem:s8+$0x6760]  }
0x358: {  	v62 =	vbroadcast v2, $0x0;
	v2 =	vshll.u32 v9, v40;
	v9 =	vld [tilespmem:s8+$0x2790]  }
0x359: {  	[tilespmem:$0x1F290] =	vst v61;
	v61 =	vld [tilespmem:s8+$0x6A20]  }
0x35a: {  	v53 =	vld [tilespmem:s8+$0xA840]  }
0x35b: {  	(xrf2) =	vadd.scan.msk.f32 $0xffff, v12;
	[tilespmem:$0x1EE00] =	vst v45;
	v45 =	vld [tilespmem:s8+$0x2870]  }
0x35c: {  	(xrf2) =	vadd.scan.msk.f32 $0xffff, v1;
	v1 =	vld [tilespmem:s8+$0x2710]  }
0x35d: {  	[tilespmem:$0x1EE90] =	vst v63;
	v63 =	vld [tilespmem:s8+$0x68E0]  }
0x35e: {  	[tilespmem:$0x1F2A0] =	vst v61;
	v61 =	vld [tilespmem:s8+$0xAA20]  }
0x35f: {  	(xrf2) =	vadd.scan.msk.f32 $0xffff, v0;
	v0 =	vbroadcast v8, $0x0;
	v8 =	vld [tilespmem:s8+$0x2770]  }
0x360: {  	[tilespmem:$0x1EE10] =	vst v49;
	v49 =	vld [tilespmem:s8+$0x2840]  }
0x361: {  	[tilespmem:$0x1EE20] =	vst v50;
	v50 =	vld [tilespmem:s8+$0xA8B0]  }
0x362: {  	v37 =	vmul.f32 v37, v4;
	v4 =	vmul.f32 v35, v4;
	v35 =	vld [tilespmem:s8+$0xAA80]  }
0x363: {  	[tilespmem:$0x1F2B0] =	vst v61;
	v61 =	vld [tilespmem:s8+$0x2A30]  }
0x364: {  	(xrf2) =	vadd.scan.msk.f32 $0xffff, v57;
	v57 =	vld [tilespmem:s8+$0xA790]  }
0x365: {  	[tilespmem:$0x1EF60] =	vst v39;
	v39 =	vld [tilespmem:s8+$0xA8E0]  }
0x366: {  	s0 =	sor.u32 $0x80, s7;
	[tilespmem:$0x1EF40] =	vst v59;
	v59 =	vld [tilespmem:s8+$0xA900]  }
0x367: {  	v55 =	vmov s0;
	(xrf2) =	vadd.scan.msk.f32 $0xffff, v60;
	v60 =	vld [tilespmem:s8+$0xA770]  }
0x368: {  	v11 =	vshrl.u32 v55, $0x3;
	[tilespmem:$0x1F2C0] =	vst v61;
	v61 =	vld [tilespmem:s8+$0x6A30]  }
0x369: {  	v11 =	vshll.u32 v11, v40;
	[tilespmem:$0x1EE30] =	vst v51;
	v51 =	vld [tilespmem:s8+$0x2880]  }
0x36a: {  	v55 =	vbroadcast v11, $0x0;
	[tilespmem:$0x1EE40] =	vst v52;
	v52 =	vld [tilespmem:s8+$0x68C0]  }
0x36b: {  	[tilespmem:$0x1EE60] =	vst v53;
	v53 =	vld [tilespmem:s8+$0xA8C0]  }
0x36c: {  	[tilespmem:$0x1EF80] =	vst v63;
	v63 =	vld [tilespmem:s8+$0xA910]  }
0x36d: {  	[tilespmem:$0x1F2D0] =	vst v61;
	v61 =	vld [tilespmem:s8+$0xAA30]  }
0x36e: {  	[tilespmem:$0x1EF70] =	vst v50;
	v50 =	vld [tilespmem:s8+$0x68F0]  }
0x36f: {  	v10, _, _ =	vpop (xrf2);
	[tilespmem:$0x1F390] =	vst v35;
	v35 =	vmul.f32 v43, v5;
	v43 =	vld [tilespmem:s8+$0xAAA0]  }
0x370: {  	[tilespmem:v55+s31+$0x0] =	vst.idx.msk vm0, v10;
	v10 =	vld [tilespmem:s8+$0x2780]  }
0x371: {  	[tilespmem:$0x1EFD0] =	vst v59;
	v59 =	vld [tilespmem:s8+$0x2910]  }
0x372: {  	v32 =	vmul.f32 v32, v1;
	[tilespmem:$0x1F2E0] =	vst v61;
	v61 =	vld [tilespmem:s8+$0x2A40]  }
0x373: {  	[tilespmem:$0x1EF90] =	vst v39;
	v39 =	vld [tilespmem:s8+$0x6920]  }
0x374: {  	v11, _, _ =	vpop (xrf2);
	v32 =	vadd.f32 v32, v37;
	v37 =	vld [tilespmem:s8+$0x6A80]  }
0x375: {  	[tilespmem:v55+s26+$0x0] =	vst.idx.msk vm0, v11;
	v55 =	vld [tilespmem:s8+$0x6780]  }
0x376: {  	v11 =	vld [tilespmem:s8+$0x27D0]  }
0x377: {  	[tilespmem:$0x1F2F0] =	vst v61;
	v61 =	vld [tilespmem:s8+$0x6A40]  }
0x378: {  	v12, _, _ =	vpop (xrf2);
	[tilespmem:$0x1EF20] =	vst v52;
	v52 =	vld [tilespmem:s8+$0xA8F0]  }
0x379: {  	[tilespmem:v62+s31+$0x0] =	vst.idx.msk vm0, v12;
	v12 =	vld [tilespmem:s8+$0x27A0]  }
0x37a: {  	v13, _, _ =	vpop (xrf2);
	[tilespmem:$0x1EF30] =	vst v53;
	v53 =	vld [tilespmem:s8+$0x6900]  }
0x37b: {  	[tilespmem:v62+s26+$0x0] =	vst.idx.msk vm0, v13;
	v62 =	vld [tilespmem:s8+$0x67A0]  }
0x37c: {  	[tilespmem:$0x1F300] =	vst v61;
	v61 =	vld [tilespmem:s8+$0xAA40]  }
0x37d: {  	v13 =	vld [tilespmem:s8+$0x27C0]  }
0x37e: {  	v14, _, _ =	vpop (xrf2);
	[tilespmem:$0x1EFF0] =	vst v63;
	v63 =	vld [tilespmem:s8+$0x6940]  }
0x37f: {  	[tilespmem:v0+s31+$0x0] =	vst.idx.msk vm0, v14;
	v14 =	vld [tilespmem:s8+$0x27E0]  }
0x380: {  	[tilespmem:$0x1EFA0] =	vst v50;
	v50 =	vld [tilespmem:s8+$0xA920]  }
0x381: {  	v2 =	vadd.s32 $0x3, v2;
	[tilespmem:$0x1F310] =	vst v61;
	v61 =	vld [tilespmem:s8+$0x2A50]  }
0x382: {  	v2 =	vbroadcast v2, $0x0;
	v15, _, _ =	vpop (xrf2);
	[tilespmem:$0x1F3D0] =	vst v43;
	v43 =	vld [tilespmem:$0x1ED30]  }
0x383: {  	[tilespmem:v0+s26+$0x0] =	vst.idx.msk vm0, v15;
	v0 =	vld [tilespmem:s8+$0xA730]  }
0x384: {  	v15 =	vld [tilespmem:s8+$0x27F0]  }
0x385: {  	[tilespmem:$0x1F000] =	vst v39;
	v39 =	vld [tilespmem:s8+$0xA940]  }
0x386: {  	[tilespmem:$0x1F320] =	vst v61;
	v61 =	vld [tilespmem:s8+$0x6A50]  }
0x387: {  	v16, _, _ =	vpop (xrf2);
	[tilespmem:$0x1F380] =	vst v37;
	v37 =	vld [tilespmem:s8+$0x2A90]  }
0x388: {  	[tilespmem:v2+s31+$0x0] =	vst.idx.msk vm0, v16;
	v16 =	vld [tilespmem:s8+$0x2810]  }
0x389: {  	v17, _, _ =	vpop (xrf2);
	[tilespmem:$0x1EFB0] =	vst v52;
	v52 =	vld [tilespmem:s8+$0x6930]  }
0x38a: {  	[tilespmem:v2+s26+$0x0] =	vst.idx.msk vm0, v17;
	v2 =	vld [tilespmem:s8+$0x2720]  }
0x38b: {  	[tilespmem:$0x1F330] =	vst v61;
	v61 =	vld [tilespmem:s8+$0xAA50]  }
0x38c: {  	v17 =	vld [tilespmem:s8+$0x27B0]  }
0x38d: {  	[tilespmem:$0x1EFC0] =	vst v53;
	v53 =	vld [tilespmem:s8+$0x2930]  }
0x38e: {  	[tilespmem:$0x1F040] =	vst v63;
	v63 =	vld [tilespmem:s8+$0x2960]  }
0x38f: {  	[tilespmem:$0x1F010] =	vst v50;
	v50 =	vld [tilespmem:s8+$0xA950]  }
0x390: {  	[tilespmem:$0x1F340] =	vst v61;
	v61 =	vld [tilespmem:s8+$0x2A60]  }
0x391: {  	[tilespmem:$0x1F060] =	vst v39;
	v39 =	vld [tilespmem:s8+$0x6950]  }
0x392: {  	[tilespmem:$0x1F3A0] =	vst v37;
	v37 =	vld [tilespmem:s8+$0x2AA0]  }
0x393: {  	v1 =	vmul.f32 v33, v1;
	[tilespmem:$0x1F020] =	vst v52;
	v52 =	vld [tilespmem:s8+$0x2940];
	v33 =	vmul.f32 v34, v2  }
0x394: {  	v2 =	vmul.f32 v36, v2;
	v36 =	vmul.f32 v38, v3;
	v38 =	vld [tilespmem:s8+$0x6A90]  }
0x395: {  	[tilespmem:$0x1F350] =	vst v61;
	v61 =	vld [tilespmem:s8+$0x6A60]  }
0x396: {  	v42 =	vmul.f32 v42, v7;
	v46 =	vmul.f32 v46, v5;
	v1 =	vadd.f32 v1, v4;
	[tilespmem:$0x1F070] =	vst v50;
	v50 =	vld [tilespmem:s8+$0xA960]  }
0x397: {  	v4 =	vadd.f32 v33, v32;
	v32 =	vld [tilespmem:s8+$0xAA90]  }
0x398: {  	v1 =	vadd.f32 v2, v1;
	v2 =	vadd.f32 v46, v42;
	v46 =	vld [tilespmem:s8+$0x6AA0]  }
0x399: {  	v42 =	vmul.f32 v60, v8;
	v60 =	vmul.f32 v57, v9;
	v57 =	vld [tilespmem:s8+$0xAAB0]  }
0x39a: {  	v33 =	vmul.f32 v48, v7;
	[tilespmem:$0x1F360] =	vst v61;
	v61 =	vld [tilespmem:s8+$0xAA60]  }
0x39b: {  	v48 =	vmul.f32 v44, v9;
	v44 =	vmul.f32 v58, v11;
	v58 =	vld [tilespmem:$0x1ED40]  }
0x39c: {  	[tilespmem:$0x1F050] =	vst v39;
	v39 =	vld [tilespmem:s8+$0x2970]  }
0x39d: {  	v0 =	vmul.f32 v0, v3;
	v34 =	vadd.f32 v36, v4;
	v36 =	vmul.f32 v54, v6;
	v54 =	vld [tilespmem:s8+$0x2AB0];
	[tilespmem:$0x1F3B0] =	vst v38  }
0x39e: {  	v38 =	vmul.f32 v47, v6;
	v47 =	vmul.f32 v55, v10;
	v55 =	vld [tilespmem:$0x1ED10];
	[tilespmem:$0x1F090] =	vst v50  }
0x39f: {  	[tilespmem:$0x1F370] =	vst v61;
	v61 =	vld [tilespmem:s8+$0x2A70]  }
0x3a0: {  	v2 =	vadd.f32 v36, v2;
	v50 =	vld [tilespmem:s8+$0x6970];
	[tilespmem:$0x1F3C0] =	vst v32;
	v32 =	vadd.f32 v0, v1  }
0x3a1: {  	v0 =	vadd.f32 v35, v33;
	v36 =	vadd.f32 v48, v47;
	v48 =	vld [tilespmem:s8+$0x2AC0]  }
0x3a2: {  	v47 =	vld [tilespmem:s8+$0x6AC0]  }
0x3a3: {  	v0 =	vadd.f32 v38, v0;
	v38 =	vmul.f32 v62, v12;
	v62 =	vld [tilespmem:s8+$0xAAC0]  }
0x3a4: {  	[tilespmem:$0x1F3E0] =	vst v61;
	v61 =	vld [tilespmem:s8+$0x6A70]  }
0x3a5: {  	v41 =	vmul.f32 v41, v8;
	v4 =	vmul.f32 v55, v10;
	v55 =	vld [tilespmem:s8+$0x6AB0]  }
0x3a6: {  	v33 =	vadd.f32 v42, v0;
	v42 =	vld [tilespmem:$0x1ED20]  }
0x3a7: {  	v9 =	vadd.f32 v41, v2;
	v41 =	vadd.f32 v60, v4;
	v60 =	vld [tilespmem:$0x1ED50]  }
0x3a8: {  	v10 =	vld [tilespmem:$0x1ED60]  }
0x3a9: {  	[tilespmem:$0x1F3F0] =	vst v61;
	v61 =	vld [tilespmem:s8+$0xAA70]  }
0x3aa: {  	[tilespmem:$0x1F0A0] =	vst v50;
	v50 =	vld [tilespmem:s8+$0x2980]  }
0x3ab: {  	v3 =	vmul.f32 v42, v12;
	v12 =	vld [tilespmem:$0x1ED80]  }
0x3ac: {  	[tilespmem:$0x1F410] =	vst v47;
	v5 =	vmul.f32 v60, v11;
	v11 =	vld [tilespmem:$0x1ED70]  }
0x3ad: {  	[tilespmem:$0x1F430] =	vst v62;
	v0 =	vadd.f32 v3, v41;
	v3 =	vmul.f32 v58, v13;
	v58 =	vld [tilespmem:s8+$0x2AD0]  }
0x3ae: {  	[tilespmem:$0x1F400] =	vst v61;
	v61 =	vld [tilespmem:s8+$0x2A80]  }
0x3af: {  	v2 =	vmul.f32 v43, v13;
	v13 =	vld [tilespmem:$0x1ED90]  }
0x3b0: {  	v35 =	vld [tilespmem:$0x1EDA0]  }
0x3b1: {  	v1 =	vadd.f32 v38, v36;
	v36 =	vld [tilespmem:s8+$0xAAD0]  }
0x3b2: {  	v41 =	vld [tilespmem:$0x1EDB0]  }
0x3b3: {  	v60 =	vld [tilespmem:s8+$0x2AE0]  }
0x3b4: {  	v42 =	vld [tilespmem:$0x1EDC0]  }
0x3b5: {  	v43 =	vld [tilespmem:$0x1EDD0]  }
0x3b6: {  	v2 =	vadd.f32 v44, v2;
	v44 =	vld [tilespmem:s8+$0x6AE0]  }
0x3b7: {  	v47 =	vld [tilespmem:$0x1EDE0]  }
0x3b8: {  	v62 =	vld [tilespmem:$0x1EDF0]  }
0x3b9: {  	v4 =	vmul.f32 v10, v17;
	v10 =	vld [tilespmem:s8+$0xAAE0]  }
0x3ba: {  	v6 =	vmul.f32 v11, v14;
	v11 =	vld [tilespmem:$0x1EE00]  }
0x3bb: {  	v7 =	vmul.f32 v12, v17;
	v12 =	vld [tilespmem:$0x1EE10]  }
0x3bc: {  	(xrf2) =	vadd.scan.msk.f32 $0xffff, v34;
	v34 =	vld [tilespmem:$0x1EFD0]  }
0x3bd: {  	(xrf2) =	vadd.scan.msk.f32 $0xffff, v32;
	v32 =	vld [tilespmem:s8+$0xAB40]  }
0x3be: {  	(xrf2) =	vadd.scan.msk.f32 $0xffff, v9;
	v9 =	vld [tilespmem:s8+$0x6B80]  }
0x3bf: {  	(xrf2) =	vadd.scan.msk.f32 $0xffff, v33;
	v33 =	vld [tilespmem:s8+$0xAB60]  }
0x3c0: {  	v3 =	vadd.f32 v5, v3;
	v8 =	vadd.f32 v7, v0;
	v5 =	vmul.f32 v13, v14;
	v14 =	vld [tilespmem:s8+$0x6AD0]  }
0x3c1: {  	v13 =	vadd.f32 v4, v1;
	v1 =	vmul.f32 v42, v19;
	v0 =	vmul.f32 v47, v19;
	v19 =	vld [tilespmem:s8+$0xAAF0]  }
0x3c2: {  	v17 =	vadd.f32 v6, v2;
	v2 =	vmul.f32 v35, v15;
	v35 =	vld [tilespmem:$0x1EE70]  }
0x3c3: {  	v42 =	vld [tilespmem:s8+$0x6B00]  }
0x3c4: {  	[tilespmem:$0x1F450] =	vst v44;
	v44 =	vld [tilespmem:$0x1EE90]  }
0x3c5: {  	v47 =	vld [tilespmem:s8+$0xAB00]  }
0x3c6: {  	[tilespmem:$0x1F530] =	vst v32;
	v32 =	vld [tilespmem:$0x1F020]  }
0x3c7: {  	v38 =	vadd.f32 v5, v3;
	v5 =	vmul.f32 v62, v16;
	v62 =	vld [tilespmem:s8+$0x2AF0]  }
0x3c8: {  	v3 =	vmul.f32 v41, v15;
	v15 =	vld [tilespmem:$0x1EE30]  }
0x3c9: {  	v4 =	vadd.f32 v2, v17;
	v2 =	vmul.f32 v43, v16;
	v16 =	vld [tilespmem:s8+$0x6AF0]  }
0x3ca: {  	v17 =	vld [tilespmem:$0x1EE40]  }
0x3cb: {  	(xrf2) =	vadd.scan.msk.f32 $0xffff, v13;
	[tilespmem:$0x1F560] =	vst v33;
	v33 =	vld [tilespmem:$0x1F090]  }
0x3cc: {  	(xrf2) =	vadd.scan.msk.f32 $0xffff, v8;
	v8 =	vld [tilespmem:s8+$0x2B90]  }
0x3cd: {  	v6 =	vmul.f32 v12, v18;
	v1 =	vadd.f32 v2, v1;
	v2 =	vmul.f32 v11, v18;
	v18 =	vld [tilespmem:$0x1EE50]  }
0x3ce: {  	v3 =	vadd.f32 v3, v38;
	v38 =	vld [tilespmem:$0x1EE80]  }
0x3cf: {  	[tilespmem:$0x1F420] =	vst v14;
	v14 =	vld [tilespmem:$0x1EE20]  }
0x3d0: {  	[tilespmem:$0x1F4D0] =	vst v19;
	v19 =	vld [tilespmem:s8+$0xAB10]  }
0x3d1: {  	v11 =	vmul.f32 v35, v21;
	v35 =	vld [tilespmem:$0x1EF30]  }
0x3d2: {  	[tilespmem:$0x1F470] =	vst v42;
	v42 =	vld [tilespmem:$0x1EF60]  }
0x3d3: {  	[tilespmem:$0x1F490] =	vst v47;
	v47 =	vld [tilespmem:$0x1EF80]  }
0x3d4: {  	v7 =	vmul.f32 v15, v20;
	v15 =	vld [tilespmem:$0x1EED0]  }
0x3d5: {  	[tilespmem:$0x1F4B0] =	vst v16;
	v16 =	vld [tilespmem:s8+$0x6B10]  }
0x3d6: {  	v1 =	vadd.f32 v2, v1;
	v2 =	vmul.f32 v17, v49;
	v17 =	vld [tilespmem:$0x1EEE0]  }
0x3d7: {  	[tilespmem:$0x1F460] =	vst v10;
	v10 =	vmul.f32 v18, v21;
	v18 =	vld [tilespmem:$0x1EEF0]  }
0x3d8: {  	v21 =	vld [tilespmem:$0x1EF00]  }
0x3d9: {  	v41 =	vmul.f32 v38, v22;
	v38 =	vld [tilespmem:s8+$0xAB20]  }
0x3da: {  	v0 =	vadd.f32 v5, v0;
	v5 =	vmul.f32 v14, v20;
	v20 =	vld [tilespmem:$0x1EE60]  }
0x3db: {  	v14 =	vld [tilespmem:$0x1EEC0]  }
0x3dc: {  	[tilespmem:$0x1F440] =	vst v36;
	v36 =	vadd.f32 v10, v2;
	v10 =	vld [tilespmem:$0x1EEA0]  }
0x3dd: {  	[tilespmem:$0x1F4A0] =	vst v19;
	v19 =	vld [tilespmem:$0x1EF90]  }
0x3de: {  	v12 =	vadd.f32 v5, v1;
	v1 =	vadd.f32 v41, v36;
	v36 =	vld [tilespmem:$0x1EF40]  }
0x3df: {  	v41 =	vld [tilespmem:$0x1EF50]  }
0x3e0: {  	[tilespmem:$0x1F4E0] =	vst v38;
	v38 =	vld [tilespmem:$0x1EFE0]  }
0x3e1: {  	v0 =	vadd.f32 v6, v0;
	v6 =	vmul.f32 v20, v49;
	v49 =	vld [tilespmem:s8+$0x2B00];
	v5 =	vmul.f32 v10, v45  }
0x3e2: {  	v10 =	vmul.f32 v15, v23;
	v15 =	vmul.f32 v42, v56;
	v42 =	vld [tilespmem:$0x1EFF0]  }
0x3e3: {  	v43 =	vadd.f32 v11, v6;
	v11 =	vld [tilespmem:$0x1EEB0]  }
0x3e4: {  	v6 =	vmul.f32 v44, v22;
	v22 =	vld [tilespmem:$0x1EF10]  }
0x3e5: {  	v2 =	vadd.f32 v7, v0;
	v44 =	vld [tilespmem:s8+$0x2B30];
	v5 =	vadd.f32 v5, v1  }
0x3e6: {  	v1 =	vmul.f32 v17, v51;
	v0 =	vadd.f32 v6, v43;
	v6 =	vmul.f32 v14, v51;
	v51 =	vld [tilespmem:s8+$0x2B20]  }
0x3e7: {  	v43 =	vld [tilespmem:$0x1EF70]  }
0x3e8: {  	v7 =	vmul.f32 v11, v45;
	v45 =	vld [tilespmem:s8+$0x2B10]  }
0x3e9: {  	s29 =	sor.u32 $0x84, s7;
	v20 =	vadd.f32 v10, v6;
	v11 =	vmul.f32 v18, v23;
	v23 =	vld [tilespmem:$0x1EF20]  }
0x3ea: {  	v6 =	vmul.f32 v21, v26;
	v21 =	vmov s29;
	v10 =	vmul.f32 v22, v26;
	v26 =	vld [tilespmem:s8+$0x6B20]  }
0x3eb: {  	v22 =	vshrl.u32 v21, $0x3;
	v21 =	vld [tilespmem:s8+$0x6B90]  }
0x3ec: {  	[tilespmem:$0x1F480] =	vst v16;
	v16 =	vmul.f32 v43, v56;
	v56 =	vld [tilespmem:s8+$0x6B30]  }
0x3ed: {  	v7 =	vadd.f32 v7, v0;
	v0 =	vadd.f32 v6, v20;
	v20 =	vld [tilespmem:s8+$0xAB30]  }
0x3ee: {  	v1 =	vadd.f32 v11, v1;
	v43 =	vld [tilespmem:s8+$0x6B50]  }
0x3ef: {  	v6 =	vmul.f32 v35, v24;
	v35 =	vmul.f32 v34, v29;
	v34 =	vld [tilespmem:$0x1F030]  }
0x3f0: {  	v14 =	vmul.f32 v36, v25;
	v1 =	vadd.f32 v10, v1;
	v10 =	vmul.f32 v41, v25;
	v25 =	vld [tilespmem:s8+$0x6B40]  }
0x3f1: {  	v41 =	vmul.f32 v38, v59;
	v38 =	vld [tilespmem:s8+$0x2B60]  }
0x3f2: {  	v11 =	vmul.f32 v23, v24;
	v23 =	vld [tilespmem:$0x1EFA0]  }
0x3f3: {  	[tilespmem:$0x1F4C0] =	vst v26;
	v26 =	vld [tilespmem:$0x1EFB0]  }
0x3f4: {  	v18 =	vadd.f32 v10, v6;
	v10 =	vld [tilespmem:s8+$0x2B50]  }
0x3f5: {  	[tilespmem:$0x1F4F0] =	vst v56;
	v56 =	vld [tilespmem:s8+$0x2B40]  }
0x3f6: {  	v6 =	vmul.f32 v19, v27;
	v11 =	vadd.f32 v14, v11;
	v14 =	vmul.f32 v47, v27;
	v27 =	vld [tilespmem:$0x1EFC0]  }
0x3f7: {  	v47 =	vld [tilespmem:$0x1F000]  }
0x3f8: {  	v15 =	vadd.f32 v15, v0;
	v0 =	vadd.f32 v6, v18;
	v6 =	vshll.u32 v22, v40;
	v22 =	vld [tilespmem:s8+$0x6B70]  }
0x3f9: {  	v1 =	vadd.f32 v16, v1;
	[tilespmem:$0x1F510] =	vst v25;
	v25 =	vld [tilespmem:s8+$0xAB50]  }
0x3fa: {  	v11 =	vadd.f32 v14, v11;
	v24 =	vmul.f32 v23, v28;
	v16 =	vmul.f32 v26, v28;
	v26 =	vld [tilespmem:$0x1F010]  }
0x3fb: {  	v23 =	vld [tilespmem:$0x1F060]  }
0x3fc: {  	v36 =	vadd.s32 $0x4, v6;
	v6 =	vadd.f32 v24, v11;
	v11 =	vmul.f32 v42, v59;
	v42 =	vld [tilespmem:$0x1F040]  }
0x3fd: {  	v59 =	vmul.f32 v47, v30;
	v47 =	vld [tilespmem:$0x1F050]  }
0x3fe: {  	s1 =	sor.u32 $0x86, s7;
	v28 =	vmul.f32 v27, v29;
	[tilespmem:$0x1F570] =	vst v22;
	v22 =	vld [tilespmem:$0x1F0C0]  }
0x3ff: {  	s30 =	sor.u32 $0x85, s7;
	v14 =	vbroadcast v36, $0x0;
	v36 =	vmov s1;
	[tilespmem:$0x1F540] =	vst v25;
	v25 =	vld [tilespmem:$0x1F070]  }
0x400: {  	v24 =	vmov s30;
	v17 =	vadd.f32 v41, v28;
	v41 =	vshrl.u32 v36, $0x3;
	v36 =	vld [tilespmem:$0x1F0A0]  }
0x401: {  	v28 =	vshrl.u32 v24, $0x3;
	v27 =	vmul.f32 v26, v30;
	v30 =	vld [tilespmem:s8+$0x6B60]  }
0x402: {  	v18 =	vadd.f32 v11, v35;
	v29 =	vshll.u32 v28, v40;
	v19 =	vshll.u32 v41, v40;
	v41 =	vld [tilespmem:s8+$0xAB80]  }
0x403: {  	v11 =	vadd.f32 v16, v0;
	v0 =	vadd.f32 v59, v17;
	v16 =	vadd.s32 $0x5, v29;
	v29 =	vld [tilespmem:$0x1F080]  }
0x404: {  	v17 =	vmul.f32 v32, v53;
	v13 =	vadd.f32 v27, v18;
	v18 =	vmul.f32 v34, v53;
	v53 =	vld [tilespmem:s8+$0x2B70]  }
0x405: {  	v24 =	vmul.f32 v23, v52;
	v27 =	vld [tilespmem:s8+$0xAB70]  }
0x406: {  	(xrf2) =	vadd.scan.msk.f32 $0xffff, v4;
	[tilespmem:$0x1F520] =	vst v43;
	v43 =	vmul.f32 v42, v52;
	v59 =	vmul.f32 v47, v31;
	v52 =	vld [tilespmem:s8+$0x2B80]  }
0x407: {  	(xrf2) =	vadd.scan.msk.f32 $0xffff, v3;
	v3 =	vmul.f32 v22, v50;
	v22 =	vld [tilespmem:$0x1F140]  }
0x408: {  	v28 =	vadd.f32 v59, v43;
	v43 =	vld [tilespmem:$0x1F0B0]  }
0x409: {  	v26 =	vmul.f32 v25, v31;
	v25 =	vld [tilespmem:$0x1F0D0]  }
0x40a: {  	v4 =	vmul.f32 v36, v39;
	v36 =	vld [tilespmem:s8+$0x2BA0]  }
0x40b: {  	v16 =	vbroadcast v16, $0x0;
	[tilespmem:$0x1F5A0] =	vst v41;
	v41 =	vld [tilespmem:s8+$0xABA0]  }
0x40c: {  	s2 =	sor.u32 $0x87, s7;
	[tilespmem:$0x1F550] =	vst v30;
	v32 =	vadd.f32 v26, v24;
	v24 =	vld [tilespmem:s8+$0xAB90]  }
0x40d: {  	v34 =	vmul.f32 v33, v63;
	v30 =	vmul.f32 v29, v63;
	v63 =	vmov s2;
	[tilespmem:$0x1F580] =	vst v27;
	v27 =	vld [tilespmem:$0x1F0E0]  }
0x40e: {  	[tilespmem:$0x1F500] =	vst v20;
	v35, _, _ =	vpop (xrf2);
	v20 =	vadd.f32 v18, v13;
	v18 =	vshrl.u32 v63, $0x3;
	v63 =	vld [tilespmem:s8+$0x6BB0]  }
0x40f: {  	[tilespmem:v14+s31+$0x0] =	vst.idx.msk vm0, v35;
	v19 =	vadd.s32 $0x6, v19;
	v31, _, _ =	vpop (xrf2);
	v35 =	vadd.f32 v30, v28;
	v28 =	vld [tilespmem:$0x1F0F0]  }
0x410: {  	v19 =	vbroadcast v19, $0x0;
	v59, _, _ =	vpop (xrf2);
	v30 =	vld [tilespmem:$0x1F100]  }
0x411: {  	(xrf2) =	vadd.scan.msk.f32 $0xffff, v12;
	[tilespmem:v16+s31+$0x0] =	vst.idx.msk vm0, v59;
	v59 =	vld [tilespmem:s8+$0x6BA0]  }
0x412: {  	(xrf2) =	vadd.scan.msk.f32 $0xffff, v2;
	v42 =	vadd.f32 v34, v32;
	v34 =	vld [tilespmem:$0x1F110]  }
0x413: {  	v23, _, _ =	vpop (xrf2);
	(xrf2) =	vadd.scan.msk.f32 $0xffff, v5;
	v5 =	vld [tilespmem:s8+$0x2BB0]  }
0x414: {  	[tilespmem:v16+s26+$0x0] =	vst.idx.msk vm0, v23;
	v23 =	vld [tilespmem:$0x1F150]  }
0x415: {  	v29, _, _ =	vpop (xrf2);
	v26 =	vmul.f32 v25, v50;
	v25 =	vld [tilespmem:$0x1F160]  }
0x416: {  	[tilespmem:v19+s31+$0x0] =	vst.idx.msk vm0, v29;
	v29 =	vld [tilespmem:$0x1F180]  }
0x417: {  	s9 =	sor.u32 $0x89, s7;
	[tilespmem:$0x1F590] =	vst v21;
	v13 =	vadd.f32 v4, v35;
	v35 =	vld [tilespmem:$0x1F120]  }
0x418: {  	v47 =	vmul.f32 v43, v39;
	v50 =	vmov s9;
	[tilespmem:$0x1F5C0] =	vst v41;
	v41 =	vld [tilespmem:s8+$0x6BC0]  }
0x419: {  	[tilespmem:v14+s26+$0x0] =	vst.idx.msk vm0, v31;
	v14 =	vadd.f32 v17, v0;
	v0 =	vshll.u32 v18, v40;
	v21 =	vshrl.u32 v50, $0x3;
	v50 =	vld [tilespmem:$0x1F1B0]  }
0x41a: {  	v0 =	vadd.s32 $0x7, v0;
	v12 =	vadd.f32 v47, v42;
	v42 =	vld [tilespmem:$0x1F130]  }
0x41b: {  	s6 =	sor.u32 $0x88, s7;
	v0 =	vbroadcast v0, $0x0;
	[tilespmem:$0x1F5B0] =	vst v24;
	v24 =	vld [tilespmem:s8+$0xABB0]  }
0x41c: {  	v31 =	vmov s6;
	v17 =	vmul.f32 v28, v27;
	v47, _, _ =	vpop (xrf2);
	v28 =	vld [tilespmem:$0x1F170]  }
0x41d: {  	v33 =	vshrl.u32 v31, $0x3;
	v18 =	vmul.f32 v30, v27;
	[tilespmem:v19+s26+$0x0] =	vst.idx.msk vm0, v47;
	v47 =	vld [tilespmem:$0x1F1A0]  }
0x41e: {  	v27 =	vshll.u32 v21, v40;
	v32 =	vadd.f32 v17, v3;
	v3 =	vshll.u32 v33, v40;
	v33 =	vld [tilespmem:s8+$0x2BC0]  }
0x41f: {  	v16 =	vadd.f32 v18, v26;
	v18 =	vadd.s32 $0x1, v27;
	v27 =	vld [tilespmem:$0x1F1C0]  }
0x420: {  	v31, _, _ =	vpop (xrf2);
	v39 =	vmul.f32 v35, v34;
	[tilespmem:$0x1F5F0] =	vst v41;
	v41 =	vld [tilespmem:s8+$0xABD0]  }
0x421: {  	[tilespmem:v0+s31+$0x0] =	vst.idx.msk vm0, v31;
	v31 =	vld [tilespmem:$0x1F1E0]  }
0x422: {  	s14 =	sor.u32 $0x8A, s7;
	(xrf2) =	vadd.scan.msk.f32 $0xffff, v7;
	v35, _, _ =	vpop (xrf2);
	v43 =	vmul.f32 v42, v34;
	v17 =	vbroadcast v3, $0x0;
	v7 =	vadd.f32 v39, v32;
	v32 =	vld [tilespmem:$0x1F190]  }
0x423: {  	v39 =	vmov s14;
	[tilespmem:v0+s26+$0x0] =	vst.idx.msk vm0, v35;
	v35 =	vld [tilespmem:$0x1F1F0]  }
0x424: {  	v16 =	vadd.f32 v43, v16;
	v42 =	vshrl.u32 v39, $0x3;
	v43 =	vld [tilespmem:s8+$0xABC0]  }
0x425: {  	v3 =	vmul.f32 v23, v22;
	v30 =	vmul.f32 v29, v28;
	v0 =	vshll.u32 v42, v40;
	v42 =	vld [tilespmem:$0x1F200]  }
0x426: {  	[tilespmem:$0x1F5D0] =	vst v63;
	v63 =	vmul.f32 v50, v47;
	v50 =	vld [tilespmem:$0x1F220]  }
0x427: {  	v4, _, _ =	vpop (xrf2);
	v3 =	vadd.f32 v30, v3;
	v29 =	vadd.s32 $0x2, v0;
	v30 =	vld [tilespmem:$0x1F1D0]  }
0x428: {  	v23 =	vbroadcast v29, $0x0;
	v29 =	vld [tilespmem:s8+$0x6BE0];
	[tilespmem:v17+s31+$0x0] =	vst.idx.msk vm0, v4  }
0x429: {  	v26 =	vmul.f32 v25, v22;
	v34 =	vmul.f32 v32, v28;
	v4, _, _ =	vpop (xrf2);
	[tilespmem:$0x1F610] =	vst v43;
	v43 =	vld [tilespmem:$0x1F210]  }
0x42a: {  	[tilespmem:v17+s26+$0x0] =	vst.idx.msk vm0, v4;
	v4 =	vld [tilespmem:$0x1F280]  }
0x42b: {  	(xrf2) =	vadd.scan.msk.f32 $0xffff, v15;
	v15 =	vadd.f32 v34, v26;
	v34 =	vld [tilespmem:s8+$0x6BD0]  }
0x42c: {  	v39 =	vadd.f32 v63, v3;
	v63 =	vmul.f32 v50, v42;
	v50 =	vld [tilespmem:$0x1F270]  }
0x42d: {  	(xrf2) =	vadd.scan.msk.f32 $0xffff, v1;
	v28 =	vmul.f32 v27, v47;
	v1 =	vmul.f32 v35, v30;
	v35 =	vld [tilespmem:$0x1F230]  }
0x42e: {  	v32 =	vmul.f32 v31, v30;
	v47 =	vmul.f32 v43, v42;
	v42 =	vld [tilespmem:$0x1F250]  }
0x42f: {  	v43 =	vld [tilespmem:$0x1F260]  }
0x430: {  	s15 =	sor.u32 $0x8B, s7;
	v17 =	vadd.f32 v32, v7;
	v32 =	vld [tilespmem:s8+$0xABE0]  }
0x431: {  	v31 =	vmov s15;
	v21 =	vadd.f32 v47, v39;
	v39 =	vld [tilespmem:$0x1F240]  }
0x432: {  	[tilespmem:$0x1F600] =	vst v34;
	v34 =	vshrl.u32 v31, $0x3;
	v31 =	vld [tilespmem:$0x1F350]  }
0x433: {  	v7 =	vshll.u32 v34, v40;
	v34 =	vld [tilespmem:s8+$0x6BF0]  }
0x434: {  	(xrf2) =	vadd.scan.msk.f32 $0xffff, v6;
	v15 =	vadd.f32 v28, v15;
	v47 =	vmul.f32 v43, v42;
	v6 =	vmul.f32 v4, v42;
	v42 =	vld [tilespmem:s8+$0xABF0]  }
0x435: {  	v4 =	vld [tilespmem:$0x1F2D0]  }
0x436: {  	[tilespmem:$0x1F620] =	vst v41;
	v25 =	vadd.f32 v63, v15;
	v63 =	vmul.f32 v50, v35;
	v41 =	vmul.f32 v39, v35;
	v35 =	vld [tilespmem:$0x1F290]  }
0x437: {  	v39 =	vld [tilespmem:$0x1F2A0]  }
0x438: {  	v19 =	vbroadcast v18, $0x0;
	v43 =	vadd.f32 v6, v63;
	v63 =	vld [tilespmem:$0x1F2C0]  }
0x439: {  	v15 =	vadd.f32 v47, v41;
	v47 =	vld [tilespmem:$0x1F2B0]  }
0x43a: {  	v6 =	vld [tilespmem:$0x1F2E0]  }
0x43b: {  	[tilespmem:$0x1F650] =	vst v34;
	v34 =	vld [tilespmem:s8+$0x6C00]  }
0x43c: {  	[tilespmem:$0x1F660] =	vst v42;
	v42 =	vld [tilespmem:$0x1F320]  }
0x43d: {  	v28, _, _ =	vpop (xrf2);
	v41 =	vmul.f32 v39, v35;
	v39 =	vld [tilespmem:$0x1F300]  }
0x43e: {  	[tilespmem:v19+s31+$0x0] =	vst.idx.msk vm0, v28;
	v50 =	vmul.f32 v47, v35;
	v35 =	vld [tilespmem:$0x1F2F0]  }
0x43f: {  	v30, _, _ =	vpop (xrf2);
	[tilespmem:$0x1F640] =	vst v32;
	v47 =	vld [tilespmem:$0x1F330]  }
0x440: {  	v28 =	vadd.s32 $0x3, v7;
	v32, _, _ =	vpop (xrf2);
	[tilespmem:$0x1F670] =	vst v34;
	v34 =	vld [tilespmem:$0x1F360]  }
0x441: {  	(xrf2) =	vadd.scan.msk.f32 $0xffff, v11;
	v28 =	vbroadcast v28, $0x0;
	[tilespmem:v23+s31+$0x0] =	vst.idx.msk vm0, v32;
	v15 =	vadd.f32 v41, v15;
	v41 =	vld [tilespmem:$0x1F310]  }
0x442: {  	s16 =	sor.u32 $0x8C, s7;
	[tilespmem:$0x1F630] =	vst v29;
	v29 =	vmul.f32 v4, v63;
	v7 =	vmul.f32 v6, v63;
	v63 =	vld [tilespmem:$0x1F340];
	v4, _, _ =	vpop (xrf2);
	v11 =	vadd.f32 v50, v43  }
0x443: {  	(xrf2) =	vadd.scan.msk.f32 $0xffff, v14;
	v6 =	vmov s16;
	[tilespmem:v23+s26+$0x0] =	vst.idx.msk vm0, v4;
	v4 =	vld [tilespmem:$0x1F380];
	v14 =	vmul.f32 v39, v35  }
0x444: {  	v50 =	vmul.f32 v47, v42;
	v47 =	vadd.f32 v7, v11;
	v7 =	vshrl.u32 v6, $0x3;
	v6 =	vld [tilespmem:$0x1F390]  }
0x445: {  	v22 =	vld [tilespmem:s8+$0x2BE0];
	[tilespmem:v19+s26+$0x0] =	vst.idx.msk vm0, v30  }
0x446: {  	v18 =	vld [tilespmem:s8+$0x2BF0];
	(xrf2) =	vadd.scan.msk.f32 $0xffff, v20;
	v19 =	vmul.f32 v41, v35;
	v35 =	vmul.f32 v34, v31;
	v14 =	vadd.f32 v50, v14  }
0x447: {  	(xrf2) =	vadd.scan.msk.f32 $0xffff, v13;
	v23, _, _ =	vpop (xrf2);
	v34 =	vld [tilespmem:$0x1F3A0]  }
0x448: {  	(xrf2) =	vadd.scan.msk.f32 $0xffff, v12;
	[tilespmem:v28+s31+$0x0] =	vst.idx.msk vm0, v23;
	v3 =	vmul.f32 v63, v42;
	v23 =	vadd.f32 v35, v14;
	v35 =	vld [tilespmem:$0x1F3B0]  }
0x449: {  	s20 =	sor.u32 $0x8D, s7;
	(xrf2) =	vadd.scan.msk.f32 $0xffff, v17;
	v14 =	vmul.f32 v4, v61;
	v17 =	vmul.f32 v6, v61;
	v61 =	vld [tilespmem:$0x1F3C0]  }
0x44a: {  	v27 =	vld [tilespmem:s8+$0x2C00];
	v50 =	vmov s20  }
0x44b: {  	v26 =	vld [tilespmem:s8+$0x2BD0];
	v11 =	vshll.u32 v7, v40;
	v19 =	vadd.f32 v3, v19;
	v3 =	vshrl.u32 v50, $0x3  }
0x44c: {  	[tilespmem:$0x1F5E0] =	vst v24;
	v24 =	vadd.f32 v1, v16;
	v16 =	vld [tilespmem:s8+$0x6C20];
	v11 =	vadd.s32 $0x4, v11  }
0x44d: {  	v63 =	vld [tilespmem:$0x1F370];
	v20 =	vbroadcast v11, $0x0;
	v50 =	vmul.f32 v35, v34  }
0x44e: {  	v11 =	vshll.u32 v3, v40;
	v3, _, _ =	vpop (xrf2);
	v2 =	vmul.f32 v61, v34;
	v61 =	vld [tilespmem:$0x1F3F0]  }
0x44f: {  	s21 =	sor.u32 $0x8E, s7;
	[tilespmem:v28+s26+$0x0] =	vst.idx.msk vm0, v3;
	v28 =	vadd.f32 v50, v14;
	v50 =	vld [tilespmem:$0x1F3E0]  }
0x450: {  	(xrf2) =	vadd.scan.msk.f32 $0xffff, v24;
	v24 =	vmul.f32 v46, v37;
	v46 =	vld [tilespmem:$0x1F3D0];
	v4 =	vmov s21  }
0x451: {  	v30 =	vld [tilespmem:s8+$0xAC10];
	v7 =	vadd.s32 $0x5, v11;
	v6 =	vshrl.u32 v4, $0x3  }
0x452: {  	v32 =	vld [tilespmem:s8+$0x2C10];
	v12 =	vmul.f32 v63, v31;
	v31 =	vbroadcast v7, $0x0;
	v7 =	vshll.u32 v6, v40;
	v35, _, _ =	vpop (xrf2)  }
0x453: {  	[tilespmem:v20+s31+$0x0] =	vst.idx.msk vm0, v35;
	v35 =	vadd.s32 $0x6, v7;
	v7 =	vld [tilespmem:$0x1F400]  }
0x454: {  	(xrf2) =	vadd.scan.msk.f32 $0xffff, v21;
	v21 =	vld [tilespmem:s8+$0x6C50];
	v4 =	vmul.f32 v61, v50  }
0x455: {  	v42 =	vadd.f32 v29, v15;
	v29 =	vmul.f32 v46, v37;
	v46 =	vld [tilespmem:$0x1F430]  }
0x456: {  	v0 =	vmul.f32 v57, v54;
	v61 =	vmul.f32 v55, v54;
	v54 =	vadd.f32 v4, v23;
	v4 =	vld [tilespmem:$0x1F410]  }
0x457: {  	v43 =	vld [tilespmem:s8+$0xAC00]  }
0x458: {  	v13 =	vmul.f32 v7, v50;
	v7 =	vld [tilespmem:$0x1F420]  }
0x459: {  	v41 =	vld [tilespmem:s8+$0x6C10]  }
0x45a: {  	v39 =	vld [tilespmem:s8+$0x2C20];
	v37 =	vmul.f32 v46, v48;
	v6, _, _ =	vpop (xrf2)  }
0x45b: {  	v34 =	vadd.f32 v12, v19;
	[tilespmem:v20+s26+$0x0] =	vst.idx.msk vm0, v6;
	v35 =	vbroadcast v35, $0x0;
	v6 =	vmul.f32 v4, v48;
	v48 =	vld [tilespmem:$0x1F440]  }
0x45c: {  	v15 =	vld [tilespmem:s8+$0x6C30]  }
0x45d: {  	v46 =	vld [tilespmem:$0x1F460];
	v55 =	vadd.f32 v13, v34;
	v13 =	vmul.f32 v7, v58  }
0x45e: {  	v63 =	vld [tilespmem:s8+$0xAC20];
	v1, _, _ =	vpop (xrf2);
	v24 =	vadd.f32 v24, v28  }
0x45f: {  	v11 =	vld [tilespmem:s8+$0x2C30];
	v17 =	vadd.f32 v2, v17;
	v2, _, _ =	vpop (xrf2)  }
0x460: {  	(xrf2) =	vadd.scan.msk.f32 $0xffff, v25;
	v57 =	vadd.f32 v61, v24;
	v4, _, _ =	vpop (xrf2);
	v25 =	vadd.f32 v13, v6;
	v6 =	vld [tilespmem:$0x1F450];
	v61 =	vmul.f32 v48, v58  }
0x461: {  	v12 =	vld [tilespmem:s8+$0x2C40];
	[tilespmem:v35+s31+$0x0] =	vst.idx.msk vm0, v4;
	v13, _, _ =	vpop (xrf2)  }
0x462: {  	v19 =	vld [tilespmem:s8+$0x6C40];
	[tilespmem:v35+s26+$0x0] =	vst.idx.msk vm0, v13;
	v48 =	vmul.f32 v46, v60;
	v35 =	vadd.f32 v61, v37  }
0x463: {  	v4 =	vld [tilespmem:$0x1F470]  }
0x464: {  	v61 =	vadd.f32 v48, v35;
	v48 =	vld [tilespmem:$0x1F490]  }
0x465: {  	v14 =	vld [tilespmem:s8+$0xAC30];
	v7 =	vmul.f32 v6, v60  }
0x466: {  	v20 =	vld [tilespmem:s8+$0x2C60]  }
0x467: {  	v46 =	vadd.f32 v7, v25;
	v7 =	vld [tilespmem:$0x1F480]  }
0x468: {  	v6 =	vmul.f32 v4, v49;
	v4 =	vld [tilespmem:$0x1F4B0]  }
0x469: {  	v35 =	vmul.f32 v48, v49;
	v49 =	vld [tilespmem:$0x1F4A0]  }
0x46a: {  	v28 =	vld [tilespmem:s8+$0xAC40]  }
0x46b: {  	[tilespmem:v31+s31+$0x0] =	vst.idx.msk vm0, v1;
	v29 =	vadd.f32 v29, v17;
	v17 =	vld [tilespmem:s8+$0x2C50]  }
0x46c: {  	s22 =	sor.u32 $0x8F, s7;
	[tilespmem:v31+s26+$0x0] =	vst.idx.msk vm0, v2;
	v31 =	vld [tilespmem:s8+$0x6C70];
	v13 =	vmul.f32 v7, v45  }
0x46d: {  	v3 =	vmov s22;
	v48 =	vld [tilespmem:$0x1F4D0]  }
0x46e: {  	v7 =	vld [tilespmem:$0x1F4C0];
	v45 =	vmul.f32 v49, v45;
	v49 =	vadd.f32 v13, v6;
	v6 =	vmul.f32 v4, v62  }
0x46f: {  	v50 =	vadd.f32 v0, v29;
	v29 =	vld [tilespmem:s8+$0x6C60];
	v24 =	vshrl.u32 v3, $0x3  }
0x470: {  	v24 =	vshll.u32 v24, v40;
	v60 =	vadd.f32 v6, v46;
	v6 =	vld [tilespmem:$0x1F4F0]  }
0x471: {  	v0 =	vmov v62;
	v23 =	vld [tilespmem:s8+$0xAC50];
	v24 =	vadd.s32 $0x7, v24  }
0x472: {  	v58 =	vbroadcast v24, $0x0;
	v0 =	vmul.f32 v48, v0;
	v4 =	vld [tilespmem:$0x1F4E0]  }
0x473: {  	v34 =	vld [tilespmem:s8+$0xAC60];
	v13 =	vmul.f32 v7, v51  }
0x474: {  	v0 =	vadd.f32 v0, v61;
	v61 =	vld [tilespmem:$0x1F500]  }
0x475: {  	v7 =	vmul.f32 v6, v44;
	v6 =	vld [tilespmem:$0x1F520]  }
0x476: {  	v19 =	vmul.f32 v19, v12;
	v12 =	vmul.f32 v28, v12;
	v28 =	vld [tilespmem:s8+$0x2D50]  }
0x477: {  	v49 =	vadd.f32 v13, v49;
	v13, _, _ =	vpop (xrf2);
	v51 =	vmul.f32 v4, v51;
	v4 =	vld [tilespmem:$0x1F510]  }
0x478: {  	[tilespmem:v58+s31+$0x0] =	vst.idx.msk vm0, v13;
	v48, _, _ =	vpop (xrf2);
	v13 =	vld [tilespmem:$0x1F530]  }
0x479: {  	v21 =	vmul.f32 v21, v17;
	[tilespmem:v58+s26+$0x0] =	vst.idx.msk vm0, v48;
	v48 =	vmov v40;
	v40 =	vld [tilespmem:$0x1F540]  }
0x47a: {  	v58 =	vmul.f32 v61, v44;
	v61 =	vadd.f32 v7, v49;
	v7 =	vmul.f32 v6, v10;
	v6 =	vld [tilespmem:$0x1F550]  }
0x47b: {  	v19 =	vadd.f32 v21, v19;
	v21 =	vld [tilespmem:s8+$0xAD40]  }
0x47c: {  	v17 =	vmul.f32 v23, v17;
	v23 =	vld [tilespmem:s8+$0xAD30]  }
0x47d: {  	(xrf2) =	vadd.scan.msk.f32 $0xffff, v42;
	v42 =	vld [tilespmem:s8+$0x2C90];
	v45 =	vadd.f32 v45, v35;
	v49 =	vmul.f32 v4, v56  }
0x47e: {  	v12 =	vadd.f32 v17, v12;
	v17 =	vld [tilespmem:s8+$0x6D40];
	(xrf2) =	vadd.scan.msk.f32 $0xffff, v47;
	v56 =	vmul.f32 v13, v56;
	v4 =	vmul.f32 v40, v10  }
0x47f: {  	s25 =	sor.u32 $0x90, s7;
	v24 =	vld [tilespmem:s8+$0x2C70];
	(xrf2) =	vadd.scan.msk.f32 $0xffff, v54;
	v51 =	vadd.f32 v51, v45;
	v49 =	vadd.f32 v7, v49;
	v7 =	vmul.f32 v6, v38  }
0x480: {  	s30 =	sor.u32 $0x92, s7;
	v3 =	vmov s25;
	(xrf2) =	vadd.scan.msk.f32 $0xffff, v55;
	v40 =	vadd.f32 v4, v56;
	v56 =	vld [tilespmem:$0x1F560]  }
0x481: {  	s29 =	sor.u32 $0x91, s7;
	v37 =	vld [tilespmem:s8+$0xAC70];
	(xrf2) =	vadd.scan.msk.f32 $0xffff, v57;
	v57 =	vadd.f32 v58, v51;
	v58 =	vadd.f32 v7, v49;
	v7 =	vmov s30  }
0x482: {  	v47 =	vshrl.u32 v3, $0x3;
	v3 =	vmov s29;
	v51 =	vshrl.u32 v7, $0x3;
	v7 =	vld [tilespmem:$0x1F580]  }
0x483: {  	v25 =	vld [tilespmem:s8+$0x2C80];
	v47 =	vshll.u32 v47, v48;
	v4 =	vshrl.u32 v3, $0x3  }
0x484: {  	v35 =	vld [tilespmem:s8+$0x6C80];
	v62 =	vbroadcast v47, $0x0;
	(xrf2) =	vadd.scan.msk.f32 $0xffff, v50;
	v6 =	vshll.u32 v4, v48  }
0x485: {  	(xrf2) =	vadd.scan.msk.f32 $0xffff, v60;
	v2 =	vmul.f32 v56, v38;
	v38 =	vadd.s32 $0x1, v6;
	v6 =	vld [tilespmem:$0x1F570]  }
0x486: {  	v46 =	vld [tilespmem:s8+$0xAC80];
	(xrf2) =	vadd.scan.msk.f32 $0xffff, v0  }
0x487: {  	s1 =	sor.u32 $0x93, s7;
	(xrf2) =	vadd.scan.msk.f32 $0xffff, v61;
	v61 =	vmul.f32 v7, v53;
	v7 =	vld [tilespmem:$0x1F590]  }
0x488: {  	v54 =	vld [tilespmem:s8+$0x6CA0];
	v60 =	vmov s1  }
0x489: {  	v44 =	vld [tilespmem:s8+$0x6C90];
	v56 =	vshrl.u32 v60, $0x3;
	v40 =	vadd.f32 v2, v40;
	v1 =	vshll.u32 v51, v48;
	v2, _, _ =	vpop (xrf2)  }
0x48a: {  	v45 =	vld [tilespmem:s8+$0xAC90];
	v3 =	vbroadcast v38, $0x0;
	v4 =	vadd.s32 $0x2, v1;
	[tilespmem:v62+s31+$0x0] =	vst.idx.msk vm0, v2;
	v0 =	vmul.f32 v6, v53;
	v38, _, _ =	vpop (xrf2)  }
0x48b: {  	v56 =	vshll.u32 v56, v48;
	v60 =	vbroadcast v4, $0x0;
	[tilespmem:v62+s26+$0x0] =	vst.idx.msk vm0, v38;
	v38 =	vld [tilespmem:$0x1F5B0]  }
0x48c: {  	v4 =	vadd.f32 v0, v58;
	v58 =	vmul.f32 v9, v52;
	v9 =	vld [tilespmem:$0x1F5A0];
	v2 =	vmul.f32 v7, v8  }
0x48d: {  	v55 =	vld [tilespmem:s8+$0x6CC0];
	v56 =	vadd.s32 $0x3, v56  }
0x48e: {  	(xrf2) =	vadd.scan.msk.f32 $0xffff, v57;
	v57 =	vbroadcast v56, $0x0;
	v2 =	vadd.f32 v2, v58;
	v58 =	vld [tilespmem:$0x1F5C0]  }
0x48f: {  	v13 =	vld [tilespmem:s8+$0xACA0];
	v7, _, _ =	vpop (xrf2)  }
0x490: {  	v40 =	vadd.f32 v61, v40;
	v61 =	vld [tilespmem:$0x1F5D0];
	v8 =	vmul.f32 v38, v8;
	[tilespmem:v3+s31+$0x0] =	vst.idx.msk vm0, v7;
	v38, _, _ =	vpop (xrf2)  }
0x491: {  	v10 =	vld [tilespmem:s8+$0x2CA0];
	v52 =	vmul.f32 v9, v52;
	[tilespmem:v3+s26+$0x0] =	vst.idx.msk vm0, v38;
	v7, _, _ =	vpop (xrf2)  }
0x492: {  	v47 =	vld [tilespmem:s8+$0x2CB0];
	[tilespmem:v60+s31+$0x0] =	vst.idx.msk vm0, v7;
	v38, _, _ =	vpop (xrf2)  }
0x493: {  	v50 =	vld [tilespmem:s8+$0xACB0];
	v3 =	vadd.f32 v8, v52;
	[tilespmem:v60+s26+$0x0] =	vst.idx.msk vm0, v38;
	v60, _, _ =	vpop (xrf2);
	v8 =	vmul.f32 v58, v36  }
0x494: {  	[tilespmem:v57+s31+$0x0] =	vst.idx.msk vm0, v60;
	v60 =	vld [tilespmem:$0x1F5F0]  }
0x495: {  	s1 =	sor.u32 $0x94, s7;
	v3 =	vadd.f32 v8, v3;
	v8 =	vmul.f32 v61, v5;
	v61 =	vld [tilespmem:$0x1F600]  }
0x496: {  	v54 =	vmul.f32 v54, v10;
	v10 =	vmul.f32 v13, v10;
	v13 =	vld [tilespmem:s8+$0xAD60];
	v6 =	vmov s1  }
0x497: {  	v59 =	vmul.f32 v59, v36;
	v49 =	vld [tilespmem:s8+$0x6CB0];
	v0 =	vshrl.u32 v6, $0x3  }
0x498: {  	v51 =	vld [tilespmem:s8+$0x2CC0];
	v6 =	vshll.u32 v0, v48  }
0x499: {  	v0 =	vadd.s32 $0x4, v6;
	v6 =	vld [tilespmem:$0x1F5E0];
	(xrf2) =	vadd.scan.msk.f32 $0xffff, v4;
	v4 =	vadd.f32 v59, v2;
	v2, _, _ =	vpop (xrf2)  }
0x49a: {  	[tilespmem:v57+s26+$0x0] =	vst.idx.msk vm0, v2;
	v57 =	vmul.f32 v60, v33;
	v60 =	vmul.f32 v61, v26;
	v61 =	vld [tilespmem:$0x1F620]  }
0x49b: {  	v56 =	vld [tilespmem:s8+$0x2CD0]  }
0x49c: {  	s2 =	sor.u32 $0x95, s7;
	v1 =	vld [tilespmem:s8+$0x2CE0]  }
0x49d: {  	v62 =	vld [tilespmem:s8+$0x6CD0];
	v38 =	vmov s2  }
0x49e: {  	v53 =	vld [tilespmem:s8+$0xACC0];
	v2 =	vshrl.u32 v38, $0x3  }
0x49f: {  	v52 =	vmul.f32 v6, v5;
	v5 =	vld [tilespmem:$0x1F610];
	v26 =	vmul.f32 v61, v26;
	v61 =	vshll.u32 v2, v48  }
0x4a0: {  	v36 =	vbroadcast v0, $0x0;
	v0 =	vadd.f32 v60, v57;
	v57 =	vadd.s32 $0x5, v61;
	v61 =	vld [tilespmem:$0x1F630]  }
0x4a1: {  	v9 =	vld [tilespmem:s8+$0xACD0]  }
0x4a2: {  	v6 =	vld [tilespmem:s8+$0x6CF0]  }
0x4a3: {  	v7 =	vld [tilespmem:s8+$0xACE0]  }
0x4a4: {  	v59 =	vld [tilespmem:s8+$0x2CF0];
	v33 =	vmul.f32 v5, v33  }
0x4a5: {  	(xrf2) =	vadd.scan.msk.f32 $0xffff, v40;
	v40 =	vld [tilespmem:s8+$0x6D10];
	v60 =	vmul.f32 v61, v22  }
0x4a6: {  	v26 =	vadd.f32 v26, v33;
	v33 =	vbroadcast v57, $0x0;
	v57 =	vld [tilespmem:$0x1F640]  }
0x4a7: {  	v0 =	vadd.f32 v60, v0;
	v60 =	vld [tilespmem:$0x1F650]  }
0x4a8: {  	v58 =	vld [tilespmem:s8+$0x6CE0]  }
0x4a9: {  	v38 =	vld [tilespmem:s8+$0xACF0]  }
0x4aa: {  	v3 =	vadd.f32 v52, v3;
	v52 =	vmul.f32 v41, v32;
	v41 =	vld [tilespmem:s8+$0x2D20];
	v5, _, _ =	vpop (xrf2)  }
0x4ab: {  	[tilespmem:v36+s31+$0x0] =	vst.idx.msk vm0, v5;
	v5 =	vld [tilespmem:s8+$0x6D00]  }
0x4ac: {  	v4 =	vadd.f32 v8, v4;
	v22 =	vmul.f32 v57, v22;
	v8 =	vmul.f32 v60, v18;
	v60 =	vld [tilespmem:$0x1F660]  }
0x4ad: {  	v2 =	vld [tilespmem:s8+$0x2D00]  }
0x4ae: {  	s6 =	sor.u32 $0x96, s7;
	v30 =	vmul.f32 v30, v32;
	v16 =	vmul.f32 v16, v39;
	v61, _, _ =	vpop (xrf2);
	v22 =	vadd.f32 v22, v26;
	v26 =	vld [tilespmem:$0x1F670]  }
0x4af: {  	v15 =	vmul.f32 v15, v11;
	v11 =	vmul.f32 v14, v11;
	[tilespmem:v36+s26+$0x0] =	vst.idx.msk vm0, v61;
	v36 =	vld [tilespmem:s8+$0xAD00];
	v61 =	vmov s6  }
0x4b0: {  	v9 =	vmul.f32 v9, v56;
	v6 =	vmul.f32 v6, v59;
	v57 =	vld [tilespmem:s8+$0x2D10];
	v61 =	vshrl.u32 v61, $0x3  }
0x4b1: {  	(xrf2) =	vadd.scan.msk.f32 $0xffff, v4;
	v4 =	vshll.u32 v61, v48;
	v0 =	vadd.f32 v8, v0;
	v8 =	vld [tilespmem:s8+$0xAD10];
	v18 =	vmul.f32 v60, v18;
	v60, _, _ =	vpop (xrf2)  }
0x4b2: {  	v32 =	vld [tilespmem:s8+$0x6D20];
	v5 =	vmul.f32 v5, v2;
	v4 =	vadd.s32 $0x6, v4;
	[tilespmem:v33+s31+$0x0] =	vst.idx.msk vm0, v60;
	v60 =	vmul.f32 v34, v20  }
0x4b3: {  	s9 =	sor.u32 $0x97, s7;
	v18 =	vadd.f32 v18, v22;
	v22 =	vmul.f32 v26, v27;
	v27 =	vmul.f32 v43, v27;
	v26 =	vld [tilespmem:s8+$0xAD20]  }
0x4b4: {  	v34 =	vmov s9;
	v43 =	vmul.f32 v63, v39;
	v63 =	vmul.f32 v31, v24;
	v31 =	vld [tilespmem:s8+$0x6D60]  }
0x4b5: {  	v2 =	vmul.f32 v36, v2;
	v24 =	vmul.f32 v37, v24;
	v37 =	vshrl.u32 v34, $0x3;
	v34 =	vld [tilespmem:s8+$0xAD70]  }
0x4b6: {  	v39 =	vmul.f32 v35, v25;
	v35 =	vld [tilespmem:s8+$0x2D90];
	v8 =	vmul.f32 v8, v57;
	v12 =	vadd.f32 v60, v12  }
0x4b7: {  	(xrf2) =	vadd.scan.msk.f32 $0xffff, v3;
	v4 =	vbroadcast v4, $0x0;
	v22 =	vadd.f32 v52, v22;
	v61 =	vadd.f32 v30, v27;
	v30 =	vld [tilespmem:s8+$0x2D30]  }
0x4b8: {  	(xrf2) =	vadd.scan.msk.f32 $0xffff, v0;
	v52 =	vmul.f32 v29, v20;
	v27 =	vld [tilespmem:s8+$0x2D40];
	v2 =	vadd.f32 v8, v2;
	v0 =	vadd.f32 v24, v12  }
0x4b9: {  	v20 =	vld [tilespmem:s8+$0xAD50];
	v16 =	vadd.f32 v16, v22;
	v3 =	vadd.f32 v43, v61;
	v43 =	vmul.f32 v44, v42  }
0x4ba: {  	v29 =	vld [tilespmem:s8+$0x2D60];
	v19 =	vadd.f32 v52, v19;
	v44 =	vmul.f32 v46, v25;
	v46 =	vmul.f32 v45, v42  }
0x4bb: {  	(xrf2) =	vadd.scan.msk.f32 $0xffff, v18;
	v18 =	vld [tilespmem:s8+$0xAD80];
	v42 =	vmul.f32 v53, v51;
	v15 =	vadd.f32 v15, v16;
	v3 =	vadd.f32 v11, v3  }
0x4bc: {  	v24 =	vld [tilespmem:s8+$0x2D70];
	v14 =	vadd.f32 v63, v19;
	v11 =	vshll.u32 v37, v48;
	v12 =	vadd.f32 v43, v39  }
0x4bd: {  	v22 =	vld [tilespmem:s8+$0x6D30];
	v60 =	vadd.f32 v46, v44;
	v63 =	vmul.f32 v50, v47;
	v37 =	vmul.f32 v55, v51  }
0x4be: {  	s14 =	sor.u32 $0x98, s7;
	v25 =	vld [tilespmem:s8+$0x2D80];
	v39 =	vmul.f32 v62, v56;
	v43 =	vmul.f32 v58, v1;
	v9 =	vadd.f32 v9, v42  }
0x4bf: {  	s15 =	sor.u32 $0x99, s7;
	v53 =	vld [tilespmem:s8+$0xAD90];
	v61, _, _ =	vpop (xrf2);
	v44 =	vmov s14;
	v1 =	vmul.f32 v7, v1;
	v46 =	vmul.f32 v38, v59  }
0x4c0: {  	v16 =	vld [tilespmem:s8+$0x6D50];
	v55 =	vmul.f32 v26, v41;
	v59 =	vmov s15;
	[tilespmem:v33+s26+$0x0] =	vst.idx.msk vm0, v61;
	v61 =	vmul.f32 v49, v47  }
0x4c1: {  	v7 =	vld [tilespmem:s8+$0x6D80];
	v33, _, _ =	vpop (xrf2);
	v11 =	vadd.s32 $0x7, v11;
	v49 =	vmul.f32 v40, v57;
	v38 =	vmul.f32 v21, v27  }
0x4c2: {  	v50 =	vld [tilespmem:s8+$0x6D90];
	v62 =	vshrl.u32 v59, $0x3;
	v20 =	vmul.f32 v20, v28;
	v13 =	vmul.f32 v13, v29;
	[tilespmem:v4+s31+$0x0] =	vst.idx.msk vm0, v33  }
0x4c3: {  	v56 =	vld [tilespmem:s8+$0x2DA0];
	v52, _, _ =	vpop (xrf2);
	v11 =	vbroadcast v11, $0x0;
	v12 =	vadd.f32 v54, v12;
	(xrf2) =	vadd.scan.msk.f32 $0xffff, v15;
	v1 =	vadd.f32 v1, v9  }
0x4c4: {  	v58 =	vld [tilespmem:s8+$0x6DA0];
	v15 =	vshrl.u32 v44, $0x3;
	v2 =	vadd.f32 v55, v2;
	[tilespmem:v4+s26+$0x0] =	vst.idx.msk vm0, v52;
	v4 =	vadd.f32 v10, v60  }
0x4c5: {  	v33 =	vld [tilespmem:s8+$0x6D70];
	v10 =	vadd.f32 v39, v37;
	v15 =	vshll.u32 v15, v48;
	v52 =	vmul.f32 v32, v41  }
0x4c6: {  	v44 =	vld [tilespmem:s8+$0x2DC0];
	v5 =	vadd.f32 v49, v5;
	v57 =	vmul.f32 v22, v30;
	v60 =	vmul.f32 v23, v30  }
0x4c7: {  	v55 =	vld [tilespmem:s8+$0xADD0];
	(xrf2) =	vadd.scan.msk.f32 $0xffff, v3;
	v30 =	vmul.f32 v17, v27;
	v12 =	vadd.f32 v61, v12;
	v4 =	vadd.f32 v63, v4  }
0x4c8: {  	v37 =	vld [tilespmem:s8+$0x6DB0];
	v54 =	vbroadcast v15, $0x0;
	(xrf2) =	vadd.scan.msk.f32 $0xffff, v14;
	v45 =	vadd.f32 v43, v10;
	v5 =	vadd.f32 v52, v5  }
0x4c9: {  	v49 =	vld [tilespmem:s8+$0xADC0];
	(xrf2) =	vadd.scan.msk.f32 $0xffff, v0;
	v0 =	vadd.f32 v46, v1;
	v2 =	vadd.f32 v60, v2;
	v36 =	vmul.f32 v16, v28  }
0x4ca: {  	s16 =	sor.u32 $0x9A, s7;
	v41 =	vld [tilespmem:s8+$0xADB0];
	v1 =	vshll.u32 v62, v48;
	v43 =	vmul.f32 v31, v29;
	v7 =	vmul.f32 v7, v25  }
0x4cb: {  	s20 =	sor.u32 $0x9B, s7;
	v61 =	vld [tilespmem:s8+$0xADA0];
	v9 =	vmul.f32 v58, v56;
	v62 =	vmov s16;
	v3 =	vadd.f32 v6, v45  }
0x4cc: {  	v47, _, _ =	vpop (xrf2);
	v63 =	vld [tilespmem:s8+$0x2DB0];
	v28 =	vmov s20;
	v5 =	vadd.f32 v57, v5;
	v10 =	vadd.f32 v36, v30  }
0x4cd: {  	v46 =	vld [tilespmem:s8+$0x6DC0];
	v1 =	vadd.s32 $0x1, v1;
	v45 =	vadd.f32 v20, v38;
	[tilespmem:v11+s31+$0x0] =	vst.idx.msk vm0, v47;
	v47 =	vmul.f32 v50, v35  }
0x4ce: {  	v52 =	vld [tilespmem:s8+$0x2DD0];
	v51, _, _ =	vpop (xrf2);
	(xrf2) =	vadd.scan.msk.f32 $0xffff, v12;
	v6 =	vshrl.u32 v62, $0x3;
	v50 =	vmul.f32 v18, v25;
	v22 =	vmul.f32 v49, v44  }
0x4cf: {  	v58 =	vld [tilespmem:s8+$0x2DE0];
	v1 =	vbroadcast v1, $0x0;
	v6 =	vshll.u32 v6, v48;
	[tilespmem:v11+s26+$0x0] =	vst.idx.msk vm0, v51;
	v10 =	vadd.f32 v43, v10  }
0x4d0: {  	v60 =	vld [tilespmem:s8+$0x6DE0];
	(xrf2) =	vadd.scan.msk.f32 $0xffff, v4;
	v8 =	vadd.f32 v13, v45;
	v51 =	vmul.f32 v53, v35;
	v53 =	vmul.f32 v33, v24;
	v39, _, _ =	vpop (xrf2)  }
0x4d1: {  	s21 =	sor.u32 $0x9C, s7;
	v24 =	vmul.f32 v34, v24;
	v15 =	vmul.f32 v61, v56;
	v25 =	vadd.s32 $0x2, v6;
	[tilespmem:v54+s31+$0x0] =	vst.idx.msk vm0, v39;
	v42, _, _ =	vpop (xrf2)  }
0x4d2: {  	s25 =	sor.u32 $0x9E, s7;
	(xrf2) =	vadd.scan.msk.f32 $0xffff, v3;
	v3 =	vshrl.u32 v28, $0x3;
	v34 =	vmov s21;
	[tilespmem:v54+s26+$0x0] =	vst.idx.msk vm0, v42;
	v54 =	vld [tilespmem:s8+$0x6DD0]  }
0x4d3: {  	v43 =	vmov s25;
	v57 =	vmul.f32 v37, v63;
	v61 =	vmul.f32 v41, v63  }
0x4d4: {  	v27 =	vld [tilespmem:s8+$0x6DF0];
	v7 =	vadd.f32 v47, v7;
	v21 =	vmul.f32 v46, v44;
	v23 =	vmul.f32 v55, v52  }
0x4d5: {  	v63 =	vld [tilespmem:s8+$0xADE0];
	v30 =	vmul.f32 v60, v58;
	v4 =	vbroadcast v25, $0x0;
	v3 =	vshll.u32 v3, v48  }
0x4d6: {  	v36 =	vshrl.u32 v34, $0x3;
	v13 =	vadd.f32 v51, v50;
	v8 =	vadd.f32 v24, v8;
	v24 =	vld [tilespmem:s8+$0x2DF0]  }
0x4d7: {  	v31 =	vld [tilespmem:s8+$0xADF0];
	(xrf2) =	vadd.scan.msk.f32 $0xffff, v0;
	v10 =	vadd.f32 v53, v10;
	v35 =	vadd.s32 $0x3, v3;
	v11 =	vmul.f32 v54, v52  }
0x4d8: {  	(xrf2) =	vadd.scan.msk.f32 $0xffff, v5;
	v3 =	vshll.u32 v36, v48;
	v7 =	vadd.f32 v9, v7;
	v29 =	vadd.f32 v23, v22  }
0x4d9: {  	(xrf2) =	vadd.scan.msk.f32 $0xffff, v2;
	v2 =	vbroadcast v35, $0x0;
	v13 =	vadd.f32 v15, v13;
	v56, _, _ =	vpop (xrf2);
	v26 =	vadd.f32 v11, v21  }
0x4da: {  	s22 =	sor.u32 $0x9D, s7;
	(xrf2) =	vadd.scan.msk.f32 $0xffff, v10;
	v7 =	vadd.f32 v57, v7;
	[tilespmem:v1+s31+$0x0] =	vst.idx.msk vm0, v56;
	v59, _, _ =	vpop (xrf2);
	v32 =	vmul.f32 v63, v58  }
0x4db: {  	v39 =	vmov s22;
	[tilespmem:v1+s26+$0x0] =	vst.idx.msk vm0, v59;
	v37 =	vmul.f32 v27, v24;
	v33 =	vadd.f32 v30, v26  }
0x4dc: {  	(xrf2) =	vadd.scan.msk.f32 $0xffff, v8;
	v1 =	vadd.f32 v61, v13;
	v38 =	vmul.f32 v31, v24;
	v0 =	vadd.f32 v32, v29  }
0x4dd: {  	v3 =	vadd.s32 $0x4, v3;
	v41 =	vshrl.u32 v39, $0x3;
	(xrf2) =	vadd.scan.msk.f32 $0xffff, v7;
	v5 =	vadd.f32 v37, v33  }
0x4de: {  	s29 =	sor.u32 $0x9F, s7;
	v3 =	vbroadcast v3, $0x0;
	v6 =	vshll.u32 v41, v48;
	(xrf2) =	vadd.scan.msk.f32 $0xffff, v1;
	v0 =	vadd.f32 v38, v0  }
0x4df: {  	v45 =	vshrl.u32 v43, $0x3;
	v47 =	vmov s29;
	v42, _, _ =	vpop (xrf2);
	v44 =	vadd.s32 $0x5, v6;
	(xrf2) =	vadd.scan.msk.f32 $0xffff, v5  }
0x4e0: {  	v6 =	vshll.u32 v45, v48;
	[tilespmem:v4+s31+$0x0] =	vst.idx.msk vm0, v42;
	v46, _, _ =	vpop (xrf2);
	v1 =	vbroadcast v44, $0x0;
	(xrf2) =	vadd.scan.msk.f32 $0xffff, v0  }
0x4e1: {  	v51 =	vshrl.u32 v47, $0x3;
	v50 =	vadd.s32 $0x6, v6;
	[tilespmem:v4+s26+$0x0] =	vst.idx.msk vm0, v46;
	v49, _, _ =	vpop (xrf2)  }
0x4e2: {  	v53 =	vbroadcast v50, $0x0;
	v54 =	vshll.u32 v51, v48;
	v52, _, _ =	vpop (xrf2);
	[tilespmem:v2+s31+$0x0] =	vst.idx.msk vm0, v49  }
0x4e3: {  	v56 =	vadd.s32 $0x7, v54;
	v55, _, _ =	vpop (xrf2);
	[tilespmem:v2+s26+$0x0] =	vst.idx.msk vm0, v52  }
0x4e4: {  	v2 =	vbroadcast v56, $0x0;
	v57, _, _ =	vpop (xrf2);
	[tilespmem:v3+s31+$0x0] =	vst.idx.msk vm0, v55  }
0x4e5: {  	v58, _, _ =	vpop (xrf2);
	[tilespmem:v3+s26+$0x0] =	vst.idx.msk vm0, v57  }
0x4e6: {  	p0 =	slt.u32 s7, $0x60;
	v59, _, _ =	vpop (xrf2);
	[tilespmem:v1+s31+$0x0] =	vst.idx.msk vm0, v58  }
.Ltmp1:
0x4e7: {  	[tilespmem:v1+s26+$0x0] =	vst.idx.msk vm0, v59;
	v60, _, _ =	vpop (xrf2);
	(pc) =	sbr.rel @p0 .LBB2_4-.Ltmp1, $4  }
0x4e8: {  	[tilespmem:v53+s31+$0x0] =	vst.idx.msk vm0, v60;
	v61, _, _ =	vpop (xrf2)  }
0x4e9: {  	[tilespmem:v53+s26+$0x0] =	vst.idx.msk vm0, v61;
	v62, _, _ =	vpop (xrf2)  }
0x4ea: {  	s30 =	sadd.s32 $0x20, s7;
	[tilespmem:v2+s31+$0x0] =	vst.idx.msk vm0, v62;
	v63, _, _ =	vpop (xrf2)  }
0x4eb: {  	s7 =	smov.u32 s30;
	v40 =	vmov v48;
	[tilespmem:v2+s26+$0x0] =	vst.idx.msk vm0, v63  }
0x4ec: {  	_ =	swait.ge [sflag:s3], $0x2000  }
0x4ed: {  	[sflag:s3] =	ssyncset.done $0x0  }
0x4ee: {  	[sflag:s3] =	ssyncadd.s32 $0xFFFFE000  }
0x4ef: {  	_ =	swait.ge [sflag:s3], $0x2000  }
0x4f0: {  	[sflag:s3] =	ssyncset.done $0x0  }
0x4f1: {  	[sflag:s3] =	ssyncadd.s32 $0xFFFFE000  }
0x4f2: {  	_ =	swait.ge [sflag:s3], $0x2000  }
0x4f3: {  	[sflag:s3] =	ssyncset.done $0x0  }
0x4f4: {  	[sflag:s3] =	ssyncadd.s32 $0xFFFFE000  }
0x4f5: {  	_ =	swait.ge [sflag:s3], $0x80  }
0x4f6: {  	[sflag:s3] =	ssyncset.done $0x0  }
0x4f7: {  	s14 =	simm.s32 $0x180;
	s20 =	simm.s32 $0x2600;
	[sflag:s3] =	ssyncadd.s32 $0xFFFFFF80  }
0x4f8: {  	[tilespmem:s20], [sflag:$0x2] =	stream.indirect.gather [hbm4b:s13+s24], $0x40, s14, s24, $0xb8;
	[tilespmem:$0xCC00] =	vst v63  }
0x4f9: {  	s15 =	simm.s32 $0x380;
	s21 =	simm.s32 $0x6600  }
0x4fa: {  	[tilespmem:s21], [sflag:$0x2] =	stream.indirect.gather [hbm4b:s5+s24], $0x40, s15, s24, $0xb8;
	[tilespmem:$0xCC00] =	vst v63  }
0x4fb: {  	s16 =	simm.s32 $0x580;
	s22 =	simm.s32 $0xA600;
	s0 =	simm.s32 $0xC780  }
0x4fc: {  	[tilespmem:s22], [sflag:$0x2] =	stream.indirect.gather [hbm4b:s5+s24], $0x40, s16, s24, $0xb8;
	[tilespmem:$0xCC00] =	vst v63  }
0x4fd: {  	s7 =	simm.s32 $0x0;
	s2 =	simm.s32 $0x0;
	s6 =	rddreg [dreg:$0x19]  }
0x4fe: {  	[tilespmem:s0], [sflag:$0x2] =	stream.indirect.gather [hbm4b:s4+s24], $0x1, s15, s24, $0xb8;
	[tilespmem:$0xCC00] =	vst v63  }
.LBB2_6:
0x4ff: {  	s8 =	sshll.u32 s7, $0x6  }
0x500: {  	v0 =	vld [tilespmem:s8+$0x600]  }
0x501: {  	v1 =	vld [tilespmem:s8+$0x4600]  }
0x502: {  	v2 =	vld [tilespmem:s8+$0x8600]  }
0x503: {  	v3 =	vld [tilespmem:s8+$0x610]  }
0x504: {  	v4 =	vld [tilespmem:s8+$0x4610]  }
0x505: {  	v5 =	vld [tilespmem:s8+$0x8610]  }
0x506: {  	v6 =	vld [tilespmem:s8+$0x620]  }
0x507: {  	v8 =	vld [tilespmem:s8+$0x8620]  }
0x508: {  	v15 =	vld [tilespmem:s8+$0x650]  }
0x509: {  	v16 =	vld [tilespmem:s8+$0x4650]  }
0x50a: {  	v17 =	vld [tilespmem:s8+$0x8650]  }
0x50b: {  	v34 =	vld [tilespmem:s8+$0x6C0]  }
0x50c: {  	v35 =	vld [tilespmem:s8+$0x46C0]  }
0x50d: {  	v38 =	vld [tilespmem:s8+$0x86C0]  }
0x50e: {  	v42 =	vld [tilespmem:s8+$0x6D0]  }
0x50f: {  	v44 =	vld [tilespmem:s8+$0x46D0]  }
0x510: {  	v46 =	vld [tilespmem:s8+$0x86D0];
	v1 =	vmul.f32 v1, v0  }
0x511: {  	v0 =	vmul.f32 v2, v0;
	v59 =	vmul.f32 v5, v3  }
0x512: {  	v4 =	vmul.f32 v4, v3;
	v62 =	vmul.f32 v8, v6  }
0x513: {  	v37 =	vmul.f32 v16, v15;
	v41 =	vmul.f32 v17, v15;
	v0 =	vadd.f32 v59, v0  }
0x514: {  	v15 =	vmul.f32 v44, v42;
	v8 =	vmul.f32 v38, v34;
	v1 =	vadd.f32 v4, v1  }
0x515: {  	v4 =	vmul.f32 v35, v34;
	v0 =	vadd.f32 v62, v0;
	v62 =	vmul.f32 v46, v42;
	_ =	sdelay $0x1  }
0x516: {  	v4 =	vadd.f32 v15, v4;
	v15 =	vadd.f32 v62, v8;
	v62 =	vld [tilespmem:s8+$0x87E0];
	_ =	sdelay $0x4  }
0x517: {  	[tilespmem:$0x1E400] =	vst v62;
	v62 =	vld [tilespmem:s8+$0x8890];
	_ =	sdelay $0x4  }
0x518: {  	[tilespmem:$0x1E560] =	vst v62;
	v62 =	vld [tilespmem:s8+$0x48F0];
	_ =	sdelay $0x4  }
0x519: {  	[tilespmem:$0x1E610] =	vst v62;
	v62 =	vld [tilespmem:s8+$0x4920];
	_ =	sdelay $0x4  }
0x51a: {  	[tilespmem:$0x1E670] =	vst v62;
	v62 =	vld [tilespmem:s8+$0x8940];
	_ =	sdelay $0x4  }
0x51b: {  	[tilespmem:$0x1E6D0] =	vst v62;
	v62 =	vld [tilespmem:s8+$0x8960];
	_ =	sdelay $0x4  }
0x51c: {  	[tilespmem:$0x1E700] =	vst v62;
	v62 =	vld [tilespmem:s8+$0x4980];
	_ =	sdelay $0x4  }
0x51d: {  	[tilespmem:$0x1E730] =	vst v62;
	v62 =	vld [tilespmem:s8+$0x8980];
	_ =	sdelay $0x4  }
0x51e: {  	[tilespmem:$0x1E740] =	vst v62;
	v62 =	vld [tilespmem:s8+$0x990];
	_ =	sdelay $0x4  }
0x51f: {  	[tilespmem:$0x1E750] =	vst v62;
	v62 =	vld [tilespmem:s8+$0x4990];
	_ =	sdelay $0x3  }
0x520: {  	v7 =	vld [tilespmem:s8+$0x4620]  }
0x521: {  	[tilespmem:$0x1E760] =	vst v62;
	v62 =	vld [tilespmem:s8+$0x8990]  }
0x522: {  	v9 =	vld [tilespmem:s8+$0x630]  }
0x523: {  	v10 =	vld [tilespmem:s8+$0x4630]  }
0x524: {  	v11 =	vld [tilespmem:s8+$0x8630]  }
0x525: {  	v12 =	vld [tilespmem:s8+$0x640]  }
0x526: {  	[tilespmem:$0x1E770] =	vst v62;
	v62 =	vld [tilespmem:s8+$0x9A0]  }
0x527: {  	v13 =	vld [tilespmem:s8+$0x4640]  }
0x528: {  	v14 =	vld [tilespmem:s8+$0x8640]  }
0x529: {  	v18 =	vld [tilespmem:s8+$0x660]  }
0x52a: {  	v19 =	vld [tilespmem:s8+$0x4660]  }
0x52b: {  	[tilespmem:$0x1E780] =	vst v62;
	v62 =	vld [tilespmem:s8+$0x49A0]  }
0x52c: {  	v20 =	vld [tilespmem:s8+$0x8660]  }
0x52d: {  	v21 =	vld [tilespmem:s8+$0x670]  }
0x52e: {  	v22 =	vld [tilespmem:s8+$0x4670]  }
0x52f: {  	v23 =	vld [tilespmem:s8+$0x8670]  }
0x530: {  	[tilespmem:$0x1E790] =	vst v62;
	v62 =	vld [tilespmem:s8+$0x89A0]  }
0x531: {  	v24 =	vld [tilespmem:s8+$0x680]  }
0x532: {  	v25 =	vld [tilespmem:s8+$0x4680]  }
0x533: {  	v26 =	vld [tilespmem:s8+$0x8680]  }
0x534: {  	v27 =	vld [tilespmem:s8+$0x690]  }
0x535: {  	[tilespmem:$0x1E7A0] =	vst v62;
	v62 =	vld [tilespmem:s8+$0x9B0]  }
0x536: {  	v28 =	vld [tilespmem:s8+$0x4690]  }
0x537: {  	v29 =	vld [tilespmem:s8+$0x8690]  }
0x538: {  	v30 =	vld [tilespmem:s8+$0x6A0]  }
0x539: {  	v31 =	vld [tilespmem:s8+$0x46A0]  }
0x53a: {  	[tilespmem:$0x1E840] =	vst v62;
	v62 =	vld [tilespmem:s8+$0x49B0]  }
0x53b: {  	v60 =	vld [tilespmem:s8+$0x86A0]  }
0x53c: {  	v32 =	vld [tilespmem:s8+$0x86B0]  }
0x53d: {  	v50 =	vld [tilespmem:s8+$0x6E0]  }
0x53e: {  	v53 =	vld [tilespmem:s8+$0x46E0]  }
0x53f: {  	[tilespmem:$0x1E850] =	vst v62;
	v62 =	vld [tilespmem:s8+$0x89B0]  }
0x540: {  	v56 =	vld [tilespmem:s8+$0x86E0]  }
0x541: {  	v58 =	vld [tilespmem:s8+$0x6F0]  }
0x542: {  	v5 =	vld [tilespmem:s8+$0x6B0]  }
0x543: {  	v61 =	vmul.f32 v7, v6;
	v6 =	vld [tilespmem:s8+$0x46B0]  }
0x544: {  	[tilespmem:$0x1E860] =	vst v62;
	v62 =	vld [tilespmem:s8+$0x9C0]  }
0x545: {  	v3 =	vmul.f32 v60, v30;
	v60 =	vld [tilespmem:s8+$0x46F0]  }
0x546: {  	v63 =	vmul.f32 v10, v9;
	v7 =	vld [tilespmem:s8+$0x740]  }
0x547: {  	v10 =	vmul.f32 v53, v50;
	v16 =	vmul.f32 v56, v50;
	v50 =	vld [tilespmem:s8+$0x8740]  }
0x548: {  	v17 =	vld [tilespmem:s8+$0x7B0]  }
0x549: {  	[tilespmem:$0x1E7B0] =	vst v62;
	v62 =	vld [tilespmem:s8+$0x49C0]  }
0x54a: {  	v53 =	vld [tilespmem:s8+$0x87B0]  }
0x54b: {  	v56 =	vld [tilespmem:s8+$0x47C0]  }
0x54c: {  	v43 =	vmul.f32 v19, v18;
	v19 =	vld [tilespmem:s8+$0x800]  }
0x54d: {  	s9 =	sor.u32 $0x102, s7;
	v49 =	vmul.f32 v23, v21;
	v52 =	vmul.f32 v28, v27;
	v23 =	vld [tilespmem:s8+$0x4810]  }
0x54e: {  	v54 =	vmul.f32 v26, v24;
	v55 =	vmul.f32 v29, v27;
	v28 =	vmov s9;
	[tilespmem:$0x1E7C0] =	vst v62;
	v62 =	vld [tilespmem:s8+$0x89C0]  }
0x54f: {  	v57 =	vmul.f32 v31, v30;
	v30 =	vshrl.u32 v28, $0x3;
	v28 =	vld [tilespmem:s8+$0x8830]  }
0x550: {  	v33 =	vmul.f32 v11, v9;
	v51 =	vmul.f32 v25, v24;
	v9 =	vadd.f32 v55, v54;
	v54 =	vld [tilespmem:s8+$0x4760]  }
0x551: {  	s0 =	sor.u32 $0x100, s7;
	v55 =	vld [tilespmem:s8+$0x4780]  }
0x552: {  	v39 =	vmov s0;
	v36 =	vmul.f32 v13, v12;
	v13 =	vadd.f32 v52, v51;
	v51 =	vld [tilespmem:s8+$0x87A0]  }
0x553: {  	v11 =	vshrl.u32 v39, $0x3;
	[tilespmem:$0x1E7D0] =	vst v62;
	v62 =	vld [tilespmem:s8+$0x9D0]  }
0x554: {  	s1 =	sor.u32 $0x101, s7;
	v11 =	vshll.u32 v11, v40;
	v52 =	vld [tilespmem:s8+$0x47B0]  }
0x555: {  	v59 =	vmov s1;
	v24 =	vbroadcast v11, $0x0;
	v11 =	vld [tilespmem:s8+$0x7D0]  }
0x556: {  	v12 =	vmul.f32 v14, v12;
	v25 =	vshrl.u32 v59, $0x3;
	v59 =	vld [tilespmem:s8+$0x87D0]  }
0x557: {  	v1 =	vadd.f32 v61, v1;
	v61 =	vld [tilespmem:s8+$0x86F0]  }
0x558: {  	v45 =	vmul.f32 v20, v18;
	v12 =	vadd.f32 v41, v12;
	[tilespmem:$0x1E7E0] =	vst v62;
	v62 =	vld [tilespmem:s8+$0x49D0]  }
0x559: {  	v46 =	vld [tilespmem:s8+$0x4750]  }
0x55a: {  	v12 =	vadd.f32 v45, v12;
	v45 =	vld [tilespmem:s8+$0x8780]  }
0x55b: {  	v3 =	vadd.f32 v3, v9;
	v9 =	vld [tilespmem:s8+$0x790]  }
0x55c: {  	v13 =	vadd.f32 v57, v13;
	v57 =	vld [tilespmem:s8+$0x8790]  }
0x55d: {  	[tilespmem:$0x1E7F0] =	vst v62;
	v62 =	vld [tilespmem:s8+$0x89D0]  }
0x55e: {  	v27 =	vshll.u32 v25, v40;
	v25 =	vld [tilespmem:s8+$0x4820]  }
0x55f: {  	v20 =	vmul.f32 v60, v58;
	v60 =	vld [tilespmem:s8+$0x8770]  }
0x560: {  	v14 =	vmul.f32 v32, v5;
	v32 =	vshll.u32 v30, v40;
	v30 =	vld [tilespmem:s8+$0x8840]  }
0x561: {  	[tilespmem:$0x1E3F0] =	vst v53;
	v53 =	vld [tilespmem:s8+$0x8870]  }
0x562: {  	[tilespmem:$0x1E800] =	vst v62;
	v62 =	vld [tilespmem:s8+$0x9E0]  }
0x563: {  	[tilespmem:$0x1E3A0] =	vst v56;
	v56 =	vld [tilespmem:s8+$0x4880]  }
0x564: {  	[tilespmem:$0x1E440] =	vst v23;
	v23 =	vld [tilespmem:s8+$0x890]  }
0x565: {  	v18 =	vadd.f32 v10, v4;
	v4 =	vld [tilespmem:s8+$0x700]  }
0x566: {  	v2 =	vadd.f32 v37, v36;
	v34 =	vadd.s32 $0x2, v32;
	v32 =	vld [tilespmem:s8+$0x4710]  }
0x567: {  	v47 =	vmul.f32 v22, v21;
	[tilespmem:$0x1E810] =	vst v62;
	v62 =	vld [tilespmem:s8+$0x49E0]  }
0x568: {  	v2 =	vadd.f32 v43, v2;
	v1 =	vadd.f32 v63, v1;
	v63 =	vmul.f32 v6, v5;
	v5 =	vld [tilespmem:s8+$0x750]  }
0x569: {  	v6 =	vld [tilespmem:s8+$0x760]  }
0x56a: {  	v2 =	vadd.f32 v47, v2;
	v47 =	vld [tilespmem:s8+$0x8760]  }
0x56b: {  	v8 =	vld [tilespmem:s8+$0x770]  }
0x56c: {  	[tilespmem:$0x1E820] =	vst v62;
	v62 =	vld [tilespmem:s8+$0x89E0]  }
0x56d: {  	v10 =	vld [tilespmem:s8+$0x780]  }
0x56e: {  	s25 =	sor.u32 $0x103, s7;
	v12 =	vadd.f32 v49, v12;
	v49 =	vld [tilespmem:s8+$0x47A0]  }
0x56f: {  	v0 =	vadd.f32 v33, v0;
	v33 =	vmov s25;
	[tilespmem:$0x1E4A0] =	vst v28;
	v28 =	vld [tilespmem:s8+$0x88A0]  }
0x570: {  	v35 =	vshrl.u32 v33, $0x3;
	v33 =	vld [tilespmem:s8+$0x8710]  }
0x571: {  	[tilespmem:$0x1E830] =	vst v62;
	v62 =	vld [tilespmem:s8+$0x9F0]  }
0x572: {  	[tilespmem:$0x1E390] =	vst v51;
	v51 =	vld [tilespmem:s8+$0x8860]  }
0x573: {  	[tilespmem:$0x1E3D0] =	vst v52;
	v52 =	vld [tilespmem:s8+$0x4870]  }
0x574: {  	(xrf2) =	vadd.scan.msk.f32 $0xffff, v1;
	v1 =	vadd.f32 v63, v13;
	v13 =	vld [tilespmem:s8+$0x7C0]  }
0x575: {  	v21 =	vadd.f32 v16, v15;
	v15 =	vld [tilespmem:s8+$0x7F0]  }
0x576: {  	[tilespmem:$0x1E870] =	vst v62;
	v62 =	vld [tilespmem:s8+$0x49F0]  }
0x577: {  	v63 =	vld [tilespmem:s8+$0x47F0]  }
0x578: {  	v26 =	vadd.f32 v20, v18;
	v20 =	vld [tilespmem:s8+$0x87F0]  }
0x579: {  	v16 =	vld [tilespmem:s8+$0x810]  }
0x57a: {  	v18 =	vld [tilespmem:s8+$0x820]  }
0x57b: {  	[tilespmem:$0x1E880] =	vst v62;
	v62 =	vld [tilespmem:s8+$0x89F0]  }
0x57c: {  	[tilespmem:$0x1E3C0] =	vst v59;
	v59 =	vld [tilespmem:s8+$0x8880]  }
0x57d: {  	(xrf2) =	vadd.scan.msk.f32 $0xffff, v0;
	v0 =	vadd.f32 v14, v3;
	v3 =	vld [tilespmem:s8+$0x730]  }
0x57e: {  	v22 =	vmul.f32 v61, v58;
	v58 =	vld [tilespmem:s8+$0x87C0]  }
0x57f: {  	v14 =	vld [tilespmem:s8+$0x7E0]  }
0x580: {  	[tilespmem:$0x1E890] =	vst v62;
	v62 =	vld [tilespmem:s8+$0xA00]  }
0x581: {  	v61 =	vld [tilespmem:s8+$0x47E0]  }
0x582: {  	[tilespmem:$0x1E370] =	vst v45;
	v45 =	vld [tilespmem:s8+$0x4860]  }
0x583: {  	[tilespmem:$0x1E470] =	vst v25;
	v25 =	vld [tilespmem:s8+$0x8D0]  }
0x584: {  	(xrf2) =	vadd.scan.msk.f32 $0xffff, v2;
	v2 =	vadd.s32 $0x1, v27;
	v27 =	vld [tilespmem:s8+$0x4830]  }
0x585: {  	[tilespmem:$0x1E8A0] =	vst v62;
	v62 =	vld [tilespmem:s8+$0x4A00]  }
0x586: {  	[tilespmem:$0x1E530] =	vst v56;
	v56 =	vld [tilespmem:s8+$0x8B0]  }
0x587: {  	[tilespmem:$0x1E4D0] =	vst v30;
	v30 =	vld [tilespmem:s8+$0x88B0]  }
0x588: {  	[tilespmem:$0x1E520] =	vst v53;
	v53 =	vld [tilespmem:s8+$0x88D0]  }
0x589: {  	v31 =	vbroadcast v2, $0x0;
	v2 =	vshll.u32 v35, v40;
	v35 =	vld [tilespmem:s8+$0x8700]  }
0x58a: {  	[tilespmem:$0x1E8B0] =	vst v62;
	v62 =	vld [tilespmem:s8+$0x8A00]  }
0x58b: {  	(xrf2) =	vadd.scan.msk.f32 $0xffff, v12;
	v12 =	vld [tilespmem:s8+$0x7A0]  }
0x58c: {  	v29 =	vadd.f32 v22, v21;
	v21 =	vld [tilespmem:s8+$0x4800]  }
0x58d: {  	v22 =	vld [tilespmem:s8+$0x8800]  }
0x58e: {  	[tilespmem:$0x1E380] =	vst v49;
	v49 =	vld [tilespmem:s8+$0x840]  }
0x58f: {  	[tilespmem:$0x1E8E0] =	vst v62;
	v62 =	vld [tilespmem:s8+$0xA10]  }
0x590: {  	[tilespmem:$0x1E580] =	vst v28;
	v28 =	vld [tilespmem:s8+$0x8F0]  }
0x591: {  	(xrf2) =	vadd.scan.msk.f32 $0xffff, v1;
	v1 =	vld [tilespmem:s8+$0x710]  }
0x592: {  	[tilespmem:$0x1E500] =	vst v51;
	v51 =	vld [tilespmem:s8+$0x880]  }
0x593: {  	[tilespmem:$0x1E510] =	vst v52;
	v52 =	vld [tilespmem:s8+$0x48D0]  }
0x594: {  	[tilespmem:$0x1E8C0] =	vst v62;
	v62 =	vld [tilespmem:s8+$0x4A10]  }
0x595: {  	(xrf2) =	vadd.scan.msk.f32 $0xffff, v0;
	v0 =	vbroadcast v34, $0x0;
	v34 =	vld [tilespmem:s8+$0x4720]  }
0x596: {  	[tilespmem:$0x1E420] =	vst v20;
	v20 =	vld [tilespmem:s8+$0x830]  }
0x597: {  	[tilespmem:$0x1E410] =	vst v63;
	v63 =	vld [tilespmem:s8+$0x48A0]  }
0x598: {  	[tilespmem:$0x1E550] =	vst v59;
	v59 =	vld [tilespmem:s8+$0x48E0]  }
0x599: {  	[tilespmem:$0x1E8D0] =	vst v62;
	v62 =	vld [tilespmem:s8+$0x8A10]  }
0x59a: {  	[tilespmem:$0x1E3B0] =	vst v58;
	v58 =	vld [tilespmem:s8+$0x47D0]  }
0x59b: {  	(xrf2) =	vadd.scan.msk.f32 $0xffff, v26;
	v26 =	vld [tilespmem:s8+$0x8820]  }
0x59c: {  	[tilespmem:$0x1E4F0] =	vst v45;
	v45 =	vld [tilespmem:s8+$0x870]  }
0x59d: {  	[tilespmem:$0x1E3E0] =	vst v61;
	v61 =	vld [tilespmem:s8+$0x4890]  }
0x59e: {  	[tilespmem:$0x1E8F0] =	vst v62;
	v62 =	vld [tilespmem:s8+$0xA20]  }
0x59f: {  	(xrf2) =	vadd.scan.msk.f32 $0xffff, v29;
	v29 =	vld [tilespmem:s8+$0x4840]  }
0x5a0: {  	[tilespmem:$0x1E490] =	vst v27;
	v27 =	vld [tilespmem:s8+$0x8E0]  }
0x5a1: {  	[tilespmem:$0x1E5C0] =	vst v53;
	v53 =	vld [tilespmem:s8+$0x4910]  }
0x5a2: {  	[tilespmem:$0x1E5E0] =	vst v30;
	v30 =	vld [tilespmem:s8+$0x920]  }
0x5a3: {  	[tilespmem:$0x1E900] =	vst v62;
	v62 =	vld [tilespmem:s8+$0x4A20]  }
0x5a4: {  	[tilespmem:$0x1E430] =	vst v21;
	v21 =	vld [tilespmem:s8+$0x850]  }
0x5a5: {  	[tilespmem:$0x1E450] =	vst v22;
	v22 =	vld [tilespmem:s8+$0x860]  }
0x5a6: {  	[tilespmem:$0x1E5B0] =	vst v52;
	v52 =	vld [tilespmem:s8+$0x8900]  }
0x5a7: {  	[tilespmem:$0x1E570] =	vst v63;
	v63 =	vld [tilespmem:s8+$0x88F0]  }
0x5a8: {  	[tilespmem:$0x1E910] =	vst v62;
	v62 =	vld [tilespmem:s8+$0x8A20]  }
0x5a9: {  	v36, _, _ =	vpop (xrf2);
	[tilespmem:$0x1E5F0] =	vst v59;
	v59 =	vld [tilespmem:s8+$0x910]  }
0x5aa: {  	[tilespmem:v24+s31+$0x0] =	vst.idx.msk vm0, v36;
	v36 =	vld [tilespmem:s8+$0x8720]  }
0x5ab: {  	[tilespmem:$0x1E480] =	vst v26;
	v26 =	vld [tilespmem:s8+$0x8A0]  }
0x5ac: {  	[tilespmem:$0x1E540] =	vst v61;
	v61 =	vld [tilespmem:s8+$0x88E0]  }
0x5ad: {  	v37, _, _ =	vpop (xrf2);
	[tilespmem:$0x1E920] =	vst v62;
	v62 =	vld [tilespmem:s8+$0xA30]  }
0x5ae: {  	[tilespmem:v24+s26+$0x0] =	vst.idx.msk vm0, v37;
	v37 =	vld [tilespmem:s8+$0x4700]  }
0x5af: {  	v24 =	vld [tilespmem:s8+$0x8810]  }
0x5b0: {  	[tilespmem:$0x1E4B0] =	vst v29;
	v29 =	vld [tilespmem:s8+$0x48B0]  }
0x5b1: {  	[tilespmem:$0x1E650] =	vst v53;
	v53 =	vld [tilespmem:s8+$0x930]  }
0x5b2: {  	v38, _, _ =	vpop (xrf2);
	[tilespmem:$0x1E930] =	vst v62;
	v62 =	vld [tilespmem:s8+$0x4A30]  }
0x5b3: {  	[tilespmem:v31+s31+$0x0] =	vst.idx.msk vm0, v38;
	v39, _, _ =	vpop (xrf2);
	v38 =	vld [tilespmem:s8+$0x4730]  }
0x5b4: {  	[tilespmem:v31+s26+$0x0] =	vst.idx.msk vm0, v39;
	v31 =	vld [tilespmem:s8+$0x4850]  }
0x5b5: {  	v39 =	vld [tilespmem:s8+$0x8850]  }
0x5b6: {  	[tilespmem:$0x1E640] =	vst v52;
	v52 =	vld [tilespmem:s8+$0x8930]  }
0x5b7: {  	v2 =	vadd.s32 $0x3, v2;
	v41, _, _ =	vpop (xrf2);
	[tilespmem:$0x1E940] =	vst v62;
	v62 =	vld [tilespmem:s8+$0x8A30]  }
0x5b8: {  	v2 =	vbroadcast v2, $0x0;
	[tilespmem:v0+s31+$0x0] =	vst.idx.msk vm0, v41;
	v41 =	vld [tilespmem:s8+$0x4770]  }
0x5b9: {  	v42, _, _ =	vpop (xrf2);
	[tilespmem:$0x1E620] =	vst v63;
	v63 =	vld [tilespmem:s8+$0x8920]  }
0x5ba: {  	[tilespmem:v0+s26+$0x0] =	vst.idx.msk vm0, v42;
	v0 =	vld [tilespmem:s8+$0x8730]  }
0x5bb: {  	v42 =	vld [tilespmem:s8+$0x4740]  }
0x5bc: {  	[tilespmem:$0x1E950] =	vst v62;
	v62 =	vld [tilespmem:s8+$0xA40]  }
0x5bd: {  	v43, _, _ =	vpop (xrf2);
	[tilespmem:$0x1E600] =	vst v61;
	v61 =	vld [tilespmem:s8+$0x8910]  }
0x5be: {  	[tilespmem:v2+s31+$0x0] =	vst.idx.msk vm0, v43;
	v43 =	vld [tilespmem:s8+$0x8750]  }
0x5bf: {  	[tilespmem:$0x1E460] =	vst v24;
	v24 =	vld [tilespmem:s8+$0x8C0]  }
0x5c0: {  	[tilespmem:$0x1E5D0] =	vst v29;
	v29 =	vld [tilespmem:s8+$0x900]  }
0x5c1: {  	[tilespmem:$0x1E960] =	vst v62;
	v62 =	vld [tilespmem:s8+$0x4A40]  }
0x5c2: {  	v44, _, _ =	vpop (xrf2);
	v37 =	vmul.f32 v37, v4;
	v4 =	vmul.f32 v35, v4;
	v35 =	vld [tilespmem:s8+$0x8A80]  }
0x5c3: {  	[tilespmem:v2+s26+$0x0] =	vst.idx.msk vm0, v44;
	v2 =	vld [tilespmem:s8+$0x720]  }
0x5c4: {  	v44 =	vld [tilespmem:s8+$0x4790]  }
0x5c5: {  	[tilespmem:$0x1E4C0] =	vst v31;
	v31 =	vld [tilespmem:s8+$0x48C0]  }
0x5c6: {  	[tilespmem:$0x1E970] =	vst v62;
	v62 =	vld [tilespmem:s8+$0x8A40]  }
0x5c7: {  	v32 =	vmul.f32 v32, v1;
	[tilespmem:$0x1E4E0] =	vst v39;
	v39 =	vld [tilespmem:s8+$0x88C0]  }
0x5c8: {  	[tilespmem:$0x1E6A0] =	vst v52;
	v52 =	vld [tilespmem:s8+$0x940]  }
0x5c9: {  	v32 =	vadd.f32 v32, v37;
	v37 =	vld [tilespmem:s8+$0x4A80];
	[tilespmem:$0x1E680] =	vst v63  }
0x5ca: {  	v63 =	vld [tilespmem:s8+$0x8950];
	[tilespmem:$0x1E660] =	vst v61  }
0x5cb: {  	v1 =	vmul.f32 v33, v1;
	v0 =	vmul.f32 v0, v3;
	[tilespmem:$0x1E980] =	vst v62;
	v62 =	vld [tilespmem:s8+$0xA50]  }
0x5cc: {  	v61 =	vld [tilespmem:s8+$0x4940];
	[tilespmem:$0x1EA00] =	vst v35;
	v35 =	vmul.f32 v47, v6;
	v33 =	vmul.f32 v34, v2  }
0x5cd: {  	v47 =	vld [tilespmem:s8+$0x4AC0];
	v2 =	vmul.f32 v36, v2;
	v36 =	vmul.f32 v38, v3  }
0x5ce: {  	v38 =	vld [tilespmem:s8+$0x4A90];
	v3 =	vmul.f32 v46, v5;
	v46 =	vmul.f32 v50, v7  }
0x5cf: {  	v50 =	vmul.f32 v43, v5;
	v43 =	vmul.f32 v55, v10;
	v55 =	vld [tilespmem:$0x1E370]  }
0x5d0: {  	[tilespmem:$0x1E990] =	vst v62;
	v62 =	vld [tilespmem:s8+$0x4A50]  }
0x5d1: {  	[tilespmem:$0x1E5A0] =	vst v39;
	v39 =	vld [tilespmem:s8+$0x4900]  }
0x5d2: {  	[tilespmem:$0x1E590] =	vst v31;
	v31 =	vld [tilespmem:s8+$0x950]  }
0x5d3: {  	[tilespmem:$0x1E9F0] =	vst v37;
	v37 =	vld [tilespmem:s8+$0xA90]  }
0x5d4: {  	v1 =	vadd.f32 v1, v4;
	[tilespmem:$0x1E6E0] =	vst v63;
	v63 =	vld [tilespmem:s8+$0x960]  }
0x5d5: {  	v4 =	vadd.f32 v33, v32;
	[tilespmem:$0x1E9A0] =	vst v62;
	v62 =	vld [tilespmem:s8+$0x8A50]  }
0x5d6: {  	v1 =	vadd.f32 v2, v1;
	v2 =	vmul.f32 v42, v7;
	v42 =	vld [tilespmem:s8+$0x8A90];
	v33 =	vmul.f32 v54, v6  }
0x5d7: {  	v54 =	vmul.f32 v44, v9;
	v44 =	vmul.f32 v58, v11;
	v58 =	vld [tilespmem:$0x1E3C0]  }
0x5d8: {  	[tilespmem:$0x1E6B0] =	vst v61;
	v61 =	vld [tilespmem:s8+$0x4960]  }
0x5d9: {  	v34 =	vadd.f32 v36, v4;
	v36 =	vmul.f32 v41, v8;
	v41 =	vld [tilespmem:s8+$0x8AA0]  }
0x5da: {  	[tilespmem:$0x1E9B0] =	vst v62;
	v62 =	vld [tilespmem:s8+$0xA60]  }
0x5db: {  	v32 =	vadd.f32 v0, v1;
	v0 =	vadd.f32 v50, v46;
	v46 =	vld [tilespmem:s8+$0xAB0]  }
0x5dc: {  	v50 =	vld [tilespmem:s8+$0x4AB0]  }
0x5dd: {  	v4 =	vmul.f32 v55, v10;
	v55 =	vld [tilespmem:s8+$0x8AB0]  }
0x5de: {  	v10 =	vadd.f32 v54, v43;
	v54 =	vld [tilespmem:s8+$0xAC0]  }
0x5df: {  	[tilespmem:$0x1E9C0] =	vst v62;
	v62 =	vld [tilespmem:s8+$0x4A60]  }
0x5e0: {  	v43 =	vld [tilespmem:$0x1E3A0]  }
0x5e1: {  	[tilespmem:$0x1EA20] =	vst v38;
	v38 =	vmul.f32 v60, v8;
	v60 =	vmul.f32 v57, v9;
	v57 =	vld [tilespmem:$0x1E3B0]  }
0x5e2: {  	v2 =	vadd.f32 v3, v2;
	[tilespmem:$0x1E630] =	vst v39;
	v39 =	vld [tilespmem:s8+$0x4930]  }
0x5e3: {  	[tilespmem:$0x1EA10] =	vst v37;
	v37 =	vld [tilespmem:s8+$0xAA0]  }
0x5e4: {  	v2 =	vadd.f32 v33, v2;
	[tilespmem:$0x1E9D0] =	vst v62;
	v62 =	vld [tilespmem:s8+$0x8A60]  }
0x5e5: {  	[tilespmem:$0x1EA30] =	vst v42;
	v42 =	vld [tilespmem:s8+$0x4AA0]  }
0x5e6: {  	v9 =	vadd.f32 v36, v2;
	v36 =	vld [tilespmem:$0x1E380]  }
0x5e7: {  	[tilespmem:$0x1EA40] =	vst v41;
	v41 =	vld [tilespmem:$0x1E390]  }
0x5e8: {  	v5 =	vmul.f32 v58, v11;
	v11 =	vld [tilespmem:$0x1E3E0]  }
0x5e9: {  	v0 =	vadd.f32 v35, v0;
	[tilespmem:$0x1E9E0] =	vst v62;
	v62 =	vld [tilespmem:s8+$0xA70]  }
0x5ea: {  	[tilespmem:$0x1E6F0] =	vst v61;
	v61 =	vld [tilespmem:s8+$0x4970]  }
0x5eb: {  	v33 =	vadd.f32 v38, v0;
	v38 =	vadd.f32 v60, v4;
	v60 =	vld [tilespmem:s8+$0x8AC0];
	v2 =	vmul.f32 v36, v12  }
0x5ec: {  	v3 =	vmul.f32 v41, v12;
	v12 =	vld [tilespmem:$0x1E3F0]  }
0x5ed: {  	v1 =	vadd.f32 v2, v10;
	v10 =	vld [tilespmem:$0x1E3D0]  }
0x5ee: {  	[tilespmem:$0x1EA50] =	vst v62;
	v62 =	vld [tilespmem:s8+$0x4A70]  }
0x5ef: {  	[tilespmem:$0x1E690] =	vst v39;
	v39 =	vld [tilespmem:s8+$0x4950]  }
0x5f0: {  	[tilespmem:$0x1E710] =	vst v61;
	v61 =	vld [tilespmem:s8+$0x8970]  }
0x5f1: {  	[tilespmem:$0x1EAA0] =	vst v60;
	v60 =	vld [tilespmem:s8+$0xAD0]  }
0x5f2: {  	v7 =	vmul.f32 v12, v17;
	v4 =	vmul.f32 v10, v17;
	v17 =	vld [tilespmem:s8+$0x4AD0]  }
0x5f3: {  	[tilespmem:$0x1EA60] =	vst v62;
	v62 =	vld [tilespmem:s8+$0x8A70]  }
0x5f4: {  	[tilespmem:$0x1EA80] =	vst v47;
	v36 =	vld [tilespmem:$0x1E410]  }
0x5f5: {  	[tilespmem:$0x1E6C0] =	vst v39;
	v39 =	vld [tilespmem:s8+$0x970]  }
0x5f6: {  	v2 =	vmul.f32 v43, v13;
	v0 =	vadd.f32 v3, v38;
	v3 =	vmul.f32 v57, v13;
	v13 =	vld [tilespmem:$0x1E400];
	[tilespmem:$0x1E720] =	vst v61  }
0x5f7: {  	v61 =	vld [tilespmem:s8+$0x980];
	[tilespmem:$0x1EA90] =	vst v17  }
0x5f8: {  	[tilespmem:$0x1EA70] =	vst v62;
	v62 =	vld [tilespmem:s8+$0xA80]  }
0x5f9: {  	v38 =	vld [tilespmem:s8+$0x8AD0]  }
0x5fa: {  	v43 =	vld [tilespmem:$0x1E420]  }
0x5fb: {  	v2 =	vadd.f32 v44, v2;
	v44 =	vld [tilespmem:s8+$0xAE0]  }
0x5fc: {  	v47 =	vld [tilespmem:$0x1E430]  }
0x5fd: {  	v57 =	vld [tilespmem:$0x1E440]  }
0x5fe: {  	v58 =	vld [tilespmem:s8+$0x4AE0]  }
0x5ff: {  	v8 =	vadd.f32 v7, v0;
	v7 =	vld [tilespmem:$0x1E450]  }
0x600: {  	v10 =	vld [tilespmem:$0x1E460]  }
0x601: {  	v6 =	vmul.f32 v11, v14;
	v11 =	vld [tilespmem:s8+$0x8AE0]  }
0x602: {  	v3 =	vadd.f32 v5, v3;
	v12 =	vld [tilespmem:$0x1E470]  }
0x603: {  	v35 =	vadd.f32 v6, v2;
	v2 =	vmul.f32 v36, v15;
	v5 =	vmul.f32 v13, v14;
	v14 =	vld [tilespmem:$0x1E480]  }
0x604: {  	v17 =	vld [tilespmem:$0x1E4A0]  }
0x605: {  	v13 =	vadd.f32 v4, v1;
	v4 =	vadd.f32 v2, v35;
	v35 =	vld [tilespmem:s8+$0x8AF0]  }
0x606: {  	v36 =	vld [tilespmem:$0x1E4D0];
	(xrf2) =	vadd.scan.msk.f32 $0xffff, v34  }
0x607: {  	(xrf2) =	vadd.scan.msk.f32 $0xffff, v32;
	v32 =	vld [tilespmem:$0x1E620]  }
0x608: {  	(xrf2) =	vadd.scan.msk.f32 $0xffff, v9;
	v9 =	vld [tilespmem:s8+$0x4B80]  }
0x609: {  	(xrf2) =	vadd.scan.msk.f32 $0xffff, v33;
	v33 =	vld [tilespmem:$0x1E690]  }
0x60a: {  	v41 =	vadd.f32 v5, v3;
	v3 =	vmul.f32 v43, v15;
	v15 =	vld [tilespmem:s8+$0xAF0]  }
0x60b: {  	v2 =	vmul.f32 v57, v16;
	v5 =	vmul.f32 v10, v16;
	v16 =	vld [tilespmem:$0x1E490]  }
0x60c: {  	v1 =	vmul.f32 v47, v19;
	v0 =	vmul.f32 v7, v19;
	v19 =	vld [tilespmem:$0x1E4B0]  }
0x60d: {  	[tilespmem:$0x1EAB0] =	vst v38;
	v38 =	vld [tilespmem:$0x1E4E0]  }
0x60e: {  	v43 =	vld [tilespmem:$0x1E4F0]  }
0x60f: {  	v47 =	vld [tilespmem:s8+$0x4B00]  }
0x610: {  	[tilespmem:$0x1EAD0] =	vst v58;
	v58 =	vld [tilespmem:$0x1E500]  }
0x611: {  	v6 =	vmul.f32 v14, v18;
	v14 =	vld [tilespmem:$0x1E520]  }
0x612: {  	v7 =	vmul.f32 v17, v20;
	v17 =	vld [tilespmem:s8+$0x4B10]  }
0x613: {  	(xrf2) =	vadd.scan.msk.f32 $0xffff, v13;
	[tilespmem:$0x1EB60] =	vst v35;
	v35 =	vld [tilespmem:s8+$0x4B20]  }
0x614: {  	(xrf2) =	vadd.scan.msk.f32 $0xffff, v8;
	v8 =	vld [tilespmem:s8+$0xB90]  }
0x615: {  	v34 =	vmul.f32 v32, v28;
	v32 =	vld [tilespmem:s8+$0x4B60];
	v0 =	vadd.f32 v5, v0  }
0x616: {  	v1 =	vadd.f32 v2, v1;
	v2 =	vmul.f32 v12, v18;
	v18 =	vld [tilespmem:s8+$0x4AF0]  }
0x617: {  	v0 =	vadd.f32 v6, v0;
	v6 =	vmul.f32 v36, v49;
	v36 =	vld [tilespmem:$0x1E5A0]  }
0x618: {  	v5 =	vmul.f32 v16, v20;
	v20 =	vld [tilespmem:$0x1E4C0]  }
0x619: {  	v1 =	vadd.f32 v2, v1;
	v2 =	vmul.f32 v19, v49;
	v49 =	vld [tilespmem:s8+$0xB00]  }
0x61a: {  	[tilespmem:$0x1EB30] =	vst v15;
	v15 =	vld [tilespmem:$0x1E530]  }
0x61b: {  	v16 =	vld [tilespmem:$0x1E540]  }
0x61c: {  	v19 =	vld [tilespmem:$0x1E560]  }
0x61d: {  	[tilespmem:$0x1EAE0] =	vst v11;
	v11 =	vmul.f32 v38, v21;
	v38 =	vld [tilespmem:$0x1E5B0]  }
0x61e: {  	[tilespmem:$0x1EAC0] =	vst v44;
	v44 =	vmul.f32 v43, v22;
	v43 =	vld [tilespmem:$0x1E5C0]  }
0x61f: {  	[tilespmem:$0x1EAF0] =	vst v47;
	v47 =	vld [tilespmem:$0x1E5E0]  }
0x620: {  	[tilespmem:$0x1EB50] =	vst v35;
	v35 =	vld [tilespmem:$0x1E630]  }
0x621: {  	v57 =	vadd.f32 v11, v6;
	v11 =	vld [tilespmem:$0x1E510]  }
0x622: {  	[tilespmem:$0x1EB40] =	vst v18;
	v18 =	vld [tilespmem:$0x1E550]  }
0x623: {  	v6 =	vmul.f32 v58, v22;
	v22 =	vld [tilespmem:$0x1E570]  }
0x624: {  	v58 =	vld [tilespmem:s8+$0x4B30];
	v10 =	vmul.f32 v20, v21  }
0x625: {  	v3 =	vadd.f32 v3, v41;
	v20 =	vld [tilespmem:s8+$0x8B10]  }
0x626: {  	v12 =	vadd.f32 v5, v1;
	v41 =	vadd.f32 v10, v2;
	v10 =	vld [tilespmem:s8+$0x8B00]  }
0x627: {  	v2 =	vadd.f32 v7, v0;
	v5 =	vmul.f32 v11, v45;
	v7 =	vmul.f32 v14, v45;
	v45 =	vld [tilespmem:s8+$0xB10]  }
0x628: {  	v0 =	vadd.f32 v6, v57;
	v57 =	vld [tilespmem:$0x1E5F0]  }
0x629: {  	v1 =	vadd.f32 v44, v41;
	v44 =	vld [tilespmem:$0x1E5D0]  }
0x62a: {  	v14 =	vmul.f32 v38, v25;
	v38 =	vld [tilespmem:s8+$0x8B40]  }
0x62b: {  	v41 =	vld [tilespmem:s8+$0x8B20]  }
0x62c: {  	v6 =	vmul.f32 v15, v51;
	v5 =	vadd.f32 v5, v1;
	v1 =	vmul.f32 v18, v51;
	v51 =	vld [tilespmem:s8+$0xB20]  }
0x62d: {  	v11 =	vmul.f32 v19, v23;
	[tilespmem:$0x1EB10] =	vst v10;
	v10 =	vmul.f32 v16, v23;
	v23 =	vld [tilespmem:$0x1E580]  }
0x62e: {  	v15 =	vmul.f32 v44, v56;
	v44 =	vld [tilespmem:s8+$0xB30]  }
0x62f: {  	v21 =	vadd.f32 v10, v6;
	v6 =	vmul.f32 v22, v26;
	v22 =	vld [tilespmem:s8+$0x8B30]  }
0x630: {  	v16 =	vmul.f32 v47, v56;
	v56 =	vld [tilespmem:s8+$0xB40]  }
0x631: {  	[tilespmem:$0x1EB70] =	vst v41;
	v41 =	vld [tilespmem:$0x1E640]  }
0x632: {  	v7 =	vadd.f32 v7, v0;
	v0 =	vadd.f32 v6, v21;
	v21 =	vld [tilespmem:$0x1E600]  }
0x633: {  	v1 =	vadd.f32 v11, v1;
	v10 =	vmul.f32 v23, v26;
	v26 =	vld [tilespmem:$0x1E590]  }
0x634: {  	v6 =	vmul.f32 v36, v24;
	v36 =	vmul.f32 v35, v29;
	v35 =	vld [tilespmem:$0x1E6A0]  }
0x635: {  	v1 =	vadd.f32 v10, v1;
	v10 =	vmul.f32 v43, v25;
	v25 =	vld [tilespmem:$0x1E610]  }
0x636: {  	[tilespmem:$0x1EB90] =	vst v22;
	v22 =	vld [tilespmem:s8+$0x4B50]  }
0x637: {  	s29 =	sor.u32 $0x104, s7;
	[tilespmem:$0x1EB20] =	vst v20;
	v20 =	vadd.f32 v10, v6;
	v10 =	vld [tilespmem:s8+$0xB50]  }
0x638: {  	v23 =	vmov s29;
	v6 =	vmul.f32 v21, v27;
	v21 =	vld [tilespmem:$0x1E660];
	v11 =	vmul.f32 v26, v24  }
0x639: {  	v24 =	vshrl.u32 v23, $0x3;
	v23 =	vld [tilespmem:$0x1E670]  }
0x63a: {  	v11 =	vadd.f32 v14, v11;
	v14 =	vmul.f32 v57, v27;
	v27 =	vld [tilespmem:s8+$0x4B40]  }
0x63b: {  	v15 =	vadd.f32 v15, v0;
	v0 =	vadd.f32 v6, v20;
	v6 =	vshll.u32 v24, v40;
	v57 =	vld [tilespmem:$0x1E650]  }
0x63c: {  	v47 =	vadd.s32 $0x4, v6;
	[tilespmem:$0x1EBB0] =	vst v22;
	v22 =	vld [tilespmem:s8+$0x4B90]  }
0x63d: {  	v26 =	vmul.f32 v25, v28;
	v11 =	vadd.f32 v14, v11;
	v14 =	vbroadcast v47, $0x0;
	v47 =	vld [tilespmem:$0x1E6B0]  }
0x63e: {  	v24 =	vmul.f32 v23, v30;
	v23 =	vld [tilespmem:s8+$0x4B70]  }
0x63f: {  	v6 =	vadd.f32 v26, v11;
	v26 =	vld [tilespmem:s8+$0x8B50]  }
0x640: {  	s1 =	sor.u32 $0x106, s7;
	v43 =	vmul.f32 v41, v29;
	v11 =	vmul.f32 v21, v59;
	[tilespmem:$0x1EBA0] =	vst v27;
	v27 =	vld [tilespmem:$0x1E680]  }
0x641: {  	v41 =	vmov s1;
	[tilespmem:$0x1EC20] =	vst v22;
	v22 =	vld [tilespmem:$0x1E7B0]  }
0x642: {  	[tilespmem:$0x1EB80] =	vst v58;
	v58 =	vmul.f32 v57, v59;
	v18 =	vadd.f32 v11, v43;
	v11 =	vadd.f32 v34, v0;
	v34 =	vld [tilespmem:s8+$0x8B60]  }
0x643: {  	v43 =	vshrl.u32 v41, $0x3;
	v41 =	vld [tilespmem:$0x1E710]  }
0x644: {  	[tilespmem:$0x1EB00] =	vst v17;
	v17 =	vadd.f32 v58, v36;
	v36 =	vld [tilespmem:s8+$0xB60]  }
0x645: {  	v58 =	vld [tilespmem:$0x1E6C0]  }
0x646: {  	s30 =	sor.u32 $0x105, s7;
	v19 =	vshll.u32 v43, v40;
	v43 =	vld [tilespmem:s8+$0x8B80]  }
0x647: {  	v25 =	vmov s30;
	[tilespmem:$0x1EC00] =	vst v23;
	v23 =	vld [tilespmem:$0x1E730]  }
0x648: {  	v29 =	vshrl.u32 v25, $0x3;
	v0 =	vadd.f32 v24, v17;
	v24 =	vld [tilespmem:$0x1E6D0]  }
0x649: {  	[tilespmem:$0x1EBD0] =	vst v26;
	v26 =	vld [tilespmem:$0x1E6E0];
	v28 =	vmul.f32 v27, v30;
	v30 =	vshll.u32 v29, v40  }
0x64a: {  	v1 =	vadd.f32 v16, v1;
	v16 =	vadd.s32 $0x5, v30;
	v30 =	vld [tilespmem:$0x1E6F0]  }
0x64b: {  	[tilespmem:$0x1EBF0] =	vst v34;
	v34 =	vld [tilespmem:$0x1E700]  }
0x64c: {  	v17 =	vmul.f32 v33, v53;
	v13 =	vadd.f32 v28, v18;
	v18 =	vmul.f32 v35, v53;
	v53 =	vld [tilespmem:s8+$0xB70]  }
0x64d: {  	v28 =	vld [tilespmem:s8+$0x8B70]  }
0x64e: {  	(xrf2) =	vadd.scan.msk.f32 $0xffff, v4;
	v57 =	vmul.f32 v47, v52;
	[tilespmem:$0x1EC30] =	vst v43;
	v43 =	vld [tilespmem:s8+$0x8BA0]  }
0x64f: {  	(xrf2) =	vadd.scan.msk.f32 $0xffff, v3;
	v59 =	vmul.f32 v58, v31;
	v3 =	vmul.f32 v23, v61;
	v23 =	vld [tilespmem:$0x1E7C0]  }
0x650: {  	v25 =	vmul.f32 v24, v52;
	v52 =	vld [tilespmem:s8+$0xB80]  }
0x651: {  	v27 =	vmul.f32 v26, v31;
	v29 =	vadd.f32 v59, v57;
	v57 =	vld [tilespmem:$0x1E720]  }
0x652: {  	v16 =	vbroadcast v16, $0x0;
	v26 =	vld [tilespmem:$0x1E740]  }
0x653: {  	s9 =	sor.u32 $0x107, s7;
	[tilespmem:$0x1EBE0] =	vst v32;
	v33 =	vadd.f32 v27, v25;
	v25 =	vld [tilespmem:s8+$0x8B90]  }
0x654: {  	v31 =	vmul.f32 v30, v63;
	v35 =	vmul.f32 v34, v63;
	v63 =	vmov s9;
	[tilespmem:$0x1EC10] =	vst v28;
	v28 =	vld [tilespmem:$0x1E750]  }
0x655: {  	[tilespmem:$0x1EBC0] =	vst v38;
	v38, _, _ =	vpop (xrf2);
	v21 =	vshrl.u32 v63, $0x3;
	v63 =	vld [tilespmem:s8+$0x4BB0]  }
0x656: {  	v32, _, _ =	vpop (xrf2);
	[tilespmem:v14+s31+$0x0] =	vst.idx.msk vm0, v38;
	v38 =	vadd.f32 v31, v29;
	v29 =	vld [tilespmem:$0x1E760]  }
0x657: {  	v59, _, _ =	vpop (xrf2);
	v31 =	vld [tilespmem:$0x1E770]  }
0x658: {  	(xrf2) =	vadd.scan.msk.f32 $0xffff, v12;
	[tilespmem:v16+s31+$0x0] =	vst.idx.msk vm0, v59;
	v59 =	vld [tilespmem:s8+$0x4BA0]  }
0x659: {  	(xrf2) =	vadd.scan.msk.f32 $0xffff, v2;
	v47 =	vadd.f32 v35, v33;
	v35 =	vld [tilespmem:$0x1E780]  }
0x65a: {  	s29 =	sor.u32 $0x109, s7;
	v4 =	vmul.f32 v41, v39;
	v24, _, _ =	vpop (xrf2);
	(xrf2) =	vadd.scan.msk.f32 $0xffff, v5;
	v5 =	vld [tilespmem:s8+$0xBB0]  }
0x65b: {  	v58 =	vmul.f32 v57, v39;
	v27 =	vmul.f32 v26, v61;
	v39 =	vld [tilespmem:$0x1E790];
	v61 =	vmov s29  }
0x65c: {  	[tilespmem:v14+s26+$0x0] =	vst.idx.msk vm0, v32;
	v14 =	vadd.f32 v17, v0;
	v0 =	vshll.u32 v21, v40;
	v21 =	vshrl.u32 v61, $0x3;
	v61 =	vld [tilespmem:s8+$0x8BC0]  }
0x65d: {  	v12 =	vadd.f32 v58, v47;
	v47 =	vld [tilespmem:$0x1E7A0]  }
0x65e: {  	v19 =	vadd.s32 $0x6, v19;
	v0 =	vadd.s32 $0x7, v0;
	[tilespmem:$0x1EC40] =	vst v25;
	v25 =	vld [tilespmem:$0x1E7D0]  }
0x65f: {  	v19 =	vbroadcast v19, $0x0;
	v0 =	vbroadcast v0, $0x0;
	[tilespmem:$0x1EC60] =	vst v63;
	v63 =	vld [tilespmem:$0x1E810]  }
0x660: {  	v20 =	vadd.f32 v18, v13;
	v17 =	vmul.f32 v29, v28;
	v18 =	vmul.f32 v31, v28;
	v28 =	vld [tilespmem:$0x1E7E0]  }
0x661: {  	v30, _, _ =	vpop (xrf2);
	(xrf2) =	vadd.scan.msk.f32 $0xffff, v7;
	v29 =	vld [tilespmem:$0x1E7F0]  }
0x662: {  	[tilespmem:$0x1EC50] =	vst v43;
	v58, _, _ =	vpop (xrf2);
	(xrf2) =	vadd.scan.msk.f32 $0xffff, v15;
	v41 =	vmul.f32 v39, v35;
	v39 =	vld [tilespmem:$0x1E800]  }
0x663: {  	v31, _, _ =	vpop (xrf2);
	(xrf2) =	vadd.scan.msk.f32 $0xffff, v1;
	[tilespmem:$0x1ECA0] =	vst v61;
	v61 =	vld [tilespmem:$0x1E870]  }
0x664: {  	[tilespmem:v16+s26+$0x0] =	vst.idx.msk vm0, v24;
	v43, _, _ =	vpop (xrf2);
	(xrf2) =	vadd.scan.msk.f32 $0xffff, v6;
	v6 =	vld [tilespmem:$0x1E8D0]  }
0x665: {  	s25 =	sor.u32 $0x108, s7;
	[tilespmem:v0+s31+$0x0] =	vst.idx.msk vm0, v31;
	v31 =	vld [tilespmem:$0x1E830]  }
0x666: {  	s30 =	sor.u32 $0x10A, s7;
	v32 =	vmov s25;
	[tilespmem:v19+s31+$0x0] =	vst.idx.msk vm0, v30;
	v57 =	vmul.f32 v47, v35;
	v35 =	vld [tilespmem:$0x1E840]  }
0x667: {  	v34 =	vshrl.u32 v32, $0x3;
	v16 =	vadd.f32 v18, v27;
	v47 =	vmov s30;
	[tilespmem:v0+s26+$0x0] =	vst.idx.msk vm0, v43;
	v43 =	vld [tilespmem:s8+$0x4BD0]  }
0x668: {  	[tilespmem:v19+s26+$0x0] =	vst.idx.msk vm0, v58;
	v33 =	vadd.f32 v17, v3;
	v3 =	vshll.u32 v34, v40;
	v58 =	vshrl.u32 v47, $0x3;
	v47 =	vld [tilespmem:$0x1E860]  }
0x669: {  	v17 =	vbroadcast v3, $0x0;
	v16 =	vadd.f32 v57, v16;
	v57 =	vld [tilespmem:s8+$0x4BC0]  }
0x66a: {  	v30 =	vmul.f32 v29, v28;
	v0 =	vshll.u32 v58, v40;
	v58 =	vld [tilespmem:s8+$0x8BD0]  }
0x66b: {  	v27 =	vshll.u32 v21, v40;
	v7 =	vadd.f32 v41, v33;
	v41 =	vmul.f32 v39, v28;
	v28 =	vld [tilespmem:$0x1E820]  }
0x66c: {  	v3 =	vmul.f32 v23, v22;
	v26 =	vmul.f32 v25, v22;
	v18 =	vadd.s32 $0x1, v27;
	(xrf2) =	vadd.scan.msk.f32 $0xffff, v11;
	v39 =	vld [tilespmem:$0x1E850]  }
0x66d: {  	v19 =	vbroadcast v18, $0x0;
	(xrf2) =	vadd.scan.msk.f32 $0xffff, v14;
	v32 =	vmul.f32 v31, v63;
	[tilespmem:$0x1EC90] =	vst v43;
	v43 =	vld [tilespmem:s8+$0x8BE0]  }
0x66e: {  	v3 =	vadd.f32 v30, v3;
	v30, _, _ =	vpop (xrf2);
	(xrf2) =	vadd.scan.msk.f32 $0xffff, v20;
	v20 =	vld [tilespmem:$0x1E9C0]  }
0x66f: {  	v34 =	vadd.s32 $0x2, v0;
	v15 =	vadd.f32 v41, v26;
	[tilespmem:v17+s31+$0x0] =	vst.idx.msk vm0, v30;
	v30 =	vld [tilespmem:$0x1E890]  }
0x670: {  	v29 =	vmul.f32 v28, v63;
	v63 =	vld [tilespmem:$0x1E880]  }
0x671: {  	[tilespmem:$0x1ECB0] =	vst v58;
	v15 =	vadd.f32 v32, v15;
	v58 =	vld [tilespmem:$0x1E8B0];
	v41 =	vmul.f32 v39, v35;
	v32, _, _ =	vpop (xrf2)  }
0x672: {  	s1 =	sor.u32 $0x10B, s7;
	v23 =	vbroadcast v34, $0x0;
	v1 =	vmul.f32 v47, v35;
	v35 =	vld [tilespmem:s8+$0x4BE0];
	[tilespmem:v17+s26+$0x0] =	vst.idx.msk vm0, v32;
	v34, _, _ =	vpop (xrf2)  }
0x673: {  	v17 =	vadd.f32 v41, v7;
	v41 =	vmov s1;
	[tilespmem:v19+s31+$0x0] =	vst.idx.msk vm0, v34;
	v34 =	vld [tilespmem:$0x1E8F0]  }
0x674: {  	v47 =	vshrl.u32 v41, $0x3;
	v41 =	vld [tilespmem:s8+$0x4BF0]  }
0x675: {  	v13 =	vadd.f32 v4, v38;
	[tilespmem:$0x1EC80] =	vst v57;
	v57 =	vadd.f32 v29, v3;
	v4 =	vmul.f32 v63, v61;
	v63 =	vld [tilespmem:$0x1E8C0]  }
0x676: {  	[tilespmem:$0x1ECD0] =	vst v43;
	v43 =	vld [tilespmem:$0x1E900]  }
0x677: {  	v39, _, _ =	vpop (xrf2);
	v31 =	vmul.f32 v30, v61;
	v21 =	vadd.f32 v4, v57;
	v57 =	vld [tilespmem:$0x1E8A0]  }
0x678: {  	[tilespmem:v19+s26+$0x0] =	vst.idx.msk vm0, v39;
	v39 =	vshll.u32 v47, v40;
	v47 =	vld [tilespmem:$0x1E910]  }
0x679: {  	v25 =	vadd.f32 v31, v15;
	v31 =	vld [tilespmem:$0x1E8E0]  }
0x67a: {  	[tilespmem:$0x1ECC0] =	vst v35;
	v7 =	vmul.f32 v6, v63;
	v35 =	vmul.f32 v34, v63;
	v63 =	vld [tilespmem:$0x1E920]  }
0x67b: {  	[tilespmem:$0x1ECE0] =	vst v41;
	v41 =	vld [tilespmem:$0x1E960]  }
0x67c: {  	v61 =	vmul.f32 v58, v57;
	v58 =	vld [tilespmem:s8+$0x8BF0]  }
0x67d: {  	v34 =	vld [tilespmem:$0x1E930]  }
0x67e: {  	v6 =	vld [tilespmem:$0x1E950];
	v32 =	vmul.f32 v31, v57;
	v57 =	vmul.f32 v47, v43;
	v15 =	vadd.f32 v7, v61  }
0x67f: {  	v4 =	vmul.f32 v63, v43;
	v63 =	vld [tilespmem:$0x1E9B0]  }
0x680: {  	v15 =	vadd.f32 v57, v15;
	v57 =	vld [tilespmem:$0x1E990]  }
0x681: {  	[tilespmem:$0x1ECF0] =	vst v58;
	v58 =	vld [tilespmem:$0x1E9A0]  }
0x682: {  	v47 =	vld [tilespmem:$0x1E980];
	v61 =	vadd.f32 v35, v32  }
0x683: {  	v40, _, _ =	vpop (xrf2);
	v43 =	vld [tilespmem:$0x1E970]  }
0x684: {  	[tilespmem:v23+s31+$0x0] =	vst.idx.msk vm0, v40;
	v35 =	vld [tilespmem:$0x1E940];
	v11 =	vadd.f32 v4, v61;
	v4, _, _ =	vpop (xrf2)  }
0x685: {  	[tilespmem:v23+s26+$0x0] =	vst.idx.msk vm0, v4;
	v23 =	vld [tilespmem:$0x1E9D0]  }
0x686: {  	v3 =	vmul.f32 v63, v57;
	v61 =	vmul.f32 v58, v57;
	v57 =	vld [tilespmem:$0x1E9F0]  }
0x687: {  	v58 =	vld [tilespmem:$0x1EA00]  }
0x688: {  	s9 =	sor.u32 $0x10C, s7;
	v24 =	vld [tilespmem:s8+$0x8BB0];
	v14 =	vmul.f32 v43, v41  }
0x689: {  	v38 =	vld [tilespmem:s8+$0xBA0];
	v28 =	vadd.s32 $0x3, v39;
	v7 =	vmul.f32 v6, v34;
	v6 =	vmov s9  }
0x68a: {  	(xrf2) =	vadd.scan.msk.f32 $0xffff, v13;
	v39 =	vmul.f32 v35, v34;
	v34 =	vld [tilespmem:$0x1E9E0];
	v14 =	vadd.f32 v61, v14;
	v29 =	vmul.f32 v23, v20  }
0x68b: {  	v19 =	vmul.f32 v47, v41;
	v47 =	vadd.f32 v7, v11;
	v7 =	vshrl.u32 v6, $0x3;
	(xrf2) =	vadd.scan.msk.f32 $0xffff, v12;
	v4 =	vld [tilespmem:$0x1EA20]  }
0x68c: {  	(xrf2) =	vadd.scan.msk.f32 $0xffff, v17;
	v23 =	vadd.f32 v29, v14;
	v14 =	vmul.f32 v57, v62;
	v17 =	vmul.f32 v58, v62;
	v62 =	vld [tilespmem:$0x1EA10]  }
0x68d: {  	s25 =	sor.u32 $0x10D, s7;
	[tilespmem:$0x1EC70] =	vst v24;
	v24 =	vadd.f32 v1, v16;
	v11 =	vshll.u32 v7, v48;
	v7 =	vld [tilespmem:$0x1EA30]  }
0x68e: {  	v22 =	vld [tilespmem:s8+$0xBE0];
	v28 =	vbroadcast v28, $0x0;
	v31 =	vmov s25  }
0x68f: {  	v27 =	vld [tilespmem:s8+$0xC00];
	v35 =	vshrl.u32 v31, $0x3;
	v11 =	vadd.s32 $0x4, v11;
	(xrf2) =	vadd.scan.msk.f32 $0xffff, v24;
	v24 =	vmul.f32 v42, v37  }
0x690: {  	s29 =	sor.u32 $0x10E, s7;
	v33 =	vld [tilespmem:s8+$0xBC0];
	v12 =	vmul.f32 v34, v20;
	v20 =	vbroadcast v11, $0x0;
	v11 =	vshll.u32 v35, v48  }
0x691: {  	v61 =	vadd.s32 $0x5, v11;
	v58 =	vmov s29;
	v6 =	vmul.f32 v4, v62;
	v4 =	vld [tilespmem:$0x1EA40]  }
0x692: {  	v42 =	vld [tilespmem:$0x1EA60];
	v31 =	vbroadcast v61, $0x0;
	v61 =	vshrl.u32 v58, $0x3;
	v11 =	vmul.f32 v7, v62  }
0x693: {  	v62 =	vshll.u32 v61, v48;
	v61 =	vld [tilespmem:$0x1EA70]  }
0x694: {  	v16, _, _ =	vpop (xrf2);
	v7 =	vadd.s32 $0x6, v62;
	v17 =	vadd.f32 v11, v17;
	v11 =	vld [tilespmem:$0x1EA50]  }
0x695: {  	[tilespmem:v28+s31+$0x0] =	vst.idx.msk vm0, v16;
	v57, _, _ =	vpop (xrf2);
	v35 =	vbroadcast v7, $0x0;
	v7 =	vld [tilespmem:$0x1EA90]  }
0x696: {  	[tilespmem:v28+s26+$0x0] =	vst.idx.msk vm0, v57;
	v28 =	vadd.f32 v6, v14;
	v6 =	vmul.f32 v4, v37;
	v4 =	vld [tilespmem:$0x1EA80]  }
0x697: {  	v18 =	vld [tilespmem:s8+$0xBF0]  }
0x698: {  	v0 =	vmul.f32 v50, v46;
	v26 =	vld [tilespmem:s8+$0xBD0]  }
0x699: {  	v46 =	vmul.f32 v55, v46;
	v62 =	vmul.f32 v61, v11;
	v61 =	vld [tilespmem:$0x1EAB0]  }
0x69a: {  	v13 =	vld [tilespmem:s8+$0xC30];
	v19 =	vadd.f32 v3, v19;
	v3, _, _ =	vpop (xrf2);
	v57 =	vmul.f32 v42, v11;
	v29 =	vadd.f32 v6, v17  }
0x69b: {  	v30 =	vld [tilespmem:s8+$0x8C10];
	v58, _, _ =	vpop (xrf2);
	[tilespmem:v20+s31+$0x0] =	vst.idx.msk vm0, v3;
	v11 =	vmul.f32 v7, v60;
	v6 =	vmul.f32 v4, v54  }
0x69c: {  	(xrf2) =	vadd.scan.msk.f32 $0xffff, v21;
	v34 =	vadd.f32 v12, v19;
	[tilespmem:v20+s26+$0x0] =	vst.idx.msk vm0, v58;
	v58 =	vadd.f32 v46, v29;
	v46 =	vld [tilespmem:$0x1EAA0]  }
0x69d: {  	v1, _, _ =	vpop (xrf2);
	(xrf2) =	vadd.scan.msk.f32 $0xffff, v25;
	v25 =	vadd.f32 v11, v6;
	v6 =	vld [tilespmem:$0x1EAC0]  }
0x69e: {  	v55 =	vadd.f32 v62, v34;
	v62 =	vmul.f32 v61, v60;
	v61 =	vld [tilespmem:$0x1EAE0]  }
0x69f: {  	v7 =	vld [tilespmem:$0x1EAD0]  }
0x6a0: {  	v40 =	vld [tilespmem:s8+$0x4C00]  }
0x6a1: {  	v32 =	vld [tilespmem:s8+$0xC10];
	v2, _, _ =	vpop (xrf2);
	v37 =	vmul.f32 v46, v54  }
0x6a2: {  	v43 =	vld [tilespmem:s8+$0x8C00];
	v4, _, _ =	vpop (xrf2)  }
0x6a3: {  	[tilespmem:v35+s31+$0x0] =	vst.idx.msk vm0, v4;
	v4 =	vld [tilespmem:$0x1EAF0];
	v60 =	vadd.f32 v62, v37;
	v62 =	vmul.f32 v61, v6  }
0x6a4: {  	v11 =	vmul.f32 v7, v6;
	v7 =	vld [tilespmem:$0x1EB00]  }
0x6a5: {  	v60 =	vadd.f32 v62, v60;
	v62 =	vld [tilespmem:$0x1EB10]  }
0x6a6: {  	v41 =	vld [tilespmem:s8+$0x4C10]  }
0x6a7: {  	[tilespmem:$0x1ED00] =	vst v40;
	v40 =	vadd.f32 v39, v15;
	v39 =	vld [tilespmem:s8+$0xC20]  }
0x6a8: {  	v16 =	vld [tilespmem:s8+$0x4C20]  }
0x6a9: {  	v63 =	vld [tilespmem:s8+$0x8C20];
	v54, _, _ =	vpop (xrf2);
	v6 =	vmul.f32 v4, v49;
	v42 =	vadd.f32 v11, v25;
	v11 =	vmul.f32 v7, v45  }
0x6aa: {  	[tilespmem:v35+s26+$0x0] =	vst.idx.msk vm0, v54;
	v35 =	vmul.f32 v62, v49;
	v62 =	vld [tilespmem:$0x1EB30]  }
0x6ab: {  	v46 =	vadd.f32 v11, v6;
	v6 =	vld [tilespmem:$0x1EB40]  }
0x6ac: {  	v15 =	vld [tilespmem:s8+$0x4C30]  }
0x6ad: {  	s30 =	sor.u32 $0x10F, s7;
	v21 =	vld [tilespmem:s8+$0x4C50];
	v24 =	vadd.f32 v24, v28  }
0x6ae: {  	v3 =	vmov s30;
	v4 =	vld [tilespmem:$0x1EB20]  }
0x6af: {  	v50 =	vadd.f32 v57, v23;
	v57 =	vadd.f32 v0, v24;
	v24 =	vshrl.u32 v3, $0x3;
	v7 =	vld [tilespmem:$0x1EB50]  }
0x6b0: {  	v24 =	vshll.u32 v24, v48;
	v49 =	vmul.f32 v6, v62;
	v6 =	vld [tilespmem:$0x1EB70]  }
0x6b1: {  	v12 =	vld [tilespmem:s8+$0xC40];
	v24 =	vadd.s32 $0x7, v24  }
0x6b2: {  	v19 =	vld [tilespmem:s8+$0x4C40];
	v54 =	vbroadcast v24, $0x0  }
0x6b3: {  	v45 =	vmul.f32 v4, v45;
	v4 =	vld [tilespmem:$0x1EB60]  }
0x6b4: {  	v20 =	vld [tilespmem:s8+$0xC60]  }
0x6b5: {  	v11 =	vmul.f32 v7, v51;
	v51 =	vmul.f32 v6, v51;
	v6 =	vld [tilespmem:$0x1EB90]  }
0x6b6: {  	[tilespmem:v31+s31+$0x0] =	vst.idx.msk vm0, v1;
	v14 =	vld [tilespmem:s8+$0x8C30]  }
0x6b7: {  	[tilespmem:v31+s26+$0x0] =	vst.idx.msk vm0, v2;
	v3, _, _ =	vpop (xrf2);
	v7 =	vld [tilespmem:$0x1EB80]  }
0x6b8: {  	v31 =	vld [tilespmem:s8+$0x4C70];
	[tilespmem:v54+s31+$0x0] =	vst.idx.msk vm0, v3;
	v62 =	vmul.f32 v4, v62;
	v4, _, _ =	vpop (xrf2)  }
0x6b9: {  	[tilespmem:v54+s26+$0x0] =	vst.idx.msk vm0, v4;
	v4 =	vld [tilespmem:$0x1EBA0]  }
0x6ba: {  	v60 =	vadd.f32 v62, v60;
	v62 =	vmul.f32 v6, v44;
	v6 =	vld [tilespmem:$0x1EBB0]  }
0x6bb: {  	v28 =	vld [tilespmem:s8+$0x8C40]  }
0x6bc: {  	v17 =	vld [tilespmem:s8+$0xC50];
	(xrf2) =	vadd.scan.msk.f32 $0xffff, v40;
	v40 =	vadd.f32 v49, v42;
	v49 =	vadd.f32 v11, v46;
	v11 =	vmul.f32 v7, v44  }
0x6bd: {  	s1 =	sor.u32 $0x110, s7;
	v23 =	vld [tilespmem:s8+$0x8C50]  }
0x6be: {  	v29 =	vld [tilespmem:s8+$0x4C60];
	v7 =	vmov s1;
	v61 =	vadd.f32 v11, v49  }
0x6bf: {  	v34 =	vld [tilespmem:s8+$0x8C60];
	v11 =	vshrl.u32 v7, $0x3;
	v49 =	vmul.f32 v4, v56;
	v7 =	vmul.f32 v6, v10  }
0x6c0: {  	v4 =	vld [tilespmem:$0x1EBC0]  }
0x6c1: {  	v49 =	vadd.f32 v7, v49;
	v7 =	vld [tilespmem:$0x1EBE0]  }
0x6c2: {  	v24 =	vld [tilespmem:s8+$0xC70]  }
0x6c3: {  	(xrf2) =	vadd.scan.msk.f32 $0xffff, v47;
	v6 =	vld [tilespmem:$0x1EBD0]  }
0x6c4: {  	v37 =	vld [tilespmem:s8+$0x8C70];
	(xrf2) =	vadd.scan.msk.f32 $0xffff, v50  }
0x6c5: {  	(xrf2) =	vadd.scan.msk.f32 $0xffff, v55;
	v56 =	vmul.f32 v4, v56;
	v4 =	vld [tilespmem:$0x1EBF0]  }
0x6c6: {  	s9 =	sor.u32 $0x111, s7;
	v25 =	vld [tilespmem:s8+$0xC80];
	(xrf2) =	vadd.scan.msk.f32 $0xffff, v57;
	v47 =	vshll.u32 v11, v48;
	v11 =	vmul.f32 v7, v36  }
0x6c7: {  	v45 =	vadd.f32 v45, v35;
	v35 =	vld [tilespmem:s8+$0x4C80];
	(xrf2) =	vadd.scan.msk.f32 $0xffff, v58;
	v7 =	vmov s9  }
0x6c8: {  	(xrf2) =	vadd.scan.msk.f32 $0xffff, v40;
	v0 =	vmul.f32 v6, v10;
	v57 =	vadd.f32 v11, v49;
	v11 =	vshrl.u32 v7, $0x3;
	v7 =	vld [tilespmem:$0x1EC00]  }
0x6c9: {  	v54 =	vld [tilespmem:s8+$0x4CA0];
	(xrf2) =	vadd.scan.msk.f32 $0xffff, v60  }
0x6ca: {  	s25 =	sor.u32 $0x112, s7;
	v51 =	vadd.f32 v51, v45;
	(xrf2) =	vadd.scan.msk.f32 $0xffff, v61;
	v61 =	vld [tilespmem:$0x1EC10];
	v6 =	vmul.f32 v4, v36;
	v0 =	vadd.f32 v0, v56  }
0x6cb: {  	v50 =	vld [tilespmem:s8+$0x8CB0];
	v58 =	vmov s25;
	v1 =	vbroadcast v47, $0x0  }
0x6cc: {  	v46 =	vld [tilespmem:s8+$0x8C80];
	s1 =	sor.u32 $0x113, s7;
	v56 =	vadd.f32 v62, v51;
	v51 =	vshrl.u32 v58, $0x3;
	v3 =	vadd.f32 v6, v0  }
0x6cd: {  	v0 =	vmov s1;
	v55 =	vshll.u32 v11, v48;
	v11 =	vmul.f32 v7, v53;
	v7 =	vld [tilespmem:$0x1EC20]  }
0x6ce: {  	v42 =	vld [tilespmem:s8+$0xC90];
	v2 =	vshll.u32 v51, v48;
	v62 =	vadd.s32 $0x1, v55;
	v55 =	vshrl.u32 v0, $0x3  }
0x6cf: {  	s29 =	sor.u32 $0x114, s7;
	v60 =	vld [tilespmem:s8+$0x8CC0];
	v61 =	vmul.f32 v61, v53;
	v58 =	vadd.s32 $0x2, v2;
	v6 =	vshll.u32 v55, v48  }
0x6d0: {  	v45 =	vld [tilespmem:s8+$0x8C90];
	v40 =	vbroadcast v62, $0x0;
	v2 =	vadd.s32 $0x3, v6;
	v6 =	vmov s29  }
0x6d1: {  	v47 =	vld [tilespmem:s8+$0xCB0];
	v4, _, _ =	vpop (xrf2);
	v53 =	vbroadcast v58, $0x0;
	v0 =	vshrl.u32 v6, $0x3;
	v58 =	vmul.f32 v9, v52  }
0x6d2: {  	v44 =	vld [tilespmem:s8+$0x4C90];
	[tilespmem:v1+s31+$0x0] =	vst.idx.msk vm0, v4;
	v4, _, _ =	vpop (xrf2);
	v62 =	vadd.f32 v11, v57;
	v57 =	vbroadcast v2, $0x0;
	v2 =	vmul.f32 v7, v8  }
0x6d3: {  	[tilespmem:v1+s26+$0x0] =	vst.idx.msk vm0, v4;
	v4 =	vld [tilespmem:$0x1EC40];
	v6 =	vshll.u32 v0, v48  }
0x6d4: {  	v0 =	vadd.f32 v2, v58;
	v2 =	vadd.s32 $0x4, v6;
	v6 =	vld [tilespmem:$0x1EC50]  }
0x6d5: {  	v9 =	vld [tilespmem:$0x1EC30]  }
0x6d6: {  	v10 =	vld [tilespmem:s8+$0xCA0];
	v7, _, _ =	vpop (xrf2)  }
0x6d7: {  	v36 =	vld [tilespmem:s8+$0x8CA0];
	v1, _, _ =	vpop (xrf2)  }
0x6d8: {  	v51 =	vld [tilespmem:s8+$0xCC0];
	(xrf2) =	vadd.scan.msk.f32 $0xffff, v56;
	[tilespmem:v40+s31+$0x0] =	vst.idx.msk vm0, v7;
	v7, _, _ =	vpop (xrf2)  }
0x6d9: {  	v59 =	vmul.f32 v59, v38;
	[tilespmem:v40+s26+$0x0] =	vst.idx.msk vm0, v1;
	v40 =	vmul.f32 v6, v38;
	v38, _, _ =	vpop (xrf2);
	(xrf2) =	vadd.scan.msk.f32 $0xffff, v62;
	v62 =	vld [tilespmem:$0x1EC60]  }
0x6da: {  	v49 =	vld [tilespmem:s8+$0x4CB0];
	v52 =	vmul.f32 v9, v52;
	v8 =	vmul.f32 v4, v8  }
0x6db: {  	v56 =	vld [tilespmem:s8+$0xCD0]  }
0x6dc: {  	v3 =	vadd.f32 v61, v3;
	v55 =	vld [tilespmem:s8+$0x4CC0];
	v8 =	vadd.f32 v8, v52;
	v61, _, _ =	vpop (xrf2)  }
0x6dd: {  	[tilespmem:v57+s31+$0x0] =	vst.idx.msk vm0, v61;
	v61 =	vld [tilespmem:$0x1EC80]  }
0x6de: {  	v8 =	vadd.f32 v40, v8;
	v40 =	vmul.f32 v62, v5;
	v62 =	vld [tilespmem:$0x1EC90]  }
0x6df: {  	v6 =	vld [tilespmem:$0x1EC70]  }
0x6e0: {  	v11 =	vld [tilespmem:s8+$0x4CD0]  }
0x6e1: {  	v9 =	vld [tilespmem:s8+$0x8CD0]  }
0x6e2: {  	v4 =	vld [tilespmem:s8+$0xCE0];
	v52 =	vbroadcast v2, $0x0;
	[tilespmem:v53+s31+$0x0] =	vst.idx.msk vm0, v7;
	v2, _, _ =	vpop (xrf2)  }
0x6e3: {  	[tilespmem:v57+s26+$0x0] =	vst.idx.msk vm0, v2;
	v57 =	vmul.f32 v61, v33;
	v61 =	vmul.f32 v62, v26;
	v62 =	vld [tilespmem:$0x1ECB0]  }
0x6e4: {  	[tilespmem:v53+s26+$0x0] =	vst.idx.msk vm0, v38;
	v53 =	vmul.f32 v6, v5;
	v5 =	vld [tilespmem:$0x1ECA0]  }
0x6e5: {  	s30 =	sor.u32 $0x115, s7;
	v58 =	vld [tilespmem:s8+$0x4CE0]  }
0x6e6: {  	v7 =	vld [tilespmem:s8+$0x8CE0];
	v38 =	vmov s30  }
0x6e7: {  	v1 =	vadd.f32 v59, v0;
	v59 =	vld [tilespmem:s8+$0xCF0];
	v2 =	vshrl.u32 v38, $0x3  }
0x6e8: {  	v0 =	vadd.f32 v61, v57;
	v61 =	vld [tilespmem:$0x1ECC0];
	v26 =	vmul.f32 v62, v26;
	v62 =	vshll.u32 v2, v48  }
0x6e9: {  	v38 =	vld [tilespmem:s8+$0x8CF0];
	v33 =	vmul.f32 v5, v33  }
0x6ea: {  	v6 =	vld [tilespmem:s8+$0x4CF0];
	v5, _, _ =	vpop (xrf2);
	v57 =	vadd.s32 $0x5, v62  }
0x6eb: {  	[tilespmem:v52+s31+$0x0] =	vst.idx.msk vm0, v5;
	v26 =	vadd.f32 v26, v33;
	v33 =	vbroadcast v57, $0x0;
	v57 =	vld [tilespmem:$0x1ECE0];
	v62, _, _ =	vpop (xrf2)  }
0x6ec: {  	[tilespmem:v52+s26+$0x0] =	vst.idx.msk vm0, v62;
	v62 =	vld [tilespmem:$0x1ECD0]  }
0x6ed: {  	v5 =	vld [tilespmem:s8+$0x4D00];
	v61 =	vmul.f32 v61, v22  }
0x6ee: {  	s1 =	sor.u32 $0x116, s7;
	v1 =	vadd.f32 v40, v1;
	v2 =	vld [tilespmem:s8+$0xD00]  }
0x6ef: {  	(xrf2) =	vadd.scan.msk.f32 $0xffff, v3;
	v52 =	vld [tilespmem:s8+$0x8D00];
	v0 =	vadd.f32 v61, v0;
	v61 =	vmov s1  }
0x6f0: {  	(xrf2) =	vadd.scan.msk.f32 $0xffff, v1;
	v1 =	vshrl.u32 v61, $0x3;
	v61 =	vld [tilespmem:$0x1ED00]  }
0x6f1: {  	v40 =	vmul.f32 v57, v18;
	v22 =	vmul.f32 v62, v22;
	v62 =	vld [tilespmem:$0x1ECF0]  }
0x6f2: {  	v57 =	vld [tilespmem:s8+$0xD10]  }
0x6f3: {  	v30 =	vmul.f32 v30, v32;
	v0 =	vadd.f32 v40, v0;
	v40 =	vld [tilespmem:s8+$0x8D20]  }
0x6f4: {  	v5 =	vmul.f32 v5, v2;
	v2 =	vmul.f32 v52, v2;
	v52 =	vld [tilespmem:s8+$0x8D90]  }
0x6f5: {  	v16 =	vmul.f32 v16, v39;
	v15 =	vmul.f32 v15, v13;
	v3 =	vadd.f32 v22, v26;
	v26 =	vld [tilespmem:s8+$0x4D10]  }
0x6f6: {  	v13 =	vmul.f32 v14, v13;
	v8 =	vadd.f32 v53, v8;
	v53, _, _ =	vpop (xrf2);
	v22 =	vld [tilespmem:s8+$0x8D10];
	v18 =	vmul.f32 v62, v18  }
0x6f7: {  	v35 =	vmul.f32 v35, v25;
	[tilespmem:v33+s31+$0x0] =	vst.idx.msk vm0, v53;
	v62 =	vmul.f32 v41, v32;
	v41 =	vld [tilespmem:s8+$0xD20]  }
0x6f8: {  	v53 =	vmul.f32 v34, v20;
	v32 =	vld [tilespmem:s8+$0x4D20];
	v3 =	vadd.f32 v18, v3;
	v18 =	vmul.f32 v61, v27  }
0x6f9: {  	v27 =	vmul.f32 v43, v27;
	v43 =	vmul.f32 v29, v20;
	v20 =	vld [tilespmem:s8+$0x8D40]  }
0x6fa: {  	v11 =	vmul.f32 v11, v56;
	v9 =	vmul.f32 v9, v56;
	v29 =	vld [tilespmem:s8+$0xD60]  }
0x6fb: {  	v6 =	vmul.f32 v6, v59;
	v1 =	vshll.u32 v1, v48;
	v61 =	vadd.f32 v30, v27;
	v30 =	vld [tilespmem:s8+$0xD30]  }
0x6fc: {  	v18 =	vadd.f32 v62, v18;
	v62 =	vmul.f32 v63, v39;
	v39 =	vmul.f32 v21, v17;
	v21 =	vld [tilespmem:s8+$0x4D30]  }
0x6fd: {  	v1 =	vadd.s32 $0x6, v1;
	v63 =	vmul.f32 v19, v12;
	v17 =	vmul.f32 v23, v17;
	v23 =	vld [tilespmem:s8+$0x8D30]  }
0x6fe: {  	v1 =	vbroadcast v1, $0x0;
	v12 =	vmul.f32 v28, v12;
	v27 =	vld [tilespmem:s8+$0xD40];
	v16 =	vadd.f32 v16, v18  }
0x6ff: {  	(xrf2) =	vadd.scan.msk.f32 $0xffff, v8;
	v28 =	vld [tilespmem:s8+$0xD50];
	v8 =	vadd.f32 v62, v61;
	v18 =	vadd.f32 v39, v63;
	v62 =	vmul.f32 v31, v24  }
0x700: {  	v19 =	vld [tilespmem:s8+$0x8D50];
	v12 =	vadd.f32 v17, v12;
	v24 =	vmul.f32 v37, v24;
	v37 =	vmul.f32 v44, v42  }
0x701: {  	v17 =	vld [tilespmem:s8+$0x4D40];
	v39 =	vmul.f32 v46, v25;
	v15 =	vadd.f32 v15, v16;
	v18 =	vadd.f32 v43, v18  }
0x702: {  	v31 =	vld [tilespmem:s8+$0x4D60];
	v12 =	vadd.f32 v53, v12;
	v43 =	vmul.f32 v45, v42;
	v45 =	vmul.f32 v54, v10  }
0x703: {  	s25 =	sor.u32 $0x118, s7;
	v25 =	vld [tilespmem:s8+$0xD70];
	v61, _, _ =	vpop (xrf2);
	v8 =	vadd.f32 v13, v8;
	v10 =	vmul.f32 v36, v10;
	v54 =	vmul.f32 v49, v47  }
0x704: {  	s9 =	sor.u32 $0x117, s7;
	v16 =	vld [tilespmem:s8+$0x4D50];
	v36 =	vmov s25;
	[tilespmem:v33+s26+$0x0] =	vst.idx.msk vm0, v61;
	v61 =	vmul.f32 v50, v47;
	v47 =	vmul.f32 v22, v57  }
0x705: {  	(xrf2) =	vadd.scan.msk.f32 $0xffff, v0;
	v49 =	vld [tilespmem:s8+$0x4D90];
	v63, _, _ =	vpop (xrf2);
	v33 =	vmov s9;
	v56 =	vmul.f32 v21, v30;
	v19 =	vmul.f32 v19, v28  }
0x706: {  	v42 =	vld [tilespmem:s8+$0xDC0];
	[tilespmem:v1+s31+$0x0] =	vst.idx.msk vm0, v63;
	v34 =	vshrl.u32 v33, $0x3;
	v14 =	vadd.f32 v62, v18;
	v0 =	vadd.f32 v24, v12  }
0x707: {  	v12 =	vadd.f32 v37, v35;
	v62 =	vmul.f32 v55, v51;
	v33 =	vld [tilespmem:s8+$0x4D70];
	v63 =	vmul.f32 v60, v51  }
0x708: {  	(xrf2) =	vadd.scan.msk.f32 $0xffff, v3;
	v46 =	vadd.f32 v43, v39;
	v35 =	vmul.f32 v58, v4;
	v24 =	vld [tilespmem:s8+$0xD80];
	v4 =	vmul.f32 v7, v4  }
0x709: {  	s29 =	sor.u32 $0x119, s7;
	v44, _, _ =	vpop (xrf2);
	(xrf2) =	vadd.scan.msk.f32 $0xffff, v15;
	v7 =	vld [tilespmem:s8+$0x4D80];
	v15 =	vshrl.u32 v36, $0x3;
	v51 =	vmul.f32 v32, v41;
	v36 =	vmul.f32 v20, v27  }
0x70a: {  	v55 =	vld [tilespmem:s8+$0xDA0];
	v58 =	vmov s29;
	v13 =	vshll.u32 v34, v48;
	[tilespmem:v1+s26+$0x0] =	vst.idx.msk vm0, v44;
	v44 =	vmul.f32 v38, v59  }
0x70b: {  	v60 =	vld [tilespmem:s8+$0x8DA0];
	v15 =	vshll.u32 v15, v48;
	v2 =	vadd.f32 v47, v2;
	v59 =	vmul.f32 v23, v30  }
0x70c: {  	v34 =	vld [tilespmem:s8+$0x8D70];
	v13 =	vadd.s32 $0x7, v13;
	v12 =	vadd.f32 v45, v12;
	v1 =	vadd.f32 v10, v46  }
0x70d: {  	v38 =	vld [tilespmem:s8+$0x8DB0];
	v10 =	vadd.f32 v11, v62;
	v9 =	vadd.f32 v9, v63;
	v46 =	vmul.f32 v26, v57  }
0x70e: {  	v23 =	vld [tilespmem:s8+$0xDF0];
	v63 =	vmul.f32 v17, v27;
	v43 =	vadd.f32 v19, v36;
	v53 =	vbroadcast v13, $0x0  }
0x70f: {  	s1 =	sor.u32 $0x11B, s7;
	v11 =	vld [tilespmem:s8+$0x8D80];
	v30 =	vmul.f32 v16, v28;
	v12 =	vadd.f32 v54, v12;
	v1 =	vadd.f32 v61, v1  }
0x710: {  	v26 =	vld [tilespmem:s8+$0xD90];
	v28 =	vmov s1;
	v37 =	vadd.f32 v35, v10;
	v4 =	vadd.f32 v4, v9  }
0x711: {  	v57 =	vld [tilespmem:s8+$0x4DA0];
	v5 =	vadd.f32 v46, v5;
	v54 =	vmul.f32 v40, v41;
	v61 =	vshrl.u32 v58, $0x3  }
0x712: {  	(xrf2) =	vadd.scan.msk.f32 $0xffff, v8;
	v62 =	vld [tilespmem:s8+$0xDB0];
	v41 =	vmul.f32 v31, v29;
	v10 =	vadd.f32 v30, v63;
	v6 =	vadd.f32 v6, v37  }
0x713: {  	s30 =	sor.u32 $0x11A, s7;
	(xrf2) =	vadd.scan.msk.f32 $0xffff, v14;
	v27 =	vld [tilespmem:s8+$0x4DF0];
	v7 =	vmul.f32 v7, v24;
	v5 =	vadd.f32 v51, v5;
	v2 =	vadd.f32 v54, v2  }
0x714: {  	v13 =	vld [tilespmem:s8+$0x8D60];
	(xrf2) =	vadd.scan.msk.f32 $0xffff, v0;
	v0 =	vadd.f32 v44, v4;
	v4 =	vshll.u32 v61, v48;
	v61 =	vmov s30  }
0x715: {  	v45, _, _ =	vpop (xrf2);
	v35 =	vld [tilespmem:s8+$0x4DB0];
	(xrf2) =	vadd.scan.msk.f32 $0xffff, v12;
	v10 =	vadd.f32 v41, v10;
	v11 =	vmul.f32 v11, v24;
	v47 =	vmul.f32 v52, v26  }
0x716: {  	s9 =	sor.u32 $0x11D, s7;
	v50, _, _ =	vpop (xrf2);
	v46 =	vld [tilespmem:s8+$0x8DC0];
	v4 =	vadd.s32 $0x1, v4;
	v9 =	vmul.f32 v57, v55;
	v52 =	vmul.f32 v34, v25;
	[tilespmem:v53+s31+$0x0] =	vst.idx.msk vm0, v45  }
0x717: {  	v44 =	vld [tilespmem:s8+$0x4DC0];
	v8 =	vshrl.u32 v61, $0x3;
	v41 =	vmov s9;
	[tilespmem:v53+s26+$0x0] =	vst.idx.msk vm0, v50;
	v53 =	vbroadcast v15, $0x0  }
0x718: {  	v51 =	vld [tilespmem:s8+$0x4DD0];
	(xrf2) =	vadd.scan.msk.f32 $0xffff, v1;
	v5 =	vadd.f32 v56, v5;
	v2 =	vadd.f32 v59, v2;
	v4 =	vbroadcast v4, $0x0  }
0x719: {  	v54 =	vld [tilespmem:s8+$0x8DD0];
	v13 =	vmul.f32 v13, v29;
	v8 =	vshll.u32 v8, v48;
	(xrf2) =	vadd.scan.msk.f32 $0xffff, v6;
	v6 =	vshrl.u32 v28, $0x3  }
0x71a: {  	v57 =	vld [tilespmem:s8+$0xDE0];
	v45 =	vmul.f32 v49, v26;
	v11 =	vadd.f32 v47, v11;
	v56 =	vmul.f32 v35, v62  }
0x71b: {  	v49 =	vld [tilespmem:s8+$0xDD0];
	v21 =	vmul.f32 v46, v42;
	(xrf2) =	vadd.scan.msk.f32 $0xffff, v0;
	v32 =	vshll.u32 v6, v48;
	v3 =	vadd.f32 v13, v43  }
0x71c: {  	v59 =	vld [tilespmem:s8+$0x4DE0];
	v37, _, _ =	vpop (xrf2);
	v50 =	vmul.f32 v33, v25;
	(xrf2) =	vadd.scan.msk.f32 $0xffff, v5;
	v35 =	vadd.s32 $0x3, v32;
	v7 =	vadd.f32 v45, v7  }
0x71d: {  	v30 =	vld [tilespmem:s8+$0x8DF0];
	v39, _, _ =	vpop (xrf2);
	v63 =	vmul.f32 v44, v42;
	(xrf2) =	vadd.scan.msk.f32 $0xffff, v2;
	v2 =	vbroadcast v35, $0x0;
	[tilespmem:v53+s31+$0x0] =	vst.idx.msk vm0, v37  }
0x71e: {  	v25 =	vadd.s32 $0x2, v8;
	[tilespmem:v53+s26+$0x0] =	vst.idx.msk vm0, v39;
	v53 =	vmul.f32 v60, v55;
	v60 =	vmul.f32 v38, v62;
	v62 =	vld [tilespmem:s8+$0x8DE0]  }
0x71f: {  	v42 =	vshrl.u32 v41, $0x3;
	v10 =	vadd.f32 v50, v10;
	v7 =	vadd.f32 v9, v7  }
0x720: {  	s25 =	sor.u32 $0x11E, s7;
	v3 =	vadd.f32 v52, v3;
	v14 =	vmul.f32 v51, v49;
	v22 =	vmul.f32 v54, v49  }
0x721: {  	v44 =	vmov s25;
	v13 =	vmul.f32 v59, v57;
	(xrf2) =	vadd.scan.msk.f32 $0xffff, v10;
	v7 =	vadd.f32 v56, v7  }
0x722: {  	(xrf2) =	vadd.scan.msk.f32 $0xffff, v3;
	v26 =	vadd.f32 v14, v63;
	v29 =	vadd.f32 v22, v21;
	v37 =	vmul.f32 v27, v23  }
0x723: {  	v55, _, _ =	vpop (xrf2);
	s8 =	sor.u32 $0x11C, s7;
	v39 =	vmul.f32 v30, v23;
	(xrf2) =	vadd.scan.msk.f32 $0xffff, v7;
	v11 =	vadd.f32 v53, v11;
	v31 =	vmul.f32 v62, v57  }
0x724: {  	v7 =	vshll.u32 v42, v48;
	[tilespmem:v4+s31+$0x0] =	vst.idx.msk vm0, v55;
	v58, _, _ =	vpop (xrf2);
	v33 =	vadd.f32 v13, v26;
	v34 =	vmov s8  }
0x725: {  	[tilespmem:v4+s26+$0x0] =	vst.idx.msk vm0, v58;
	v4 =	vbroadcast v25, $0x0;
	v24 =	vadd.f32 v60, v11;
	v0 =	vadd.f32 v31, v29  }
0x726: {  	v45 =	vadd.s32 $0x5, v7;
	v36 =	vshrl.u32 v34, $0x3;
	v43, _, _ =	vpop (xrf2);
	v6 =	vadd.f32 v37, v33  }
0x727: {  	s29 =	sor.u32 $0x11F, s7;
	v1 =	vbroadcast v45, $0x0;
	v5 =	vshll.u32 v36, v48;
	v46, _, _ =	vpop (xrf2);
	(xrf2) =	vadd.scan.msk.f32 $0xffff, v24;
	v0 =	vadd.f32 v39, v0  }
0x728: {  	v47 =	vmov s29;
	v38 =	vadd.s32 $0x4, v5;
	v5 =	vshrl.u32 v44, $0x3;
	v49, _, _ =	vpop (xrf2);
	(xrf2) =	vadd.scan.msk.f32 $0xffff, v6  }
0x729: {  	v3 =	vbroadcast v38, $0x0;
	v5 =	vshll.u32 v5, v48;
	v52, _, _ =	vpop (xrf2);
	[tilespmem:v2+s31+$0x0] =	vst.idx.msk vm0, v49;
	(xrf2) =	vadd.scan.msk.f32 $0xffff, v0  }
0x72a: {  	v51 =	vshrl.u32 v47, $0x3;
	v50 =	vadd.s32 $0x6, v5;
	v55, _, _ =	vpop (xrf2);
	[tilespmem:v2+s26+$0x0] =	vst.idx.msk vm0, v52  }
0x72b: {  	v54 =	vshll.u32 v51, v48;
	v53 =	vbroadcast v50, $0x0;
	v57, _, _ =	vpop (xrf2);
	[tilespmem:v4+s31+$0x0] =	vst.idx.msk vm0, v43  }
0x72c: {  	v56 =	vadd.s32 $0x7, v54;
	v58, _, _ =	vpop (xrf2);
	[tilespmem:v4+s26+$0x0] =	vst.idx.msk vm0, v46  }
0x72d: {  	v2 =	vbroadcast v56, $0x0;
	v59, _, _ =	vpop (xrf2);
	[tilespmem:v1+s31+$0x0] =	vst.idx.msk vm0, v58  }
0x72e: {  	[tilespmem:v1+s26+$0x0] =	vst.idx.msk vm0, v59  }
0x72f: {  	p0 =	slt.u32 s7, $0x60;
	[tilespmem:v3+s31+$0x0] =	vst.idx.msk vm0, v55  }
.Ltmp2:
0x730: {  	v60, _, _ =	vpop (xrf2);
	[tilespmem:v3+s26+$0x0] =	vst.idx.msk vm0, v57;
	(pc) =	sbr.rel @p0 .LBB2_6-.Ltmp2, $4  }
0x731: {  	[tilespmem:v53+s31+$0x0] =	vst.idx.msk vm0, v60;
	v61, _, _ =	vpop (xrf2)  }
0x732: {  	v62, _, _ =	vpop (xrf2);
	[tilespmem:v53+s26+$0x0] =	vst.idx.msk vm0, v61  }
0x733: {  	s30 =	sadd.s32 $0x20, s7;
	[tilespmem:v2+s31+$0x0] =	vst.idx.msk vm0, v62;
	v63, _, _ =	vpop (xrf2)  }
0x734: {  	v40 =	vmov v48;
	s7 =	smov.u32 s30;
	[tilespmem:v2+s26+$0x0] =	vst.idx.msk vm0, v63  }
0x735: {  	_ =	swait.ge [sflag:s28], $0x2000  }
0x736: {  	[sflag:s28] =	ssyncset.done $0x0  }
0x737: {  	[sflag:s28] =	ssyncadd.s32 $0xFFFFE000  }
0x738: {  	_ =	swait.ge [sflag:s28], $0x2000  }
0x739: {  	[sflag:s28] =	ssyncset.done $0x0  }
0x73a: {  	[sflag:s28] =	ssyncadd.s32 $0xFFFFE000  }
0x73b: {  	_ =	swait.ge [sflag:s28], $0x2000  }
0x73c: {  	[sflag:s28] =	ssyncset.done $0x0  }
0x73d: {  	[sflag:s28] =	ssyncadd.s32 $0xFFFFE000  }
0x73e: {  	_ =	swait.ge [sflag:s28], $0x80  }
0x73f: {  	[sflag:s28] =	ssyncset.done $0x0  }
0x740: {  	s7 =	simm.s32 $0x0;
	s8 =	simm.s32 $0x0;
	[sflag:s28] =	ssyncadd.s32 $0xFFFFFF80  }
.LBB2_8:
0x741: {  	s9 =	sshll.u32 s8, $0x6  }
0x742: {  	v0 =	vld [tilespmem:s9+$0x2600]  }
0x743: {  	v1 =	vld [tilespmem:s9+$0x6600]  }
0x744: {  	v2 =	vld [tilespmem:s9+$0xA600]  }
0x745: {  	v3 =	vld [tilespmem:s9+$0x2610]  }
0x746: {  	v4 =	vld [tilespmem:s9+$0x6610]  }
0x747: {  	v5 =	vld [tilespmem:s9+$0xA610]  }
0x748: {  	v6 =	vld [tilespmem:s9+$0x2620]  }
0x749: {  	v8 =	vld [tilespmem:s9+$0xA620]  }
0x74a: {  	v15 =	vld [tilespmem:s9+$0x2650]  }
0x74b: {  	v16 =	vld [tilespmem:s9+$0x6650]  }
0x74c: {  	v17 =	vld [tilespmem:s9+$0xA650]  }
0x74d: {  	v34 =	vld [tilespmem:s9+$0x26C0]  }
0x74e: {  	v35 =	vld [tilespmem:s9+$0x66C0]  }
0x74f: {  	v38 =	vld [tilespmem:s9+$0xA6C0]  }
0x750: {  	v42 =	vld [tilespmem:s9+$0x26D0]  }
0x751: {  	v44 =	vld [tilespmem:s9+$0x66D0]  }
0x752: {  	v46 =	vld [tilespmem:s9+$0xA6D0];
	v1 =	vmul.f32 v1, v0  }
0x753: {  	v0 =	vmul.f32 v2, v0;
	v59 =	vmul.f32 v5, v3  }
0x754: {  	v4 =	vmul.f32 v4, v3;
	v62 =	vmul.f32 v8, v6  }
0x755: {  	v37 =	vmul.f32 v16, v15;
	v41 =	vmul.f32 v17, v15;
	v0 =	vadd.f32 v59, v0  }
0x756: {  	v15 =	vmul.f32 v44, v42;
	v8 =	vmul.f32 v38, v34;
	v1 =	vadd.f32 v4, v1  }
0x757: {  	v4 =	vmul.f32 v35, v34;
	v0 =	vadd.f32 v62, v0;
	v62 =	vmul.f32 v46, v42;
	_ =	sdelay $0x1  }
0x758: {  	v4 =	vadd.f32 v15, v4;
	v15 =	vadd.f32 v62, v8;
	v62 =	vld [tilespmem:s9+$0xA7E0];
	_ =	sdelay $0x4  }
0x759: {  	[tilespmem:$0x1DA60] =	vst v62;
	v62 =	vld [tilespmem:s9+$0xA890];
	_ =	sdelay $0x4  }
0x75a: {  	[tilespmem:$0x1DBC0] =	vst v62;
	v62 =	vld [tilespmem:s9+$0x68F0];
	_ =	sdelay $0x4  }
0x75b: {  	[tilespmem:$0x1DC70] =	vst v62;
	v62 =	vld [tilespmem:s9+$0x6920];
	_ =	sdelay $0x4  }
0x75c: {  	[tilespmem:$0x1DCD0] =	vst v62;
	v62 =	vld [tilespmem:s9+$0xA940];
	_ =	sdelay $0x4  }
0x75d: {  	[tilespmem:$0x1DD30] =	vst v62;
	v62 =	vld [tilespmem:s9+$0xA960];
	_ =	sdelay $0x4  }
0x75e: {  	[tilespmem:$0x1DD60] =	vst v62;
	v62 =	vld [tilespmem:s9+$0x6980];
	_ =	sdelay $0x4  }
0x75f: {  	[tilespmem:$0x1DD90] =	vst v62;
	v62 =	vld [tilespmem:s9+$0xA980];
	_ =	sdelay $0x4  }
0x760: {  	[tilespmem:$0x1DDA0] =	vst v62;
	v62 =	vld [tilespmem:s9+$0x2990];
	_ =	sdelay $0x4  }
0x761: {  	[tilespmem:$0x1DDB0] =	vst v62;
	v62 =	vld [tilespmem:s9+$0x6990];
	_ =	sdelay $0x3  }
0x762: {  	v7 =	vld [tilespmem:s9+$0x6620]  }
0x763: {  	[tilespmem:$0x1DDC0] =	vst v62;
	v62 =	vld [tilespmem:s9+$0xA990]  }
0x764: {  	v9 =	vld [tilespmem:s9+$0x2630]  }
0x765: {  	v10 =	vld [tilespmem:s9+$0x6630]  }
0x766: {  	v11 =	vld [tilespmem:s9+$0xA630]  }
0x767: {  	v12 =	vld [tilespmem:s9+$0x2640]  }
0x768: {  	[tilespmem:$0x1DDD0] =	vst v62;
	v62 =	vld [tilespmem:s9+$0x29A0]  }
0x769: {  	v13 =	vld [tilespmem:s9+$0x6640]  }
0x76a: {  	v14 =	vld [tilespmem:s9+$0xA640]  }
0x76b: {  	v18 =	vld [tilespmem:s9+$0x2660]  }
0x76c: {  	v19 =	vld [tilespmem:s9+$0x6660]  }
0x76d: {  	[tilespmem:$0x1DDE0] =	vst v62;
	v62 =	vld [tilespmem:s9+$0x69A0]  }
0x76e: {  	v20 =	vld [tilespmem:s9+$0xA660]  }
0x76f: {  	v21 =	vld [tilespmem:s9+$0x2670]  }
0x770: {  	v22 =	vld [tilespmem:s9+$0x6670]  }
0x771: {  	v23 =	vld [tilespmem:s9+$0xA670]  }
0x772: {  	[tilespmem:$0x1DDF0] =	vst v62;
	v62 =	vld [tilespmem:s9+$0xA9A0]  }
0x773: {  	v24 =	vld [tilespmem:s9+$0x2680]  }
0x774: {  	v25 =	vld [tilespmem:s9+$0x6680]  }
0x775: {  	v26 =	vld [tilespmem:s9+$0xA680]  }
0x776: {  	v27 =	vld [tilespmem:s9+$0x2690]  }
0x777: {  	[tilespmem:$0x1DE00] =	vst v62;
	v62 =	vld [tilespmem:s9+$0x29B0]  }
0x778: {  	v28 =	vld [tilespmem:s9+$0x6690]  }
0x779: {  	v29 =	vld [tilespmem:s9+$0xA690]  }
0x77a: {  	v30 =	vld [tilespmem:s9+$0x26A0]  }
0x77b: {  	v31 =	vld [tilespmem:s9+$0x66A0]  }
0x77c: {  	[tilespmem:$0x1DEA0] =	vst v62;
	v62 =	vld [tilespmem:s9+$0x69B0]  }
0x77d: {  	v60 =	vld [tilespmem:s9+$0xA6A0]  }
0x77e: {  	v32 =	vld [tilespmem:s9+$0xA6B0]  }
0x77f: {  	v50 =	vld [tilespmem:s9+$0x26E0]  }
0x780: {  	v53 =	vld [tilespmem:s9+$0x66E0]  }
0x781: {  	[tilespmem:$0x1DEB0] =	vst v62;
	v62 =	vld [tilespmem:s9+$0xA9B0]  }
0x782: {  	v56 =	vld [tilespmem:s9+$0xA6E0]  }
0x783: {  	v58 =	vld [tilespmem:s9+$0x26F0]  }
0x784: {  	v5 =	vld [tilespmem:s9+$0x26B0]  }
0x785: {  	v61 =	vmul.f32 v7, v6;
	v6 =	vld [tilespmem:s9+$0x66B0]  }
0x786: {  	[tilespmem:$0x1DEC0] =	vst v62;
	v62 =	vld [tilespmem:s9+$0x29C0]  }
0x787: {  	v3 =	vmul.f32 v60, v30;
	v60 =	vld [tilespmem:s9+$0x66F0]  }
0x788: {  	v63 =	vmul.f32 v10, v9;
	v7 =	vld [tilespmem:s9+$0x2740]  }
0x789: {  	v10 =	vmul.f32 v53, v50;
	v16 =	vmul.f32 v56, v50;
	v50 =	vld [tilespmem:s9+$0xA740]  }
0x78a: {  	v17 =	vld [tilespmem:s9+$0x27B0]  }
0x78b: {  	[tilespmem:$0x1DE10] =	vst v62;
	v62 =	vld [tilespmem:s9+$0x69C0]  }
0x78c: {  	v53 =	vld [tilespmem:s9+$0xA7B0]  }
0x78d: {  	v56 =	vld [tilespmem:s9+$0x67C0]  }
0x78e: {  	v43 =	vmul.f32 v19, v18;
	v19 =	vld [tilespmem:s9+$0x2800]  }
0x78f: {  	s30 =	sor.u32 $0x182, s8;
	v49 =	vmul.f32 v23, v21;
	v52 =	vmul.f32 v28, v27;
	v23 =	vld [tilespmem:s9+$0x6810]  }
0x790: {  	v54 =	vmul.f32 v26, v24;
	v55 =	vmul.f32 v29, v27;
	v28 =	vmov s30;
	[tilespmem:$0x1DE20] =	vst v62;
	v62 =	vld [tilespmem:s9+$0xA9C0]  }
0x791: {  	v57 =	vmul.f32 v31, v30;
	v30 =	vshrl.u32 v28, $0x3;
	v28 =	vld [tilespmem:s9+$0xA830]  }
0x792: {  	v33 =	vmul.f32 v11, v9;
	v51 =	vmul.f32 v25, v24;
	v9 =	vadd.f32 v55, v54;
	v54 =	vld [tilespmem:s9+$0x6760]  }
0x793: {  	s0 =	sor.u32 $0x180, s8;
	v55 =	vld [tilespmem:s9+$0x6780]  }
0x794: {  	v39 =	vmov s0;
	v36 =	vmul.f32 v13, v12;
	v13 =	vadd.f32 v52, v51;
	v51 =	vld [tilespmem:s9+$0xA7A0]  }
0x795: {  	v11 =	vshrl.u32 v39, $0x3;
	[tilespmem:$0x1DE30] =	vst v62;
	v62 =	vld [tilespmem:s9+$0x29D0]  }
0x796: {  	s29 =	sor.u32 $0x181, s8;
	v11 =	vshll.u32 v11, v40;
	v52 =	vld [tilespmem:s9+$0x67B0]  }
0x797: {  	v59 =	vmov s29;
	v24 =	vbroadcast v11, $0x0;
	v11 =	vld [tilespmem:s9+$0x27D0]  }
0x798: {  	v12 =	vmul.f32 v14, v12;
	v25 =	vshrl.u32 v59, $0x3;
	v59 =	vld [tilespmem:s9+$0xA7D0]  }
0x799: {  	v1 =	vadd.f32 v61, v1;
	v61 =	vld [tilespmem:s9+$0xA6F0]  }
0x79a: {  	v45 =	vmul.f32 v20, v18;
	v12 =	vadd.f32 v41, v12;
	[tilespmem:$0x1DE40] =	vst v62;
	v62 =	vld [tilespmem:s9+$0x69D0]  }
0x79b: {  	v46 =	vld [tilespmem:s9+$0x6750]  }
0x79c: {  	v12 =	vadd.f32 v45, v12;
	v45 =	vld [tilespmem:s9+$0xA780]  }
0x79d: {  	v3 =	vadd.f32 v3, v9;
	v9 =	vld [tilespmem:s9+$0x2790]  }
0x79e: {  	v13 =	vadd.f32 v57, v13;
	v57 =	vld [tilespmem:s9+$0xA790]  }
0x79f: {  	[tilespmem:$0x1DE50] =	vst v62;
	v62 =	vld [tilespmem:s9+$0xA9D0]  }
0x7a0: {  	v27 =	vshll.u32 v25, v40;
	v25 =	vld [tilespmem:s9+$0x6820]  }
0x7a1: {  	v20 =	vmul.f32 v60, v58;
	v60 =	vld [tilespmem:s9+$0xA770]  }
0x7a2: {  	v14 =	vmul.f32 v32, v5;
	v32 =	vshll.u32 v30, v40;
	v30 =	vld [tilespmem:s9+$0xA840]  }
0x7a3: {  	[tilespmem:$0x1DA50] =	vst v53;
	v53 =	vld [tilespmem:s9+$0xA870]  }
0x7a4: {  	[tilespmem:$0x1DE60] =	vst v62;
	v62 =	vld [tilespmem:s9+$0x29E0]  }
0x7a5: {  	[tilespmem:$0x1DA00] =	vst v56;
	v56 =	vld [tilespmem:s9+$0x6880]  }
0x7a6: {  	[tilespmem:$0x1DAA0] =	vst v23;
	v23 =	vld [tilespmem:s9+$0x2890]  }
0x7a7: {  	v18 =	vadd.f32 v10, v4;
	v4 =	vld [tilespmem:s9+$0x2700]  }
0x7a8: {  	v2 =	vadd.f32 v37, v36;
	v34 =	vadd.s32 $0x2, v32;
	v32 =	vld [tilespmem:s9+$0x6710]  }
0x7a9: {  	v47 =	vmul.f32 v22, v21;
	[tilespmem:$0x1DE70] =	vst v62;
	v62 =	vld [tilespmem:s9+$0x69E0]  }
0x7aa: {  	v2 =	vadd.f32 v43, v2;
	v1 =	vadd.f32 v63, v1;
	v63 =	vmul.f32 v6, v5;
	v5 =	vld [tilespmem:s9+$0x2750]  }
0x7ab: {  	v6 =	vld [tilespmem:s9+$0x2760]  }
0x7ac: {  	v2 =	vadd.f32 v47, v2;
	v47 =	vld [tilespmem:s9+$0xA760]  }
0x7ad: {  	v8 =	vld [tilespmem:s9+$0x2770]  }
0x7ae: {  	[tilespmem:$0x1DE80] =	vst v62;
	v62 =	vld [tilespmem:s9+$0xA9E0]  }
0x7af: {  	v10 =	vld [tilespmem:s9+$0x2780]  }
0x7b0: {  	s1 =	sor.u32 $0x183, s8;
	v12 =	vadd.f32 v49, v12;
	v49 =	vld [tilespmem:s9+$0x67A0]  }
0x7b1: {  	v0 =	vadd.f32 v33, v0;
	v33 =	vmov s1;
	[tilespmem:$0x1DB00] =	vst v28;
	v28 =	vld [tilespmem:s9+$0xA8A0]  }
0x7b2: {  	v35 =	vshrl.u32 v33, $0x3;
	v33 =	vld [tilespmem:s9+$0xA710]  }
0x7b3: {  	[tilespmem:$0x1DE90] =	vst v62;
	v62 =	vld [tilespmem:s9+$0x29F0]  }
0x7b4: {  	[tilespmem:$0x1D9F0] =	vst v51;
	v51 =	vld [tilespmem:s9+$0xA860]  }
0x7b5: {  	[tilespmem:$0x1DA30] =	vst v52;
	v52 =	vld [tilespmem:s9+$0x6870]  }
0x7b6: {  	(xrf2) =	vadd.scan.msk.f32 $0xffff, v1;
	v1 =	vadd.f32 v63, v13;
	v13 =	vld [tilespmem:s9+$0x27C0]  }
0x7b7: {  	v21 =	vadd.f32 v16, v15;
	v15 =	vld [tilespmem:s9+$0x27F0]  }
0x7b8: {  	[tilespmem:$0x1DED0] =	vst v62;
	v62 =	vld [tilespmem:s9+$0x69F0]  }
0x7b9: {  	v63 =	vld [tilespmem:s9+$0x67F0]  }
0x7ba: {  	v26 =	vadd.f32 v20, v18;
	v20 =	vld [tilespmem:s9+$0xA7F0]  }
0x7bb: {  	v16 =	vld [tilespmem:s9+$0x2810]  }
0x7bc: {  	v18 =	vld [tilespmem:s9+$0x2820]  }
0x7bd: {  	[tilespmem:$0x1DEE0] =	vst v62;
	v62 =	vld [tilespmem:s9+$0xA9F0]  }
0x7be: {  	[tilespmem:$0x1DA20] =	vst v59;
	v59 =	vld [tilespmem:s9+$0xA880]  }
0x7bf: {  	(xrf2) =	vadd.scan.msk.f32 $0xffff, v0;
	v0 =	vadd.f32 v14, v3;
	v3 =	vld [tilespmem:s9+$0x2730]  }
0x7c0: {  	v22 =	vmul.f32 v61, v58;
	v58 =	vld [tilespmem:s9+$0xA7C0]  }
0x7c1: {  	v14 =	vld [tilespmem:s9+$0x27E0]  }
0x7c2: {  	[tilespmem:$0x1DEF0] =	vst v62;
	v62 =	vld [tilespmem:s9+$0x2A00]  }
0x7c3: {  	v61 =	vld [tilespmem:s9+$0x67E0]  }
0x7c4: {  	[tilespmem:$0x1D9D0] =	vst v45;
	v45 =	vld [tilespmem:s9+$0x6860]  }
0x7c5: {  	[tilespmem:$0x1DAD0] =	vst v25;
	v25 =	vld [tilespmem:s9+$0x28D0]  }
0x7c6: {  	(xrf2) =	vadd.scan.msk.f32 $0xffff, v2;
	v2 =	vadd.s32 $0x1, v27;
	v27 =	vld [tilespmem:s9+$0x6830]  }
0x7c7: {  	[tilespmem:$0x1DF00] =	vst v62;
	v62 =	vld [tilespmem:s9+$0x6A00]  }
0x7c8: {  	[tilespmem:$0x1DB90] =	vst v56;
	v56 =	vld [tilespmem:s9+$0x28B0]  }
0x7c9: {  	[tilespmem:$0x1DB30] =	vst v30;
	v30 =	vld [tilespmem:s9+$0xA8B0]  }
0x7ca: {  	[tilespmem:$0x1DB80] =	vst v53;
	v53 =	vld [tilespmem:s9+$0xA8D0]  }
0x7cb: {  	v31 =	vbroadcast v2, $0x0;
	v2 =	vshll.u32 v35, v40;
	v35 =	vld [tilespmem:s9+$0xA700]  }
0x7cc: {  	[tilespmem:$0x1DF10] =	vst v62;
	v62 =	vld [tilespmem:s9+$0xAA00]  }
0x7cd: {  	(xrf2) =	vadd.scan.msk.f32 $0xffff, v12;
	v12 =	vld [tilespmem:s9+$0x27A0]  }
0x7ce: {  	v29 =	vadd.f32 v22, v21;
	v21 =	vld [tilespmem:s9+$0x6800]  }
0x7cf: {  	v22 =	vld [tilespmem:s9+$0xA800]  }
0x7d0: {  	[tilespmem:$0x1D9E0] =	vst v49;
	v49 =	vld [tilespmem:s9+$0x2840]  }
0x7d1: {  	[tilespmem:$0x1DF40] =	vst v62;
	v62 =	vld [tilespmem:s9+$0x2A10]  }
0x7d2: {  	[tilespmem:$0x1DBE0] =	vst v28;
	v28 =	vld [tilespmem:s9+$0x28F0]  }
0x7d3: {  	(xrf2) =	vadd.scan.msk.f32 $0xffff, v1;
	v1 =	vld [tilespmem:s9+$0x2710]  }
0x7d4: {  	[tilespmem:$0x1DB60] =	vst v51;
	v51 =	vld [tilespmem:s9+$0x2880]  }
0x7d5: {  	[tilespmem:$0x1DB70] =	vst v52;
	v52 =	vld [tilespmem:s9+$0x68D0]  }
0x7d6: {  	[tilespmem:$0x1DF20] =	vst v62;
	v62 =	vld [tilespmem:s9+$0x6A10]  }
0x7d7: {  	(xrf2) =	vadd.scan.msk.f32 $0xffff, v0;
	v0 =	vbroadcast v34, $0x0;
	v34 =	vld [tilespmem:s9+$0x6720]  }
0x7d8: {  	[tilespmem:$0x1DA80] =	vst v20;
	v20 =	vld [tilespmem:s9+$0x2830]  }
0x7d9: {  	[tilespmem:$0x1DA70] =	vst v63;
	v63 =	vld [tilespmem:s9+$0x68A0]  }
0x7da: {  	[tilespmem:$0x1DBB0] =	vst v59;
	v59 =	vld [tilespmem:s9+$0x68E0]  }
0x7db: {  	[tilespmem:$0x1DF30] =	vst v62;
	v62 =	vld [tilespmem:s9+$0xAA10]  }
0x7dc: {  	[tilespmem:$0x1DA10] =	vst v58;
	v58 =	vld [tilespmem:s9+$0x67D0]  }
0x7dd: {  	(xrf2) =	vadd.scan.msk.f32 $0xffff, v26;
	v26 =	vld [tilespmem:s9+$0xA820]  }
0x7de: {  	[tilespmem:$0x1DB50] =	vst v45;
	v45 =	vld [tilespmem:s9+$0x2870]  }
0x7df: {  	[tilespmem:$0x1DA40] =	vst v61;
	v61 =	vld [tilespmem:s9+$0x6890]  }
0x7e0: {  	[tilespmem:$0x1DF50] =	vst v62;
	v62 =	vld [tilespmem:s9+$0x2A20]  }
0x7e1: {  	(xrf2) =	vadd.scan.msk.f32 $0xffff, v29;
	v29 =	vld [tilespmem:s9+$0x6840]  }
0x7e2: {  	[tilespmem:$0x1DAF0] =	vst v27;
	v27 =	vld [tilespmem:s9+$0x28E0]  }
0x7e3: {  	[tilespmem:$0x1DC20] =	vst v53;
	v53 =	vld [tilespmem:s9+$0x6910]  }
0x7e4: {  	[tilespmem:$0x1DC40] =	vst v30;
	v30 =	vld [tilespmem:s9+$0x2920]  }
0x7e5: {  	[tilespmem:$0x1DF60] =	vst v62;
	v62 =	vld [tilespmem:s9+$0x6A20]  }
0x7e6: {  	[tilespmem:$0x1DA90] =	vst v21;
	v21 =	vld [tilespmem:s9+$0x2850]  }
0x7e7: {  	[tilespmem:$0x1DAB0] =	vst v22;
	v22 =	vld [tilespmem:s9+$0x2860]  }
0x7e8: {  	[tilespmem:$0x1DC10] =	vst v52;
	v52 =	vld [tilespmem:s9+$0xA900]  }
0x7e9: {  	[tilespmem:$0x1DBD0] =	vst v63;
	v63 =	vld [tilespmem:s9+$0xA8F0]  }
0x7ea: {  	[tilespmem:$0x1DF70] =	vst v62;
	v62 =	vld [tilespmem:s9+$0xAA20]  }
0x7eb: {  	v36, _, _ =	vpop (xrf2);
	[tilespmem:$0x1DC50] =	vst v59;
	v59 =	vld [tilespmem:s9+$0x2910]  }
0x7ec: {  	[tilespmem:v24+s31+$0x0] =	vst.idx.msk vm0, v36;
	v36 =	vld [tilespmem:s9+$0xA720]  }
0x7ed: {  	[tilespmem:$0x1DAE0] =	vst v26;
	v26 =	vld [tilespmem:s9+$0x28A0]  }
0x7ee: {  	[tilespmem:$0x1DBA0] =	vst v61;
	v61 =	vld [tilespmem:s9+$0xA8E0]  }
0x7ef: {  	v37, _, _ =	vpop (xrf2);
	[tilespmem:$0x1DF80] =	vst v62;
	v62 =	vld [tilespmem:s9+$0x2A30]  }
0x7f0: {  	[tilespmem:v24+s26+$0x0] =	vst.idx.msk vm0, v37;
	v37 =	vld [tilespmem:s9+$0x6700]  }
0x7f1: {  	v24 =	vld [tilespmem:s9+$0xA810]  }
0x7f2: {  	[tilespmem:$0x1DB10] =	vst v29;
	v29 =	vld [tilespmem:s9+$0x68B0]  }
0x7f3: {  	[tilespmem:$0x1DCB0] =	vst v53;
	v53 =	vld [tilespmem:s9+$0x2930]  }
0x7f4: {  	v38, _, _ =	vpop (xrf2);
	[tilespmem:$0x1DF90] =	vst v62;
	v62 =	vld [tilespmem:s9+$0x6A30]  }
0x7f5: {  	[tilespmem:v31+s31+$0x0] =	vst.idx.msk vm0, v38;
	v39, _, _ =	vpop (xrf2);
	v38 =	vld [tilespmem:s9+$0x6730]  }
0x7f6: {  	[tilespmem:v31+s26+$0x0] =	vst.idx.msk vm0, v39;
	v31 =	vld [tilespmem:s9+$0x6850]  }
0x7f7: {  	v39 =	vld [tilespmem:s9+$0xA850]  }
0x7f8: {  	[tilespmem:$0x1DCA0] =	vst v52;
	v52 =	vld [tilespmem:s9+$0xA930]  }
0x7f9: {  	v2 =	vadd.s32 $0x3, v2;
	v41, _, _ =	vpop (xrf2);
	[tilespmem:$0x1DFA0] =	vst v62;
	v62 =	vld [tilespmem:s9+$0xAA30]  }
0x7fa: {  	v2 =	vbroadcast v2, $0x0;
	[tilespmem:v0+s31+$0x0] =	vst.idx.msk vm0, v41;
	v41 =	vld [tilespmem:s9+$0x6770]  }
0x7fb: {  	v42, _, _ =	vpop (xrf2);
	[tilespmem:$0x1DC80] =	vst v63;
	v63 =	vld [tilespmem:s9+$0xA920]  }
0x7fc: {  	[tilespmem:v0+s26+$0x0] =	vst.idx.msk vm0, v42;
	v0 =	vld [tilespmem:s9+$0xA730]  }
0x7fd: {  	v42 =	vld [tilespmem:s9+$0x6740]  }
0x7fe: {  	[tilespmem:$0x1DFB0] =	vst v62;
	v62 =	vld [tilespmem:s9+$0x2A40]  }
0x7ff: {  	v43, _, _ =	vpop (xrf2);
	[tilespmem:$0x1DC60] =	vst v61;
	v61 =	vld [tilespmem:s9+$0xA910]  }
0x800: {  	[tilespmem:v2+s31+$0x0] =	vst.idx.msk vm0, v43;
	v43 =	vld [tilespmem:s9+$0xA750]  }
0x801: {  	[tilespmem:$0x1DAC0] =	vst v24;
	v24 =	vld [tilespmem:s9+$0x28C0]  }
0x802: {  	[tilespmem:$0x1DC30] =	vst v29;
	v29 =	vld [tilespmem:s9+$0x2900]  }
0x803: {  	[tilespmem:$0x1DFC0] =	vst v62;
	v62 =	vld [tilespmem:s9+$0x6A40]  }
0x804: {  	v44, _, _ =	vpop (xrf2);
	v37 =	vmul.f32 v37, v4;
	v4 =	vmul.f32 v35, v4;
	v35 =	vld [tilespmem:s9+$0xAA80]  }
0x805: {  	[tilespmem:v2+s26+$0x0] =	vst.idx.msk vm0, v44;
	v2 =	vld [tilespmem:s9+$0x2720]  }
0x806: {  	v44 =	vld [tilespmem:s9+$0x6790]  }
0x807: {  	[tilespmem:$0x1DB20] =	vst v31;
	v31 =	vld [tilespmem:s9+$0x68C0]  }
0x808: {  	[tilespmem:$0x1DFD0] =	vst v62;
	v62 =	vld [tilespmem:s9+$0xAA40]  }
0x809: {  	v32 =	vmul.f32 v32, v1;
	[tilespmem:$0x1DB40] =	vst v39;
	v39 =	vld [tilespmem:s9+$0xA8C0]  }
0x80a: {  	[tilespmem:$0x1DD00] =	vst v52;
	v52 =	vld [tilespmem:s9+$0x2940]  }
0x80b: {  	v32 =	vadd.f32 v32, v37;
	v37 =	vld [tilespmem:s9+$0x6A80];
	[tilespmem:$0x1DCE0] =	vst v63  }
0x80c: {  	v63 =	vld [tilespmem:s9+$0xA950];
	[tilespmem:$0x1DCC0] =	vst v61  }
0x80d: {  	v1 =	vmul.f32 v33, v1;
	v0 =	vmul.f32 v0, v3;
	[tilespmem:$0x1DFE0] =	vst v62;
	v62 =	vld [tilespmem:s9+$0x2A50]  }
0x80e: {  	v61 =	vld [tilespmem:s9+$0x6940];
	[tilespmem:$0x1E060] =	vst v35;
	v35 =	vmul.f32 v47, v6;
	v33 =	vmul.f32 v34, v2  }
0x80f: {  	v47 =	vld [tilespmem:s9+$0x6AC0];
	v2 =	vmul.f32 v36, v2;
	v36 =	vmul.f32 v38, v3  }
0x810: {  	v38 =	vld [tilespmem:s9+$0x6A90];
	v3 =	vmul.f32 v46, v5;
	v46 =	vmul.f32 v50, v7  }
0x811: {  	v50 =	vmul.f32 v43, v5;
	v43 =	vmul.f32 v55, v10;
	v55 =	vld [tilespmem:$0x1D9D0]  }
0x812: {  	[tilespmem:$0x1DFF0] =	vst v62;
	v62 =	vld [tilespmem:s9+$0x6A50]  }
0x813: {  	[tilespmem:$0x1DC00] =	vst v39;
	v39 =	vld [tilespmem:s9+$0x6900]  }
0x814: {  	[tilespmem:$0x1DBF0] =	vst v31;
	v31 =	vld [tilespmem:s9+$0x2950]  }
0x815: {  	[tilespmem:$0x1E050] =	vst v37;
	v37 =	vld [tilespmem:s9+$0x2A90]  }
0x816: {  	v1 =	vadd.f32 v1, v4;
	[tilespmem:$0x1DD40] =	vst v63;
	v63 =	vld [tilespmem:s9+$0x2960]  }
0x817: {  	v4 =	vadd.f32 v33, v32;
	[tilespmem:$0x1E000] =	vst v62;
	v62 =	vld [tilespmem:s9+$0xAA50]  }
0x818: {  	v1 =	vadd.f32 v2, v1;
	v2 =	vmul.f32 v42, v7;
	v42 =	vld [tilespmem:s9+$0xAA90];
	v33 =	vmul.f32 v54, v6  }
0x819: {  	v54 =	vmul.f32 v44, v9;
	v44 =	vmul.f32 v58, v11;
	v58 =	vld [tilespmem:$0x1DA20]  }
0x81a: {  	[tilespmem:$0x1DD10] =	vst v61;
	v61 =	vld [tilespmem:s9+$0x6960]  }
0x81b: {  	v34 =	vadd.f32 v36, v4;
	v36 =	vmul.f32 v41, v8;
	v41 =	vld [tilespmem:s9+$0xAAA0]  }
0x81c: {  	[tilespmem:$0x1E010] =	vst v62;
	v62 =	vld [tilespmem:s9+$0x2A60]  }
0x81d: {  	v32 =	vadd.f32 v0, v1;
	v0 =	vadd.f32 v50, v46;
	v46 =	vld [tilespmem:s9+$0x2AB0]  }
0x81e: {  	v50 =	vld [tilespmem:s9+$0x6AB0]  }
0x81f: {  	v4 =	vmul.f32 v55, v10;
	v55 =	vld [tilespmem:s9+$0xAAB0]  }
0x820: {  	v10 =	vadd.f32 v54, v43;
	v54 =	vld [tilespmem:s9+$0x2AC0]  }
0x821: {  	[tilespmem:$0x1E020] =	vst v62;
	v62 =	vld [tilespmem:s9+$0x6A60]  }
0x822: {  	v43 =	vld [tilespmem:$0x1DA00]  }
0x823: {  	[tilespmem:$0x1E080] =	vst v38;
	v38 =	vmul.f32 v60, v8;
	v60 =	vmul.f32 v57, v9;
	v57 =	vld [tilespmem:$0x1DA10]  }
0x824: {  	v2 =	vadd.f32 v3, v2;
	[tilespmem:$0x1DC90] =	vst v39;
	v39 =	vld [tilespmem:s9+$0x6930]  }
0x825: {  	[tilespmem:$0x1E070] =	vst v37;
	v37 =	vld [tilespmem:s9+$0x2AA0]  }
0x826: {  	v2 =	vadd.f32 v33, v2;
	[tilespmem:$0x1E030] =	vst v62;
	v62 =	vld [tilespmem:s9+$0xAA60]  }
0x827: {  	[tilespmem:$0x1E090] =	vst v42;
	v42 =	vld [tilespmem:s9+$0x6AA0]  }
0x828: {  	v9 =	vadd.f32 v36, v2;
	v36 =	vld [tilespmem:$0x1D9E0]  }
0x829: {  	[tilespmem:$0x1E0A0] =	vst v41;
	v41 =	vld [tilespmem:$0x1D9F0]  }
0x82a: {  	v5 =	vmul.f32 v58, v11;
	v11 =	vld [tilespmem:$0x1DA40]  }
0x82b: {  	v0 =	vadd.f32 v35, v0;
	[tilespmem:$0x1E040] =	vst v62;
	v62 =	vld [tilespmem:s9+$0x2A70]  }
0x82c: {  	[tilespmem:$0x1DD50] =	vst v61;
	v61 =	vld [tilespmem:s9+$0x6970]  }
0x82d: {  	v33 =	vadd.f32 v38, v0;
	v38 =	vadd.f32 v60, v4;
	v60 =	vld [tilespmem:s9+$0xAAC0];
	v2 =	vmul.f32 v36, v12  }
0x82e: {  	v3 =	vmul.f32 v41, v12;
	v12 =	vld [tilespmem:$0x1DA50]  }
0x82f: {  	v1 =	vadd.f32 v2, v10;
	v10 =	vld [tilespmem:$0x1DA30]  }
0x830: {  	[tilespmem:$0x1E0B0] =	vst v62;
	v62 =	vld [tilespmem:s9+$0x6A70]  }
0x831: {  	[tilespmem:$0x1DCF0] =	vst v39;
	v39 =	vld [tilespmem:s9+$0x6950]  }
0x832: {  	[tilespmem:$0x1DD70] =	vst v61;
	v61 =	vld [tilespmem:s9+$0xA970]  }
0x833: {  	[tilespmem:$0x1E100] =	vst v60;
	v60 =	vld [tilespmem:s9+$0x2AD0]  }
0x834: {  	v7 =	vmul.f32 v12, v17;
	v4 =	vmul.f32 v10, v17;
	v17 =	vld [tilespmem:s9+$0x6AD0]  }
0x835: {  	[tilespmem:$0x1E0C0] =	vst v62;
	v62 =	vld [tilespmem:s9+$0xAA70]  }
0x836: {  	[tilespmem:$0x1E0E0] =	vst v47;
	v36 =	vld [tilespmem:$0x1DA70]  }
0x837: {  	[tilespmem:$0x1DD20] =	vst v39;
	v39 =	vld [tilespmem:s9+$0x2970]  }
0x838: {  	v2 =	vmul.f32 v43, v13;
	v0 =	vadd.f32 v3, v38;
	v3 =	vmul.f32 v57, v13;
	v13 =	vld [tilespmem:$0x1DA60];
	[tilespmem:$0x1DD80] =	vst v61  }
0x839: {  	v61 =	vld [tilespmem:s9+$0x2980];
	[tilespmem:$0x1E0F0] =	vst v17  }
0x83a: {  	[tilespmem:$0x1E0D0] =	vst v62;
	v62 =	vld [tilespmem:s9+$0x2A80]  }
0x83b: {  	v38 =	vld [tilespmem:s9+$0xAAD0]  }
0x83c: {  	v43 =	vld [tilespmem:$0x1DA80]  }
0x83d: {  	v2 =	vadd.f32 v44, v2;
	v44 =	vld [tilespmem:s9+$0x2AE0]  }
0x83e: {  	v47 =	vld [tilespmem:$0x1DA90]  }
0x83f: {  	v57 =	vld [tilespmem:$0x1DAA0]  }
0x840: {  	v58 =	vld [tilespmem:s9+$0x6AE0]  }
0x841: {  	v8 =	vadd.f32 v7, v0;
	v7 =	vld [tilespmem:$0x1DAB0]  }
0x842: {  	v10 =	vld [tilespmem:$0x1DAC0]  }
0x843: {  	v6 =	vmul.f32 v11, v14;
	v11 =	vld [tilespmem:s9+$0xAAE0]  }
0x844: {  	v3 =	vadd.f32 v5, v3;
	v12 =	vld [tilespmem:$0x1DAD0]  }
0x845: {  	v35 =	vadd.f32 v6, v2;
	v2 =	vmul.f32 v36, v15;
	v5 =	vmul.f32 v13, v14;
	v14 =	vld [tilespmem:$0x1DAE0]  }
0x846: {  	v17 =	vld [tilespmem:$0x1DB00]  }
0x847: {  	v13 =	vadd.f32 v4, v1;
	v4 =	vadd.f32 v2, v35;
	v35 =	vld [tilespmem:s9+$0xAAF0]  }
0x848: {  	v36 =	vld [tilespmem:$0x1DB30];
	(xrf2) =	vadd.scan.msk.f32 $0xffff, v34  }
0x849: {  	(xrf2) =	vadd.scan.msk.f32 $0xffff, v32;
	v32 =	vld [tilespmem:$0x1DC80]  }
0x84a: {  	(xrf2) =	vadd.scan.msk.f32 $0xffff, v9;
	v9 =	vld [tilespmem:s9+$0x6B80]  }
0x84b: {  	(xrf2) =	vadd.scan.msk.f32 $0xffff, v33;
	v33 =	vld [tilespmem:$0x1DCF0]  }
0x84c: {  	v41 =	vadd.f32 v5, v3;
	v3 =	vmul.f32 v43, v15;
	v15 =	vld [tilespmem:s9+$0x2AF0]  }
0x84d: {  	v2 =	vmul.f32 v57, v16;
	v5 =	vmul.f32 v10, v16;
	v16 =	vld [tilespmem:$0x1DAF0]  }
0x84e: {  	v1 =	vmul.f32 v47, v19;
	v0 =	vmul.f32 v7, v19;
	v19 =	vld [tilespmem:$0x1DB10]  }
0x84f: {  	[tilespmem:$0x1E110] =	vst v38;
	v38 =	vld [tilespmem:$0x1DB40]  }
0x850: {  	v43 =	vld [tilespmem:$0x1DB50]  }
0x851: {  	v47 =	vld [tilespmem:s9+$0x6B00]  }
0x852: {  	[tilespmem:$0x1E130] =	vst v58;
	v58 =	vld [tilespmem:$0x1DB60]  }
0x853: {  	v6 =	vmul.f32 v14, v18;
	v14 =	vld [tilespmem:$0x1DB80]  }
0x854: {  	v7 =	vmul.f32 v17, v20;
	v17 =	vld [tilespmem:s9+$0x6B10]  }
0x855: {  	(xrf2) =	vadd.scan.msk.f32 $0xffff, v13;
	[tilespmem:$0x1E1C0] =	vst v35;
	v35 =	vld [tilespmem:s9+$0x6B20]  }
0x856: {  	(xrf2) =	vadd.scan.msk.f32 $0xffff, v8;
	v8 =	vld [tilespmem:s9+$0x2B90]  }
0x857: {  	v34 =	vmul.f32 v32, v28;
	v32 =	vld [tilespmem:s9+$0x6B60];
	v0 =	vadd.f32 v5, v0  }
0x858: {  	v1 =	vadd.f32 v2, v1;
	v2 =	vmul.f32 v12, v18;
	v18 =	vld [tilespmem:s9+$0x6AF0]  }
0x859: {  	v0 =	vadd.f32 v6, v0;
	v6 =	vmul.f32 v36, v49;
	v36 =	vld [tilespmem:$0x1DC00]  }
0x85a: {  	v5 =	vmul.f32 v16, v20;
	v20 =	vld [tilespmem:$0x1DB20]  }
0x85b: {  	v1 =	vadd.f32 v2, v1;
	v2 =	vmul.f32 v19, v49;
	v49 =	vld [tilespmem:s9+$0x2B00]  }
0x85c: {  	[tilespmem:$0x1E190] =	vst v15;
	v15 =	vld [tilespmem:$0x1DB90]  }
0x85d: {  	v16 =	vld [tilespmem:$0x1DBA0]  }
0x85e: {  	v19 =	vld [tilespmem:$0x1DBC0]  }
0x85f: {  	[tilespmem:$0x1E140] =	vst v11;
	v11 =	vmul.f32 v38, v21;
	v38 =	vld [tilespmem:$0x1DC10]  }
0x860: {  	[tilespmem:$0x1E120] =	vst v44;
	v44 =	vmul.f32 v43, v22;
	v43 =	vld [tilespmem:$0x1DC20]  }
0x861: {  	[tilespmem:$0x1E150] =	vst v47;
	v47 =	vld [tilespmem:$0x1DC40]  }
0x862: {  	[tilespmem:$0x1E1B0] =	vst v35;
	v35 =	vld [tilespmem:$0x1DC90]  }
0x863: {  	v57 =	vadd.f32 v11, v6;
	v11 =	vld [tilespmem:$0x1DB70]  }
0x864: {  	[tilespmem:$0x1E1A0] =	vst v18;
	v18 =	vld [tilespmem:$0x1DBB0]  }
0x865: {  	v6 =	vmul.f32 v58, v22;
	v22 =	vld [tilespmem:$0x1DBD0]  }
0x866: {  	v58 =	vld [tilespmem:s9+$0x6B30];
	v10 =	vmul.f32 v20, v21  }
0x867: {  	v3 =	vadd.f32 v3, v41;
	v20 =	vld [tilespmem:s9+$0xAB10]  }
0x868: {  	v12 =	vadd.f32 v5, v1;
	v41 =	vadd.f32 v10, v2;
	v10 =	vld [tilespmem:s9+$0xAB00]  }
0x869: {  	v2 =	vadd.f32 v7, v0;
	v5 =	vmul.f32 v11, v45;
	v7 =	vmul.f32 v14, v45;
	v45 =	vld [tilespmem:s9+$0x2B10]  }
0x86a: {  	v0 =	vadd.f32 v6, v57;
	v57 =	vld [tilespmem:$0x1DC50]  }
0x86b: {  	v1 =	vadd.f32 v44, v41;
	v44 =	vld [tilespmem:$0x1DC30]  }
0x86c: {  	v14 =	vmul.f32 v38, v25;
	v38 =	vld [tilespmem:s9+$0xAB40]  }
0x86d: {  	v41 =	vld [tilespmem:s9+$0xAB20]  }
0x86e: {  	v6 =	vmul.f32 v15, v51;
	v5 =	vadd.f32 v5, v1;
	v1 =	vmul.f32 v18, v51;
	v51 =	vld [tilespmem:s9+$0x2B20]  }
0x86f: {  	v11 =	vmul.f32 v19, v23;
	[tilespmem:$0x1E170] =	vst v10;
	v10 =	vmul.f32 v16, v23;
	v23 =	vld [tilespmem:$0x1DBE0]  }
0x870: {  	v15 =	vmul.f32 v44, v56;
	v44 =	vld [tilespmem:s9+$0x2B30]  }
0x871: {  	v21 =	vadd.f32 v10, v6;
	v6 =	vmul.f32 v22, v26;
	v22 =	vld [tilespmem:s9+$0xAB30]  }
0x872: {  	v16 =	vmul.f32 v47, v56;
	v56 =	vld [tilespmem:s9+$0x2B40]  }
0x873: {  	[tilespmem:$0x1E1D0] =	vst v41;
	v41 =	vld [tilespmem:$0x1DCA0]  }
0x874: {  	v7 =	vadd.f32 v7, v0;
	v0 =	vadd.f32 v6, v21;
	v21 =	vld [tilespmem:$0x1DC60]  }
0x875: {  	v1 =	vadd.f32 v11, v1;
	v10 =	vmul.f32 v23, v26;
	v26 =	vld [tilespmem:$0x1DBF0]  }
0x876: {  	v6 =	vmul.f32 v36, v24;
	v36 =	vmul.f32 v35, v29;
	v35 =	vld [tilespmem:$0x1DD00]  }
0x877: {  	v1 =	vadd.f32 v10, v1;
	v10 =	vmul.f32 v43, v25;
	v25 =	vld [tilespmem:$0x1DC70]  }
0x878: {  	[tilespmem:$0x1E1F0] =	vst v22;
	v22 =	vld [tilespmem:s9+$0x6B50]  }
0x879: {  	s25 =	sor.u32 $0x184, s8;
	[tilespmem:$0x1E180] =	vst v20;
	v20 =	vadd.f32 v10, v6;
	v10 =	vld [tilespmem:s9+$0x2B50]  }
0x87a: {  	v23 =	vmov s25;
	v6 =	vmul.f32 v21, v27;
	v21 =	vld [tilespmem:$0x1DCC0];
	v11 =	vmul.f32 v26, v24  }
0x87b: {  	v24 =	vshrl.u32 v23, $0x3;
	v23 =	vld [tilespmem:$0x1DCD0]  }
0x87c: {  	v11 =	vadd.f32 v14, v11;
	v14 =	vmul.f32 v57, v27;
	v27 =	vld [tilespmem:s9+$0x6B40]  }
0x87d: {  	v15 =	vadd.f32 v15, v0;
	v0 =	vadd.f32 v6, v20;
	v6 =	vshll.u32 v24, v40;
	v57 =	vld [tilespmem:$0x1DCB0]  }
0x87e: {  	v47 =	vadd.s32 $0x4, v6;
	[tilespmem:$0x1E210] =	vst v22;
	v22 =	vld [tilespmem:s9+$0x6B90]  }
0x87f: {  	v26 =	vmul.f32 v25, v28;
	v11 =	vadd.f32 v14, v11;
	v14 =	vbroadcast v47, $0x0;
	v47 =	vld [tilespmem:$0x1DD10]  }
0x880: {  	v24 =	vmul.f32 v23, v30;
	v23 =	vld [tilespmem:s9+$0x6B70]  }
0x881: {  	v6 =	vadd.f32 v26, v11;
	v26 =	vld [tilespmem:s9+$0xAB50]  }
0x882: {  	s30 =	sor.u32 $0x186, s8;
	v43 =	vmul.f32 v41, v29;
	v11 =	vmul.f32 v21, v59;
	[tilespmem:$0x1E200] =	vst v27;
	v27 =	vld [tilespmem:$0x1DCE0]  }
0x883: {  	v41 =	vmov s30;
	[tilespmem:$0x1E280] =	vst v22;
	v22 =	vld [tilespmem:$0x1DE10]  }
0x884: {  	[tilespmem:$0x1E1E0] =	vst v58;
	v58 =	vmul.f32 v57, v59;
	v18 =	vadd.f32 v11, v43;
	v11 =	vadd.f32 v34, v0;
	v34 =	vld [tilespmem:s9+$0xAB60]  }
0x885: {  	v43 =	vshrl.u32 v41, $0x3;
	v41 =	vld [tilespmem:$0x1DD70]  }
0x886: {  	[tilespmem:$0x1E160] =	vst v17;
	v17 =	vadd.f32 v58, v36;
	v36 =	vld [tilespmem:s9+$0x2B60]  }
0x887: {  	v58 =	vld [tilespmem:$0x1DD20]  }
0x888: {  	s29 =	sor.u32 $0x185, s8;
	v19 =	vshll.u32 v43, v40;
	v43 =	vld [tilespmem:s9+$0xAB80]  }
0x889: {  	v25 =	vmov s29;
	[tilespmem:$0x1E260] =	vst v23;
	v23 =	vld [tilespmem:$0x1DD90]  }
0x88a: {  	v29 =	vshrl.u32 v25, $0x3;
	v0 =	vadd.f32 v24, v17;
	v24 =	vld [tilespmem:$0x1DD30]  }
0x88b: {  	[tilespmem:$0x1E230] =	vst v26;
	v26 =	vld [tilespmem:$0x1DD40];
	v28 =	vmul.f32 v27, v30;
	v30 =	vshll.u32 v29, v40  }
0x88c: {  	v1 =	vadd.f32 v16, v1;
	v16 =	vadd.s32 $0x5, v30;
	v30 =	vld [tilespmem:$0x1DD50]  }
0x88d: {  	[tilespmem:$0x1E250] =	vst v34;
	v34 =	vld [tilespmem:$0x1DD60]  }
0x88e: {  	v17 =	vmul.f32 v33, v53;
	v13 =	vadd.f32 v28, v18;
	v18 =	vmul.f32 v35, v53;
	v53 =	vld [tilespmem:s9+$0x2B70]  }
0x88f: {  	v28 =	vld [tilespmem:s9+$0xAB70]  }
0x890: {  	(xrf2) =	vadd.scan.msk.f32 $0xffff, v4;
	v57 =	vmul.f32 v47, v52;
	[tilespmem:$0x1E290] =	vst v43;
	v43 =	vld [tilespmem:s9+$0xABA0]  }
0x891: {  	(xrf2) =	vadd.scan.msk.f32 $0xffff, v3;
	v59 =	vmul.f32 v58, v31;
	v3 =	vmul.f32 v23, v61;
	v23 =	vld [tilespmem:$0x1DE20]  }
0x892: {  	v25 =	vmul.f32 v24, v52;
	v52 =	vld [tilespmem:s9+$0x2B80]  }
0x893: {  	v27 =	vmul.f32 v26, v31;
	v29 =	vadd.f32 v59, v57;
	v57 =	vld [tilespmem:$0x1DD80]  }
0x894: {  	v16 =	vbroadcast v16, $0x0;
	v26 =	vld [tilespmem:$0x1DDA0]  }
0x895: {  	s1 =	sor.u32 $0x187, s8;
	[tilespmem:$0x1E240] =	vst v32;
	v33 =	vadd.f32 v27, v25;
	v25 =	vld [tilespmem:s9+$0xAB90]  }
0x896: {  	v31 =	vmul.f32 v30, v63;
	v35 =	vmul.f32 v34, v63;
	v63 =	vmov s1;
	[tilespmem:$0x1E270] =	vst v28;
	v28 =	vld [tilespmem:$0x1DDB0]  }
0x897: {  	[tilespmem:$0x1E220] =	vst v38;
	v38, _, _ =	vpop (xrf2);
	v21 =	vshrl.u32 v63, $0x3;
	v63 =	vld [tilespmem:s9+$0x6BB0]  }
0x898: {  	v32, _, _ =	vpop (xrf2);
	[tilespmem:v14+s31+$0x0] =	vst.idx.msk vm0, v38;
	v38 =	vadd.f32 v31, v29;
	v29 =	vld [tilespmem:$0x1DDC0]  }
0x899: {  	v59, _, _ =	vpop (xrf2);
	v31 =	vld [tilespmem:$0x1DDD0]  }
0x89a: {  	(xrf2) =	vadd.scan.msk.f32 $0xffff, v12;
	[tilespmem:v16+s31+$0x0] =	vst.idx.msk vm0, v59;
	v59 =	vld [tilespmem:s9+$0x6BA0]  }
0x89b: {  	(xrf2) =	vadd.scan.msk.f32 $0xffff, v2;
	v47 =	vadd.f32 v35, v33;
	v35 =	vld [tilespmem:$0x1DDE0]  }
0x89c: {  	s29 =	sor.u32 $0x189, s8;
	v4 =	vmul.f32 v41, v39;
	v24, _, _ =	vpop (xrf2);
	(xrf2) =	vadd.scan.msk.f32 $0xffff, v5;
	v5 =	vld [tilespmem:s9+$0x2BB0]  }
0x89d: {  	v58 =	vmul.f32 v57, v39;
	v27 =	vmul.f32 v26, v61;
	v39 =	vld [tilespmem:$0x1DDF0];
	v61 =	vmov s29  }
0x89e: {  	[tilespmem:v14+s26+$0x0] =	vst.idx.msk vm0, v32;
	v14 =	vadd.f32 v17, v0;
	v0 =	vshll.u32 v21, v40;
	v21 =	vshrl.u32 v61, $0x3;
	v61 =	vld [tilespmem:s9+$0xABC0]  }
0x89f: {  	v12 =	vadd.f32 v58, v47;
	v47 =	vld [tilespmem:$0x1DE00]  }
0x8a0: {  	v19 =	vadd.s32 $0x6, v19;
	v0 =	vadd.s32 $0x7, v0;
	[tilespmem:$0x1E2A0] =	vst v25;
	v25 =	vld [tilespmem:$0x1DE30]  }
0x8a1: {  	v19 =	vbroadcast v19, $0x0;
	v0 =	vbroadcast v0, $0x0;
	[tilespmem:$0x1E2C0] =	vst v63;
	v63 =	vld [tilespmem:$0x1DE70]  }
0x8a2: {  	v20 =	vadd.f32 v18, v13;
	v17 =	vmul.f32 v29, v28;
	v18 =	vmul.f32 v31, v28;
	v28 =	vld [tilespmem:$0x1DE40]  }
0x8a3: {  	v30, _, _ =	vpop (xrf2);
	(xrf2) =	vadd.scan.msk.f32 $0xffff, v7;
	v29 =	vld [tilespmem:$0x1DE50]  }
0x8a4: {  	[tilespmem:$0x1E2B0] =	vst v43;
	v58, _, _ =	vpop (xrf2);
	(xrf2) =	vadd.scan.msk.f32 $0xffff, v15;
	v41 =	vmul.f32 v39, v35;
	v39 =	vld [tilespmem:$0x1DE60]  }
0x8a5: {  	v31, _, _ =	vpop (xrf2);
	(xrf2) =	vadd.scan.msk.f32 $0xffff, v1;
	[tilespmem:$0x1E300] =	vst v61;
	v61 =	vld [tilespmem:$0x1DED0]  }
0x8a6: {  	[tilespmem:v16+s26+$0x0] =	vst.idx.msk vm0, v24;
	v43, _, _ =	vpop (xrf2);
	(xrf2) =	vadd.scan.msk.f32 $0xffff, v6;
	v6 =	vld [tilespmem:$0x1DF30]  }
0x8a7: {  	s25 =	sor.u32 $0x188, s8;
	[tilespmem:v0+s31+$0x0] =	vst.idx.msk vm0, v31;
	v31 =	vld [tilespmem:$0x1DE90]  }
0x8a8: {  	s30 =	sor.u32 $0x18A, s8;
	v32 =	vmov s25;
	[tilespmem:v19+s31+$0x0] =	vst.idx.msk vm0, v30;
	v57 =	vmul.f32 v47, v35;
	v35 =	vld [tilespmem:$0x1DEA0]  }
0x8a9: {  	v34 =	vshrl.u32 v32, $0x3;
	v16 =	vadd.f32 v18, v27;
	v47 =	vmov s30;
	[tilespmem:v0+s26+$0x0] =	vst.idx.msk vm0, v43;
	v43 =	vld [tilespmem:s9+$0x6BD0]  }
0x8aa: {  	[tilespmem:v19+s26+$0x0] =	vst.idx.msk vm0, v58;
	v33 =	vadd.f32 v17, v3;
	v3 =	vshll.u32 v34, v40;
	v58 =	vshrl.u32 v47, $0x3;
	v47 =	vld [tilespmem:$0x1DEC0]  }
0x8ab: {  	v17 =	vbroadcast v3, $0x0;
	v16 =	vadd.f32 v57, v16;
	v57 =	vld [tilespmem:s9+$0x6BC0]  }
0x8ac: {  	v30 =	vmul.f32 v29, v28;
	v0 =	vshll.u32 v58, v40;
	v58 =	vld [tilespmem:s9+$0xABD0]  }
0x8ad: {  	v27 =	vshll.u32 v21, v40;
	v7 =	vadd.f32 v41, v33;
	v41 =	vmul.f32 v39, v28;
	v28 =	vld [tilespmem:$0x1DE80]  }
0x8ae: {  	v3 =	vmul.f32 v23, v22;
	v26 =	vmul.f32 v25, v22;
	v18 =	vadd.s32 $0x1, v27;
	(xrf2) =	vadd.scan.msk.f32 $0xffff, v11;
	v39 =	vld [tilespmem:$0x1DEB0]  }
0x8af: {  	v19 =	vbroadcast v18, $0x0;
	(xrf2) =	vadd.scan.msk.f32 $0xffff, v14;
	v32 =	vmul.f32 v31, v63;
	[tilespmem:$0x1E2F0] =	vst v43;
	v43 =	vld [tilespmem:s9+$0xABE0]  }
0x8b0: {  	v3 =	vadd.f32 v30, v3;
	v30, _, _ =	vpop (xrf2);
	(xrf2) =	vadd.scan.msk.f32 $0xffff, v20;
	v20 =	vld [tilespmem:$0x1E020]  }
0x8b1: {  	v34 =	vadd.s32 $0x2, v0;
	v15 =	vadd.f32 v41, v26;
	[tilespmem:v17+s31+$0x0] =	vst.idx.msk vm0, v30;
	v30 =	vld [tilespmem:$0x1DEF0]  }
0x8b2: {  	v29 =	vmul.f32 v28, v63;
	v63 =	vld [tilespmem:$0x1DEE0]  }
0x8b3: {  	[tilespmem:$0x1E310] =	vst v58;
	v15 =	vadd.f32 v32, v15;
	v58 =	vld [tilespmem:$0x1DF10];
	v41 =	vmul.f32 v39, v35;
	v32, _, _ =	vpop (xrf2)  }
0x8b4: {  	s1 =	sor.u32 $0x18B, s8;
	v23 =	vbroadcast v34, $0x0;
	v1 =	vmul.f32 v47, v35;
	v35 =	vld [tilespmem:s9+$0x6BE0];
	[tilespmem:v17+s26+$0x0] =	vst.idx.msk vm0, v32;
	v34, _, _ =	vpop (xrf2)  }
0x8b5: {  	v17 =	vadd.f32 v41, v7;
	v41 =	vmov s1;
	[tilespmem:v19+s31+$0x0] =	vst.idx.msk vm0, v34;
	v34 =	vld [tilespmem:$0x1DF50]  }
0x8b6: {  	v47 =	vshrl.u32 v41, $0x3;
	v41 =	vld [tilespmem:s9+$0x6BF0]  }
0x8b7: {  	v13 =	vadd.f32 v4, v38;
	[tilespmem:$0x1E2E0] =	vst v57;
	v57 =	vadd.f32 v29, v3;
	v4 =	vmul.f32 v63, v61;
	v63 =	vld [tilespmem:$0x1DF20]  }
0x8b8: {  	[tilespmem:$0x1E330] =	vst v43;
	v43 =	vld [tilespmem:$0x1DF60]  }
0x8b9: {  	v39, _, _ =	vpop (xrf2);
	v31 =	vmul.f32 v30, v61;
	v21 =	vadd.f32 v4, v57;
	v57 =	vld [tilespmem:$0x1DF00]  }
0x8ba: {  	[tilespmem:v19+s26+$0x0] =	vst.idx.msk vm0, v39;
	v39 =	vshll.u32 v47, v40;
	v47 =	vld [tilespmem:$0x1DF70]  }
0x8bb: {  	v25 =	vadd.f32 v31, v15;
	v31 =	vld [tilespmem:$0x1DF40]  }
0x8bc: {  	[tilespmem:$0x1E320] =	vst v35;
	v7 =	vmul.f32 v6, v63;
	v35 =	vmul.f32 v34, v63;
	v63 =	vld [tilespmem:$0x1DF80]  }
0x8bd: {  	[tilespmem:$0x1E340] =	vst v41;
	v41 =	vld [tilespmem:$0x1DFC0]  }
0x8be: {  	v61 =	vmul.f32 v58, v57;
	v58 =	vld [tilespmem:s9+$0xABF0]  }
0x8bf: {  	v34 =	vld [tilespmem:$0x1DF90]  }
0x8c0: {  	v6 =	vld [tilespmem:$0x1DFB0];
	v32 =	vmul.f32 v31, v57;
	v57 =	vmul.f32 v47, v43;
	v15 =	vadd.f32 v7, v61  }
0x8c1: {  	v4 =	vmul.f32 v63, v43;
	v63 =	vld [tilespmem:$0x1E010]  }
0x8c2: {  	v15 =	vadd.f32 v57, v15;
	v57 =	vld [tilespmem:$0x1DFF0]  }
0x8c3: {  	[tilespmem:$0x1E350] =	vst v58;
	v58 =	vld [tilespmem:$0x1E000]  }
0x8c4: {  	v47 =	vld [tilespmem:$0x1DFE0];
	v61 =	vadd.f32 v35, v32  }
0x8c5: {  	v40, _, _ =	vpop (xrf2);
	v43 =	vld [tilespmem:$0x1DFD0]  }
0x8c6: {  	[tilespmem:v23+s31+$0x0] =	vst.idx.msk vm0, v40;
	v35 =	vld [tilespmem:$0x1DFA0];
	v11 =	vadd.f32 v4, v61;
	v4, _, _ =	vpop (xrf2)  }
0x8c7: {  	[tilespmem:v23+s26+$0x0] =	vst.idx.msk vm0, v4;
	v23 =	vld [tilespmem:$0x1E030]  }
0x8c8: {  	v3 =	vmul.f32 v63, v57;
	v61 =	vmul.f32 v58, v57;
	v57 =	vld [tilespmem:$0x1E050]  }
0x8c9: {  	v58 =	vld [tilespmem:$0x1E060]  }
0x8ca: {  	s25 =	sor.u32 $0x18C, s8;
	v24 =	vld [tilespmem:s9+$0xABB0];
	v14 =	vmul.f32 v43, v41  }
0x8cb: {  	v38 =	vld [tilespmem:s9+$0x2BA0];
	v28 =	vadd.s32 $0x3, v39;
	v7 =	vmul.f32 v6, v34;
	v6 =	vmov s25  }
0x8cc: {  	(xrf2) =	vadd.scan.msk.f32 $0xffff, v13;
	v39 =	vmul.f32 v35, v34;
	v34 =	vld [tilespmem:$0x1E040];
	v14 =	vadd.f32 v61, v14;
	v29 =	vmul.f32 v23, v20  }
0x8cd: {  	v19 =	vmul.f32 v47, v41;
	v47 =	vadd.f32 v7, v11;
	v7 =	vshrl.u32 v6, $0x3;
	(xrf2) =	vadd.scan.msk.f32 $0xffff, v12;
	v4 =	vld [tilespmem:$0x1E080]  }
0x8ce: {  	(xrf2) =	vadd.scan.msk.f32 $0xffff, v17;
	v23 =	vadd.f32 v29, v14;
	v14 =	vmul.f32 v57, v62;
	v17 =	vmul.f32 v58, v62;
	v62 =	vld [tilespmem:$0x1E070]  }
0x8cf: {  	s29 =	sor.u32 $0x18D, s8;
	[tilespmem:$0x1E2D0] =	vst v24;
	v24 =	vadd.f32 v1, v16;
	v11 =	vshll.u32 v7, v48;
	v7 =	vld [tilespmem:$0x1E090]  }
0x8d0: {  	v22 =	vld [tilespmem:s9+$0x2BE0];
	v28 =	vbroadcast v28, $0x0;
	v31 =	vmov s29  }
0x8d1: {  	v27 =	vld [tilespmem:s9+$0x2C00];
	v35 =	vshrl.u32 v31, $0x3;
	v11 =	vadd.s32 $0x4, v11;
	(xrf2) =	vadd.scan.msk.f32 $0xffff, v24;
	v24 =	vmul.f32 v42, v37  }
0x8d2: {  	s30 =	sor.u32 $0x18E, s8;
	v33 =	vld [tilespmem:s9+$0x2BC0];
	v12 =	vmul.f32 v34, v20;
	v20 =	vbroadcast v11, $0x0;
	v11 =	vshll.u32 v35, v48  }
0x8d3: {  	v61 =	vadd.s32 $0x5, v11;
	v58 =	vmov s30;
	v6 =	vmul.f32 v4, v62;
	v4 =	vld [tilespmem:$0x1E0A0]  }
0x8d4: {  	v42 =	vld [tilespmem:$0x1E0C0];
	v31 =	vbroadcast v61, $0x0;
	v61 =	vshrl.u32 v58, $0x3;
	v11 =	vmul.f32 v7, v62  }
0x8d5: {  	v62 =	vshll.u32 v61, v48;
	v61 =	vld [tilespmem:$0x1E0D0]  }
0x8d6: {  	v16, _, _ =	vpop (xrf2);
	v7 =	vadd.s32 $0x6, v62;
	v17 =	vadd.f32 v11, v17;
	v11 =	vld [tilespmem:$0x1E0B0]  }
0x8d7: {  	[tilespmem:v28+s31+$0x0] =	vst.idx.msk vm0, v16;
	v57, _, _ =	vpop (xrf2);
	v35 =	vbroadcast v7, $0x0;
	v7 =	vld [tilespmem:$0x1E0F0]  }
0x8d8: {  	[tilespmem:v28+s26+$0x0] =	vst.idx.msk vm0, v57;
	v28 =	vadd.f32 v6, v14;
	v6 =	vmul.f32 v4, v37;
	v4 =	vld [tilespmem:$0x1E0E0]  }
0x8d9: {  	v18 =	vld [tilespmem:s9+$0x2BF0]  }
0x8da: {  	v0 =	vmul.f32 v50, v46;
	v26 =	vld [tilespmem:s9+$0x2BD0]  }
0x8db: {  	v46 =	vmul.f32 v55, v46;
	v62 =	vmul.f32 v61, v11;
	v61 =	vld [tilespmem:$0x1E110]  }
0x8dc: {  	v13 =	vld [tilespmem:s9+$0x2C30];
	v19 =	vadd.f32 v3, v19;
	v3, _, _ =	vpop (xrf2);
	v57 =	vmul.f32 v42, v11;
	v29 =	vadd.f32 v6, v17  }
0x8dd: {  	v30 =	vld [tilespmem:s9+$0xAC10];
	v58, _, _ =	vpop (xrf2);
	[tilespmem:v20+s31+$0x0] =	vst.idx.msk vm0, v3;
	v11 =	vmul.f32 v7, v60;
	v6 =	vmul.f32 v4, v54  }
0x8de: {  	(xrf2) =	vadd.scan.msk.f32 $0xffff, v21;
	v34 =	vadd.f32 v12, v19;
	[tilespmem:v20+s26+$0x0] =	vst.idx.msk vm0, v58;
	v58 =	vadd.f32 v46, v29;
	v46 =	vld [tilespmem:$0x1E100]  }
0x8df: {  	v1, _, _ =	vpop (xrf2);
	(xrf2) =	vadd.scan.msk.f32 $0xffff, v25;
	v25 =	vadd.f32 v11, v6;
	v6 =	vld [tilespmem:$0x1E120]  }
0x8e0: {  	v55 =	vadd.f32 v62, v34;
	v62 =	vmul.f32 v61, v60;
	v61 =	vld [tilespmem:$0x1E140]  }
0x8e1: {  	v7 =	vld [tilespmem:$0x1E130]  }
0x8e2: {  	v40 =	vld [tilespmem:s9+$0x6C00]  }
0x8e3: {  	v32 =	vld [tilespmem:s9+$0x2C10];
	v2, _, _ =	vpop (xrf2);
	v37 =	vmul.f32 v46, v54  }
0x8e4: {  	v43 =	vld [tilespmem:s9+$0xAC00];
	v4, _, _ =	vpop (xrf2)  }
0x8e5: {  	[tilespmem:v35+s31+$0x0] =	vst.idx.msk vm0, v4;
	v4 =	vld [tilespmem:$0x1E150];
	v60 =	vadd.f32 v62, v37;
	v62 =	vmul.f32 v61, v6  }
0x8e6: {  	v11 =	vmul.f32 v7, v6;
	v7 =	vld [tilespmem:$0x1E160]  }
0x8e7: {  	v60 =	vadd.f32 v62, v60;
	v62 =	vld [tilespmem:$0x1E170]  }
0x8e8: {  	v41 =	vld [tilespmem:s9+$0x6C10]  }
0x8e9: {  	[tilespmem:$0x1E360] =	vst v40;
	v40 =	vadd.f32 v39, v15;
	v39 =	vld [tilespmem:s9+$0x2C20]  }
0x8ea: {  	v16 =	vld [tilespmem:s9+$0x6C20]  }
0x8eb: {  	v63 =	vld [tilespmem:s9+$0xAC20];
	v54, _, _ =	vpop (xrf2);
	v6 =	vmul.f32 v4, v49;
	v42 =	vadd.f32 v11, v25;
	v11 =	vmul.f32 v7, v45  }
0x8ec: {  	[tilespmem:v35+s26+$0x0] =	vst.idx.msk vm0, v54;
	v35 =	vmul.f32 v62, v49;
	v62 =	vld [tilespmem:$0x1E190]  }
0x8ed: {  	v46 =	vadd.f32 v11, v6;
	v6 =	vld [tilespmem:$0x1E1A0]  }
0x8ee: {  	v15 =	vld [tilespmem:s9+$0x6C30]  }
0x8ef: {  	s1 =	sor.u32 $0x18F, s8;
	v21 =	vld [tilespmem:s9+$0x6C50];
	v24 =	vadd.f32 v24, v28  }
0x8f0: {  	v3 =	vmov s1;
	v4 =	vld [tilespmem:$0x1E180]  }
0x8f1: {  	v50 =	vadd.f32 v57, v23;
	v57 =	vadd.f32 v0, v24;
	v24 =	vshrl.u32 v3, $0x3;
	v7 =	vld [tilespmem:$0x1E1B0]  }
0x8f2: {  	v24 =	vshll.u32 v24, v48;
	v49 =	vmul.f32 v6, v62;
	v6 =	vld [tilespmem:$0x1E1D0]  }
0x8f3: {  	v12 =	vld [tilespmem:s9+$0x2C40];
	v24 =	vadd.s32 $0x7, v24  }
0x8f4: {  	v19 =	vld [tilespmem:s9+$0x6C40];
	v54 =	vbroadcast v24, $0x0  }
0x8f5: {  	v45 =	vmul.f32 v4, v45;
	v4 =	vld [tilespmem:$0x1E1C0]  }
0x8f6: {  	v20 =	vld [tilespmem:s9+$0x2C60]  }
0x8f7: {  	v11 =	vmul.f32 v7, v51;
	v51 =	vmul.f32 v6, v51;
	v6 =	vld [tilespmem:$0x1E1F0]  }
0x8f8: {  	[tilespmem:v31+s31+$0x0] =	vst.idx.msk vm0, v1;
	v14 =	vld [tilespmem:s9+$0xAC30]  }
0x8f9: {  	[tilespmem:v31+s26+$0x0] =	vst.idx.msk vm0, v2;
	v3, _, _ =	vpop (xrf2);
	v7 =	vld [tilespmem:$0x1E1E0]  }
0x8fa: {  	v31 =	vld [tilespmem:s9+$0x6C70];
	[tilespmem:v54+s31+$0x0] =	vst.idx.msk vm0, v3;
	v62 =	vmul.f32 v4, v62;
	v4, _, _ =	vpop (xrf2)  }
0x8fb: {  	[tilespmem:v54+s26+$0x0] =	vst.idx.msk vm0, v4;
	v4 =	vld [tilespmem:$0x1E200]  }
0x8fc: {  	v60 =	vadd.f32 v62, v60;
	v62 =	vmul.f32 v6, v44;
	v6 =	vld [tilespmem:$0x1E210]  }
0x8fd: {  	v28 =	vld [tilespmem:s9+$0xAC40]  }
0x8fe: {  	v17 =	vld [tilespmem:s9+$0x2C50];
	(xrf2) =	vadd.scan.msk.f32 $0xffff, v40;
	v40 =	vadd.f32 v49, v42;
	v49 =	vadd.f32 v11, v46;
	v11 =	vmul.f32 v7, v44  }
0x8ff: {  	s25 =	sor.u32 $0x190, s8;
	v23 =	vld [tilespmem:s9+$0xAC50]  }
0x900: {  	v29 =	vld [tilespmem:s9+$0x6C60];
	v7 =	vmov s25;
	v61 =	vadd.f32 v11, v49  }
0x901: {  	v34 =	vld [tilespmem:s9+$0xAC60];
	v11 =	vshrl.u32 v7, $0x3;
	v49 =	vmul.f32 v4, v56;
	v7 =	vmul.f32 v6, v10  }
0x902: {  	v4 =	vld [tilespmem:$0x1E220]  }
0x903: {  	v49 =	vadd.f32 v7, v49;
	v7 =	vld [tilespmem:$0x1E240]  }
0x904: {  	v24 =	vld [tilespmem:s9+$0x2C70]  }
0x905: {  	(xrf2) =	vadd.scan.msk.f32 $0xffff, v47;
	v6 =	vld [tilespmem:$0x1E230]  }
0x906: {  	v37 =	vld [tilespmem:s9+$0xAC70];
	(xrf2) =	vadd.scan.msk.f32 $0xffff, v50  }
0x907: {  	(xrf2) =	vadd.scan.msk.f32 $0xffff, v55;
	v56 =	vmul.f32 v4, v56;
	v4 =	vld [tilespmem:$0x1E250]  }
0x908: {  	s29 =	sor.u32 $0x191, s8;
	v25 =	vld [tilespmem:s9+$0x2C80];
	(xrf2) =	vadd.scan.msk.f32 $0xffff, v57;
	v47 =	vshll.u32 v11, v48;
	v11 =	vmul.f32 v7, v36  }
0x909: {  	v45 =	vadd.f32 v45, v35;
	v35 =	vld [tilespmem:s9+$0x6C80];
	(xrf2) =	vadd.scan.msk.f32 $0xffff, v58;
	v7 =	vmov s29  }
0x90a: {  	(xrf2) =	vadd.scan.msk.f32 $0xffff, v40;
	v0 =	vmul.f32 v6, v10;
	v57 =	vadd.f32 v11, v49;
	v11 =	vshrl.u32 v7, $0x3;
	v7 =	vld [tilespmem:$0x1E260]  }
0x90b: {  	v54 =	vld [tilespmem:s9+$0x6CA0];
	(xrf2) =	vadd.scan.msk.f32 $0xffff, v60  }
0x90c: {  	s30 =	sor.u32 $0x192, s8;
	v51 =	vadd.f32 v51, v45;
	(xrf2) =	vadd.scan.msk.f32 $0xffff, v61;
	v61 =	vld [tilespmem:$0x1E270];
	v6 =	vmul.f32 v4, v36;
	v0 =	vadd.f32 v0, v56  }
0x90d: {  	v50 =	vld [tilespmem:s9+$0xACB0];
	v58 =	vmov s30;
	v1 =	vbroadcast v47, $0x0  }
0x90e: {  	s1 =	sor.u32 $0x193, s8;
	v46 =	vld [tilespmem:s9+$0xAC80];
	v56 =	vadd.f32 v62, v51;
	v51 =	vshrl.u32 v58, $0x3;
	v3 =	vadd.f32 v6, v0  }
0x90f: {  	v0 =	vmov s1;
	v55 =	vshll.u32 v11, v48;
	v11 =	vmul.f32 v7, v53;
	v7 =	vld [tilespmem:$0x1E280]  }
0x910: {  	v42 =	vld [tilespmem:s9+$0x2C90];
	v2 =	vshll.u32 v51, v48;
	v62 =	vadd.s32 $0x1, v55;
	v55 =	vshrl.u32 v0, $0x3  }
0x911: {  	v60 =	vld [tilespmem:s9+$0xACC0];
	v61 =	vmul.f32 v61, v53;
	v58 =	vadd.s32 $0x2, v2;
	s1 =	sor.u32 $0x194, s8;
	v6 =	vshll.u32 v55, v48  }
0x912: {  	v45 =	vld [tilespmem:s9+$0xAC90];
	v40 =	vbroadcast v62, $0x0;
	v2 =	vadd.s32 $0x3, v6;
	v6 =	vmov s1  }
0x913: {  	v47 =	vld [tilespmem:s9+$0x2CB0];
	v4, _, _ =	vpop (xrf2);
	v53 =	vbroadcast v58, $0x0;
	v0 =	vshrl.u32 v6, $0x3;
	v58 =	vmul.f32 v9, v52  }
0x914: {  	v44 =	vld [tilespmem:s9+$0x6C90];
	[tilespmem:v1+s31+$0x0] =	vst.idx.msk vm0, v4;
	v4, _, _ =	vpop (xrf2);
	v62 =	vadd.f32 v11, v57;
	v57 =	vbroadcast v2, $0x0;
	v2 =	vmul.f32 v7, v8  }
0x915: {  	[tilespmem:v1+s26+$0x0] =	vst.idx.msk vm0, v4;
	v4 =	vld [tilespmem:$0x1E2A0];
	v6 =	vshll.u32 v0, v48  }
0x916: {  	v0 =	vadd.f32 v2, v58;
	v2 =	vadd.s32 $0x4, v6;
	v6 =	vld [tilespmem:$0x1E2B0]  }
0x917: {  	v9 =	vld [tilespmem:$0x1E290]  }
0x918: {  	v10 =	vld [tilespmem:s9+$0x2CA0];
	v7, _, _ =	vpop (xrf2)  }
0x919: {  	v36 =	vld [tilespmem:s9+$0xACA0];
	v1, _, _ =	vpop (xrf2)  }
0x91a: {  	v51 =	vld [tilespmem:s9+$0x2CC0];
	(xrf2) =	vadd.scan.msk.f32 $0xffff, v56;
	[tilespmem:v40+s31+$0x0] =	vst.idx.msk vm0, v7;
	v7, _, _ =	vpop (xrf2)  }
0x91b: {  	v59 =	vmul.f32 v59, v38;
	[tilespmem:v40+s26+$0x0] =	vst.idx.msk vm0, v1;
	v40 =	vmul.f32 v6, v38;
	v38, _, _ =	vpop (xrf2);
	(xrf2) =	vadd.scan.msk.f32 $0xffff, v62;
	v62 =	vld [tilespmem:$0x1E2C0]  }
0x91c: {  	v49 =	vld [tilespmem:s9+$0x6CB0];
	v52 =	vmul.f32 v9, v52;
	v8 =	vmul.f32 v4, v8  }
0x91d: {  	v56 =	vld [tilespmem:s9+$0x2CD0]  }
0x91e: {  	v3 =	vadd.f32 v61, v3;
	v55 =	vld [tilespmem:s9+$0x6CC0];
	v8 =	vadd.f32 v8, v52;
	v61, _, _ =	vpop (xrf2)  }
0x91f: {  	[tilespmem:v57+s31+$0x0] =	vst.idx.msk vm0, v61;
	v61 =	vld [tilespmem:$0x1E2E0]  }
0x920: {  	v8 =	vadd.f32 v40, v8;
	v40 =	vmul.f32 v62, v5;
	v62 =	vld [tilespmem:$0x1E2F0]  }
0x921: {  	v6 =	vld [tilespmem:$0x1E2D0]  }
0x922: {  	v11 =	vld [tilespmem:s9+$0x6CD0]  }
0x923: {  	v9 =	vld [tilespmem:s9+$0xACD0]  }
0x924: {  	v4 =	vld [tilespmem:s9+$0x2CE0];
	v52 =	vbroadcast v2, $0x0;
	[tilespmem:v53+s31+$0x0] =	vst.idx.msk vm0, v7;
	v2, _, _ =	vpop (xrf2)  }
0x925: {  	[tilespmem:v57+s26+$0x0] =	vst.idx.msk vm0, v2;
	v57 =	vmul.f32 v61, v33;
	v61 =	vmul.f32 v62, v26;
	v62 =	vld [tilespmem:$0x1E310]  }
0x926: {  	[tilespmem:v53+s26+$0x0] =	vst.idx.msk vm0, v38;
	v53 =	vmul.f32 v6, v5;
	v5 =	vld [tilespmem:$0x1E300]  }
0x927: {  	s25 =	sor.u32 $0x195, s8;
	v58 =	vld [tilespmem:s9+$0x6CE0]  }
0x928: {  	v7 =	vld [tilespmem:s9+$0xACE0];
	v38 =	vmov s25  }
0x929: {  	v1 =	vadd.f32 v59, v0;
	v59 =	vld [tilespmem:s9+$0x2CF0];
	v2 =	vshrl.u32 v38, $0x3  }
0x92a: {  	v0 =	vadd.f32 v61, v57;
	v61 =	vld [tilespmem:$0x1E320];
	v26 =	vmul.f32 v62, v26;
	v62 =	vshll.u32 v2, v48  }
0x92b: {  	v38 =	vld [tilespmem:s9+$0xACF0];
	v33 =	vmul.f32 v5, v33  }
0x92c: {  	v6 =	vld [tilespmem:s9+$0x6CF0];
	v5, _, _ =	vpop (xrf2);
	v57 =	vadd.s32 $0x5, v62  }
0x92d: {  	[tilespmem:v52+s31+$0x0] =	vst.idx.msk vm0, v5;
	v26 =	vadd.f32 v26, v33;
	v33 =	vbroadcast v57, $0x0;
	v57 =	vld [tilespmem:$0x1E340];
	v62, _, _ =	vpop (xrf2)  }
0x92e: {  	[tilespmem:v52+s26+$0x0] =	vst.idx.msk vm0, v62;
	v62 =	vld [tilespmem:$0x1E330]  }
0x92f: {  	v5 =	vld [tilespmem:s9+$0x6D00];
	v61 =	vmul.f32 v61, v22  }
0x930: {  	s29 =	sor.u32 $0x196, s8;
	v1 =	vadd.f32 v40, v1;
	v2 =	vld [tilespmem:s9+$0x2D00]  }
0x931: {  	(xrf2) =	vadd.scan.msk.f32 $0xffff, v3;
	v52 =	vld [tilespmem:s9+$0xAD00];
	v0 =	vadd.f32 v61, v0;
	v61 =	vmov s29  }
0x932: {  	(xrf2) =	vadd.scan.msk.f32 $0xffff, v1;
	v1 =	vshrl.u32 v61, $0x3;
	v61 =	vld [tilespmem:$0x1E360]  }
0x933: {  	v40 =	vmul.f32 v57, v18;
	v22 =	vmul.f32 v62, v22;
	v62 =	vld [tilespmem:$0x1E350]  }
0x934: {  	v30 =	vmul.f32 v30, v32;
	v16 =	vmul.f32 v16, v39;
	v57 =	vld [tilespmem:s9+$0x2D10]  }
0x935: {  	v15 =	vmul.f32 v15, v13;
	v13 =	vmul.f32 v14, v13;
	v0 =	vadd.f32 v40, v0;
	v40 =	vld [tilespmem:s9+$0xAD20]  }
0x936: {  	v5 =	vmul.f32 v5, v2;
	v2 =	vmul.f32 v52, v2;
	v52 =	vld [tilespmem:s9+$0xAD90]  }
0x937: {  	v35 =	vmul.f32 v35, v25;
	v11 =	vmul.f32 v11, v56;
	v3 =	vadd.f32 v22, v26;
	v26 =	vld [tilespmem:s9+$0x6D10]  }
0x938: {  	v9 =	vmul.f32 v9, v56;
	v8 =	vadd.f32 v53, v8;
	v53, _, _ =	vpop (xrf2);
	v22 =	vld [tilespmem:s9+$0xAD10];
	v18 =	vmul.f32 v62, v18  }
0x939: {  	v1 =	vshll.u32 v1, v48;
	[tilespmem:v33+s31+$0x0] =	vst.idx.msk vm0, v53;
	v62 =	vmul.f32 v41, v32;
	v41 =	vld [tilespmem:s9+$0x2D20]  }
0x93a: {  	v53 =	vmul.f32 v34, v20;
	v32 =	vld [tilespmem:s9+$0x6D20];
	v3 =	vadd.f32 v18, v3;
	v18 =	vmul.f32 v61, v27  }
0x93b: {  	v1 =	vadd.s32 $0x6, v1;
	v27 =	vmul.f32 v43, v27;
	v43 =	vmul.f32 v29, v20;
	v20 =	vld [tilespmem:s9+$0xAD40]  }
0x93c: {  	v6 =	vmul.f32 v6, v59;
	v1 =	vbroadcast v1, $0x0;
	v29 =	vld [tilespmem:s9+$0x2D60]  }
0x93d: {  	v18 =	vadd.f32 v62, v18;
	v61 =	vadd.f32 v30, v27;
	v62 =	vmul.f32 v63, v39;
	v30 =	vld [tilespmem:s9+$0x2D30]  }
0x93e: {  	v63 =	vmul.f32 v19, v12;
	v39 =	vmul.f32 v21, v17;
	v21 =	vld [tilespmem:s9+$0x6D30]  }
0x93f: {  	v12 =	vmul.f32 v28, v12;
	v17 =	vmul.f32 v23, v17;
	v23 =	vld [tilespmem:s9+$0xAD30];
	v16 =	vadd.f32 v16, v18  }
0x940: {  	(xrf2) =	vadd.scan.msk.f32 $0xffff, v8;
	v28 =	vld [tilespmem:s9+$0x2D50];
	v8 =	vadd.f32 v62, v61;
	v18 =	vadd.f32 v39, v63;
	v62 =	vmul.f32 v31, v24  }
0x941: {  	v19 =	vld [tilespmem:s9+$0xAD50];
	v12 =	vadd.f32 v17, v12;
	v24 =	vmul.f32 v37, v24;
	v37 =	vmul.f32 v44, v42  }
0x942: {  	v27 =	vld [tilespmem:s9+$0x2D40];
	v39 =	vmul.f32 v46, v25;
	v15 =	vadd.f32 v15, v16;
	v18 =	vadd.f32 v43, v18  }
0x943: {  	v17 =	vld [tilespmem:s9+$0x6D40];
	v12 =	vadd.f32 v53, v12;
	v43 =	vmul.f32 v45, v42;
	v45 =	vmul.f32 v54, v10  }
0x944: {  	s1 =	sor.u32 $0x198, s8;
	v31 =	vld [tilespmem:s9+$0x6D60];
	v61, _, _ =	vpop (xrf2);
	v8 =	vadd.f32 v13, v8;
	v10 =	vmul.f32 v36, v10;
	v54 =	vmul.f32 v49, v47  }
0x945: {  	s30 =	sor.u32 $0x197, s8;
	v25 =	vld [tilespmem:s9+$0x2D70];
	v36 =	vmov s1;
	[tilespmem:v33+s26+$0x0] =	vst.idx.msk vm0, v61;
	v61 =	vmul.f32 v50, v47;
	v47 =	vmul.f32 v22, v57  }
0x946: {  	(xrf2) =	vadd.scan.msk.f32 $0xffff, v0;
	v16 =	vld [tilespmem:s9+$0x6D50];
	v63, _, _ =	vpop (xrf2);
	v33 =	vmov s30;
	v56 =	vmul.f32 v21, v30;
	v19 =	vmul.f32 v19, v28  }
0x947: {  	v49 =	vld [tilespmem:s9+$0x6D90];
	[tilespmem:v1+s31+$0x0] =	vst.idx.msk vm0, v63;
	v34 =	vshrl.u32 v33, $0x3;
	v14 =	vadd.f32 v62, v18;
	v0 =	vadd.f32 v24, v12  }
0x948: {  	v42 =	vld [tilespmem:s9+$0x2DC0];
	v12 =	vadd.f32 v37, v35;
	v62 =	vmul.f32 v55, v51;
	v63 =	vmul.f32 v60, v51  }
0x949: {  	(xrf2) =	vadd.scan.msk.f32 $0xffff, v3;
	v46 =	vadd.f32 v43, v39;
	v33 =	vld [tilespmem:s9+$0x6D70];
	v35 =	vmul.f32 v58, v4;
	v4 =	vmul.f32 v7, v4  }
0x94a: {  	s25 =	sor.u32 $0x199, s8;
	v44, _, _ =	vpop (xrf2);
	v24 =	vld [tilespmem:s9+$0x2D80];
	(xrf2) =	vadd.scan.msk.f32 $0xffff, v15;
	v15 =	vshrl.u32 v36, $0x3;
	v51 =	vmul.f32 v32, v41;
	v36 =	vmul.f32 v20, v27  }
0x94b: {  	v7 =	vld [tilespmem:s9+$0x6D80];
	v58 =	vmov s25;
	v13 =	vshll.u32 v34, v48;
	[tilespmem:v1+s26+$0x0] =	vst.idx.msk vm0, v44;
	v44 =	vmul.f32 v38, v59  }
0x94c: {  	v55 =	vld [tilespmem:s9+$0x2DA0];
	v15 =	vshll.u32 v15, v48;
	v2 =	vadd.f32 v47, v2;
	v59 =	vmul.f32 v23, v30  }
0x94d: {  	v60 =	vld [tilespmem:s9+$0xADA0];
	v13 =	vadd.s32 $0x7, v13;
	v12 =	vadd.f32 v45, v12;
	v1 =	vadd.f32 v10, v46  }
0x94e: {  	v34 =	vld [tilespmem:s9+$0xAD70];
	v10 =	vadd.f32 v11, v62;
	v9 =	vadd.f32 v9, v63;
	v46 =	vmul.f32 v26, v57  }
0x94f: {  	v38 =	vld [tilespmem:s9+$0xADB0];
	v63 =	vmul.f32 v17, v27;
	v43 =	vadd.f32 v19, v36;
	v53 =	vbroadcast v13, $0x0  }
0x950: {  	s30 =	sor.u32 $0x19B, s8;
	v11 =	vld [tilespmem:s9+$0xAD80];
	v30 =	vmul.f32 v16, v28;
	v12 =	vadd.f32 v54, v12;
	v1 =	vadd.f32 v61, v1  }
0x951: {  	v26 =	vld [tilespmem:s9+$0x2D90];
	v28 =	vmov s30;
	v37 =	vadd.f32 v35, v10;
	v4 =	vadd.f32 v4, v9  }
0x952: {  	v57 =	vld [tilespmem:s9+$0x6DA0];
	v5 =	vadd.f32 v46, v5;
	v54 =	vmul.f32 v40, v41;
	v61 =	vshrl.u32 v58, $0x3  }
0x953: {  	(xrf2) =	vadd.scan.msk.f32 $0xffff, v8;
	v23 =	vld [tilespmem:s9+$0x2DF0];
	v41 =	vmul.f32 v31, v29;
	v10 =	vadd.f32 v30, v63;
	v6 =	vadd.f32 v6, v37  }
0x954: {  	s29 =	sor.u32 $0x19A, s8;
	(xrf2) =	vadd.scan.msk.f32 $0xffff, v14;
	v62 =	vld [tilespmem:s9+$0x2DB0];
	v7 =	vmul.f32 v7, v24;
	v5 =	vadd.f32 v51, v5;
	v2 =	vadd.f32 v54, v2  }
0x955: {  	v13 =	vld [tilespmem:s9+$0xAD60];
	(xrf2) =	vadd.scan.msk.f32 $0xffff, v0;
	v0 =	vadd.f32 v44, v4;
	v4 =	vshll.u32 v61, v48;
	v61 =	vmov s29  }
0x956: {  	v45, _, _ =	vpop (xrf2);
	v35 =	vld [tilespmem:s9+$0x6DB0];
	(xrf2) =	vadd.scan.msk.f32 $0xffff, v12;
	v10 =	vadd.f32 v41, v10;
	v11 =	vmul.f32 v11, v24;
	v47 =	vmul.f32 v52, v26  }
0x957: {  	s1 =	sor.u32 $0x19C, s8;
	v50, _, _ =	vpop (xrf2);
	v46 =	vld [tilespmem:s9+$0xADC0];
	v4 =	vadd.s32 $0x1, v4;
	v9 =	vmul.f32 v57, v55;
	v52 =	vmul.f32 v34, v25;
	[tilespmem:v53+s31+$0x0] =	vst.idx.msk vm0, v45  }
0x958: {  	v44 =	vld [tilespmem:s9+$0x6DC0];
	v8 =	vshrl.u32 v61, $0x3;
	v34 =	vmov s1;
	[tilespmem:v53+s26+$0x0] =	vst.idx.msk vm0, v50;
	v53 =	vbroadcast v15, $0x0  }
0x959: {  	v51 =	vld [tilespmem:s9+$0x6DD0];
	(xrf2) =	vadd.scan.msk.f32 $0xffff, v1;
	v5 =	vadd.f32 v56, v5;
	v2 =	vadd.f32 v59, v2;
	v4 =	vbroadcast v4, $0x0  }
0x95a: {  	v54 =	vld [tilespmem:s9+$0xADD0];
	v13 =	vmul.f32 v13, v29;
	v8 =	vshll.u32 v8, v48;
	(xrf2) =	vadd.scan.msk.f32 $0xffff, v6;
	v6 =	vshrl.u32 v28, $0x3  }
0x95b: {  	v57 =	vld [tilespmem:s9+$0x2DE0];
	v36 =	vshrl.u32 v34, $0x3;
	v45 =	vmul.f32 v49, v26;
	v11 =	vadd.f32 v47, v11  }
0x95c: {  	v49 =	vld [tilespmem:s9+$0x2DD0];
	v56 =	vmul.f32 v35, v62;
	v21 =	vmul.f32 v46, v42;
	(xrf2) =	vadd.scan.msk.f32 $0xffff, v0;
	v32 =	vshll.u32 v6, v48  }
0x95d: {  	v59 =	vld [tilespmem:s9+$0x6DE0];
	v37, _, _ =	vpop (xrf2);
	v3 =	vadd.f32 v13, v43;
	v50 =	vmul.f32 v33, v25;
	(xrf2) =	vadd.scan.msk.f32 $0xffff, v5;
	v5 =	vshll.u32 v36, v48  }
0x95e: {  	v27 =	vld [tilespmem:s9+$0x6DF0];
	v25 =	vadd.s32 $0x2, v8;
	v39, _, _ =	vpop (xrf2);
	v7 =	vadd.f32 v45, v7;
	v63 =	vmul.f32 v44, v42;
	[tilespmem:v53+s31+$0x0] =	vst.idx.msk vm0, v37  }
0x95f: {  	s25 =	sor.u32 $0x19E, s8;
	v35 =	vadd.s32 $0x3, v32;
	[tilespmem:v53+s26+$0x0] =	vst.idx.msk vm0, v39;
	v53 =	vmul.f32 v60, v55;
	v60 =	vmul.f32 v38, v62;
	v62 =	vld [tilespmem:s9+$0xADE0]  }
0x960: {  	v30 =	vld [tilespmem:s9+$0xADF0];
	(xrf2) =	vadd.scan.msk.f32 $0xffff, v2;
	v2 =	vbroadcast v35, $0x0;
	v44 =	vmov s25;
	v7 =	vadd.f32 v9, v7  }
0x961: {  	v10 =	vadd.f32 v50, v10;
	v14 =	vmul.f32 v51, v49;
	v22 =	vmul.f32 v54, v49  }
0x962: {  	v3 =	vadd.f32 v52, v3;
	v13 =	vmul.f32 v59, v57;
	v7 =	vadd.f32 v56, v7  }
0x963: {  	(xrf2) =	vadd.scan.msk.f32 $0xffff, v10;
	v26 =	vadd.f32 v14, v63;
	v29 =	vadd.f32 v22, v21;
	v37 =	vmul.f32 v27, v23  }
0x964: {  	(xrf2) =	vadd.scan.msk.f32 $0xffff, v3;
	s9 =	sor.u32 $0x19D, s8;
	v38 =	vadd.s32 $0x4, v5;
	v11 =	vadd.f32 v53, v11;
	v31 =	vmul.f32 v62, v57  }
0x965: {  	v55, _, _ =	vpop (xrf2);
	v39 =	vmul.f32 v30, v23;
	(xrf2) =	vadd.scan.msk.f32 $0xffff, v7;
	v33 =	vadd.f32 v13, v26;
	v41 =	vmov s9  }
0x966: {  	[tilespmem:v4+s31+$0x0] =	vst.idx.msk vm0, v55;
	v58, _, _ =	vpop (xrf2);
	v3 =	vbroadcast v38, $0x0;
	v24 =	vadd.f32 v60, v11;
	v0 =	vadd.f32 v31, v29  }
0x967: {  	[tilespmem:v4+s26+$0x0] =	vst.idx.msk vm0, v58;
	v4 =	vbroadcast v25, $0x0;
	v42 =	vshrl.u32 v41, $0x3;
	v43, _, _ =	vpop (xrf2);
	v6 =	vadd.f32 v37, v33  }
0x968: {  	s29 =	sor.u32 $0x19F, s8;
	v5 =	vshrl.u32 v44, $0x3;
	v7 =	vshll.u32 v42, v48;
	v46, _, _ =	vpop (xrf2);
	(xrf2) =	vadd.scan.msk.f32 $0xffff, v24;
	v0 =	vadd.f32 v39, v0  }
0x969: {  	v47 =	vmov s29;
	v5 =	vshll.u32 v5, v48;
	v45 =	vadd.s32 $0x5, v7;
	v49, _, _ =	vpop (xrf2);
	(xrf2) =	vadd.scan.msk.f32 $0xffff, v6  }
0x96a: {  	v50 =	vadd.s32 $0x6, v5;
	v1 =	vbroadcast v45, $0x0;
	v52, _, _ =	vpop (xrf2);
	[tilespmem:v2+s31+$0x0] =	vst.idx.msk vm0, v49;
	(xrf2) =	vadd.scan.msk.f32 $0xffff, v0  }
0x96b: {  	v51 =	vshrl.u32 v47, $0x3;
	v53 =	vbroadcast v50, $0x0;
	v55, _, _ =	vpop (xrf2);
	[tilespmem:v2+s26+$0x0] =	vst.idx.msk vm0, v52  }
0x96c: {  	v54 =	vshll.u32 v51, v48;
	[tilespmem:v3+s31+$0x0] =	vst.idx.msk vm0, v55  }
0x96d: {  	v56 =	vadd.s32 $0x7, v54;
	v57, _, _ =	vpop (xrf2);
	[tilespmem:v4+s31+$0x0] =	vst.idx.msk vm0, v43  }
0x96e: {  	v2 =	vbroadcast v56, $0x0;
	v58, _, _ =	vpop (xrf2);
	[tilespmem:v3+s26+$0x0] =	vst.idx.msk vm0, v57  }
0x96f: {  	[tilespmem:v4+s26+$0x0] =	vst.idx.msk vm0, v46;
	v59, _, _ =	vpop (xrf2)  }
0x970: {  	p0 =	slt.u32 s8, $0x60;
	v60, _, _ =	vpop (xrf2);
	[tilespmem:v1+s31+$0x0] =	vst.idx.msk vm0, v58  }
.Ltmp3:
0x971: {  	[tilespmem:v53+s31+$0x0] =	vst.idx.msk vm0, v60;
	(pc) =	sbr.rel @p0 .LBB2_8-.Ltmp3, $4  }
0x972: {  	[tilespmem:v1+s26+$0x0] =	vst.idx.msk vm0, v59;
	v61, _, _ =	vpop (xrf2)  }
0x973: {  	v62, _, _ =	vpop (xrf2);
	[tilespmem:v53+s26+$0x0] =	vst.idx.msk vm0, v61  }
0x974: {  	s30 =	sadd.s32 $0x20, s8;
	[tilespmem:v2+s31+$0x0] =	vst.idx.msk vm0, v62;
	v63, _, _ =	vpop (xrf2)  }
0x975: {  	v40 =	vmov v48;
	s8 =	smov.u32 s30;
	[tilespmem:v2+s26+$0x0] =	vst.idx.msk vm0, v63  }
0x976: {  	s0 =	sshra.s32 s7, $0x2;
	s1 =	sadd.s32 $0x40, s7  }
.LBB2_10:
0x977: {  	p0 =	sne.s32 s1, $0x7C0;
	v0 =	vld [tilespmem:s0+$0xC600];
	_ =	sdelay $0x1  }
.Ltmp4:
0x978: {  	(pc) =	sbr.rel @p0 .LBB2_10-.Ltmp4, $3  }
0x979: {  	_ =	sdelay $0x1  }
0x97a: {  	v0 =	vmax.f32 v0, $1.000000010e-01  }
0x97b: {  	[tilespmem:s0+$0xC600] =	vst v0;
	s0 =	sshra.s32 s1, $0x2;
	s1 =	sadd.s32 $0x40, s1  }
0x97c: {  	v0 =	vld [tilespmem:s0+$0xC600];
	_ =	sdelay $0x4  }
0x97d: {  	v0 =	vmax.f32 v0, $1.000000010e-01  }
0x97e: {  	s9 =	rddreg [dreg:$0x15];
	s1 =	simm.s32 $0x4;
	[tilespmem:s0+$0xC600] =	vst v0  }
0x97f: {  	[hbm4b:s9+s2] =	stream.linear.scatter [tilespmem:s31], [sflag:$0x4], $0x200, $0x38;
	[tilespmem:$0xCC00] =	vst v63  }
0x980: {  	_ =	swait.ge [sflag:s1], $0x200  }
0x981: {  	[sflag:s1] =	ssyncset.done $0x0  }
0x982: {  	s25 =	rddreg [dreg:$0x16];
	[sflag:s1] =	ssyncadd.s32 $0xFFFFFE00  }
0x983: {  	[hbm4b:s25+s2] =	stream.linear.scatter [tilespmem:s26], [sflag:$0x4], $0x200, $0x38;
	[tilespmem:$0xCC00] =	vst v63  }
0x984: {  	_ =	swait.ge [sflag:s1], $0x200  }
0x985: {  	[sflag:s1] =	ssyncset.done $0x0  }
0x986: {  	s9 =	simm.s32 $0xC600;
	s29 =	rddreg [dreg:$0x17];
	[sflag:s1] =	ssyncadd.s32 $0xFFFFFE00  }
0x987: {  	[hbm4b:s29+s2] =	stream.linear.scatter [tilespmem:s9], [sflag:$0x4], $0x200, $0x38;
	[tilespmem:$0xCC00] =	vst v63  }
0x988: {  	_ =	swait.ge [sflag:s1], $0x200  }
0x989: {  	s6 =	sadd.s32 $0x1, s6;
	s30 =	rddreg [dreg:$0x18]  }
0x98a: {  	p0 =	sne.s32 s6, s30  }
.Ltmp5:
0x98b: {  	_ = 	snop;
	(pc) =	sbr.rel @p0 .LBB2_1-.Ltmp5, $3  }
0x98c: {  	_ =	sdelay $0x1  }
0x98d: {  	[sflag:s1] =	ssyncset.done $0x0  }
0x98e: {  	[sflag:s1] =	ssyncadd.s32 $0xFFFFFE00  }
0x98f: {  	_ =	sfence.sel $0x180000  }
0x990: {  	[bflag:$0x0] =	sbarrier.arrive $0xFFFF  }
0x991: {  	_ =	strace $0x90000047  }
0x992: {  	s0 =	stileid.u32;
	[bflag:$0x2] =	sbarrier.arrive $0xFFFF  }
0x993: {  	p0 =	sne.s32 s0, $0x0;
	s0 =	rddreg [dreg:$0x8]  }
0x994: {  	s0 =	sadd.s32 @!p0 $0x100000, s0  }
0x995: {  	[sflag:s0] =	ssyncadd.tile.s32 @!p0 $0x1;
	_ =	shalt  }
.Lfunc_end2:
_tile_overlayer_lowered:
.L_overlay_start_2:
0x996: {  	(tag) =	ssettag $0x2  }
0x997: {  	s0 =	rddreg [dreg:$0x0];
	s2 =	stileid.u32  }
0x998: {  	s1 =	rddreg [dreg:$0x1];
	p0 =	sne.s32 s2, $0x0  }
0x999: {  	s3 =	rddreg [dreg:$0x2];
	[bflag:$0x3] =	sbarrier.arrive $0xFFFF;
	s2 =	simm.s32 @!p0 $0x1C04  }
0x99a: {  	[timem:s3], [sflag:s2] =	dma.local @!p0 [hbm:s0], s1  }
0x99b: {  	s0 =	simm.s32 @!p0 $0x4  }
0x99c: {  	_ =	swait.ge @!p0 [sflag:s0], s1  }
0x99d: {  	s1 =	ssub.s32 @!p0 $0x0, s1;
	[sflag:s0] =	ssyncset.done @!p0 $0x0  }
0x99e: {  	[sflag:s0] =	ssyncadd.s32 @!p0 s1  }
0x99f: {  	[bflag:$0x3] =	sbarrier.arrive $0xFFFF  }
0x9a0: {  	_ =	shalt  }

</sc_bundles>
